<compile_context>
chip_gen: v7x
topology: tpu7x:2x2x1
jax: 0.10.2.dev20260603
libtpu: 0.0.44.dev20260713+nightly
codegen_flags: <defaults>
</compile_context>

<pallas_src>
import functools

import jax
import jax.numpy as jnp
from jax import lax
from jax.experimental import pallas as pl
from jax.experimental.pallas import tpu as pltpu
from jax.experimental.pallas import tpu_sc as plsc

N = 10000
E = 320000
D_IN = 128
D_H = 64
SEQ_OUT = 12
D_OUT = 14
NB = 32

DA = 72
NC = 2
NS = 16
NW = NC * NS
EPW = E // NW
CH = 80
NCHUNK = EPW // CH
RPT = 624
RTAIL = N - RPT * NS

BN = 1000
GRID = N // BN

_mesh = plsc.VectorSubcoreMesh(
    core_axis_name="c", subcore_axis_name="s", num_cores=NC, num_subcores=NS)


def _pre_core(f, w_ref, ac_ref, haug_ref, init_ref, ad_ref):
    h = jnp.dot(f, w_ref[...], preferred_element_type=jnp.float32)
    ha = jnp.dot(h, ac_ref[...], preferred_element_type=jnp.float32)
    t = ha[:, 0:1] + ha[:, 1:2]
    wself = jnp.exp(jnp.maximum(t, 0.2 * t))
    haug = jnp.concatenate(
        [h, jnp.ones((h.shape[0], 1), jnp.float32), ha[:, 0:1],
         jnp.zeros((h.shape[0], DA - D_H - 2), jnp.float32)], axis=1)
    haug_ref[...] = haug
    init_ref[0] = wself * haug
    init_ref[1] = jnp.zeros_like(haug)
    ad_ref[...] = jnp.concatenate(
        [ha[:, 1:2], jnp.zeros((h.shape[0], 7), jnp.float32)], axis=1)


def _pre_body(f_ref, w_ref, ac_ref, haug_ref, init_ref, ad_ref):
    _pre_core(f_ref[...], w_ref, ac_ref, haug_ref, init_ref, ad_ref)


def _pre_call(f, W, ac):
    d_in = f.shape[1]
    return pl.pallas_call(
        _pre_body,
        grid=(GRID,),
        in_specs=[
            pl.BlockSpec((BN, d_in), lambda i: (i, 0)),
            pl.BlockSpec((d_in, D_H), lambda i: (0, 0)),
            pl.BlockSpec((D_H, 2), lambda i: (0, 0)),
        ],
        out_specs=[
            pl.BlockSpec((BN, DA), lambda i: (i, 0)),
            pl.BlockSpec((2, BN, DA), lambda i: (0, i, 0)),
            pl.BlockSpec((BN, 8), lambda i: (i, 0)),
        ],
        out_shape=[
            jax.ShapeDtypeStruct((N, DA), jnp.float32),
            jax.ShapeDtypeStruct((2, N, DA), jnp.float32),
            jax.ShapeDtypeStruct((N, 8), jnp.float32),
        ],
    )(f, W, ac)


def _finish(pair_blk, b_blk):
    o = pair_blk[0] + pair_blk[1]
    s = o[:, D_H:D_H + 1]
    return jnp.maximum(o[:, :D_H] / (s + 1e-16) + b_blk, 0.0)


def _mid_body(pair_ref, b_ref, w_ref, ac_ref, haug_ref, init_ref, ad_ref):
    f = _finish(pair_ref[...], b_ref[...])
    _pre_core(f, w_ref, ac_ref, haug_ref, init_ref, ad_ref)


def _mid_call(pair, b, W, ac):
    return pl.pallas_call(
        _mid_body,
        grid=(GRID,),
        in_specs=[
            pl.BlockSpec((2, BN, DA), lambda i: (0, i, 0)),
            pl.BlockSpec((1, D_H), lambda i: (0, 0)),
            pl.BlockSpec((D_H, D_H), lambda i: (0, 0)),
            pl.BlockSpec((D_H, 2), lambda i: (0, 0)),
        ],
        out_specs=[
            pl.BlockSpec((BN, DA), lambda i: (i, 0)),
            pl.BlockSpec((2, BN, DA), lambda i: (0, i, 0)),
            pl.BlockSpec((BN, 8), lambda i: (i, 0)),
        ],
        out_shape=[
            jax.ShapeDtypeStruct((N, DA), jnp.float32),
            jax.ShapeDtypeStruct((2, N, DA), jnp.float32),
            jax.ShapeDtypeStruct((N, 8), jnp.float32),
        ],
    )(pair, b.reshape(1, D_H), W, ac)


def _pool_body(pair_ref, b_ref, batch_ref, wfc_ref, bfc_ref, out_ref,
               acc_ref):
    i = pl.program_id(0)
    h = _finish(pair_ref[...], b_ref[...])
    bt = batch_ref[0, 0, :]
    oh = (lax.broadcasted_iota(jnp.int32, (NB, BN), 0) == bt[None, :])
    oh = oh.astype(jnp.float32)
    ha = jnp.concatenate(
        [h, jnp.ones((BN, 1), jnp.float32), jnp.zeros((BN, 7), jnp.float32)],
        axis=1)
    contrib = jnp.dot(oh, ha, preferred_element_type=jnp.float32)

    @pl.when(i == 0)
    def _():
        acc_ref[...] = contrib

    @pl.when(i > 0)
    def _():
        acc_ref[...] += contrib

    @pl.when(i == pl.num_programs(0) - 1)
    def _():
        pa = acc_ref[...]
        pooled = pa[:, :D_H] / jnp.maximum(pa[:, D_H:D_H + 1], 1.0)
        out_ref[...] = (
            jnp.dot(pooled, wfc_ref[...], preferred_element_type=jnp.float32)
            + bfc_ref[...])


def _pool_call(pair, b, batch3, Wfc, bfc):
    nfc = Wfc.shape[1]
    return pl.pallas_call(
        _pool_body,
        grid=(GRID,),
        in_specs=[
            pl.BlockSpec((2, BN, DA), lambda i: (0, i, 0)),
            pl.BlockSpec((1, D_H), lambda i: (0, 0)),
            pl.BlockSpec((1, 1, BN), lambda i: (i, 0, 0)),
            pl.BlockSpec((D_H, nfc), lambda i: (0, 0)),
            pl.BlockSpec((1, nfc), lambda i: (0, 0)),
        ],
        out_specs=pl.BlockSpec((NB, nfc), lambda i: (0, 0)),
        out_shape=jax.ShapeDtypeStruct((NB, nfc), jnp.float32),
        scratch_shapes=[pltpu.VMEM((NB, D_H + 8), jnp.float32)],
    )(pair, b.reshape(1, D_H), batch3, Wfc, bfc.reshape(1, nfc))


NBUF = 3


@functools.partial(
    pl.kernel,
    out_type=jax.ShapeDtypeStruct((2, N, DA), jnp.float32),
    mesh=_mesh,
    scratch_types=(
        [pltpu.VMEM_SHARED((N, DA), jnp.float32)]
        + [pltpu.VMEM((CH, DA), jnp.float32)] * NBUF
        + [pltpu.VMEM((CH, 8), jnp.float32)] * NBUF
        + [pltpu.VMEM((2, CH), jnp.int32)] * (2 * NBUF)
        + [pltpu.SemaphoreType.DMA] * (4 * NBUF)
    ),
    compiler_params=pltpu.CompilerParams(
        needs_layout_passes=False, use_tc_tiling_on_sc=False),
)
def _edge_kernel(haug_hbm, init_hbm, ad_hbm, sd_hbm, out_hbm,
                 acc_sh, rows0, rows1, rows2, adr0, adr1, adr2,
                 sdb0, sdb1, sdb2, sdb3, sdb4, sdb5,
                 gsem0, gsem1, gsem2, ssem0, ssem1, ssem2,
                 isem0, isem1, isem2, isem3, isem4, isem5):
    c = lax.axis_index("c")
    s = lax.axis_index("s")
    wid = c * NS + s
    ROWS = (rows0, rows1, rows2)
    ADR = (adr0, adr1, adr2)
    SDB = (sdb0, sdb1, sdb2, sdb3, sdb4, sdb5)
    GSEM = (gsem0, gsem1, gsem2)
    SSEM = (ssem0, ssem1, ssem2)
    ISEM = (isem0, isem1, isem2, isem3, isem4, isem5)

    r0 = s * RPT
    pltpu.sync_copy(init_hbm.at[c, pl.ds(r0, RPT)], acc_sh.at[pl.ds(r0, RPT)])

    @pl.when(s == 0)
    def _():
        pltpu.sync_copy(init_hbm.at[c, pl.ds(RPT * NS, RTAIL)],
                        acc_sh.at[pl.ds(RPT * NS, RTAIL)])

    plsc.subcore_barrier()

    c_as = jnp.full((16,), D_H + 1, jnp.int32)
    iota16 = jnp.arange(16, dtype=jnp.int32)

    def issue_idx(g, j):
        pltpu.async_copy(sd_hbm.at[wid, g], SDB[j], ISEM[j])

    def issue_data(g, b, j):
        pltpu.make_async_copy(sd_hbm.at[wid, g], SDB[j], ISEM[j]).wait()
        pltpu.async_copy(haug_hbm.at[SDB[j].at[0]], ROWS[b], GSEM[b])
        pltpu.async_copy(ad_hbm.at[SDB[j].at[1]], ADR[b], GSEM[b])

    def wait_gather(b, j):
        pltpu.make_async_copy(haug_hbm.at[SDB[j].at[0]], ROWS[b],
                              GSEM[b]).wait()
        pltpu.make_async_copy(ad_hbm.at[SDB[j].at[1]], ADR[b],
                              GSEM[b]).wait()

    def drain_scatter(b, j):
        pltpu.make_async_copy(ROWS[b], acc_sh.at[SDB[j].at[1]],
                              SSEM[b]).wait()

    def compute(b, j):
        def group_body(jj, carry2):
            rowi = iota16 + jj * 16
            av = plsc.load_gather(ROWS[b], [rowi, c_as])
            bv = plsc.load_gather(ADR[b], [rowi, jnp.zeros((16,), jnp.int32)])
            t = av + bv
            w = jnp.exp(jnp.maximum(t, 0.2 * t))

            @plsc.parallel_loop(0, D_H + 1, unroll=8)
            def _(cc):
                cv = jnp.full((16,), 0, jnp.int32) + cc
                colv = plsc.load_gather(ROWS[b], [rowi, cv])
                plsc.store_scatter(ROWS[b], [rowi, cv], colv * w)

            return carry2

        lax.fori_loop(0, CH // 16, group_body, 0)
        pltpu.async_copy(ROWS[b], acc_sh.at[SDB[j].at[1]], SSEM[b], add=True)

    for b in range(NBUF):
        issue_idx(jnp.int32(b), b)
        issue_data(jnp.int32(b), b, b)
    for b in range(NBUF):
        issue_idx(jnp.int32(NBUF + b), NBUF + b)

    NITER = (NCHUNK + 2 * NBUF - 1) // (2 * NBUF)

    def iter_body(i, carry):
        for h in range(2):
            for b in range(NBUF):
                g = 2 * NBUF * i + NBUF * h + b

                @pl.when(g < NCHUNK)
                def _():
                    wait_gather(b, NBUF * h + b)
                    compute(b, NBUF * h + b)

            for b in range(NBUF):
                g2 = 2 * NBUF * i + NBUF * h + NBUF + b
                j2 = (NBUF * h + NBUF + b) % (2 * NBUF)
                jold = NBUF * h + b

                @pl.when(g2 < NCHUNK)
                def _():
                    drain_scatter(b, jold)
                    issue_data(g2, b, j2)

                    @pl.when(g2 + NBUF < NCHUNK)
                    def _():
                        issue_idx(g2 + NBUF, jold)

        return carry

    lax.fori_loop(0, NITER, iter_body, 0)

    for gg in range(NCHUNK - NBUF, NCHUNK):
        drain_scatter(gg % NBUF, gg % (2 * NBUF))

    plsc.subcore_barrier()
    pltpu.sync_copy(acc_sh.at[pl.ds(r0, RPT)], out_hbm.at[c, pl.ds(r0, RPT)])

    @pl.when(s == 0)
    def _():
        pltpu.sync_copy(acc_sh.at[pl.ds(RPT * NS, RTAIL)],
                        out_hbm.at[c, pl.ds(RPT * NS, RTAIL)])


def kernel(x, edge_index, batch, W1, a_src1, a_dst1, b1,
           W2, a_src2, a_dst2, b2, Wfc, bfc):
    sd = (edge_index.reshape(2, NW, NCHUNK, CH).transpose(1, 2, 0, 3)
          .astype(jnp.int32))
    ac1 = jnp.stack([a_src1, a_dst1], axis=1)
    ac2 = jnp.stack([a_src2, a_dst2], axis=1)
    haug, init_pair, ad = _pre_call(x, W1, ac1)
    pair1 = _edge_kernel(haug, init_pair, ad, sd)
    haug2, init_pair2, ad2 = _mid_call(pair1, b1, W2, ac2)
    pair2 = _edge_kernel(haug2, init_pair2, ad2, sd)
    batch3 = batch.reshape(GRID, 1, BN)
    out = _pool_call(pair2, b2, batch3, Wfc, bfc)
    return out.reshape(-1, SEQ_OUT, D_OUT)

# --- scband reference (transcript-rebuilt; emitter-appended) ---
"""Pipeline reference for scband-gatmodel-66975720014431 (READ-ONLY COPY).

The authoritative reference and input builder live on the scoring server;
editing this copy changes nothing except your own understanding.
"""

import jax, jax.numpy as jnp
import numpy as np

N = 10000
E = 320000
D_IN = 128
D_H = 64
SEQ_OUT = 12
D_OUT = 14
NB = 32


def setup_inputs(seed: int = 0) -> dict:
    key = jax.random.key(seed)
    ks = jax.random.split(key, 12)
    x = jax.random.normal(ks[0], (N, D_IN), dtype=jnp.float32)
    edge_index = jax.random.randint(ks[1], (2, E), 0, N, dtype=jnp.int32)
    batch = jnp.sort(jax.random.randint(ks[2], (N,), 0, NB, dtype=jnp.int32))
    W1 = jax.random.normal(ks[3], (D_IN, D_H), dtype=jnp.float32) * 0.1
    a_src1 = jax.random.normal(ks[4], (D_H,), dtype=jnp.float32) * 0.1
    a_dst1 = jax.random.normal(ks[5], (D_H,), dtype=jnp.float32) * 0.1
    b1 = jnp.zeros((D_H,), dtype=jnp.float32)
    W2 = jax.random.normal(ks[6], (D_H, D_H), dtype=jnp.float32) * 0.1
    a_src2 = jax.random.normal(ks[7], (D_H,), dtype=jnp.float32) * 0.1
    a_dst2 = jax.random.normal(ks[8], (D_H,), dtype=jnp.float32) * 0.1
    b2 = jnp.zeros((D_H,), dtype=jnp.float32)
    Wfc = jax.random.normal(ks[9], (D_H, SEQ_OUT * D_OUT), dtype=jnp.float32) * 0.1
    bfc = jnp.zeros((SEQ_OUT * D_OUT,), dtype=jnp.float32)
    return {
        'x': x, 'edge_index': edge_index, 'batch': batch,
        'W1': W1, 'a_src1': a_src1, 'a_dst1': a_dst1, 'b1': b1,
        'W2': W2, 'a_src2': a_src2, 'a_dst2': a_dst2, 'b2': b2,
        'Wfc': Wfc, 'bfc': bfc,
    }


def gat_conv(x, edge_index, W, a_src, a_dst, b):
    # PyG GATConv (heads=1) with default add_self_loops=True
    h = x @ W
    loop = jnp.arange(N, dtype=edge_index.dtype)
    src = jnp.concatenate([edge_index[0], loop])
    dst = jnp.concatenate([edge_index[1], loop])
    alpha_src = (h * a_src).sum(-1)
    alpha_dst = (h * a_dst).sum(-1)
    e = jax.nn.leaky_relu(alpha_src[src] + alpha_dst[dst], negative_slope=0.2)
    m = jax.ops.segment_max(e, dst, num_segments=N)
    w = jnp.exp(e - m[dst])
    s = jax.ops.segment_sum(w, dst, num_segments=N)
    alpha = w / (s[dst] + 1e-16)
    out = jax.ops.segment_sum(h[src] * alpha[:, None], dst, num_segments=N)
    return out + b


def reference(x, edge_index, batch, W1, a_src1, a_dst1, b1, W2, a_src2, a_dst2, b2, Wfc, bfc):
    h = jax.nn.relu(gat_conv(x, edge_index, W1, a_src1, a_dst1, b1))
    h = jax.nn.relu(gat_conv(h, edge_index, W2, a_src2, a_dst2, b2))
    # global_mean_pool
    ssum = jax.ops.segment_sum(h, batch, num_segments=NB)
    cnt = jax.ops.segment_sum(jnp.ones((N,), dtype=h.dtype), batch, num_segments=NB)
    pooled = ssum / jnp.maximum(cnt, 1.0)[:, None]
    out = pooled @ Wfc + bfc
    return out.reshape(-1, SEQ_OUT, D_OUT)

if __name__ == "__main__":
    import jax
    _d = setup_inputs()
    print(jax.jit(kernel)(*tuple(_d.values())))

</pallas_src>

<mosaic_0001>
#map = affine_map<(d0, d1) -> (0, 0)>
#map1 = affine_map<(d0, d1) -> (0, 0, 0)>
#map2 = affine_map<(d0, d1) -> (0, 0, 0, 0)>
module attributes {stable_mosaic.version = 14 : i64} {
  func.func @_edge_kernel(%arg0: i32, %arg1: i32, %arg2: memref<10000x72xf32, #tpu.memory_space<hbm>>, %arg3: memref<2x10000x72xf32, #tpu.memory_space<hbm>>, %arg4: memref<10000x8xf32, #tpu.memory_space<hbm>>, %arg5: memref<32x125x2x80xi32, #tpu.memory_space<hbm>>, %arg6: memref<2x10000x72xf32, #tpu.memory_space<hbm>>, %arg7: memref<10000x72xf32, #tpu.memory_space<vmem_shared>>, %arg8: memref<80x72xf32, #tpu.memory_space<vmem>>, %arg9: memref<80x72xf32, #tpu.memory_space<vmem>>, %arg10: memref<80x72xf32, #tpu.memory_space<vmem>>, %arg11: memref<80x8xf32, #tpu.memory_space<vmem>>, %arg12: memref<80x8xf32, #tpu.memory_space<vmem>>, %arg13: memref<80x8xf32, #tpu.memory_space<vmem>>, %arg14: memref<2x80xi32, #tpu.memory_space<vmem>>, %arg15: memref<2x80xi32, #tpu.memory_space<vmem>>, %arg16: memref<2x80xi32, #tpu.memory_space<vmem>>, %arg17: memref<2x80xi32, #tpu.memory_space<vmem>>, %arg18: memref<2x80xi32, #tpu.memory_space<vmem>>, %arg19: memref<2x80xi32, #tpu.memory_space<vmem>>, %arg20: memref<!tpu.dma_semaphore, #tpu.memory_space<semaphore_mem>>, %arg21: memref<!tpu.dma_semaphore, #tpu.memory_space<semaphore_mem>>, %arg22: memref<!tpu.dma_semaphore, #tpu.memory_space<semaphore_mem>>, %arg23: memref<!tpu.dma_semaphore, #tpu.memory_space<semaphore_mem>>, %arg24: memref<!tpu.dma_semaphore, #tpu.memory_space<semaphore_mem>>, %arg25: memref<!tpu.dma_semaphore, #tpu.memory_space<semaphore_mem>>, %arg26: memref<!tpu.dma_semaphore, #tpu.memory_space<semaphore_mem>>, %arg27: memref<!tpu.dma_semaphore, #tpu.memory_space<semaphore_mem>>, %arg28: memref<!tpu.dma_semaphore, #tpu.memory_space<semaphore_mem>>, %arg29: memref<!tpu.dma_semaphore, #tpu.memory_space<semaphore_mem>>, %arg30: memref<!tpu.dma_semaphore, #tpu.memory_space<semaphore_mem>>, %arg31: memref<!tpu.dma_semaphore, #tpu.memory_space<semaphore_mem>>) attributes {dimension_semantics = [#tpu.dimension_semantics<core_parallel>, #tpu.dimension_semantics<subcore_parallel>], iteration_bounds = array<i64: 2, 16>, scalar_prefetch = 0 : i64, scratch_operands = 25 : i64, tpu.core_type = #tpu.core_type<sc_vector_subcore>, window_params = [{transform_indices = #map}, {transform_indices = #map1}, {transform_indices = #map}, {transform_indices = #map2}, {transform_indices = #map1}]} {
    %mul3A = arith.constant 16 : i32
    %mul3A_0 = arith.muli %arg0, %mul3A : i32
    %add3A = arith.addi %mul3A_0, %arg1 : i32
    %mul3A_1 = arith.constant 624 : i32
    %mul3A_2 = arith.muli %arg1, %mul3A_1 : i32
    "tpu.region"() ({
      %run_scoped3A = tpu.sem_alloc : memref<!tpu.dma_semaphore, #tpu.memory_space<semaphore_mem>>
      %dma_start3A_159 = arith.constant 0 : i32
      %dma_start3A_160 = tpu.memref_slice %arg7[%mul3A_2, %dma_start3A_159] : memref<10000x72xf32, #tpu.memory_space<vmem_shared>> -> memref<624x72xf32, #tpu.memory_space<vmem_shared>>
      %dma_start3A_161 = arith.constant 0 : i32
      %dma_start3A_162 = tpu.memref_slice %arg3[%arg0, %mul3A_2, %dma_start3A_161] : memref<2x10000x72xf32, #tpu.memory_space<hbm>> -> memref<1x624x72xf32, #tpu.memory_space<hbm>>
      %dma_start3A_163 = tpu.memref_squeeze %dma_start3A_162 : memref<1x624x72xf32, #tpu.memory_space<hbm>> -> memref<624x72xf32, #tpu.memory_space<hbm>>
      tpu.enqueue_dma source(%dma_start3A_163 : memref<624x72xf32, #tpu.memory_space<hbm>>) target(%dma_start3A_160 : memref<624x72xf32, #tpu.memory_space<vmem_shared>>) target_semaphore(%run_scoped3A : memref<!tpu.dma_semaphore, #tpu.memory_space<semaphore_mem>>)
      %dma_wait3A_164 = arith.constant 0 : i32
      %dma_wait3A_165 = tpu.memref_slice %arg7[%mul3A_2, %dma_wait3A_164] : memref<10000x72xf32, #tpu.memory_space<vmem_shared>> -> memref<624x72xf32, #tpu.memory_space<vmem_shared>>
      %dma_wait3A_166 = arith.constant 0 : i32
      %dma_wait3A_167 = tpu.memref_slice %arg3[%arg0, %mul3A_2, %dma_wait3A_166] : memref<2x10000x72xf32, #tpu.memory_space<hbm>> -> memref<1x624x72xf32, #tpu.memory_space<hbm>>
      %dma_wait3A_168 = tpu.memref_squeeze %dma_wait3A_167 : memref<1x624x72xf32, #tpu.memory_space<hbm>> -> memref<624x72xf32, #tpu.memory_space<hbm>>
      tpu.wait_dma2 semaphore(%run_scoped3A : memref<!tpu.dma_semaphore, #tpu.memory_space<semaphore_mem>>) src(%dma_wait3A_168 : memref<624x72xf32, #tpu.memory_space<hbm>>) dst(%dma_wait3A_165 : memref<624x72xf32, #tpu.memory_space<vmem_shared>>)
      tpu.yield
    }) : () -> ()
    %eq3A = arith.constant 0 : i32
    %eq3A_3 = arith.cmpi eq, %arg1, %eq3A : i32
    %convert_element_type3A = arith.extui %eq3A_3 : i1 to i32
    %cond3A = arith.constant 0 : i32
    %cond3A_4 = arith.cmpi ne, %convert_element_type3A, %cond3A : i32
    scf.if %cond3A_4 {
      "tpu.region"() ({
        %run_scoped3A = tpu.sem_alloc : memref<!tpu.dma_semaphore, #tpu.memory_space<semaphore_mem>>
        %dma_start3A_159 = arith.constant 9984 : i32
        %dma_start3A_160 = arith.constant 0 : i32
        %dma_start3A_161 = tpu.memref_slice %arg7[%dma_start3A_159, %dma_start3A_160] : memref<10000x72xf32, #tpu.memory_space<vmem_shared>> -> memref<16x72xf32, #tpu.memory_space<vmem_shared>>
        %dma_start3A_162 = arith.constant 9984 : i32
        %dma_start3A_163 = arith.constant 0 : i32
        %dma_start3A_164 = tpu.memref_slice %arg3[%arg0, %dma_start3A_162, %dma_start3A_163] : memref<2x10000x72xf32, #tpu.memory_space<hbm>> -> memref<1x16x72xf32, #tpu.memory_space<hbm>>
        %dma_start3A_165 = tpu.memref_squeeze %dma_start3A_164 : memref<1x16x72xf32, #tpu.memory_space<hbm>> -> memref<16x72xf32, #tpu.memory_space<hbm>>
        tpu.enqueue_dma source(%dma_start3A_165 : memref<16x72xf32, #tpu.memory_space<hbm>>) target(%dma_start3A_161 : memref<16x72xf32, #tpu.memory_space<vmem_shared>>) target_semaphore(%run_scoped3A : memref<!tpu.dma_semaphore, #tpu.memory_space<semaphore_mem>>)
        %dma_wait3A_166 = arith.constant 9984 : i32
        %dma_wait3A_167 = arith.constant 0 : i32
        %dma_wait3A_168 = tpu.memref_slice %arg7[%dma_wait3A_166, %dma_wait3A_167] : memref<10000x72xf32, #tpu.memory_space<vmem_shared>> -> memref<16x72xf32, #tpu.memory_space<vmem_shared>>
        %dma_wait3A_169 = arith.constant 9984 : i32
        %dma_wait3A_170 = arith.constant 0 : i32
        %dma_wait3A_171 = tpu.memref_slice %arg3[%arg0, %dma_wait3A_169, %dma_wait3A_170] : memref<2x10000x72xf32, #tpu.memory_space<hbm>> -> memref<1x16x72xf32, #tpu.memory_space<hbm>>
        %dma_wait3A_172 = tpu.memref_squeeze %dma_wait3A_171 : memref<1x16x72xf32, #tpu.memory_space<hbm>> -> memref<16x72xf32, #tpu.memory_space<hbm>>
        tpu.wait_dma2 semaphore(%run_scoped3A : memref<!tpu.dma_semaphore, #tpu.memory_space<semaphore_mem>>) src(%dma_wait3A_172 : memref<16x72xf32, #tpu.memory_space<hbm>>) dst(%dma_wait3A_168 : memref<16x72xf32, #tpu.memory_space<vmem_shared>>)
        tpu.yield
      }) : () -> ()
    } else {
    }
    %barrier3A = arith.constant 0 : index
    tpu.barrier barrier_id(%barrier3A)
    %broadcast_in_dim3A = arith.constant 65 : i32
    %broadcast_in_dim3A_5 = vector.broadcast %broadcast_in_dim3A : i32 to vector<16xi32>
    %iota3A = tpu.iota {dimensions = array<i32: 0>} : vector<16xi32>
    %dma_start3A = arith.constant 0 : i32
    %dma_start3A_6 = arith.constant 0 : i32
    %dma_start3A_7 = arith.constant 0 : i32
    %dma_start3A_8 = tpu.memref_slice %arg5[%add3A, %dma_start3A, %dma_start3A_6, %dma_start3A_7] : memref<32x125x2x80xi32, #tpu.memory_space<hbm>> -> memref<1x1x2x80xi32, #tpu.memory_space<hbm>>
    %dma_start3A_9 = tpu.memref_squeeze %dma_start3A_8 : memref<1x1x2x80xi32, #tpu.memory_space<hbm>> -> memref<2x80xi32, #tpu.memory_space<hbm>>
    %dma_start3A_10 = arith.constant 0 : i32
    %dma_start3A_11 = arith.constant 0 : i32
    %dma_start3A_12 = tpu.memref_slice %arg5[%add3A, %dma_start3A, %dma_start3A_10, %dma_start3A_11] : memref<32x125x2x80xi32, #tpu.memory_space<hbm>> -> memref<1x1x2x80xi32, #tpu.memory_space<hbm>>
    %dma_start3A_13 = tpu.memref_squeeze %dma_start3A_12 : memref<1x1x2x80xi32, #tpu.memory_space<hbm>> -> memref<2x80xi32, #tpu.memory_space<hbm>>
    tpu.enqueue_dma source(%dma_start3A_13 : memref<2x80xi32, #tpu.memory_space<hbm>>) target(%arg14 : memref<2x80xi32, #tpu.memory_space<vmem>>) target_semaphore(%arg26 : memref<!tpu.dma_semaphore, #tpu.memory_space<semaphore_mem>>)
    %dma_wait3A = arith.constant 0 : i32
    %dma_wait3A_14 = arith.constant 0 : i32
    %dma_wait3A_15 = arith.constant 0 : i32
    %dma_wait3A_16 = tpu.memref_slice %arg5[%add3A, %dma_wait3A, %dma_wait3A_14, %dma_wait3A_15] : memref<32x125x2x80xi32, #tpu.memory_space<hbm>> -> memref<1x1x2x80xi32, #tpu.memory_space<hbm>>
    %dma_wait3A_17 = tpu.memref_squeeze %dma_wait3A_16 : memref<1x1x2x80xi32, #tpu.memory_space<hbm>> -> memref<2x80xi32, #tpu.memory_space<hbm>>
    %dma_wait3A_18 = arith.constant 0 : i32
    %dma_wait3A_19 = arith.constant 0 : i32
    %dma_wait3A_20 = tpu.memref_slice %arg5[%add3A, %dma_wait3A, %dma_wait3A_18, %dma_wait3A_19] : memref<32x125x2x80xi32, #tpu.memory_space<hbm>> -> memref<1x1x2x80xi32, #tpu.memory_space<hbm>>
    %dma_wait3A_21 = tpu.memref_squeeze %dma_wait3A_20 : memref<1x1x2x80xi32, #tpu.memory_space<hbm>> -> memref<2x80xi32, #tpu.memory_space<hbm>>
    tpu.wait_dma2 semaphore(%arg26 : memref<!tpu.dma_semaphore, #tpu.memory_space<semaphore_mem>>) src(%dma_wait3A_21 : memref<2x80xi32, #tpu.memory_space<hbm>>) dst(%arg14 : memref<2x80xi32, #tpu.memory_space<vmem>>)
    %dma_start3A_22 = arith.constant 0 : i32
    %dma_start3A_23 = arith.constant 0 : i32
    %dma_start3A_24 = tpu.memref_slice %arg14[%dma_start3A_22, %dma_start3A_23] : memref<2x80xi32, #tpu.memory_space<vmem>> -> memref<1x80xi32, #tpu.memory_space<vmem>>
    %dma_start3A_25 = tpu.memref_squeeze %dma_start3A_24 : memref<1x80xi32, #tpu.memory_space<vmem>> -> memref<80xi32, #tpu.memory_space<vmem>>
    %dma_start3A_26 = arith.constant 0 : i32
    %dma_start3A_27 = arith.constant 0 : i32
    %dma_start3A_28 = tpu.memref_slice %arg2[%dma_start3A_26, %dma_start3A_27] : memref<10000x72xf32, #tpu.memory_space<hbm>> -> memref<10000x72xf32, #tpu.memory_space<hbm>>
    tpu.enqueue_indirect_dma source(%dma_start3A_28 : memref<10000x72xf32, #tpu.memory_space<hbm>>) target(%arg8 : memref<80x72xf32, #tpu.memory_space<vmem>>) offsets(%dma_start3A_25 : memref<80xi32, #tpu.memory_space<vmem>>) semaphore(%arg20 : memref<!tpu.dma_semaphore, #tpu.memory_space<semaphore_mem>>)
    %dma_start3A_29 = arith.constant 1 : i32
    %dma_start3A_30 = arith.constant 0 : i32
    %dma_start3A_31 = tpu.memref_slice %arg14[%dma_start3A_29, %dma_start3A_30] : memref<2x80xi32, #tpu.memory_space<vmem>> -> memref<1x80xi32, #tpu.memory_space<vmem>>
    %dma_start3A_32 = tpu.memref_squeeze %dma_start3A_31 : memref<1x80xi32, #tpu.memory_space<vmem>> -> memref<80xi32, #tpu.memory_space<vmem>>
    %dma_start3A_33 = arith.constant 0 : i32
    %dma_start3A_34 = arith.constant 0 : i32
    %dma_start3A_35 = tpu.memref_slice %arg4[%dma_start3A_33, %dma_start3A_34] : memref<10000x8xf32, #tpu.memory_space<hbm>> -> memref<10000x8xf32, #tpu.memory_space<hbm>>
    tpu.enqueue_indirect_dma source(%dma_start3A_35 : memref<10000x8xf32, #tpu.memory_space<hbm>>) target(%arg11 : memref<80x8xf32, #tpu.memory_space<vmem>>) offsets(%dma_start3A_32 : memref<80xi32, #tpu.memory_space<vmem>>) semaphore(%arg20 : memref<!tpu.dma_semaphore, #tpu.memory_space<semaphore_mem>>)
    %dma_start3A_36 = arith.constant 1 : i32
    %dma_start3A_37 = arith.constant 0 : i32
    %dma_start3A_38 = arith.constant 0 : i32
    %dma_start3A_39 = tpu.memref_slice %arg5[%add3A, %dma_start3A_36, %dma_start3A_37, %dma_start3A_38] : memref<32x125x2x80xi32, #tpu.memory_space<hbm>> -> memref<1x1x2x80xi32, #tpu.memory_space<hbm>>
    %dma_start3A_40 = tpu.memref_squeeze %dma_start3A_39 : memref<1x1x2x80xi32, #tpu.memory_space<hbm>> -> memref<2x80xi32, #tpu.memory_space<hbm>>
    %dma_start3A_41 = arith.constant 0 : i32
    %dma_start3A_42 = arith.constant 0 : i32
    %dma_start3A_43 = tpu.memref_slice %arg5[%add3A, %dma_start3A_36, %dma_start3A_41, %dma_start3A_42] : memref<32x125x2x80xi32, #tpu.memory_space<hbm>> -> memref<1x1x2x80xi32, #tpu.memory_space<hbm>>
    %dma_start3A_44 = tpu.memref_squeeze %dma_start3A_43 : memref<1x1x2x80xi32, #tpu.memory_space<hbm>> -> memref<2x80xi32, #tpu.memory_space<hbm>>
    tpu.enqueue_dma source(%dma_start3A_44 : memref<2x80xi32, #tpu.memory_space<hbm>>) target(%arg15 : memref<2x80xi32, #tpu.memory_space<vmem>>) target_semaphore(%arg27 : memref<!tpu.dma_semaphore, #tpu.memory_space<semaphore_mem>>)
    %dma_wait3A_45 = arith.constant 1 : i32
    %dma_wait3A_46 = arith.constant 0 : i32
    %dma_wait3A_47 = arith.constant 0 : i32
    %dma_wait3A_48 = tpu.memref_slice %arg5[%add3A, %dma_wait3A_45, %dma_wait3A_46, %dma_wait3A_47] : memref<32x125x2x80xi32, #tpu.memory_space<hbm>> -> memref<1x1x2x80xi32, #tpu.memory_space<hbm>>
    %dma_wait3A_49 = tpu.memref_squeeze %dma_wait3A_48 : memref<1x1x2x80xi32, #tpu.memory_space<hbm>> -> memref<2x80xi32, #tpu.memory_space<hbm>>
    %dma_wait3A_50 = arith.constant 0 : i32
    %dma_wait3A_51 = arith.constant 0 : i32
    %dma_wait3A_52 = tpu.memref_slice %arg5[%add3A, %dma_wait3A_45, %dma_wait3A_50, %dma_wait3A_51] : memref<32x125x2x80xi32, #tpu.memory_space<hbm>> -> memref<1x1x2x80xi32, #tpu.memory_space<hbm>>
    %dma_wait3A_53 = tpu.memref_squeeze %dma_wait3A_52 : memref<1x1x2x80xi32, #tpu.memory_space<hbm>> -> memref<2x80xi32, #tpu.memory_space<hbm>>
    tpu.wait_dma2 semaphore(%arg27 : memref<!tpu.dma_semaphore, #tpu.memory_space<semaphore_mem>>) src(%dma_wait3A_53 : memref<2x80xi32, #tpu.memory_space<hbm>>) dst(%arg15 : memref<2x80xi32, #tpu.memory_space<vmem>>)
    %dma_start3A_54 = arith.constant 0 : i32
    %dma_start3A_55 = arith.constant 0 : i32
    %dma_start3A_56 = tpu.memref_slice %arg15[%dma_start3A_54, %dma_start3A_55] : memref<2x80xi32, #tpu.memory_space<vmem>> -> memref<1x80xi32, #tpu.memory_space<vmem>>
    %dma_start3A_57 = tpu.memref_squeeze %dma_start3A_56 : memref<1x80xi32, #tpu.memory_space<vmem>> -> memref<80xi32, #tpu.memory_space<vmem>>
    %dma_start3A_58 = arith.constant 0 : i32
    %dma_start3A_59 = arith.constant 0 : i32
    %dma_start3A_60 = tpu.memref_slice %arg2[%dma_start3A_58, %dma_start3A_59] : memref<10000x72xf32, #tpu.memory_space<hbm>> -> memref<10000x72xf32, #tpu.memory_space<hbm>>
    tpu.enqueue_indirect_dma source(%dma_start3A_60 : memref<10000x72xf32, #tpu.memory_space<hbm>>) target(%arg9 : memref<80x72xf32, #tpu.memory_space<vmem>>) offsets(%dma_start3A_57 : memref<80xi32, #tpu.memory_space<vmem>>) semaphore(%arg21 : memref<!tpu.dma_semaphore, #tpu.memory_space<semaphore_mem>>)
    %dma_start3A_61 = arith.constant 1 : i32
    %dma_start3A_62 = arith.constant 0 : i32
    %dma_start3A_63 = tpu.memref_slice %arg15[%dma_start3A_61, %dma_start3A_62] : memref<2x80xi32, #tpu.memory_space<vmem>> -> memref<1x80xi32, #tpu.memory_space<vmem>>
    %dma_start3A_64 = tpu.memref_squeeze %dma_start3A_63 : memref<1x80xi32, #tpu.memory_space<vmem>> -> memref<80xi32, #tpu.memory_space<vmem>>
    %dma_start3A_65 = arith.constant 0 : i32
    %dma_start3A_66 = arith.constant 0 : i32
    %dma_start3A_67 = tpu.memref_slice %arg4[%dma_start3A_65, %dma_start3A_66] : memref<10000x8xf32, #tpu.memory_space<hbm>> -> memref<10000x8xf32, #tpu.memory_space<hbm>>
    tpu.enqueue_indirect_dma source(%dma_start3A_67 : memref<10000x8xf32, #tpu.memory_space<hbm>>) target(%arg12 : memref<80x8xf32, #tpu.memory_space<vmem>>) offsets(%dma_start3A_64 : memref<80xi32, #tpu.memory_space<vmem>>) semaphore(%arg21 : memref<!tpu.dma_semaphore, #tpu.memory_space<semaphore_mem>>)
    %dma_start3A_68 = arith.constant 2 : i32
    %dma_start3A_69 = arith.constant 0 : i32
    %dma_start3A_70 = arith.constant 0 : i32
    %dma_start3A_71 = tpu.memref_slice %arg5[%add3A, %dma_start3A_68, %dma_start3A_69, %dma_start3A_70] : memref<32x125x2x80xi32, #tpu.memory_space<hbm>> -> memref<1x1x2x80xi32, #tpu.memory_space<hbm>>
    %dma_start3A_72 = tpu.memref_squeeze %dma_start3A_71 : memref<1x1x2x80xi32, #tpu.memory_space<hbm>> -> memref<2x80xi32, #tpu.memory_space<hbm>>
    %dma_start3A_73 = arith.constant 0 : i32
    %dma_start3A_74 = arith.constant 0 : i32
    %dma_start3A_75 = tpu.memref_slice %arg5[%add3A, %dma_start3A_68, %dma_start3A_73, %dma_start3A_74] : memref<32x125x2x80xi32, #tpu.memory_space<hbm>> -> memref<1x1x2x80xi32, #tpu.memory_space<hbm>>
    %dma_start3A_76 = tpu.memref_squeeze %dma_start3A_75 : memref<1x1x2x80xi32, #tpu.memory_space<hbm>> -> memref<2x80xi32, #tpu.memory_space<hbm>>
    tpu.enqueue_dma source(%dma_start3A_76 : memref<2x80xi32, #tpu.memory_space<hbm>>) target(%arg16 : memref<2x80xi32, #tpu.memory_space<vmem>>) target_semaphore(%arg28 : memref<!tpu.dma_semaphore, #tpu.memory_space<semaphore_mem>>)
    %dma_wait3A_77 = arith.constant 2 : i32
    %dma_wait3A_78 = arith.constant 0 : i32
    %dma_wait3A_79 = arith.constant 0 : i32
    %dma_wait3A_80 = tpu.memref_slice %arg5[%add3A, %dma_wait3A_77, %dma_wait3A_78, %dma_wait3A_79] : memref<32x125x2x80xi32, #tpu.memory_space<hbm>> -> memref<1x1x2x80xi32, #tpu.memory_space<hbm>>
    %dma_wait3A_81 = tpu.memref_squeeze %dma_wait3A_80 : memref<1x1x2x80xi32, #tpu.memory_space<hbm>> -> memref<2x80xi32, #tpu.memory_space<hbm>>
    %dma_wait3A_82 = arith.constant 0 : i32
    %dma_wait3A_83 = arith.constant 0 : i32
    %dma_wait3A_84 = tpu.memref_slice %arg5[%add3A, %dma_wait3A_77, %dma_wait3A_82, %dma_wait3A_83] : memref<32x125x2x80xi32, #tpu.memory_space<hbm>> -> memref<1x1x2x80xi32, #tpu.memory_space<hbm>>
    %dma_wait3A_85 = tpu.memref_squeeze %dma_wait3A_84 : memref<1x1x2x80xi32, #tpu.memory_space<hbm>> -> memref<2x80xi32, #tpu.memory_space<hbm>>
    tpu.wait_dma2 semaphore(%arg28 : memref<!tpu.dma_semaphore, #tpu.memory_space<semaphore_mem>>) src(%dma_wait3A_85 : memref<2x80xi32, #tpu.memory_space<hbm>>) dst(%arg16 : memref<2x80xi32, #tpu.memory_space<vmem>>)
    %dma_start3A_86 = arith.constant 0 : i32
    %dma_start3A_87 = arith.constant 0 : i32
    %dma_start3A_88 = tpu.memref_slice %arg16[%dma_start3A_86, %dma_start3A_87] : memref<2x80xi32, #tpu.memory_space<vmem>> -> memref<1x80xi32, #tpu.memory_space<vmem>>
    %dma_start3A_89 = tpu.memref_squeeze %dma_start3A_88 : memref<1x80xi32, #tpu.memory_space<vmem>> -> memref<80xi32, #tpu.memory_space<vmem>>
    %dma_start3A_90 = arith.constant 0 : i32
    %dma_start3A_91 = arith.constant 0 : i32
    %dma_start3A_92 = tpu.memref_slice %arg2[%dma_start3A_90, %dma_start3A_91] : memref<10000x72xf32, #tpu.memory_space<hbm>> -> memref<10000x72xf32, #tpu.memory_space<hbm>>
    tpu.enqueue_indirect_dma source(%dma_start3A_92 : memref<10000x72xf32, #tpu.memory_space<hbm>>) target(%arg10 : memref<80x72xf32, #tpu.memory_space<vmem>>) offsets(%dma_start3A_89 : memref<80xi32, #tpu.memory_space<vmem>>) semaphore(%arg22 : memref<!tpu.dma_semaphore, #tpu.memory_space<semaphore_mem>>)
    %dma_start3A_93 = arith.constant 1 : i32
    %dma_start3A_94 = arith.constant 0 : i32
    %dma_start3A_95 = tpu.memref_slice %arg16[%dma_start3A_93, %dma_start3A_94] : memref<2x80xi32, #tpu.memory_space<vmem>> -> memref<1x80xi32, #tpu.memory_space<vmem>>
    %dma_start3A_96 = tpu.memref_squeeze %dma_start3A_95 : memref<1x80xi32, #tpu.memory_space<vmem>> -> memref<80xi32, #tpu.memory_space<vmem>>
    %dma_start3A_97 = arith.constant 0 : i32
    %dma_start3A_98 = arith.constant 0 : i32
    %dma_start3A_99 = tpu.memref_slice %arg4[%dma_start3A_97, %dma_start3A_98] : memref<10000x8xf32, #tpu.memory_space<hbm>> -> memref<10000x8xf32, #tpu.memory_space<hbm>>
    tpu.enqueue_indirect_dma source(%dma_start3A_99 : memref<10000x8xf32, #tpu.memory_space<hbm>>) target(%arg13 : memref<80x8xf32, #tpu.memory_space<vmem>>) offsets(%dma_start3A_96 : memref<80xi32, #tpu.memory_space<vmem>>) semaphore(%arg22 : memref<!tpu.dma_semaphore, #tpu.memory_space<semaphore_mem>>)
    %dma_start3A_100 = arith.constant 3 : i32
    %dma_start3A_101 = arith.constant 0 : i32
    %dma_start3A_102 = arith.constant 0 : i32
    %dma_start3A_103 = tpu.memref_slice %arg5[%add3A, %dma_start3A_100, %dma_start3A_101, %dma_start3A_102] : memref<32x125x2x80xi32, #tpu.memory_space<hbm>> -> memref<1x1x2x80xi32, #tpu.memory_space<hbm>>
    %dma_start3A_104 = tpu.memref_squeeze %dma_start3A_103 : memref<1x1x2x80xi32, #tpu.memory_space<hbm>> -> memref<2x80xi32, #tpu.memory_space<hbm>>
    %dma_start3A_105 = arith.constant 0 : i32
    %dma_start3A_106 = arith.constant 0 : i32
    %dma_start3A_107 = tpu.memref_slice %arg5[%add3A, %dma_start3A_100, %dma_start3A_105, %dma_start3A_106] : memref<32x125x2x80xi32, #tpu.memory_space<hbm>> -> memref<1x1x2x80xi32, #tpu.memory_space<hbm>>
    %dma_start3A_108 = tpu.memref_squeeze %dma_start3A_107 : memref<1x1x2x80xi32, #tpu.memory_space<hbm>> -> memref<2x80xi32, #tpu.memory_space<hbm>>
    tpu.enqueue_dma source(%dma_start3A_108 : memref<2x80xi32, #tpu.memory_space<hbm>>) target(%arg17 : memref<2x80xi32, #tpu.memory_space<vmem>>) target_semaphore(%arg29 : memref<!tpu.dma_semaphore, #tpu.memory_space<semaphore_mem>>)
    %dma_start3A_109 = arith.constant 4 : i32
    %dma_start3A_110 = arith.constant 0 : i32
    %dma_start3A_111 = arith.constant 0 : i32
    %dma_start3A_112 = tpu.memref_slice %arg5[%add3A, %dma_start3A_109, %dma_start3A_110, %dma_start3A_111] : memref<32x125x2x80xi32, #tpu.memory_space<hbm>> -> memref<1x1x2x80xi32, #tpu.memory_space<hbm>>
    %dma_start3A_113 = tpu.memref_squeeze %dma_start3A_112 : memref<1x1x2x80xi32, #tpu.memory_space<hbm>> -> memref<2x80xi32, #tpu.memory_space<hbm>>
    %dma_start3A_114 = arith.constant 0 : i32
    %dma_start3A_115 = arith.constant 0 : i32
    %dma_start3A_116 = tpu.memref_slice %arg5[%add3A, %dma_start3A_109, %dma_start3A_114, %dma_start3A_115] : memref<32x125x2x80xi32, #tpu.memory_space<hbm>> -> memref<1x1x2x80xi32, #tpu.memory_space<hbm>>
    %dma_start3A_117 = tpu.memref_squeeze %dma_start3A_116 : memref<1x1x2x80xi32, #tpu.memory_space<hbm>> -> memref<2x80xi32, #tpu.memory_space<hbm>>
    tpu.enqueue_dma source(%dma_start3A_117 : memref<2x80xi32, #tpu.memory_space<hbm>>) target(%arg18 : memref<2x80xi32, #tpu.memory_space<vmem>>) target_semaphore(%arg30 : memref<!tpu.dma_semaphore, #tpu.memory_space<semaphore_mem>>)
    %dma_start3A_118 = arith.constant 5 : i32
    %dma_start3A_119 = arith.constant 0 : i32
    %dma_start3A_120 = arith.constant 0 : i32
    %dma_start3A_121 = tpu.memref_slice %arg5[%add3A, %dma_start3A_118, %dma_start3A_119, %dma_start3A_120] : memref<32x125x2x80xi32, #tpu.memory_space<hbm>> -> memref<1x1x2x80xi32, #tpu.memory_space<hbm>>
    %dma_start3A_122 = tpu.memref_squeeze %dma_start3A_121 : memref<1x1x2x80xi32, #tpu.memory_space<hbm>> -> memref<2x80xi32, #tpu.memory_space<hbm>>
    %dma_start3A_123 = arith.constant 0 : i32
    %dma_start3A_124 = arith.constant 0 : i32
    %dma_start3A_125 = tpu.memref_slice %arg5[%add3A, %dma_start3A_118, %dma_start3A_123, %dma_start3A_124] : memref<32x125x2x80xi32, #tpu.memory_space<hbm>> -> memref<1x1x2x80xi32, #tpu.memory_space<hbm>>
    %dma_start3A_126 = tpu.memref_squeeze %dma_start3A_125 : memref<1x1x2x80xi32, #tpu.memory_space<hbm>> -> memref<2x80xi32, #tpu.memory_space<hbm>>
    tpu.enqueue_dma source(%dma_start3A_126 : memref<2x80xi32, #tpu.memory_space<hbm>>) target(%arg19 : memref<2x80xi32, #tpu.memory_space<vmem>>) target_semaphore(%arg31 : memref<!tpu.dma_semaphore, #tpu.memory_space<semaphore_mem>>)
    %scan3A = arith.constant 0 : i32
    %scan3A_127 = arith.constant 0 : i32
    %scan3A_128 = arith.constant 21 : i32
    %scan3A_129 = arith.addi %scan3A_127, %scan3A_128 : i32
    %scan3A_130 = arith.constant 1 : i32
    scf.for %scan3A_159 = %scan3A_127 to %scan3A_129 step %scan3A_130  : i32 {
      %mul3A_160 = arith.constant 6 : i32
      %mul3A_161 = arith.muli %mul3A_160, %scan3A_159 : i32
      %add3A_162 = arith.constant 0 : i32
      %add3A_163 = arith.addi %mul3A_161, %add3A_162 : i32
      %add3A_164 = arith.constant 0 : i32
      %add3A_165 = arith.addi %add3A_163, %add3A_164 : i32
      %lt3A = arith.constant 125 : i32
      %lt3A_166 = arith.cmpi slt, %add3A_165, %lt3A : i32
      %convert_element_type3A_167 = arith.extui %lt3A_166 : i1 to i32
      %cond3A_168 = arith.constant 0 : i32
      %cond3A_169 = arith.cmpi ne, %convert_element_type3A_167, %cond3A_168 : i32
      scf.if %cond3A_169 {
        %dma_wait3A_303 = arith.constant 0 : i32
        %dma_wait3A_304 = arith.constant 0 : i32
        %dma_wait3A_305 = tpu.memref_slice %arg14[%dma_wait3A_303, %dma_wait3A_304] : memref<2x80xi32, #tpu.memory_space<vmem>> -> memref<1x80xi32, #tpu.memory_space<vmem>>
        %dma_wait3A_306 = tpu.memref_squeeze %dma_wait3A_305 : memref<1x80xi32, #tpu.memory_space<vmem>> -> memref<80xi32, #tpu.memory_space<vmem>>
        %dma_wait3A_307 = arith.constant 0 : i32
        %dma_wait3A_308 = arith.constant 0 : i32
        %dma_wait3A_309 = tpu.memref_slice %arg2[%dma_wait3A_307, %dma_wait3A_308] : memref<10000x72xf32, #tpu.memory_space<hbm>> -> memref<10000x72xf32, #tpu.memory_space<hbm>>
        tpu.wait_indirect_dma semaphore(%arg20 : memref<!tpu.dma_semaphore, #tpu.memory_space<semaphore_mem>>) src(%dma_wait3A_309 : memref<10000x72xf32, #tpu.memory_space<hbm>>) dst(%arg8 : memref<80x72xf32, #tpu.memory_space<vmem>>)
        %dma_wait3A_310 = arith.constant 1 : i32
        %dma_wait3A_311 = arith.constant 0 : i32
        %dma_wait3A_312 = tpu.memref_slice %arg14[%dma_wait3A_310, %dma_wait3A_311] : memref<2x80xi32, #tpu.memory_space<vmem>> -> memref<1x80xi32, #tpu.memory_space<vmem>>
        %dma_wait3A_313 = tpu.memref_squeeze %dma_wait3A_312 : memref<1x80xi32, #tpu.memory_space<vmem>> -> memref<80xi32, #tpu.memory_space<vmem>>
        %dma_wait3A_314 = arith.constant 0 : i32
        %dma_wait3A_315 = arith.constant 0 : i32
        %dma_wait3A_316 = tpu.memref_slice %arg4[%dma_wait3A_314, %dma_wait3A_315] : memref<10000x8xf32, #tpu.memory_space<hbm>> -> memref<10000x8xf32, #tpu.memory_space<hbm>>
        tpu.wait_indirect_dma semaphore(%arg20 : memref<!tpu.dma_semaphore, #tpu.memory_space<semaphore_mem>>) src(%dma_wait3A_316 : memref<10000x8xf32, #tpu.memory_space<hbm>>) dst(%arg11 : memref<80x8xf32, #tpu.memory_space<vmem>>)
        %scan3A_317 = arith.constant 0 : i32
        %scan3A_318 = arith.constant 0 : i32
        %scan3A_319 = arith.constant 5 : i32
        %scan3A_320 = arith.addi %scan3A_318, %scan3A_319 : i32
        %scan3A_321 = arith.constant 1 : i32
        scf.for %scan3A_330 = %scan3A_318 to %scan3A_320 step %scan3A_321  : i32 {
          %mul3A_331 = arith.constant 16 : i32
          %mul3A_332 = arith.muli %scan3A_330, %mul3A_331 : i32
          %add3A_333 = vector.broadcast %mul3A_332 : i32 to vector<16xi32>
          %add3A_334 = arith.addi %iota3A, %add3A_333 : vector<16xi32>
          %gather3A = tpu.vector_load_idx %arg8[%add3A_334, %broadcast_in_dim3A_5] : memref<80x72xf32, #tpu.memory_space<vmem>>[vector<16xi32>, vector<16xi32>], vector<16xf32>,
          %broadcast_in_dim3A_335 = arith.constant 0 : i32
          %broadcast_in_dim3A_336 = vector.broadcast %broadcast_in_dim3A_335 : i32 to vector<16xi32>
          %gather3A_337 = tpu.vector_load_idx %arg11[%add3A_334, %broadcast_in_dim3A_336] : memref<80x8xf32, #tpu.memory_space<vmem>>[vector<16xi32>, vector<16xi32>], vector<16xf32>,
          %add3A_338 = arith.addf %gather3A, %gather3A_337 : vector<16xf32>
          %mul3A_339 = arith.constant 2.000000e-01 : f32
          %mul3A_340 = vector.broadcast %mul3A_339 : f32 to vector<16xf32>
          %mul3A_341 = arith.mulf %mul3A_340, %add3A_338 : vector<16xf32>
          %max3A = arith.maximumf %add3A_338, %mul3A_341 : vector<16xf32>
          %exp3A = math.exp %max3A : vector<16xf32>
          %parallel_loop3A = arith.constant 0 : i32
          %parallel_loop3A_342 = arith.constant 65 : i32
          %parallel_loop3A_343 = arith.constant 1 : i32
          scf.for %parallel_loop3A_344 = %parallel_loop3A to %parallel_loop3A_342 step %parallel_loop3A_343  : i32 {
            %parallel_loop3A_345 = arith.constant 0 : i32
            %parallel_loop3A_346 = vector.broadcast %parallel_loop3A_345 : i32 to vector<16xi32>
            %parallel_loop3A_347 = vector.broadcast %parallel_loop3A_344 : i32 to vector<16xi32>
            %parallel_loop3A_348 = arith.addi %parallel_loop3A_346, %parallel_loop3A_347 : vector<16xi32>
            %parallel_loop3A_349 = tpu.vector_load_idx %arg8[%add3A_334, %parallel_loop3A_348] : memref<80x72xf32, #tpu.memory_space<vmem>>[vector<16xi32>, vector<16xi32>], vector<16xf32>,
            %parallel_loop3A_350 = arith.mulf %parallel_loop3A_349, %exp3A : vector<16xf32>
            tpu.vector_store_idx %arg8[%add3A_334, %parallel_loop3A_348], %parallel_loop3A_350 : memref<80x72xf32, #tpu.memory_space<vmem>>[vector<16xi32>, vector<16xi32>], vector<16xf32>,
          } {sc.loop_unroll_factor = 8 : i64, sc.parallel_access}
        }
        %scan3A_322 = arith.constant 5 : i32
        %dma_start3A_323 = arith.constant 1 : i32
        %dma_start3A_324 = arith.constant 0 : i32
        %dma_start3A_325 = tpu.memref_slice %arg14[%dma_start3A_323, %dma_start3A_324] : memref<2x80xi32, #tpu.memory_space<vmem>> -> memref<1x80xi32, #tpu.memory_space<vmem>>
        %dma_start3A_326 = tpu.memref_squeeze %dma_start3A_325 : memref<1x80xi32, #tpu.memory_space<vmem>> -> memref<80xi32, #tpu.memory_space<vmem>>
        %dma_start3A_327 = arith.constant 0 : i32
        %dma_start3A_328 = arith.constant 0 : i32
        %dma_start3A_329 = tpu.memref_slice %arg7[%dma_start3A_327, %dma_start3A_328] : memref<10000x72xf32, #tpu.memory_space<vmem_shared>> -> memref<10000x72xf32, #tpu.memory_space<vmem_shared>>
        tpu.enqueue_indirect_dma source(%arg8 : memref<80x72xf32, #tpu.memory_space<vmem>>) target(%dma_start3A_329 : memref<10000x72xf32, #tpu.memory_space<vmem_shared>>) offsets(%dma_start3A_326 : memref<80xi32, #tpu.memory_space<vmem>>) semaphore(%arg23 : memref<!tpu.dma_semaphore, #tpu.memory_space<semaphore_mem>>) {add = true}
      } else {
      }
      %mul3A_170 = arith.constant 6 : i32
      %mul3A_171 = arith.muli %mul3A_170, %scan3A_159 : i32
      %add3A_172 = arith.constant 0 : i32
      %add3A_173 = arith.addi %mul3A_171, %add3A_172 : i32
      %add3A_174 = arith.constant 1 : i32
      %add3A_175 = arith.addi %add3A_173, %add3A_174 : i32
      %lt3A_176 = arith.constant 125 : i32
      %lt3A_177 = arith.cmpi slt, %add3A_175, %lt3A_176 : i32
      %convert_element_type3A_178 = arith.extui %lt3A_177 : i1 to i32
      %cond3A_179 = arith.constant 0 : i32
      %cond3A_180 = arith.cmpi ne, %convert_element_type3A_178, %cond3A_179 : i32
      scf.if %cond3A_180 {
        %dma_wait3A_303 = arith.constant 0 : i32
        %dma_wait3A_304 = arith.constant 0 : i32
        %dma_wait3A_305 = tpu.memref_slice %arg15[%dma_wait3A_303, %dma_wait3A_304] : memref<2x80xi32, #tpu.memory_space<vmem>> -> memref<1x80xi32, #tpu.memory_space<vmem>>
        %dma_wait3A_306 = tpu.memref_squeeze %dma_wait3A_305 : memref<1x80xi32, #tpu.memory_space<vmem>> -> memref<80xi32, #tpu.memory_space<vmem>>
        %dma_wait3A_307 = arith.constant 0 : i32
        %dma_wait3A_308 = arith.constant 0 : i32
        %dma_wait3A_309 = tpu.memref_slice %arg2[%dma_wait3A_307, %dma_wait3A_308] : memref<10000x72xf32, #tpu.memory_space<hbm>> -> memref<10000x72xf32, #tpu.memory_space<hbm>>
        tpu.wait_indirect_dma semaphore(%arg21 : memref<!tpu.dma_semaphore, #tpu.memory_space<semaphore_mem>>) src(%dma_wait3A_309 : memref<10000x72xf32, #tpu.memory_space<hbm>>) dst(%arg9 : memref<80x72xf32, #tpu.memory_space<vmem>>)
        %dma_wait3A_310 = arith.constant 1 : i32
        %dma_wait3A_311 = arith.constant 0 : i32
        %dma_wait3A_312 = tpu.memref_slice %arg15[%dma_wait3A_310, %dma_wait3A_311] : memref<2x80xi32, #tpu.memory_space<vmem>> -> memref<1x80xi32, #tpu.memory_space<vmem>>
        %dma_wait3A_313 = tpu.memref_squeeze %dma_wait3A_312 : memref<1x80xi32, #tpu.memory_space<vmem>> -> memref<80xi32, #tpu.memory_space<vmem>>
        %dma_wait3A_314 = arith.constant 0 : i32
        %dma_wait3A_315 = arith.constant 0 : i32
        %dma_wait3A_316 = tpu.memref_slice %arg4[%dma_wait3A_314, %dma_wait3A_315] : memref<10000x8xf32, #tpu.memory_space<hbm>> -> memref<10000x8xf32, #tpu.memory_space<hbm>>
        tpu.wait_indirect_dma semaphore(%arg21 : memref<!tpu.dma_semaphore, #tpu.memory_space<semaphore_mem>>) src(%dma_wait3A_316 : memref<10000x8xf32, #tpu.memory_space<hbm>>) dst(%arg12 : memref<80x8xf32, #tpu.memory_space<vmem>>)
        %scan3A_317 = arith.constant 0 : i32
        %scan3A_318 = arith.constant 0 : i32
        %scan3A_319 = arith.constant 5 : i32
        %scan3A_320 = arith.addi %scan3A_318, %scan3A_319 : i32
        %scan3A_321 = arith.constant 1 : i32
        scf.for %scan3A_330 = %scan3A_318 to %scan3A_320 step %scan3A_321  : i32 {
          %mul3A_331 = arith.constant 16 : i32
          %mul3A_332 = arith.muli %scan3A_330, %mul3A_331 : i32
          %add3A_333 = vector.broadcast %mul3A_332 : i32 to vector<16xi32>
          %add3A_334 = arith.addi %iota3A, %add3A_333 : vector<16xi32>
          %gather3A = tpu.vector_load_idx %arg9[%add3A_334, %broadcast_in_dim3A_5] : memref<80x72xf32, #tpu.memory_space<vmem>>[vector<16xi32>, vector<16xi32>], vector<16xf32>,
          %broadcast_in_dim3A_335 = arith.constant 0 : i32
          %broadcast_in_dim3A_336 = vector.broadcast %broadcast_in_dim3A_335 : i32 to vector<16xi32>
          %gather3A_337 = tpu.vector_load_idx %arg12[%add3A_334, %broadcast_in_dim3A_336] : memref<80x8xf32, #tpu.memory_space<vmem>>[vector<16xi32>, vector<16xi32>], vector<16xf32>,
          %add3A_338 = arith.addf %gather3A, %gather3A_337 : vector<16xf32>
          %mul3A_339 = arith.constant 2.000000e-01 : f32
          %mul3A_340 = vector.broadcast %mul3A_339 : f32 to vector<16xf32>
          %mul3A_341 = arith.mulf %mul3A_340, %add3A_338 : vector<16xf32>
          %max3A = arith.maximumf %add3A_338, %mul3A_341 : vector<16xf32>
          %exp3A = math.exp %max3A : vector<16xf32>
          %parallel_loop3A = arith.constant 0 : i32
          %parallel_loop3A_342 = arith.constant 65 : i32
          %parallel_loop3A_343 = arith.constant 1 : i32
          scf.for %parallel_loop3A_344 = %parallel_loop3A to %parallel_loop3A_342 step %parallel_loop3A_343  : i32 {
            %parallel_loop3A_345 = arith.constant 0 : i32
            %parallel_loop3A_346 = vector.broadcast %parallel_loop3A_345 : i32 to vector<16xi32>
            %parallel_loop3A_347 = vector.broadcast %parallel_loop3A_344 : i32 to vector<16xi32>
            %parallel_loop3A_348 = arith.addi %parallel_loop3A_346, %parallel_loop3A_347 : vector<16xi32>
            %parallel_loop3A_349 = tpu.vector_load_idx %arg9[%add3A_334, %parallel_loop3A_348] : memref<80x72xf32, #tpu.memory_space<vmem>>[vector<16xi32>, vector<16xi32>], vector<16xf32>,
            %parallel_loop3A_350 = arith.mulf %parallel_loop3A_349, %exp3A : vector<16xf32>
            tpu.vector_store_idx %arg9[%add3A_334, %parallel_loop3A_348], %parallel_loop3A_350 : memref<80x72xf32, #tpu.memory_space<vmem>>[vector<16xi32>, vector<16xi32>], vector<16xf32>,
          } {sc.loop_unroll_factor = 8 : i64, sc.parallel_access}
        }
        %scan3A_322 = arith.constant 5 : i32
        %dma_start3A_323 = arith.constant 1 : i32
        %dma_start3A_324 = arith.constant 0 : i32
        %dma_start3A_325 = tpu.memref_slice %arg15[%dma_start3A_323, %dma_start3A_324] : memref<2x80xi32, #tpu.memory_space<vmem>> -> memref<1x80xi32, #tpu.memory_space<vmem>>
        %dma_start3A_326 = tpu.memref_squeeze %dma_start3A_325 : memref<1x80xi32, #tpu.memory_space<vmem>> -> memref<80xi32, #tpu.memory_space<vmem>>
        %dma_start3A_327 = arith.constant 0 : i32
        %dma_start3A_328 = arith.constant 0 : i32
        %dma_start3A_329 = tpu.memref_slice %arg7[%dma_start3A_327, %dma_start3A_328] : memref<10000x72xf32, #tpu.memory_space<vmem_shared>> -> memref<10000x72xf32, #tpu.memory_space<vmem_shared>>
        tpu.enqueue_indirect_dma source(%arg9 : memref<80x72xf32, #tpu.memory_space<vmem>>) target(%dma_start3A_329 : memref<10000x72xf32, #tpu.memory_space<vmem_shared>>) offsets(%dma_start3A_326 : memref<80xi32, #tpu.memory_space<vmem>>) semaphore(%arg24 : memref<!tpu.dma_semaphore, #tpu.memory_space<semaphore_mem>>) {add = true}
      } else {
      }
      %mul3A_181 = arith.constant 6 : i32
      %mul3A_182 = arith.muli %mul3A_181, %scan3A_159 : i32
      %add3A_183 = arith.constant 0 : i32
      %add3A_184 = arith.addi %mul3A_182, %add3A_183 : i32
      %add3A_185 = arith.constant 2 : i32
      %add3A_186 = arith.addi %add3A_184, %add3A_185 : i32
      %lt3A_187 = arith.constant 125 : i32
      %lt3A_188 = arith.cmpi slt, %add3A_186, %lt3A_187 : i32
      %convert_element_type3A_189 = arith.extui %lt3A_188 : i1 to i32
      %cond3A_190 = arith.constant 0 : i32
      %cond3A_191 = arith.cmpi ne, %convert_element_type3A_189, %cond3A_190 : i32
      scf.if %cond3A_191 {
        %dma_wait3A_303 = arith.constant 0 : i32
        %dma_wait3A_304 = arith.constant 0 : i32
        %dma_wait3A_305 = tpu.memref_slice %arg16[%dma_wait3A_303, %dma_wait3A_304] : memref<2x80xi32, #tpu.memory_space<vmem>> -> memref<1x80xi32, #tpu.memory_space<vmem>>
        %dma_wait3A_306 = tpu.memref_squeeze %dma_wait3A_305 : memref<1x80xi32, #tpu.memory_space<vmem>> -> memref<80xi32, #tpu.memory_space<vmem>>
        %dma_wait3A_307 = arith.constant 0 : i32
        %dma_wait3A_308 = arith.constant 0 : i32
        %dma_wait3A_309 = tpu.memref_slice %arg2[%dma_wait3A_307, %dma_wait3A_308] : memref<10000x72xf32, #tpu.memory_space<hbm>> -> memref<10000x72xf32, #tpu.memory_space<hbm>>
        tpu.wait_indirect_dma semaphore(%arg22 : memref<!tpu.dma_semaphore, #tpu.memory_space<semaphore_mem>>) src(%dma_wait3A_309 : memref<10000x72xf32, #tpu.memory_space<hbm>>) dst(%arg10 : memref<80x72xf32, #tpu.memory_space<vmem>>)
        %dma_wait3A_310 = arith.constant 1 : i32
        %dma_wait3A_311 = arith.constant 0 : i32
        %dma_wait3A_312 = tpu.memref_slice %arg16[%dma_wait3A_310, %dma_wait3A_311] : memref<2x80xi32, #tpu.memory_space<vmem>> -> memref<1x80xi32, #tpu.memory_space<vmem>>
        %dma_wait3A_313 = tpu.memref_squeeze %dma_wait3A_312 : memref<1x80xi32, #tpu.memory_space<vmem>> -> memref<80xi32, #tpu.memory_space<vmem>>
        %dma_wait3A_314 = arith.constant 0 : i32
        %dma_wait3A_315 = arith.constant 0 : i32
        %dma_wait3A_316 = tpu.memref_slice %arg4[%dma_wait3A_314, %dma_wait3A_315] : memref<10000x8xf32, #tpu.memory_space<hbm>> -> memref<10000x8xf32, #tpu.memory_space<hbm>>
        tpu.wait_indirect_dma semaphore(%arg22 : memref<!tpu.dma_semaphore, #tpu.memory_space<semaphore_mem>>) src(%dma_wait3A_316 : memref<10000x8xf32, #tpu.memory_space<hbm>>) dst(%arg13 : memref<80x8xf32, #tpu.memory_space<vmem>>)
        %scan3A_317 = arith.constant 0 : i32
        %scan3A_318 = arith.constant 0 : i32
        %scan3A_319 = arith.constant 5 : i32
        %scan3A_320 = arith.addi %scan3A_318, %scan3A_319 : i32
        %scan3A_321 = arith.constant 1 : i32
        scf.for %scan3A_330 = %scan3A_318 to %scan3A_320 step %scan3A_321  : i32 {
          %mul3A_331 = arith.constant 16 : i32
          %mul3A_332 = arith.muli %scan3A_330, %mul3A_331 : i32
          %add3A_333 = vector.broadcast %mul3A_332 : i32 to vector<16xi32>
          %add3A_334 = arith.addi %iota3A, %add3A_333 : vector<16xi32>
          %gather3A = tpu.vector_load_idx %arg10[%add3A_334, %broadcast_in_dim3A_5] : memref<80x72xf32, #tpu.memory_space<vmem>>[vector<16xi32>, vector<16xi32>], vector<16xf32>,
          %broadcast_in_dim3A_335 = arith.constant 0 : i32
          %broadcast_in_dim3A_336 = vector.broadcast %broadcast_in_dim3A_335 : i32 to vector<16xi32>
          %gather3A_337 = tpu.vector_load_idx %arg13[%add3A_334, %broadcast_in_dim3A_336] : memref<80x8xf32, #tpu.memory_space<vmem>>[vector<16xi32>, vector<16xi32>], vector<16xf32>,
          %add3A_338 = arith.addf %gather3A, %gather3A_337 : vector<16xf32>
          %mul3A_339 = arith.constant 2.000000e-01 : f32
          %mul3A_340 = vector.broadcast %mul3A_339 : f32 to vector<16xf32>
          %mul3A_341 = arith.mulf %mul3A_340, %add3A_338 : vector<16xf32>
          %max3A = arith.maximumf %add3A_338, %mul3A_341 : vector<16xf32>
          %exp3A = math.exp %max3A : vector<16xf32>
          %parallel_loop3A = arith.constant 0 : i32
          %parallel_loop3A_342 = arith.constant 65 : i32
          %parallel_loop3A_343 = arith.constant 1 : i32
          scf.for %parallel_loop3A_344 = %parallel_loop3A to %parallel_loop3A_342 step %parallel_loop3A_343  : i32 {
            %parallel_loop3A_345 = arith.constant 0 : i32
            %parallel_loop3A_346 = vector.broadcast %parallel_loop3A_345 : i32 to vector<16xi32>
            %parallel_loop3A_347 = vector.broadcast %parallel_loop3A_344 : i32 to vector<16xi32>
            %parallel_loop3A_348 = arith.addi %parallel_loop3A_346, %parallel_loop3A_347 : vector<16xi32>
            %parallel_loop3A_349 = tpu.vector_load_idx %arg10[%add3A_334, %parallel_loop3A_348] : memref<80x72xf32, #tpu.memory_space<vmem>>[vector<16xi32>, vector<16xi32>], vector<16xf32>,
            %parallel_loop3A_350 = arith.mulf %parallel_loop3A_349, %exp3A : vector<16xf32>
            tpu.vector_store_idx %arg10[%add3A_334, %parallel_loop3A_348], %parallel_loop3A_350 : memref<80x72xf32, #tpu.memory_space<vmem>>[vector<16xi32>, vector<16xi32>], vector<16xf32>,
          } {sc.loop_unroll_factor = 8 : i64, sc.parallel_access}
        }
        %scan3A_322 = arith.constant 5 : i32
        %dma_start3A_323 = arith.constant 1 : i32
        %dma_start3A_324 = arith.constant 0 : i32
        %dma_start3A_325 = tpu.memref_slice %arg16[%dma_start3A_323, %dma_start3A_324] : memref<2x80xi32, #tpu.memory_space<vmem>> -> memref<1x80xi32, #tpu.memory_space<vmem>>
        %dma_start3A_326 = tpu.memref_squeeze %dma_start3A_325 : memref<1x80xi32, #tpu.memory_space<vmem>> -> memref<80xi32, #tpu.memory_space<vmem>>
        %dma_start3A_327 = arith.constant 0 : i32
        %dma_start3A_328 = arith.constant 0 : i32
        %dma_start3A_329 = tpu.memref_slice %arg7[%dma_start3A_327, %dma_start3A_328] : memref<10000x72xf32, #tpu.memory_space<vmem_shared>> -> memref<10000x72xf32, #tpu.memory_space<vmem_shared>>
        tpu.enqueue_indirect_dma source(%arg10 : memref<80x72xf32, #tpu.memory_space<vmem>>) target(%dma_start3A_329 : memref<10000x72xf32, #tpu.memory_space<vmem_shared>>) offsets(%dma_start3A_326 : memref<80xi32, #tpu.memory_space<vmem>>) semaphore(%arg25 : memref<!tpu.dma_semaphore, #tpu.memory_space<semaphore_mem>>) {add = true}
      } else {
      }
      %mul3A_192 = arith.constant 6 : i32
      %mul3A_193 = arith.muli %mul3A_192, %scan3A_159 : i32
      %add3A_194 = arith.constant 0 : i32
      %add3A_195 = arith.addi %mul3A_193, %add3A_194 : i32
      %add3A_196 = arith.constant 3 : i32
      %add3A_197 = arith.addi %add3A_195, %add3A_196 : i32
      %add3A_198 = arith.constant 0 : i32
      %add3A_199 = arith.addi %add3A_197, %add3A_198 : i32
      %lt3A_200 = arith.constant 125 : i32
      %lt3A_201 = arith.cmpi slt, %add3A_199, %lt3A_200 : i32
      %convert_element_type3A_202 = arith.extui %lt3A_201 : i1 to i32
      %cond3A_203 = arith.constant 0 : i32
      %cond3A_204 = arith.cmpi ne, %convert_element_type3A_202, %cond3A_203 : i32
      scf.if %cond3A_204 {
        %dma_wait3A_303 = arith.constant 1 : i32
        %dma_wait3A_304 = arith.constant 0 : i32
        %dma_wait3A_305 = tpu.memref_slice %arg14[%dma_wait3A_303, %dma_wait3A_304] : memref<2x80xi32, #tpu.memory_space<vmem>> -> memref<1x80xi32, #tpu.memory_space<vmem>>
        %dma_wait3A_306 = tpu.memref_squeeze %dma_wait3A_305 : memref<1x80xi32, #tpu.memory_space<vmem>> -> memref<80xi32, #tpu.memory_space<vmem>>
        %dma_wait3A_307 = arith.constant 0 : i32
        %dma_wait3A_308 = arith.constant 0 : i32
        %dma_wait3A_309 = tpu.memref_slice %arg7[%dma_wait3A_307, %dma_wait3A_308] : memref<10000x72xf32, #tpu.memory_space<vmem_shared>> -> memref<10000x72xf32, #tpu.memory_space<vmem_shared>>
        tpu.wait_indirect_dma semaphore(%arg23 : memref<!tpu.dma_semaphore, #tpu.memory_space<semaphore_mem>>) src(%arg8 : memref<80x72xf32, #tpu.memory_space<vmem>>) dst(%dma_wait3A_309 : memref<10000x72xf32, #tpu.memory_space<vmem_shared>>)
        %dma_wait3A_310 = arith.constant 0 : i32
        %dma_wait3A_311 = arith.constant 0 : i32
        %dma_wait3A_312 = tpu.memref_slice %arg5[%add3A, %add3A_199, %dma_wait3A_310, %dma_wait3A_311] : memref<32x125x2x80xi32, #tpu.memory_space<hbm>> -> memref<1x1x2x80xi32, #tpu.memory_space<hbm>>
        %dma_wait3A_313 = tpu.memref_squeeze %dma_wait3A_312 : memref<1x1x2x80xi32, #tpu.memory_space<hbm>> -> memref<2x80xi32, #tpu.memory_space<hbm>>
        %dma_wait3A_314 = arith.constant 0 : i32
        %dma_wait3A_315 = arith.constant 0 : i32
        %dma_wait3A_316 = tpu.memref_slice %arg5[%add3A, %add3A_199, %dma_wait3A_314, %dma_wait3A_315] : memref<32x125x2x80xi32, #tpu.memory_space<hbm>> -> memref<1x1x2x80xi32, #tpu.memory_space<hbm>>
        %dma_wait3A_317 = tpu.memref_squeeze %dma_wait3A_316 : memref<1x1x2x80xi32, #tpu.memory_space<hbm>> -> memref<2x80xi32, #tpu.memory_space<hbm>>
        tpu.wait_dma2 semaphore(%arg29 : memref<!tpu.dma_semaphore, #tpu.memory_space<semaphore_mem>>) src(%dma_wait3A_317 : memref<2x80xi32, #tpu.memory_space<hbm>>) dst(%arg17 : memref<2x80xi32, #tpu.memory_space<vmem>>)
        %dma_start3A_318 = arith.constant 0 : i32
        %dma_start3A_319 = arith.constant 0 : i32
        %dma_start3A_320 = tpu.memref_slice %arg17[%dma_start3A_318, %dma_start3A_319] : memref<2x80xi32, #tpu.memory_space<vmem>> -> memref<1x80xi32, #tpu.memory_space<vmem>>
        %dma_start3A_321 = tpu.memref_squeeze %dma_start3A_320 : memref<1x80xi32, #tpu.memory_space<vmem>> -> memref<80xi32, #tpu.memory_space<vmem>>
        %dma_start3A_322 = arith.constant 0 : i32
        %dma_start3A_323 = arith.constant 0 : i32
        %dma_start3A_324 = tpu.memref_slice %arg2[%dma_start3A_322, %dma_start3A_323] : memref<10000x72xf32, #tpu.memory_space<hbm>> -> memref<10000x72xf32, #tpu.memory_space<hbm>>
        tpu.enqueue_indirect_dma source(%dma_start3A_324 : memref<10000x72xf32, #tpu.memory_space<hbm>>) target(%arg8 : memref<80x72xf32, #tpu.memory_space<vmem>>) offsets(%dma_start3A_321 : memref<80xi32, #tpu.memory_space<vmem>>) semaphore(%arg20 : memref<!tpu.dma_semaphore, #tpu.memory_space<semaphore_mem>>)
        %dma_start3A_325 = arith.constant 1 : i32
        %dma_start3A_326 = arith.constant 0 : i32
        %dma_start3A_327 = tpu.memref_slice %arg17[%dma_start3A_325, %dma_start3A_326] : memref<2x80xi32, #tpu.memory_space<vmem>> -> memref<1x80xi32, #tpu.memory_space<vmem>>
        %dma_start3A_328 = tpu.memref_squeeze %dma_start3A_327 : memref<1x80xi32, #tpu.memory_space<vmem>> -> memref<80xi32, #tpu.memory_space<vmem>>
        %dma_start3A_329 = arith.constant 0 : i32
        %dma_start3A_330 = arith.constant 0 : i32
        %dma_start3A_331 = tpu.memref_slice %arg4[%dma_start3A_329, %dma_start3A_330] : memref<10000x8xf32, #tpu.memory_space<hbm>> -> memref<10000x8xf32, #tpu.memory_space<hbm>>
        tpu.enqueue_indirect_dma source(%dma_start3A_331 : memref<10000x8xf32, #tpu.memory_space<hbm>>) target(%arg11 : memref<80x8xf32, #tpu.memory_space<vmem>>) offsets(%dma_start3A_328 : memref<80xi32, #tpu.memory_space<vmem>>) semaphore(%arg20 : memref<!tpu.dma_semaphore, #tpu.memory_space<semaphore_mem>>)
        %add3A_332 = arith.constant 3 : i32
        %add3A_333 = arith.addi %add3A_199, %add3A_332 : i32
        %lt3A_334 = arith.constant 125 : i32
        %lt3A_335 = arith.cmpi slt, %add3A_333, %lt3A_334 : i32
        %convert_element_type3A_336 = arith.extui %lt3A_335 : i1 to i32
        %cond3A_337 = arith.constant 0 : i32
        %cond3A_338 = arith.cmpi ne, %convert_element_type3A_336, %cond3A_337 : i32
        scf.if %cond3A_338 {
          %add3A_339 = arith.constant 3 : i32
          %add3A_340 = arith.addi %add3A_199, %add3A_339 : i32
          %dma_start3A_341 = arith.constant 0 : i32
          %dma_start3A_342 = arith.constant 0 : i32
          %dma_start3A_343 = tpu.memref_slice %arg5[%add3A, %add3A_340, %dma_start3A_341, %dma_start3A_342] : memref<32x125x2x80xi32, #tpu.memory_space<hbm>> -> memref<1x1x2x80xi32, #tpu.memory_space<hbm>>
          %dma_start3A_344 = tpu.memref_squeeze %dma_start3A_343 : memref<1x1x2x80xi32, #tpu.memory_space<hbm>> -> memref<2x80xi32, #tpu.memory_space<hbm>>
          %dma_start3A_345 = arith.constant 0 : i32
          %dma_start3A_346 = arith.constant 0 : i32
          %dma_start3A_347 = tpu.memref_slice %arg5[%add3A, %add3A_340, %dma_start3A_345, %dma_start3A_346] : memref<32x125x2x80xi32, #tpu.memory_space<hbm>> -> memref<1x1x2x80xi32, #tpu.memory_space<hbm>>
          %dma_start3A_348 = tpu.memref_squeeze %dma_start3A_347 : memref<1x1x2x80xi32, #tpu.memory_space<hbm>> -> memref<2x80xi32, #tpu.memory_space<hbm>>
          tpu.enqueue_dma source(%dma_start3A_348 : memref<2x80xi32, #tpu.memory_space<hbm>>) target(%arg14 : memref<2x80xi32, #tpu.memory_space<vmem>>) target_semaphore(%arg26 : memref<!tpu.dma_semaphore, #tpu.memory_space<semaphore_mem>>)
        } else {
        }
      } else {
      }
      %mul3A_205 = arith.constant 6 : i32
      %mul3A_206 = arith.muli %mul3A_205, %scan3A_159 : i32
      %add3A_207 = arith.constant 0 : i32
      %add3A_208 = arith.addi %mul3A_206, %add3A_207 : i32
      %add3A_209 = arith.constant 3 : i32
      %add3A_210 = arith.addi %add3A_208, %add3A_209 : i32
      %add3A_211 = arith.constant 1 : i32
      %add3A_212 = arith.addi %add3A_210, %add3A_211 : i32
      %lt3A_213 = arith.constant 125 : i32
      %lt3A_214 = arith.cmpi slt, %add3A_212, %lt3A_213 : i32
      %convert_element_type3A_215 = arith.extui %lt3A_214 : i1 to i32
      %cond3A_216 = arith.constant 0 : i32
      %cond3A_217 = arith.cmpi ne, %convert_element_type3A_215, %cond3A_216 : i32
      scf.if %cond3A_217 {
        %dma_wait3A_303 = arith.constant 1 : i32
        %dma_wait3A_304 = arith.constant 0 : i32
        %dma_wait3A_305 = tpu.memref_slice %arg15[%dma_wait3A_303, %dma_wait3A_304] : memref<2x80xi32, #tpu.memory_space<vmem>> -> memref<1x80xi32, #tpu.memory_space<vmem>>
        %dma_wait3A_306 = tpu.memref_squeeze %dma_wait3A_305 : memref<1x80xi32, #tpu.memory_space<vmem>> -> memref<80xi32, #tpu.memory_space<vmem>>
        %dma_wait3A_307 = arith.constant 0 : i32
        %dma_wait3A_308 = arith.constant 0 : i32
        %dma_wait3A_309 = tpu.memref_slice %arg7[%dma_wait3A_307, %dma_wait3A_308] : memref<10000x72xf32, #tpu.memory_space<vmem_shared>> -> memref<10000x72xf32, #tpu.memory_space<vmem_shared>>
        tpu.wait_indirect_dma semaphore(%arg24 : memref<!tpu.dma_semaphore, #tpu.memory_space<semaphore_mem>>) src(%arg9 : memref<80x72xf32, #tpu.memory_space<vmem>>) dst(%dma_wait3A_309 : memref<10000x72xf32, #tpu.memory_space<vmem_shared>>)
        %dma_wait3A_310 = arith.constant 0 : i32
        %dma_wait3A_311 = arith.constant 0 : i32
        %dma_wait3A_312 = tpu.memref_slice %arg5[%add3A, %add3A_212, %dma_wait3A_310, %dma_wait3A_311] : memref<32x125x2x80xi32, #tpu.memory_space<hbm>> -> memref<1x1x2x80xi32, #tpu.memory_space<hbm>>
        %dma_wait3A_313 = tpu.memref_squeeze %dma_wait3A_312 : memref<1x1x2x80xi32, #tpu.memory_space<hbm>> -> memref<2x80xi32, #tpu.memory_space<hbm>>
        %dma_wait3A_314 = arith.constant 0 : i32
        %dma_wait3A_315 = arith.constant 0 : i32
        %dma_wait3A_316 = tpu.memref_slice %arg5[%add3A, %add3A_212, %dma_wait3A_314, %dma_wait3A_315] : memref<32x125x2x80xi32, #tpu.memory_space<hbm>> -> memref<1x1x2x80xi32, #tpu.memory_space<hbm>>
        %dma_wait3A_317 = tpu.memref_squeeze %dma_wait3A_316 : memref<1x1x2x80xi32, #tpu.memory_space<hbm>> -> memref<2x80xi32, #tpu.memory_space<hbm>>
        tpu.wait_dma2 semaphore(%arg30 : memref<!tpu.dma_semaphore, #tpu.memory_space<semaphore_mem>>) src(%dma_wait3A_317 : memref<2x80xi32, #tpu.memory_space<hbm>>) dst(%arg18 : memref<2x80xi32, #tpu.memory_space<vmem>>)
        %dma_start3A_318 = arith.constant 0 : i32
        %dma_start3A_319 = arith.constant 0 : i32
        %dma_start3A_320 = tpu.memref_slice %arg18[%dma_start3A_318, %dma_start3A_319] : memref<2x80xi32, #tpu.memory_space<vmem>> -> memref<1x80xi32, #tpu.memory_space<vmem>>
        %dma_start3A_321 = tpu.memref_squeeze %dma_start3A_320 : memref<1x80xi32, #tpu.memory_space<vmem>> -> memref<80xi32, #tpu.memory_space<vmem>>
        %dma_start3A_322 = arith.constant 0 : i32
        %dma_start3A_323 = arith.constant 0 : i32
        %dma_start3A_324 = tpu.memref_slice %arg2[%dma_start3A_322, %dma_start3A_323] : memref<10000x72xf32, #tpu.memory_space<hbm>> -> memref<10000x72xf32, #tpu.memory_space<hbm>>
        tpu.enqueue_indirect_dma source(%dma_start3A_324 : memref<10000x72xf32, #tpu.memory_space<hbm>>) target(%arg9 : memref<80x72xf32, #tpu.memory_space<vmem>>) offsets(%dma_start3A_321 : memref<80xi32, #tpu.memory_space<vmem>>) semaphore(%arg21 : memref<!tpu.dma_semaphore, #tpu.memory_space<semaphore_mem>>)
        %dma_start3A_325 = arith.constant 1 : i32
        %dma_start3A_326 = arith.constant 0 : i32
        %dma_start3A_327 = tpu.memref_slice %arg18[%dma_start3A_325, %dma_start3A_326] : memref<2x80xi32, #tpu.memory_space<vmem>> -> memref<1x80xi32, #tpu.memory_space<vmem>>
        %dma_start3A_328 = tpu.memref_squeeze %dma_start3A_327 : memref<1x80xi32, #tpu.memory_space<vmem>> -> memref<80xi32, #tpu.memory_space<vmem>>
        %dma_start3A_329 = arith.constant 0 : i32
        %dma_start3A_330 = arith.constant 0 : i32
        %dma_start3A_331 = tpu.memref_slice %arg4[%dma_start3A_329, %dma_start3A_330] : memref<10000x8xf32, #tpu.memory_space<hbm>> -> memref<10000x8xf32, #tpu.memory_space<hbm>>
        tpu.enqueue_indirect_dma source(%dma_start3A_331 : memref<10000x8xf32, #tpu.memory_space<hbm>>) target(%arg12 : memref<80x8xf32, #tpu.memory_space<vmem>>) offsets(%dma_start3A_328 : memref<80xi32, #tpu.memory_space<vmem>>) semaphore(%arg21 : memref<!tpu.dma_semaphore, #tpu.memory_space<semaphore_mem>>)
        %add3A_332 = arith.constant 3 : i32
        %add3A_333 = arith.addi %add3A_212, %add3A_332 : i32
        %lt3A_334 = arith.constant 125 : i32
        %lt3A_335 = arith.cmpi slt, %add3A_333, %lt3A_334 : i32
        %convert_element_type3A_336 = arith.extui %lt3A_335 : i1 to i32
        %cond3A_337 = arith.constant 0 : i32
        %cond3A_338 = arith.cmpi ne, %convert_element_type3A_336, %cond3A_337 : i32
        scf.if %cond3A_338 {
          %add3A_339 = arith.constant 3 : i32
          %add3A_340 = arith.addi %add3A_212, %add3A_339 : i32
          %dma_start3A_341 = arith.constant 0 : i32
          %dma_start3A_342 = arith.constant 0 : i32
          %dma_start3A_343 = tpu.memref_slice %arg5[%add3A, %add3A_340, %dma_start3A_341, %dma_start3A_342] : memref<32x125x2x80xi32, #tpu.memory_space<hbm>> -> memref<1x1x2x80xi32, #tpu.memory_space<hbm>>
          %dma_start3A_344 = tpu.memref_squeeze %dma_start3A_343 : memref<1x1x2x80xi32, #tpu.memory_space<hbm>> -> memref<2x80xi32, #tpu.memory_space<hbm>>
          %dma_start3A_345 = arith.constant 0 : i32
          %dma_start3A_346 = arith.constant 0 : i32
          %dma_start3A_347 = tpu.memref_slice %arg5[%add3A, %add3A_340, %dma_start3A_345, %dma_start3A_346] : memref<32x125x2x80xi32, #tpu.memory_space<hbm>> -> memref<1x1x2x80xi32, #tpu.memory_space<hbm>>
          %dma_start3A_348 = tpu.memref_squeeze %dma_start3A_347 : memref<1x1x2x80xi32, #tpu.memory_space<hbm>> -> memref<2x80xi32, #tpu.memory_space<hbm>>
          tpu.enqueue_dma source(%dma_start3A_348 : memref<2x80xi32, #tpu.memory_space<hbm>>) target(%arg15 : memref<2x80xi32, #tpu.memory_space<vmem>>) target_semaphore(%arg27 : memref<!tpu.dma_semaphore, #tpu.memory_space<semaphore_mem>>)
        } else {
        }
      } else {
      }
      %mul3A_218 = arith.constant 6 : i32
      %mul3A_219 = arith.muli %mul3A_218, %scan3A_159 : i32
      %add3A_220 = arith.constant 0 : i32
      %add3A_221 = arith.addi %mul3A_219, %add3A_220 : i32
      %add3A_222 = arith.constant 3 : i32
      %add3A_223 = arith.addi %add3A_221, %add3A_222 : i32
      %add3A_224 = arith.constant 2 : i32
      %add3A_225 = arith.addi %add3A_223, %add3A_224 : i32
      %lt3A_226 = arith.constant 125 : i32
      %lt3A_227 = arith.cmpi slt, %add3A_225, %lt3A_226 : i32
      %convert_element_type3A_228 = arith.extui %lt3A_227 : i1 to i32
      %cond3A_229 = arith.constant 0 : i32
      %cond3A_230 = arith.cmpi ne, %convert_element_type3A_228, %cond3A_229 : i32
      scf.if %cond3A_230 {
        %dma_wait3A_303 = arith.constant 1 : i32
        %dma_wait3A_304 = arith.constant 0 : i32
        %dma_wait3A_305 = tpu.memref_slice %arg16[%dma_wait3A_303, %dma_wait3A_304] : memref<2x80xi32, #tpu.memory_space<vmem>> -> memref<1x80xi32, #tpu.memory_space<vmem>>
        %dma_wait3A_306 = tpu.memref_squeeze %dma_wait3A_305 : memref<1x80xi32, #tpu.memory_space<vmem>> -> memref<80xi32, #tpu.memory_space<vmem>>
        %dma_wait3A_307 = arith.constant 0 : i32
        %dma_wait3A_308 = arith.constant 0 : i32
        %dma_wait3A_309 = tpu.memref_slice %arg7[%dma_wait3A_307, %dma_wait3A_308] : memref<10000x72xf32, #tpu.memory_space<vmem_shared>> -> memref<10000x72xf32, #tpu.memory_space<vmem_shared>>
        tpu.wait_indirect_dma semaphore(%arg25 : memref<!tpu.dma_semaphore, #tpu.memory_space<semaphore_mem>>) src(%arg10 : memref<80x72xf32, #tpu.memory_space<vmem>>) dst(%dma_wait3A_309 : memref<10000x72xf32, #tpu.memory_space<vmem_shared>>)
        %dma_wait3A_310 = arith.constant 0 : i32
        %dma_wait3A_311 = arith.constant 0 : i32
        %dma_wait3A_312 = tpu.memref_slice %arg5[%add3A, %add3A_225, %dma_wait3A_310, %dma_wait3A_311] : memref<32x125x2x80xi32, #tpu.memory_space<hbm>> -> memref<1x1x2x80xi32, #tpu.memory_space<hbm>>
        %dma_wait3A_313 = tpu.memref_squeeze %dma_wait3A_312 : memref<1x1x2x80xi32, #tpu.memory_space<hbm>> -> memref<2x80xi32, #tpu.memory_space<hbm>>
        %dma_wait3A_314 = arith.constant 0 : i32
        %dma_wait3A_315 = arith.constant 0 : i32
        %dma_wait3A_316 = tpu.memref_slice %arg5[%add3A, %add3A_225, %dma_wait3A_314, %dma_wait3A_315] : memref<32x125x2x80xi32, #tpu.memory_space<hbm>> -> memref<1x1x2x80xi32, #tpu.memory_space<hbm>>
        %dma_wait3A_317 = tpu.memref_squeeze %dma_wait3A_316 : memref<1x1x2x80xi32, #tpu.memory_space<hbm>> -> memref<2x80xi32, #tpu.memory_space<hbm>>
        tpu.wait_dma2 semaphore(%arg31 : memref<!tpu.dma_semaphore, #tpu.memory_space<semaphore_mem>>) src(%dma_wait3A_317 : memref<2x80xi32, #tpu.memory_space<hbm>>) dst(%arg19 : memref<2x80xi32, #tpu.memory_space<vmem>>)
        %dma_start3A_318 = arith.constant 0 : i32
        %dma_start3A_319 = arith.constant 0 : i32
        %dma_start3A_320 = tpu.memref_slice %arg19[%dma_start3A_318, %dma_start3A_319] : memref<2x80xi32, #tpu.memory_space<vmem>> -> memref<1x80xi32, #tpu.memory_space<vmem>>
        %dma_start3A_321 = tpu.memref_squeeze %dma_start3A_320 : memref<1x80xi32, #tpu.memory_space<vmem>> -> memref<80xi32, #tpu.memory_space<vmem>>
        %dma_start3A_322 = arith.constant 0 : i32
        %dma_start3A_323 = arith.constant 0 : i32
        %dma_start3A_324 = tpu.memref_slice %arg2[%dma_start3A_322, %dma_start3A_323] : memref<10000x72xf32, #tpu.memory_space<hbm>> -> memref<10000x72xf32, #tpu.memory_space<hbm>>
        tpu.enqueue_indirect_dma source(%dma_start3A_324 : memref<10000x72xf32, #tpu.memory_space<hbm>>) target(%arg10 : memref<80x72xf32, #tpu.memory_space<vmem>>) offsets(%dma_start3A_321 : memref<80xi32, #tpu.memory_space<vmem>>) semaphore(%arg22 : memref<!tpu.dma_semaphore, #tpu.memory_space<semaphore_mem>>)
        %dma_start3A_325 = arith.constant 1 : i32
        %dma_start3A_326 = arith.constant 0 : i32
        %dma_start3A_327 = tpu.memref_slice %arg19[%dma_start3A_325, %dma_start3A_326] : memref<2x80xi32, #tpu.memory_space<vmem>> -> memref<1x80xi32, #tpu.memory_space<vmem>>
        %dma_start3A_328 = tpu.memref_squeeze %dma_start3A_327 : memref<1x80xi32, #tpu.memory_space<vmem>> -> memref<80xi32, #tpu.memory_space<vmem>>
        %dma_start3A_329 = arith.constant 0 : i32
        %dma_start3A_330 = arith.constant 0 : i32
        %dma_start3A_331 = tpu.memref_slice %arg4[%dma_start3A_329, %dma_start3A_330] : memref<10000x8xf32, #tpu.memory_space<hbm>> -> memref<10000x8xf32, #tpu.memory_space<hbm>>
        tpu.enqueue_indirect_dma source(%dma_start3A_331 : memref<10000x8xf32, #tpu.memory_space<hbm>>) target(%arg13 : memref<80x8xf32, #tpu.memory_space<vmem>>) offsets(%dma_start3A_328 : memref<80xi32, #tpu.memory_space<vmem>>) semaphore(%arg22 : memref<!tpu.dma_semaphore, #tpu.memory_space<semaphore_mem>>)
        %add3A_332 = arith.constant 3 : i32
        %add3A_333 = arith.addi %add3A_225, %add3A_332 : i32
        %lt3A_334 = arith.constant 125 : i32
        %lt3A_335 = arith.cmpi slt, %add3A_333, %lt3A_334 : i32
        %convert_element_type3A_336 = arith.extui %lt3A_335 : i1 to i32
        %cond3A_337 = arith.constant 0 : i32
        %cond3A_338 = arith.cmpi ne, %convert_element_type3A_336, %cond3A_337 : i32
        scf.if %cond3A_338 {
          %add3A_339 = arith.constant 3 : i32
          %add3A_340 = arith.addi %add3A_225, %add3A_339 : i32
          %dma_start3A_341 = arith.constant 0 : i32
          %dma_start3A_342 = arith.constant 0 : i32
          %dma_start3A_343 = tpu.memref_slice %arg5[%add3A, %add3A_340, %dma_start3A_341, %dma_start3A_342] : memref<32x125x2x80xi32, #tpu.memory_space<hbm>> -> memref<1x1x2x80xi32, #tpu.memory_space<hbm>>
          %dma_start3A_344 = tpu.memref_squeeze %dma_start3A_343 : memref<1x1x2x80xi32, #tpu.memory_space<hbm>> -> memref<2x80xi32, #tpu.memory_space<hbm>>
          %dma_start3A_345 = arith.constant 0 : i32
          %dma_start3A_346 = arith.constant 0 : i32
          %dma_start3A_347 = tpu.memref_slice %arg5[%add3A, %add3A_340, %dma_start3A_345, %dma_start3A_346] : memref<32x125x2x80xi32, #tpu.memory_space<hbm>> -> memref<1x1x2x80xi32, #tpu.memory_space<hbm>>
          %dma_start3A_348 = tpu.memref_squeeze %dma_start3A_347 : memref<1x1x2x80xi32, #tpu.memory_space<hbm>> -> memref<2x80xi32, #tpu.memory_space<hbm>>
          tpu.enqueue_dma source(%dma_start3A_348 : memref<2x80xi32, #tpu.memory_space<hbm>>) target(%arg16 : memref<2x80xi32, #tpu.memory_space<vmem>>) target_semaphore(%arg28 : memref<!tpu.dma_semaphore, #tpu.memory_space<semaphore_mem>>)
        } else {
        }
      } else {
      }
      %mul3A_231 = arith.constant 6 : i32
      %mul3A_232 = arith.muli %mul3A_231, %scan3A_159 : i32
      %add3A_233 = arith.constant 3 : i32
      %add3A_234 = arith.addi %mul3A_232, %add3A_233 : i32
      %add3A_235 = arith.constant 0 : i32
      %add3A_236 = arith.addi %add3A_234, %add3A_235 : i32
      %lt3A_237 = arith.constant 125 : i32
      %lt3A_238 = arith.cmpi slt, %add3A_236, %lt3A_237 : i32
      %convert_element_type3A_239 = arith.extui %lt3A_238 : i1 to i32
      %cond3A_240 = arith.constant 0 : i32
      %cond3A_241 = arith.cmpi ne, %convert_element_type3A_239, %cond3A_240 : i32
      scf.if %cond3A_241 {
        %dma_wait3A_303 = arith.constant 0 : i32
        %dma_wait3A_304 = arith.constant 0 : i32
        %dma_wait3A_305 = tpu.memref_slice %arg17[%dma_wait3A_303, %dma_wait3A_304] : memref<2x80xi32, #tpu.memory_space<vmem>> -> memref<1x80xi32, #tpu.memory_space<vmem>>
        %dma_wait3A_306 = tpu.memref_squeeze %dma_wait3A_305 : memref<1x80xi32, #tpu.memory_space<vmem>> -> memref<80xi32, #tpu.memory_space<vmem>>
        %dma_wait3A_307 = arith.constant 0 : i32
        %dma_wait3A_308 = arith.constant 0 : i32
        %dma_wait3A_309 = tpu.memref_slice %arg2[%dma_wait3A_307, %dma_wait3A_308] : memref<10000x72xf32, #tpu.memory_space<hbm>> -> memref<10000x72xf32, #tpu.memory_space<hbm>>
        tpu.wait_indirect_dma semaphore(%arg20 : memref<!tpu.dma_semaphore, #tpu.memory_space<semaphore_mem>>) src(%dma_wait3A_309 : memref<10000x72xf32, #tpu.memory_space<hbm>>) dst(%arg8 : memref<80x72xf32, #tpu.memory_space<vmem>>)
        %dma_wait3A_310 = arith.constant 1 : i32
        %dma_wait3A_311 = arith.constant 0 : i32
        %dma_wait3A_312 = tpu.memref_slice %arg17[%dma_wait3A_310, %dma_wait3A_311] : memref<2x80xi32, #tpu.memory_space<vmem>> -> memref<1x80xi32, #tpu.memory_space<vmem>>
        %dma_wait3A_313 = tpu.memref_squeeze %dma_wait3A_312 : memref<1x80xi32, #tpu.memory_space<vmem>> -> memref<80xi32, #tpu.memory_space<vmem>>
        %dma_wait3A_314 = arith.constant 0 : i32
        %dma_wait3A_315 = arith.constant 0 : i32
        %dma_wait3A_316 = tpu.memref_slice %arg4[%dma_wait3A_314, %dma_wait3A_315] : memref<10000x8xf32, #tpu.memory_space<hbm>> -> memref<10000x8xf32, #tpu.memory_space<hbm>>
        tpu.wait_indirect_dma semaphore(%arg20 : memref<!tpu.dma_semaphore, #tpu.memory_space<semaphore_mem>>) src(%dma_wait3A_316 : memref<10000x8xf32, #tpu.memory_space<hbm>>) dst(%arg11 : memref<80x8xf32, #tpu.memory_space<vmem>>)
        %scan3A_317 = arith.constant 0 : i32
        %scan3A_318 = arith.constant 0 : i32
        %scan3A_319 = arith.constant 5 : i32
        %scan3A_320 = arith.addi %scan3A_318, %scan3A_319 : i32
        %scan3A_321 = arith.constant 1 : i32
        scf.for %scan3A_330 = %scan3A_318 to %scan3A_320 step %scan3A_321  : i32 {
          %mul3A_331 = arith.constant 16 : i32
          %mul3A_332 = arith.muli %scan3A_330, %mul3A_331 : i32
          %add3A_333 = vector.broadcast %mul3A_332 : i32 to vector<16xi32>
          %add3A_334 = arith.addi %iota3A, %add3A_333 : vector<16xi32>
          %gather3A = tpu.vector_load_idx %arg8[%add3A_334, %broadcast_in_dim3A_5] : memref<80x72xf32, #tpu.memory_space<vmem>>[vector<16xi32>, vector<16xi32>], vector<16xf32>,
          %broadcast_in_dim3A_335 = arith.constant 0 : i32
          %broadcast_in_dim3A_336 = vector.broadcast %broadcast_in_dim3A_335 : i32 to vector<16xi32>
          %gather3A_337 = tpu.vector_load_idx %arg11[%add3A_334, %broadcast_in_dim3A_336] : memref<80x8xf32, #tpu.memory_space<vmem>>[vector<16xi32>, vector<16xi32>], vector<16xf32>,
          %add3A_338 = arith.addf %gather3A, %gather3A_337 : vector<16xf32>
          %mul3A_339 = arith.constant 2.000000e-01 : f32
          %mul3A_340 = vector.broadcast %mul3A_339 : f32 to vector<16xf32>
          %mul3A_341 = arith.mulf %mul3A_340, %add3A_338 : vector<16xf32>
          %max3A = arith.maximumf %add3A_338, %mul3A_341 : vector<16xf32>
          %exp3A = math.exp %max3A : vector<16xf32>
          %parallel_loop3A = arith.constant 0 : i32
          %parallel_loop3A_342 = arith.constant 65 : i32
          %parallel_loop3A_343 = arith.constant 1 : i32
          scf.for %parallel_loop3A_344 = %parallel_loop3A to %parallel_loop3A_342 step %parallel_loop3A_343  : i32 {
            %parallel_loop3A_345 = arith.constant 0 : i32
            %parallel_loop3A_346 = vector.broadcast %parallel_loop3A_345 : i32 to vector<16xi32>
            %parallel_loop3A_347 = vector.broadcast %parallel_loop3A_344 : i32 to vector<16xi32>
            %parallel_loop3A_348 = arith.addi %parallel_loop3A_346, %parallel_loop3A_347 : vector<16xi32>
            %parallel_loop3A_349 = tpu.vector_load_idx %arg8[%add3A_334, %parallel_loop3A_348] : memref<80x72xf32, #tpu.memory_space<vmem>>[vector<16xi32>, vector<16xi32>], vector<16xf32>,
            %parallel_loop3A_350 = arith.mulf %parallel_loop3A_349, %exp3A : vector<16xf32>
            tpu.vector_store_idx %arg8[%add3A_334, %parallel_loop3A_348], %parallel_loop3A_350 : memref<80x72xf32, #tpu.memory_space<vmem>>[vector<16xi32>, vector<16xi32>], vector<16xf32>,
          } {sc.loop_unroll_factor = 8 : i64, sc.parallel_access}
        }
        %scan3A_322 = arith.constant 5 : i32
        %dma_start3A_323 = arith.constant 1 : i32
        %dma_start3A_324 = arith.constant 0 : i32
        %dma_start3A_325 = tpu.memref_slice %arg17[%dma_start3A_323, %dma_start3A_324] : memref<2x80xi32, #tpu.memory_space<vmem>> -> memref<1x80xi32, #tpu.memory_space<vmem>>
        %dma_start3A_326 = tpu.memref_squeeze %dma_start3A_325 : memref<1x80xi32, #tpu.memory_space<vmem>> -> memref<80xi32, #tpu.memory_space<vmem>>
        %dma_start3A_327 = arith.constant 0 : i32
        %dma_start3A_328 = arith.constant 0 : i32
        %dma_start3A_329 = tpu.memref_slice %arg7[%dma_start3A_327, %dma_start3A_328] : memref<10000x72xf32, #tpu.memory_space<vmem_shared>> -> memref<10000x72xf32, #tpu.memory_space<vmem_shared>>
        tpu.enqueue_indirect_dma source(%arg8 : memref<80x72xf32, #tpu.memory_space<vmem>>) target(%dma_start3A_329 : memref<10000x72xf32, #tpu.memory_space<vmem_shared>>) offsets(%dma_start3A_326 : memref<80xi32, #tpu.memory_space<vmem>>) semaphore(%arg23 : memref<!tpu.dma_semaphore, #tpu.memory_space<semaphore_mem>>) {add = true}
      } else {
      }
      %mul3A_242 = arith.constant 6 : i32
      %mul3A_243 = arith.muli %mul3A_242, %scan3A_159 : i32
      %add3A_244 = arith.constant 3 : i32
      %add3A_245 = arith.addi %mul3A_243, %add3A_244 : i32
      %add3A_246 = arith.constant 1 : i32
      %add3A_247 = arith.addi %add3A_245, %add3A_246 : i32
      %lt3A_248 = arith.constant 125 : i32
      %lt3A_249 = arith.cmpi slt, %add3A_247, %lt3A_248 : i32
      %convert_element_type3A_250 = arith.extui %lt3A_249 : i1 to i32
      %cond3A_251 = arith.constant 0 : i32
      %cond3A_252 = arith.cmpi ne, %convert_element_type3A_250, %cond3A_251 : i32
      scf.if %cond3A_252 {
        %dma_wait3A_303 = arith.constant 0 : i32
        %dma_wait3A_304 = arith.constant 0 : i32
        %dma_wait3A_305 = tpu.memref_slice %arg18[%dma_wait3A_303, %dma_wait3A_304] : memref<2x80xi32, #tpu.memory_space<vmem>> -> memref<1x80xi32, #tpu.memory_space<vmem>>
        %dma_wait3A_306 = tpu.memref_squeeze %dma_wait3A_305 : memref<1x80xi32, #tpu.memory_space<vmem>> -> memref<80xi32, #tpu.memory_space<vmem>>
        %dma_wait3A_307 = arith.constant 0 : i32
        %dma_wait3A_308 = arith.constant 0 : i32
        %dma_wait3A_309 = tpu.memref_slice %arg2[%dma_wait3A_307, %dma_wait3A_308] : memref<10000x72xf32, #tpu.memory_space<hbm>> -> memref<10000x72xf32, #tpu.memory_space<hbm>>
        tpu.wait_indirect_dma semaphore(%arg21 : memref<!tpu.dma_semaphore, #tpu.memory_space<semaphore_mem>>) src(%dma_wait3A_309 : memref<10000x72xf32, #tpu.memory_space<hbm>>) dst(%arg9 : memref<80x72xf32, #tpu.memory_space<vmem>>)
        %dma_wait3A_310 = arith.constant 1 : i32
        %dma_wait3A_311 = arith.constant 0 : i32
        %dma_wait3A_312 = tpu.memref_slice %arg18[%dma_wait3A_310, %dma_wait3A_311] : memref<2x80xi32, #tpu.memory_space<vmem>> -> memref<1x80xi32, #tpu.memory_space<vmem>>
        %dma_wait3A_313 = tpu.memref_squeeze %dma_wait3A_312 : memref<1x80xi32, #tpu.memory_space<vmem>> -> memref<80xi32, #tpu.memory_space<vmem>>
        %dma_wait3A_314 = arith.constant 0 : i32
        %dma_wait3A_315 = arith.constant 0 : i32
        %dma_wait3A_316 = tpu.memref_slice %arg4[%dma_wait3A_314, %dma_wait3A_315] : memref<10000x8xf32, #tpu.memory_space<hbm>> -> memref<10000x8xf32, #tpu.memory_space<hbm>>
        tpu.wait_indirect_dma semaphore(%arg21 : memref<!tpu.dma_semaphore, #tpu.memory_space<semaphore_mem>>) src(%dma_wait3A_316 : memref<10000x8xf32, #tpu.memory_space<hbm>>) dst(%arg12 : memref<80x8xf32, #tpu.memory_space<vmem>>)
        %scan3A_317 = arith.constant 0 : i32
        %scan3A_318 = arith.constant 0 : i32
        %scan3A_319 = arith.constant 5 : i32
        %scan3A_320 = arith.addi %scan3A_318, %scan3A_319 : i32
        %scan3A_321 = arith.constant 1 : i32
        scf.for %scan3A_330 = %scan3A_318 to %scan3A_320 step %scan3A_321  : i32 {
          %mul3A_331 = arith.constant 16 : i32
          %mul3A_332 = arith.muli %scan3A_330, %mul3A_331 : i32
          %add3A_333 = vector.broadcast %mul3A_332 : i32 to vector<16xi32>
          %add3A_334 = arith.addi %iota3A, %add3A_333 : vector<16xi32>
          %gather3A = tpu.vector_load_idx %arg9[%add3A_334, %broadcast_in_dim3A_5] : memref<80x72xf32, #tpu.memory_space<vmem>>[vector<16xi32>, vector<16xi32>], vector<16xf32>,
          %broadcast_in_dim3A_335 = arith.constant 0 : i32
          %broadcast_in_dim3A_336 = vector.broadcast %broadcast_in_dim3A_335 : i32 to vector<16xi32>
          %gather3A_337 = tpu.vector_load_idx %arg12[%add3A_334, %broadcast_in_dim3A_336] : memref<80x8xf32, #tpu.memory_space<vmem>>[vector<16xi32>, vector<16xi32>], vector<16xf32>,
          %add3A_338 = arith.addf %gather3A, %gather3A_337 : vector<16xf32>
          %mul3A_339 = arith.constant 2.000000e-01 : f32
          %mul3A_340 = vector.broadcast %mul3A_339 : f32 to vector<16xf32>
          %mul3A_341 = arith.mulf %mul3A_340, %add3A_338 : vector<16xf32>
          %max3A = arith.maximumf %add3A_338, %mul3A_341 : vector<16xf32>
          %exp3A = math.exp %max3A : vector<16xf32>
          %parallel_loop3A = arith.constant 0 : i32
          %parallel_loop3A_342 = arith.constant 65 : i32
          %parallel_loop3A_343 = arith.constant 1 : i32
          scf.for %parallel_loop3A_344 = %parallel_loop3A to %parallel_loop3A_342 step %parallel_loop3A_343  : i32 {
            %parallel_loop3A_345 = arith.constant 0 : i32
            %parallel_loop3A_346 = vector.broadcast %parallel_loop3A_345 : i32 to vector<16xi32>
            %parallel_loop3A_347 = vector.broadcast %parallel_loop3A_344 : i32 to vector<16xi32>
            %parallel_loop3A_348 = arith.addi %parallel_loop3A_346, %parallel_loop3A_347 : vector<16xi32>
            %parallel_loop3A_349 = tpu.vector_load_idx %arg9[%add3A_334, %parallel_loop3A_348] : memref<80x72xf32, #tpu.memory_space<vmem>>[vector<16xi32>, vector<16xi32>], vector<16xf32>,
            %parallel_loop3A_350 = arith.mulf %parallel_loop3A_349, %exp3A : vector<16xf32>
            tpu.vector_store_idx %arg9[%add3A_334, %parallel_loop3A_348], %parallel_loop3A_350 : memref<80x72xf32, #tpu.memory_space<vmem>>[vector<16xi32>, vector<16xi32>], vector<16xf32>,
          } {sc.loop_unroll_factor = 8 : i64, sc.parallel_access}
        }
        %scan3A_322 = arith.constant 5 : i32
        %dma_start3A_323 = arith.constant 1 : i32
        %dma_start3A_324 = arith.constant 0 : i32
        %dma_start3A_325 = tpu.memref_slice %arg18[%dma_start3A_323, %dma_start3A_324] : memref<2x80xi32, #tpu.memory_space<vmem>> -> memref<1x80xi32, #tpu.memory_space<vmem>>
        %dma_start3A_326 = tpu.memref_squeeze %dma_start3A_325 : memref<1x80xi32, #tpu.memory_space<vmem>> -> memref<80xi32, #tpu.memory_space<vmem>>
        %dma_start3A_327 = arith.constant 0 : i32
        %dma_start3A_328 = arith.constant 0 : i32
        %dma_start3A_329 = tpu.memref_slice %arg7[%dma_start3A_327, %dma_start3A_328] : memref<10000x72xf32, #tpu.memory_space<vmem_shared>> -> memref<10000x72xf32, #tpu.memory_space<vmem_shared>>
        tpu.enqueue_indirect_dma source(%arg9 : memref<80x72xf32, #tpu.memory_space<vmem>>) target(%dma_start3A_329 : memref<10000x72xf32, #tpu.memory_space<vmem_shared>>) offsets(%dma_start3A_326 : memref<80xi32, #tpu.memory_space<vmem>>) semaphore(%arg24 : memref<!tpu.dma_semaphore, #tpu.memory_space<semaphore_mem>>) {add = true}
      } else {
      }
      %mul3A_253 = arith.constant 6 : i32
      %mul3A_254 = arith.muli %mul3A_253, %scan3A_159 : i32
      %add3A_255 = arith.constant 3 : i32
      %add3A_256 = arith.addi %mul3A_254, %add3A_255 : i32
      %add3A_257 = arith.constant 2 : i32
      %add3A_258 = arith.addi %add3A_256, %add3A_257 : i32
      %lt3A_259 = arith.constant 125 : i32
      %lt3A_260 = arith.cmpi slt, %add3A_258, %lt3A_259 : i32
      %convert_element_type3A_261 = arith.extui %lt3A_260 : i1 to i32
      %cond3A_262 = arith.constant 0 : i32
      %cond3A_263 = arith.cmpi ne, %convert_element_type3A_261, %cond3A_262 : i32
      scf.if %cond3A_263 {
        %dma_wait3A_303 = arith.constant 0 : i32
        %dma_wait3A_304 = arith.constant 0 : i32
        %dma_wait3A_305 = tpu.memref_slice %arg19[%dma_wait3A_303, %dma_wait3A_304] : memref<2x80xi32, #tpu.memory_space<vmem>> -> memref<1x80xi32, #tpu.memory_space<vmem>>
        %dma_wait3A_306 = tpu.memref_squeeze %dma_wait3A_305 : memref<1x80xi32, #tpu.memory_space<vmem>> -> memref<80xi32, #tpu.memory_space<vmem>>
        %dma_wait3A_307 = arith.constant 0 : i32
        %dma_wait3A_308 = arith.constant 0 : i32
        %dma_wait3A_309 = tpu.memref_slice %arg2[%dma_wait3A_307, %dma_wait3A_308] : memref<10000x72xf32, #tpu.memory_space<hbm>> -> memref<10000x72xf32, #tpu.memory_space<hbm>>
        tpu.wait_indirect_dma semaphore(%arg22 : memref<!tpu.dma_semaphore, #tpu.memory_space<semaphore_mem>>) src(%dma_wait3A_309 : memref<10000x72xf32, #tpu.memory_space<hbm>>) dst(%arg10 : memref<80x72xf32, #tpu.memory_space<vmem>>)
        %dma_wait3A_310 = arith.constant 1 : i32
        %dma_wait3A_311 = arith.constant 0 : i32
        %dma_wait3A_312 = tpu.memref_slice %arg19[%dma_wait3A_310, %dma_wait3A_311] : memref<2x80xi32, #tpu.memory_space<vmem>> -> memref<1x80xi32, #tpu.memory_space<vmem>>
        %dma_wait3A_313 = tpu.memref_squeeze %dma_wait3A_312 : memref<1x80xi32, #tpu.memory_space<vmem>> -> memref<80xi32, #tpu.memory_space<vmem>>
        %dma_wait3A_314 = arith.constant 0 : i32
        %dma_wait3A_315 = arith.constant 0 : i32
        %dma_wait3A_316 = tpu.memref_slice %arg4[%dma_wait3A_314, %dma_wait3A_315] : memref<10000x8xf32, #tpu.memory_space<hbm>> -> memref<10000x8xf32, #tpu.memory_space<hbm>>
        tpu.wait_indirect_dma semaphore(%arg22 : memref<!tpu.dma_semaphore, #tpu.memory_space<semaphore_mem>>) src(%dma_wait3A_316 : memref<10000x8xf32, #tpu.memory_space<hbm>>) dst(%arg13 : memref<80x8xf32, #tpu.memory_space<vmem>>)
        %scan3A_317 = arith.constant 0 : i32
        %scan3A_318 = arith.constant 0 : i32
        %scan3A_319 = arith.constant 5 : i32
        %scan3A_320 = arith.addi %scan3A_318, %scan3A_319 : i32
        %scan3A_321 = arith.constant 1 : i32
        scf.for %scan3A_330 = %scan3A_318 to %scan3A_320 step %scan3A_321  : i32 {
          %mul3A_331 = arith.constant 16 : i32
          %mul3A_332 = arith.muli %scan3A_330, %mul3A_331 : i32
          %add3A_333 = vector.broadcast %mul3A_332 : i32 to vector<16xi32>
          %add3A_334 = arith.addi %iota3A, %add3A_333 : vector<16xi32>
          %gather3A = tpu.vector_load_idx %arg10[%add3A_334, %broadcast_in_dim3A_5] : memref<80x72xf32, #tpu.memory_space<vmem>>[vector<16xi32>, vector<16xi32>], vector<16xf32>,
          %broadcast_in_dim3A_335 = arith.constant 0 : i32
          %broadcast_in_dim3A_336 = vector.broadcast %broadcast_in_dim3A_335 : i32 to vector<16xi32>
          %gather3A_337 = tpu.vector_load_idx %arg13[%add3A_334, %broadcast_in_dim3A_336] : memref<80x8xf32, #tpu.memory_space<vmem>>[vector<16xi32>, vector<16xi32>], vector<16xf32>,
          %add3A_338 = arith.addf %gather3A, %gather3A_337 : vector<16xf32>
          %mul3A_339 = arith.constant 2.000000e-01 : f32
          %mul3A_340 = vector.broadcast %mul3A_339 : f32 to vector<16xf32>
          %mul3A_341 = arith.mulf %mul3A_340, %add3A_338 : vector<16xf32>
          %max3A = arith.maximumf %add3A_338, %mul3A_341 : vector<16xf32>
          %exp3A = math.exp %max3A : vector<16xf32>
          %parallel_loop3A = arith.constant 0 : i32
          %parallel_loop3A_342 = arith.constant 65 : i32
          %parallel_loop3A_343 = arith.constant 1 : i32
          scf.for %parallel_loop3A_344 = %parallel_loop3A to %parallel_loop3A_342 step %parallel_loop3A_343  : i32 {
            %parallel_loop3A_345 = arith.constant 0 : i32
            %parallel_loop3A_346 = vector.broadcast %parallel_loop3A_345 : i32 to vector<16xi32>
            %parallel_loop3A_347 = vector.broadcast %parallel_loop3A_344 : i32 to vector<16xi32>
            %parallel_loop3A_348 = arith.addi %parallel_loop3A_346, %parallel_loop3A_347 : vector<16xi32>
            %parallel_loop3A_349 = tpu.vector_load_idx %arg10[%add3A_334, %parallel_loop3A_348] : memref<80x72xf32, #tpu.memory_space<vmem>>[vector<16xi32>, vector<16xi32>], vector<16xf32>,
            %parallel_loop3A_350 = arith.mulf %parallel_loop3A_349, %exp3A : vector<16xf32>
            tpu.vector_store_idx %arg10[%add3A_334, %parallel_loop3A_348], %parallel_loop3A_350 : memref<80x72xf32, #tpu.memory_space<vmem>>[vector<16xi32>, vector<16xi32>], vector<16xf32>,
          } {sc.loop_unroll_factor = 8 : i64, sc.parallel_access}
        }
        %scan3A_322 = arith.constant 5 : i32
        %dma_start3A_323 = arith.constant 1 : i32
        %dma_start3A_324 = arith.constant 0 : i32
        %dma_start3A_325 = tpu.memref_slice %arg19[%dma_start3A_323, %dma_start3A_324] : memref<2x80xi32, #tpu.memory_space<vmem>> -> memref<1x80xi32, #tpu.memory_space<vmem>>
        %dma_start3A_326 = tpu.memref_squeeze %dma_start3A_325 : memref<1x80xi32, #tpu.memory_space<vmem>> -> memref<80xi32, #tpu.memory_space<vmem>>
        %dma_start3A_327 = arith.constant 0 : i32
        %dma_start3A_328 = arith.constant 0 : i32
        %dma_start3A_329 = tpu.memref_slice %arg7[%dma_start3A_327, %dma_start3A_328] : memref<10000x72xf32, #tpu.memory_space<vmem_shared>> -> memref<10000x72xf32, #tpu.memory_space<vmem_shared>>
        tpu.enqueue_indirect_dma source(%arg10 : memref<80x72xf32, #tpu.memory_space<vmem>>) target(%dma_start3A_329 : memref<10000x72xf32, #tpu.memory_space<vmem_shared>>) offsets(%dma_start3A_326 : memref<80xi32, #tpu.memory_space<vmem>>) semaphore(%arg25 : memref<!tpu.dma_semaphore, #tpu.memory_space<semaphore_mem>>) {add = true}
      } else {
      }
      %mul3A_264 = arith.constant 6 : i32
      %mul3A_265 = arith.muli %mul3A_264, %scan3A_159 : i32
      %add3A_266 = arith.constant 3 : i32
      %add3A_267 = arith.addi %mul3A_265, %add3A_266 : i32
      %add3A_268 = arith.constant 3 : i32
      %add3A_269 = arith.addi %add3A_267, %add3A_268 : i32
      %add3A_270 = arith.constant 0 : i32
      %add3A_271 = arith.addi %add3A_269, %add3A_270 : i32
      %lt3A_272 = arith.constant 125 : i32
      %lt3A_273 = arith.cmpi slt, %add3A_271, %lt3A_272 : i32
      %convert_element_type3A_274 = arith.extui %lt3A_273 : i1 to i32
      %cond3A_275 = arith.constant 0 : i32
      %cond3A_276 = arith.cmpi ne, %convert_element_type3A_274, %cond3A_275 : i32
      scf.if %cond3A_276 {
        %dma_wait3A_303 = arith.constant 1 : i32
        %dma_wait3A_304 = arith.constant 0 : i32
        %dma_wait3A_305 = tpu.memref_slice %arg17[%dma_wait3A_303, %dma_wait3A_304] : memref<2x80xi32, #tpu.memory_space<vmem>> -> memref<1x80xi32, #tpu.memory_space<vmem>>
        %dma_wait3A_306 = tpu.memref_squeeze %dma_wait3A_305 : memref<1x80xi32, #tpu.memory_space<vmem>> -> memref<80xi32, #tpu.memory_space<vmem>>
        %dma_wait3A_307 = arith.constant 0 : i32
        %dma_wait3A_308 = arith.constant 0 : i32
        %dma_wait3A_309 = tpu.memref_slice %arg7[%dma_wait3A_307, %dma_wait3A_308] : memref<10000x72xf32, #tpu.memory_space<vmem_shared>> -> memref<10000x72xf32, #tpu.memory_space<vmem_shared>>
        tpu.wait_indirect_dma semaphore(%arg23 : memref<!tpu.dma_semaphore, #tpu.memory_space<semaphore_mem>>) src(%arg8 : memref<80x72xf32, #tpu.memory_space<vmem>>) dst(%dma_wait3A_309 : memref<10000x72xf32, #tpu.memory_space<vmem_shared>>)
        %dma_wait3A_310 = arith.constant 0 : i32
        %dma_wait3A_311 = arith.constant 0 : i32
        %dma_wait3A_312 = tpu.memref_slice %arg5[%add3A, %add3A_271, %dma_wait3A_310, %dma_wait3A_311] : memref<32x125x2x80xi32, #tpu.memory_space<hbm>> -> memref<1x1x2x80xi32, #tpu.memory_space<hbm>>
        %dma_wait3A_313 = tpu.memref_squeeze %dma_wait3A_312 : memref<1x1x2x80xi32, #tpu.memory_space<hbm>> -> memref<2x80xi32, #tpu.memory_space<hbm>>
        %dma_wait3A_314 = arith.constant 0 : i32
        %dma_wait3A_315 = arith.constant 0 : i32
        %dma_wait3A_316 = tpu.memref_slice %arg5[%add3A, %add3A_271, %dma_wait3A_314, %dma_wait3A_315] : memref<32x125x2x80xi32, #tpu.memory_space<hbm>> -> memref<1x1x2x80xi32, #tpu.memory_space<hbm>>
        %dma_wait3A_317 = tpu.memref_squeeze %dma_wait3A_316 : memref<1x1x2x80xi32, #tpu.memory_space<hbm>> -> memref<2x80xi32, #tpu.memory_space<hbm>>
        tpu.wait_dma2 semaphore(%arg26 : memref<!tpu.dma_semaphore, #tpu.memory_space<semaphore_mem>>) src(%dma_wait3A_317 : memref<2x80xi32, #tpu.memory_space<hbm>>) dst(%arg14 : memref<2x80xi32, #tpu.memory_space<vmem>>)
        %dma_start3A_318 = arith.constant 0 : i32
        %dma_start3A_319 = arith.constant 0 : i32
        %dma_start3A_320 = tpu.memref_slice %arg14[%dma_start3A_318, %dma_start3A_319] : memref<2x80xi32, #tpu.memory_space<vmem>> -> memref<1x80xi32, #tpu.memory_space<vmem>>
        %dma_start3A_321 = tpu.memref_squeeze %dma_start3A_320 : memref<1x80xi32, #tpu.memory_space<vmem>> -> memref<80xi32, #tpu.memory_space<vmem>>
        %dma_start3A_322 = arith.constant 0 : i32
        %dma_start3A_323 = arith.constant 0 : i32
        %dma_start3A_324 = tpu.memref_slice %arg2[%dma_start3A_322, %dma_start3A_323] : memref<10000x72xf32, #tpu.memory_space<hbm>> -> memref<10000x72xf32, #tpu.memory_space<hbm>>
        tpu.enqueue_indirect_dma source(%dma_start3A_324 : memref<10000x72xf32, #tpu.memory_space<hbm>>) target(%arg8 : memref<80x72xf32, #tpu.memory_space<vmem>>) offsets(%dma_start3A_321 : memref<80xi32, #tpu.memory_space<vmem>>) semaphore(%arg20 : memref<!tpu.dma_semaphore, #tpu.memory_space<semaphore_mem>>)
        %dma_start3A_325 = arith.constant 1 : i32
        %dma_start3A_326 = arith.constant 0 : i32
        %dma_start3A_327 = tpu.memref_slice %arg14[%dma_start3A_325, %dma_start3A_326] : memref<2x80xi32, #tpu.memory_space<vmem>> -> memref<1x80xi32, #tpu.memory_space<vmem>>
        %dma_start3A_328 = tpu.memref_squeeze %dma_start3A_327 : memref<1x80xi32, #tpu.memory_space<vmem>> -> memref<80xi32, #tpu.memory_space<vmem>>
        %dma_start3A_329 = arith.constant 0 : i32
        %dma_start3A_330 = arith.constant 0 : i32
        %dma_start3A_331 = tpu.memref_slice %arg4[%dma_start3A_329, %dma_start3A_330] : memref<10000x8xf32, #tpu.memory_space<hbm>> -> memref<10000x8xf32, #tpu.memory_space<hbm>>
        tpu.enqueue_indirect_dma source(%dma_start3A_331 : memref<10000x8xf32, #tpu.memory_space<hbm>>) target(%arg11 : memref<80x8xf32, #tpu.memory_space<vmem>>) offsets(%dma_start3A_328 : memref<80xi32, #tpu.memory_space<vmem>>) semaphore(%arg20 : memref<!tpu.dma_semaphore, #tpu.memory_space<semaphore_mem>>)
        %add3A_332 = arith.constant 3 : i32
        %add3A_333 = arith.addi %add3A_271, %add3A_332 : i32
        %lt3A_334 = arith.constant 125 : i32
        %lt3A_335 = arith.cmpi slt, %add3A_333, %lt3A_334 : i32
        %convert_element_type3A_336 = arith.extui %lt3A_335 : i1 to i32
        %cond3A_337 = arith.constant 0 : i32
        %cond3A_338 = arith.cmpi ne, %convert_element_type3A_336, %cond3A_337 : i32
        scf.if %cond3A_338 {
          %add3A_339 = arith.constant 3 : i32
          %add3A_340 = arith.addi %add3A_271, %add3A_339 : i32
          %dma_start3A_341 = arith.constant 0 : i32
          %dma_start3A_342 = arith.constant 0 : i32
          %dma_start3A_343 = tpu.memref_slice %arg5[%add3A, %add3A_340, %dma_start3A_341, %dma_start3A_342] : memref<32x125x2x80xi32, #tpu.memory_space<hbm>> -> memref<1x1x2x80xi32, #tpu.memory_space<hbm>>
          %dma_start3A_344 = tpu.memref_squeeze %dma_start3A_343 : memref<1x1x2x80xi32, #tpu.memory_space<hbm>> -> memref<2x80xi32, #tpu.memory_space<hbm>>
          %dma_start3A_345 = arith.constant 0 : i32
          %dma_start3A_346 = arith.constant 0 : i32
          %dma_start3A_347 = tpu.memref_slice %arg5[%add3A, %add3A_340, %dma_start3A_345, %dma_start3A_346] : memref<32x125x2x80xi32, #tpu.memory_space<hbm>> -> memref<1x1x2x80xi32, #tpu.memory_space<hbm>>
          %dma_start3A_348 = tpu.memref_squeeze %dma_start3A_347 : memref<1x1x2x80xi32, #tpu.memory_space<hbm>> -> memref<2x80xi32, #tpu.memory_space<hbm>>
          tpu.enqueue_dma source(%dma_start3A_348 : memref<2x80xi32, #tpu.memory_space<hbm>>) target(%arg17 : memref<2x80xi32, #tpu.memory_space<vmem>>) target_semaphore(%arg29 : memref<!tpu.dma_semaphore, #tpu.memory_space<semaphore_mem>>)
        } else {
        }
      } else {
      }
      %mul3A_277 = arith.constant 6 : i32
      %mul3A_278 = arith.muli %mul3A_277, %scan3A_159 : i32
      %add3A_279 = arith.constant 3 : i32
      %add3A_280 = arith.addi %mul3A_278, %add3A_279 : i32
      %add3A_281 = arith.constant 3 : i32
      %add3A_282 = arith.addi %add3A_280, %add3A_281 : i32
      %add3A_283 = arith.constant 1 : i32
      %add3A_284 = arith.addi %add3A_282, %add3A_283 : i32
      %lt3A_285 = arith.constant 125 : i32
      %lt3A_286 = arith.cmpi slt, %add3A_284, %lt3A_285 : i32
      %convert_element_type3A_287 = arith.extui %lt3A_286 : i1 to i32
      %cond3A_288 = arith.constant 0 : i32
      %cond3A_289 = arith.cmpi ne, %convert_element_type3A_287, %cond3A_288 : i32
      scf.if %cond3A_289 {
        %dma_wait3A_303 = arith.constant 1 : i32
        %dma_wait3A_304 = arith.constant 0 : i32
        %dma_wait3A_305 = tpu.memref_slice %arg18[%dma_wait3A_303, %dma_wait3A_304] : memref<2x80xi32, #tpu.memory_space<vmem>> -> memref<1x80xi32, #tpu.memory_space<vmem>>
        %dma_wait3A_306 = tpu.memref_squeeze %dma_wait3A_305 : memref<1x80xi32, #tpu.memory_space<vmem>> -> memref<80xi32, #tpu.memory_space<vmem>>
        %dma_wait3A_307 = arith.constant 0 : i32
        %dma_wait3A_308 = arith.constant 0 : i32
        %dma_wait3A_309 = tpu.memref_slice %arg7[%dma_wait3A_307, %dma_wait3A_308] : memref<10000x72xf32, #tpu.memory_space<vmem_shared>> -> memref<10000x72xf32, #tpu.memory_space<vmem_shared>>
        tpu.wait_indirect_dma semaphore(%arg24 : memref<!tpu.dma_semaphore, #tpu.memory_space<semaphore_mem>>) src(%arg9 : memref<80x72xf32, #tpu.memory_space<vmem>>) dst(%dma_wait3A_309 : memref<10000x72xf32, #tpu.memory_space<vmem_shared>>)
        %dma_wait3A_310 = arith.constant 0 : i32
        %dma_wait3A_311 = arith.constant 0 : i32
        %dma_wait3A_312 = tpu.memref_slice %arg5[%add3A, %add3A_284, %dma_wait3A_310, %dma_wait3A_311] : memref<32x125x2x80xi32, #tpu.memory_space<hbm>> -> memref<1x1x2x80xi32, #tpu.memory_space<hbm>>
        %dma_wait3A_313 = tpu.memref_squeeze %dma_wait3A_312 : memref<1x1x2x80xi32, #tpu.memory_space<hbm>> -> memref<2x80xi32, #tpu.memory_space<hbm>>
        %dma_wait3A_314 = arith.constant 0 : i32
        %dma_wait3A_315 = arith.constant 0 : i32
        %dma_wait3A_316 = tpu.memref_slice %arg5[%add3A, %add3A_284, %dma_wait3A_314, %dma_wait3A_315] : memref<32x125x2x80xi32, #tpu.memory_space<hbm>> -> memref<1x1x2x80xi32, #tpu.memory_space<hbm>>
        %dma_wait3A_317 = tpu.memref_squeeze %dma_wait3A_316 : memref<1x1x2x80xi32, #tpu.memory_space<hbm>> -> memref<2x80xi32, #tpu.memory_space<hbm>>
        tpu.wait_dma2 semaphore(%arg27 : memref<!tpu.dma_semaphore, #tpu.memory_space<semaphore_mem>>) src(%dma_wait3A_317 : memref<2x80xi32, #tpu.memory_space<hbm>>) dst(%arg15 : memref<2x80xi32, #tpu.memory_space<vmem>>)
        %dma_start3A_318 = arith.constant 0 : i32
        %dma_start3A_319 = arith.constant 0 : i32
        %dma_start3A_320 = tpu.memref_slice %arg15[%dma_start3A_318, %dma_start3A_319] : memref<2x80xi32, #tpu.memory_space<vmem>> -> memref<1x80xi32, #tpu.memory_space<vmem>>
        %dma_start3A_321 = tpu.memref_squeeze %dma_start3A_320 : memref<1x80xi32, #tpu.memory_space<vmem>> -> memref<80xi32, #tpu.memory_space<vmem>>
        %dma_start3A_322 = arith.constant 0 : i32
        %dma_start3A_323 = arith.constant 0 : i32
        %dma_start3A_324 = tpu.memref_slice %arg2[%dma_start3A_322, %dma_start3A_323] : memref<10000x72xf32, #tpu.memory_space<hbm>> -> memref<10000x72xf32, #tpu.memory_space<hbm>>
        tpu.enqueue_indirect_dma source(%dma_start3A_324 : memref<10000x72xf32, #tpu.memory_space<hbm>>) target(%arg9 : memref<80x72xf32, #tpu.memory_space<vmem>>) offsets(%dma_start3A_321 : memref<80xi32, #tpu.memory_space<vmem>>) semaphore(%arg21 : memref<!tpu.dma_semaphore, #tpu.memory_space<semaphore_mem>>)
        %dma_start3A_325 = arith.constant 1 : i32
        %dma_start3A_326 = arith.constant 0 : i32
        %dma_start3A_327 = tpu.memref_slice %arg15[%dma_start3A_325, %dma_start3A_326] : memref<2x80xi32, #tpu.memory_space<vmem>> -> memref<1x80xi32, #tpu.memory_space<vmem>>
        %dma_start3A_328 = tpu.memref_squeeze %dma_start3A_327 : memref<1x80xi32, #tpu.memory_space<vmem>> -> memref<80xi32, #tpu.memory_space<vmem>>
        %dma_start3A_329 = arith.constant 0 : i32
        %dma_start3A_330 = arith.constant 0 : i32
        %dma_start3A_331 = tpu.memref_slice %arg4[%dma_start3A_329, %dma_start3A_330] : memref<10000x8xf32, #tpu.memory_space<hbm>> -> memref<10000x8xf32, #tpu.memory_space<hbm>>
        tpu.enqueue_indirect_dma source(%dma_start3A_331 : memref<10000x8xf32, #tpu.memory_space<hbm>>) target(%arg12 : memref<80x8xf32, #tpu.memory_space<vmem>>) offsets(%dma_start3A_328 : memref<80xi32, #tpu.memory_space<vmem>>) semaphore(%arg21 : memref<!tpu.dma_semaphore, #tpu.memory_space<semaphore_mem>>)
        %add3A_332 = arith.constant 3 : i32
        %add3A_333 = arith.addi %add3A_284, %add3A_332 : i32
        %lt3A_334 = arith.constant 125 : i32
        %lt3A_335 = arith.cmpi slt, %add3A_333, %lt3A_334 : i32
        %convert_element_type3A_336 = arith.extui %lt3A_335 : i1 to i32
        %cond3A_337 = arith.constant 0 : i32
        %cond3A_338 = arith.cmpi ne, %convert_element_type3A_336, %cond3A_337 : i32
        scf.if %cond3A_338 {
          %add3A_339 = arith.constant 3 : i32
          %add3A_340 = arith.addi %add3A_284, %add3A_339 : i32
          %dma_start3A_341 = arith.constant 0 : i32
          %dma_start3A_342 = arith.constant 0 : i32
          %dma_start3A_343 = tpu.memref_slice %arg5[%add3A, %add3A_340, %dma_start3A_341, %dma_start3A_342] : memref<32x125x2x80xi32, #tpu.memory_space<hbm>> -> memref<1x1x2x80xi32, #tpu.memory_space<hbm>>
          %dma_start3A_344 = tpu.memref_squeeze %dma_start3A_343 : memref<1x1x2x80xi32, #tpu.memory_space<hbm>> -> memref<2x80xi32, #tpu.memory_space<hbm>>
          %dma_start3A_345 = arith.constant 0 : i32
          %dma_start3A_346 = arith.constant 0 : i32
          %dma_start3A_347 = tpu.memref_slice %arg5[%add3A, %add3A_340, %dma_start3A_345, %dma_start3A_346] : memref<32x125x2x80xi32, #tpu.memory_space<hbm>> -> memref<1x1x2x80xi32, #tpu.memory_space<hbm>>
          %dma_start3A_348 = tpu.memref_squeeze %dma_start3A_347 : memref<1x1x2x80xi32, #tpu.memory_space<hbm>> -> memref<2x80xi32, #tpu.memory_space<hbm>>
          tpu.enqueue_dma source(%dma_start3A_348 : memref<2x80xi32, #tpu.memory_space<hbm>>) target(%arg18 : memref<2x80xi32, #tpu.memory_space<vmem>>) target_semaphore(%arg30 : memref<!tpu.dma_semaphore, #tpu.memory_space<semaphore_mem>>)
        } else {
        }
      } else {
      }
      %mul3A_290 = arith.constant 6 : i32
      %mul3A_291 = arith.muli %mul3A_290, %scan3A_159 : i32
      %add3A_292 = arith.constant 3 : i32
      %add3A_293 = arith.addi %mul3A_291, %add3A_292 : i32
      %add3A_294 = arith.constant 3 : i32
      %add3A_295 = arith.addi %add3A_293, %add3A_294 : i32
      %add3A_296 = arith.constant 2 : i32
      %add3A_297 = arith.addi %add3A_295, %add3A_296 : i32
      %lt3A_298 = arith.constant 125 : i32
      %lt3A_299 = arith.cmpi slt, %add3A_297, %lt3A_298 : i32
      %convert_element_type3A_300 = arith.extui %lt3A_299 : i1 to i32
      %cond3A_301 = arith.constant 0 : i32
      %cond3A_302 = arith.cmpi ne, %convert_element_type3A_300, %cond3A_301 : i32
      scf.if %cond3A_302 {
        %dma_wait3A_303 = arith.constant 1 : i32
        %dma_wait3A_304 = arith.constant 0 : i32
        %dma_wait3A_305 = tpu.memref_slice %arg19[%dma_wait3A_303, %dma_wait3A_304] : memref<2x80xi32, #tpu.memory_space<vmem>> -> memref<1x80xi32, #tpu.memory_space<vmem>>
        %dma_wait3A_306 = tpu.memref_squeeze %dma_wait3A_305 : memref<1x80xi32, #tpu.memory_space<vmem>> -> memref<80xi32, #tpu.memory_space<vmem>>
        %dma_wait3A_307 = arith.constant 0 : i32
        %dma_wait3A_308 = arith.constant 0 : i32
        %dma_wait3A_309 = tpu.memref_slice %arg7[%dma_wait3A_307, %dma_wait3A_308] : memref<10000x72xf32, #tpu.memory_space<vmem_shared>> -> memref<10000x72xf32, #tpu.memory_space<vmem_shared>>
        tpu.wait_indirect_dma semaphore(%arg25 : memref<!tpu.dma_semaphore, #tpu.memory_space<semaphore_mem>>) src(%arg10 : memref<80x72xf32, #tpu.memory_space<vmem>>) dst(%dma_wait3A_309 : memref<10000x72xf32, #tpu.memory_space<vmem_shared>>)
        %dma_wait3A_310 = arith.constant 0 : i32
        %dma_wait3A_311 = arith.constant 0 : i32
        %dma_wait3A_312 = tpu.memref_slice %arg5[%add3A, %add3A_297, %dma_wait3A_310, %dma_wait3A_311] : memref<32x125x2x80xi32, #tpu.memory_space<hbm>> -> memref<1x1x2x80xi32, #tpu.memory_space<hbm>>
        %dma_wait3A_313 = tpu.memref_squeeze %dma_wait3A_312 : memref<1x1x2x80xi32, #tpu.memory_space<hbm>> -> memref<2x80xi32, #tpu.memory_space<hbm>>
        %dma_wait3A_314 = arith.constant 0 : i32
        %dma_wait3A_315 = arith.constant 0 : i32
        %dma_wait3A_316 = tpu.memref_slice %arg5[%add3A, %add3A_297, %dma_wait3A_314, %dma_wait3A_315] : memref<32x125x2x80xi32, #tpu.memory_space<hbm>> -> memref<1x1x2x80xi32, #tpu.memory_space<hbm>>
        %dma_wait3A_317 = tpu.memref_squeeze %dma_wait3A_316 : memref<1x1x2x80xi32, #tpu.memory_space<hbm>> -> memref<2x80xi32, #tpu.memory_space<hbm>>
        tpu.wait_dma2 semaphore(%arg28 : memref<!tpu.dma_semaphore, #tpu.memory_space<semaphore_mem>>) src(%dma_wait3A_317 : memref<2x80xi32, #tpu.memory_space<hbm>>) dst(%arg16 : memref<2x80xi32, #tpu.memory_space<vmem>>)
        %dma_start3A_318 = arith.constant 0 : i32
        %dma_start3A_319 = arith.constant 0 : i32
        %dma_start3A_320 = tpu.memref_slice %arg16[%dma_start3A_318, %dma_start3A_319] : memref<2x80xi32, #tpu.memory_space<vmem>> -> memref<1x80xi32, #tpu.memory_space<vmem>>
        %dma_start3A_321 = tpu.memref_squeeze %dma_start3A_320 : memref<1x80xi32, #tpu.memory_space<vmem>> -> memref<80xi32, #tpu.memory_space<vmem>>
        %dma_start3A_322 = arith.constant 0 : i32
        %dma_start3A_323 = arith.constant 0 : i32
        %dma_start3A_324 = tpu.memref_slice %arg2[%dma_start3A_322, %dma_start3A_323] : memref<10000x72xf32, #tpu.memory_space<hbm>> -> memref<10000x72xf32, #tpu.memory_space<hbm>>
        tpu.enqueue_indirect_dma source(%dma_start3A_324 : memref<10000x72xf32, #tpu.memory_space<hbm>>) target(%arg10 : memref<80x72xf32, #tpu.memory_space<vmem>>) offsets(%dma_start3A_321 : memref<80xi32, #tpu.memory_space<vmem>>) semaphore(%arg22 : memref<!tpu.dma_semaphore, #tpu.memory_space<semaphore_mem>>)
        %dma_start3A_325 = arith.constant 1 : i32
        %dma_start3A_326 = arith.constant 0 : i32
        %dma_start3A_327 = tpu.memref_slice %arg16[%dma_start3A_325, %dma_start3A_326] : memref<2x80xi32, #tpu.memory_space<vmem>> -> memref<1x80xi32, #tpu.memory_space<vmem>>
        %dma_start3A_328 = tpu.memref_squeeze %dma_start3A_327 : memref<1x80xi32, #tpu.memory_space<vmem>> -> memref<80xi32, #tpu.memory_space<vmem>>
        %dma_start3A_329 = arith.constant 0 : i32
        %dma_start3A_330 = arith.constant 0 : i32
        %dma_start3A_331 = tpu.memref_slice %arg4[%dma_start3A_329, %dma_start3A_330] : memref<10000x8xf32, #tpu.memory_space<hbm>> -> memref<10000x8xf32, #tpu.memory_space<hbm>>
        tpu.enqueue_indirect_dma source(%dma_start3A_331 : memref<10000x8xf32, #tpu.memory_space<hbm>>) target(%arg13 : memref<80x8xf32, #tpu.memory_space<vmem>>) offsets(%dma_start3A_328 : memref<80xi32, #tpu.memory_space<vmem>>) semaphore(%arg22 : memref<!tpu.dma_semaphore, #tpu.memory_space<semaphore_mem>>)
        %add3A_332 = arith.constant 3 : i32
        %add3A_333 = arith.addi %add3A_297, %add3A_332 : i32
        %lt3A_334 = arith.constant 125 : i32
        %lt3A_335 = arith.cmpi slt, %add3A_333, %lt3A_334 : i32
        %convert_element_type3A_336 = arith.extui %lt3A_335 : i1 to i32
        %cond3A_337 = arith.constant 0 : i32
        %cond3A_338 = arith.cmpi ne, %convert_element_type3A_336, %cond3A_337 : i32
        scf.if %cond3A_338 {
          %add3A_339 = arith.constant 3 : i32
          %add3A_340 = arith.addi %add3A_297, %add3A_339 : i32
          %dma_start3A_341 = arith.constant 0 : i32
          %dma_start3A_342 = arith.constant 0 : i32
          %dma_start3A_343 = tpu.memref_slice %arg5[%add3A, %add3A_340, %dma_start3A_341, %dma_start3A_342] : memref<32x125x2x80xi32, #tpu.memory_space<hbm>> -> memref<1x1x2x80xi32, #tpu.memory_space<hbm>>
          %dma_start3A_344 = tpu.memref_squeeze %dma_start3A_343 : memref<1x1x2x80xi32, #tpu.memory_space<hbm>> -> memref<2x80xi32, #tpu.memory_space<hbm>>
          %dma_start3A_345 = arith.constant 0 : i32
          %dma_start3A_346 = arith.constant 0 : i32
          %dma_start3A_347 = tpu.memref_slice %arg5[%add3A, %add3A_340, %dma_start3A_345, %dma_start3A_346] : memref<32x125x2x80xi32, #tpu.memory_space<hbm>> -> memref<1x1x2x80xi32, #tpu.memory_space<hbm>>
          %dma_start3A_348 = tpu.memref_squeeze %dma_start3A_347 : memref<1x1x2x80xi32, #tpu.memory_space<hbm>> -> memref<2x80xi32, #tpu.memory_space<hbm>>
          tpu.enqueue_dma source(%dma_start3A_348 : memref<2x80xi32, #tpu.memory_space<hbm>>) target(%arg19 : memref<2x80xi32, #tpu.memory_space<vmem>>) target_semaphore(%arg31 : memref<!tpu.dma_semaphore, #tpu.memory_space<semaphore_mem>>)
        } else {
        }
      } else {
      }
    }
    %scan3A_131 = arith.constant 21 : i32
    %dma_wait3A_132 = arith.constant 1 : i32
    %dma_wait3A_133 = arith.constant 0 : i32
    %dma_wait3A_134 = tpu.memref_slice %arg16[%dma_wait3A_132, %dma_wait3A_133] : memref<2x80xi32, #tpu.memory_space<vmem>> -> memref<1x80xi32, #tpu.memory_space<vmem>>
    %dma_wait3A_135 = tpu.memref_squeeze %dma_wait3A_134 : memref<1x80xi32, #tpu.memory_space<vmem>> -> memref<80xi32, #tpu.memory_space<vmem>>
    %dma_wait3A_136 = arith.constant 0 : i32
    %dma_wait3A_137 = arith.constant 0 : i32
    %dma_wait3A_138 = tpu.memref_slice %arg7[%dma_wait3A_136, %dma_wait3A_137] : memref<10000x72xf32, #tpu.memory_space<vmem_shared>> -> memref<10000x72xf32, #tpu.memory_space<vmem_shared>>
    tpu.wait_indirect_dma semaphore(%arg25 : memref<!tpu.dma_semaphore, #tpu.memory_space<semaphore_mem>>) src(%arg10 : memref<80x72xf32, #tpu.memory_space<vmem>>) dst(%dma_wait3A_138 : memref<10000x72xf32, #tpu.memory_space<vmem_shared>>)
    %dma_wait3A_139 = arith.constant 1 : i32
    %dma_wait3A_140 = arith.constant 0 : i32
    %dma_wait3A_141 = tpu.memref_slice %arg17[%dma_wait3A_139, %dma_wait3A_140] : memref<2x80xi32, #tpu.memory_space<vmem>> -> memref<1x80xi32, #tpu.memory_space<vmem>>
    %dma_wait3A_142 = tpu.memref_squeeze %dma_wait3A_141 : memref<1x80xi32, #tpu.memory_space<vmem>> -> memref<80xi32, #tpu.memory_space<vmem>>
    %dma_wait3A_143 = arith.constant 0 : i32
    %dma_wait3A_144 = arith.constant 0 : i32
    %dma_wait3A_145 = tpu.memref_slice %arg7[%dma_wait3A_143, %dma_wait3A_144] : memref<10000x72xf32, #tpu.memory_space<vmem_shared>> -> memref<10000x72xf32, #tpu.memory_space<vmem_shared>>
    tpu.wait_indirect_dma semaphore(%arg23 : memref<!tpu.dma_semaphore, #tpu.memory_space<semaphore_mem>>) src(%arg8 : memref<80x72xf32, #tpu.memory_space<vmem>>) dst(%dma_wait3A_145 : memref<10000x72xf32, #tpu.memory_space<vmem_shared>>)
    %dma_wait3A_146 = arith.constant 1 : i32
    %dma_wait3A_147 = arith.constant 0 : i32
    %dma_wait3A_148 = tpu.memref_slice %arg18[%dma_wait3A_146, %dma_wait3A_147] : memref<2x80xi32, #tpu.memory_space<vmem>> -> memref<1x80xi32, #tpu.memory_space<vmem>>
    %dma_wait3A_149 = tpu.memref_squeeze %dma_wait3A_148 : memref<1x80xi32, #tpu.memory_space<vmem>> -> memref<80xi32, #tpu.memory_space<vmem>>
    %dma_wait3A_150 = arith.constant 0 : i32
    %dma_wait3A_151 = arith.constant 0 : i32
    %dma_wait3A_152 = tpu.memref_slice %arg7[%dma_wait3A_150, %dma_wait3A_151] : memref<10000x72xf32, #tpu.memory_space<vmem_shared>> -> memref<10000x72xf32, #tpu.memory_space<vmem_shared>>
    tpu.wait_indirect_dma semaphore(%arg24 : memref<!tpu.dma_semaphore, #tpu.memory_space<semaphore_mem>>) src(%arg9 : memref<80x72xf32, #tpu.memory_space<vmem>>) dst(%dma_wait3A_152 : memref<10000x72xf32, #tpu.memory_space<vmem_shared>>)
    %barrier3A_153 = arith.constant 0 : index
    tpu.barrier barrier_id(%barrier3A_153)
    "tpu.region"() ({
      %run_scoped3A = tpu.sem_alloc : memref<!tpu.dma_semaphore, #tpu.memory_space<semaphore_mem>>
      %dma_start3A_159 = arith.constant 0 : i32
      %dma_start3A_160 = tpu.memref_slice %arg6[%arg0, %mul3A_2, %dma_start3A_159] : memref<2x10000x72xf32, #tpu.memory_space<hbm>> -> memref<1x624x72xf32, #tpu.memory_space<hbm>>
      %dma_start3A_161 = tpu.memref_squeeze %dma_start3A_160 : memref<1x624x72xf32, #tpu.memory_space<hbm>> -> memref<624x72xf32, #tpu.memory_space<hbm>>
      %dma_start3A_162 = arith.constant 0 : i32
      %dma_start3A_163 = tpu.memref_slice %arg7[%mul3A_2, %dma_start3A_162] : memref<10000x72xf32, #tpu.memory_space<vmem_shared>> -> memref<624x72xf32, #tpu.memory_space<vmem_shared>>
      tpu.enqueue_dma source(%dma_start3A_163 : memref<624x72xf32, #tpu.memory_space<vmem_shared>>) target(%dma_start3A_161 : memref<624x72xf32, #tpu.memory_space<hbm>>) target_semaphore(%run_scoped3A : memref<!tpu.dma_semaphore, #tpu.memory_space<semaphore_mem>>)
      %dma_wait3A_164 = arith.constant 0 : i32
      %dma_wait3A_165 = tpu.memref_slice %arg6[%arg0, %mul3A_2, %dma_wait3A_164] : memref<2x10000x72xf32, #tpu.memory_space<hbm>> -> memref<1x624x72xf32, #tpu.memory_space<hbm>>
      %dma_wait3A_166 = tpu.memref_squeeze %dma_wait3A_165 : memref<1x624x72xf32, #tpu.memory_space<hbm>> -> memref<624x72xf32, #tpu.memory_space<hbm>>
      %dma_wait3A_167 = arith.constant 0 : i32
      %dma_wait3A_168 = tpu.memref_slice %arg7[%mul3A_2, %dma_wait3A_167] : memref<10000x72xf32, #tpu.memory_space<vmem_shared>> -> memref<624x72xf32, #tpu.memory_space<vmem_shared>>
      tpu.wait_dma2 semaphore(%run_scoped3A : memref<!tpu.dma_semaphore, #tpu.memory_space<semaphore_mem>>) src(%dma_wait3A_168 : memref<624x72xf32, #tpu.memory_space<vmem_shared>>) dst(%dma_wait3A_166 : memref<624x72xf32, #tpu.memory_space<hbm>>)
      tpu.yield
    }) : () -> ()
    %eq3A_154 = arith.constant 0 : i32
    %eq3A_155 = arith.cmpi eq, %arg1, %eq3A_154 : i32
    %convert_element_type3A_156 = arith.extui %eq3A_155 : i1 to i32
    %cond3A_157 = arith.constant 0 : i32
    %cond3A_158 = arith.cmpi ne, %convert_element_type3A_156, %cond3A_157 : i32
    scf.if %cond3A_158 {
      "tpu.region"() ({
        %run_scoped3A = tpu.sem_alloc : memref<!tpu.dma_semaphore, #tpu.memory_space<semaphore_mem>>
        %dma_start3A_159 = arith.constant 9984 : i32
        %dma_start3A_160 = arith.constant 0 : i32
        %dma_start3A_161 = tpu.memref_slice %arg6[%arg0, %dma_start3A_159, %dma_start3A_160] : memref<2x10000x72xf32, #tpu.memory_space<hbm>> -> memref<1x16x72xf32, #tpu.memory_space<hbm>>
        %dma_start3A_162 = tpu.memref_squeeze %dma_start3A_161 : memref<1x16x72xf32, #tpu.memory_space<hbm>> -> memref<16x72xf32, #tpu.memory_space<hbm>>
        %dma_start3A_163 = arith.constant 9984 : i32
        %dma_start3A_164 = arith.constant 0 : i32
        %dma_start3A_165 = tpu.memref_slice %arg7[%dma_start3A_163, %dma_start3A_164] : memref<10000x72xf32, #tpu.memory_space<vmem_shared>> -> memref<16x72xf32, #tpu.memory_space<vmem_shared>>
        tpu.enqueue_dma source(%dma_start3A_165 : memref<16x72xf32, #tpu.memory_space<vmem_shared>>) target(%dma_start3A_162 : memref<16x72xf32, #tpu.memory_space<hbm>>) target_semaphore(%run_scoped3A : memref<!tpu.dma_semaphore, #tpu.memory_space<semaphore_mem>>)
        %dma_wait3A_166 = arith.constant 9984 : i32
        %dma_wait3A_167 = arith.constant 0 : i32
        %dma_wait3A_168 = tpu.memref_slice %arg6[%arg0, %dma_wait3A_166, %dma_wait3A_167] : memref<2x10000x72xf32, #tpu.memory_space<hbm>> -> memref<1x16x72xf32, #tpu.memory_space<hbm>>
        %dma_wait3A_169 = tpu.memref_squeeze %dma_wait3A_168 : memref<1x16x72xf32, #tpu.memory_space<hbm>> -> memref<16x72xf32, #tpu.memory_space<hbm>>
        %dma_wait3A_170 = arith.constant 9984 : i32
        %dma_wait3A_171 = arith.constant 0 : i32
        %dma_wait3A_172 = tpu.memref_slice %arg7[%dma_wait3A_170, %dma_wait3A_171] : memref<10000x72xf32, #tpu.memory_space<vmem_shared>> -> memref<16x72xf32, #tpu.memory_space<vmem_shared>>
        tpu.wait_dma2 semaphore(%run_scoped3A : memref<!tpu.dma_semaphore, #tpu.memory_space<semaphore_mem>>) src(%dma_wait3A_172 : memref<16x72xf32, #tpu.memory_space<vmem_shared>>) dst(%dma_wait3A_169 : memref<16x72xf32, #tpu.memory_space<hbm>>)
        tpu.yield
      }) : () -> ()
    } else {
    }
    return
  }
}

#map = affine_map<(d0, d1) -> (0, 0)>
#map1 = affine_map<(d0, d1) -> (0, 0, 0)>
#map2 = affine_map<(d0, d1) -> (0, 0, 0, 0)>
module attributes {stable_mosaic.version = 14 : i64} {
  func.func @_edge_kernel(%arg0: i32, %arg1: i32, %arg2: memref<10000x72xf32, #tpu.memory_space<hbm>>, %arg3: memref<2x10000x72xf32, #tpu.memory_space<hbm>>, %arg4: memref<10000x8xf32, #tpu.memory_space<hbm>>, %arg5: memref<32x125x2x80xi32, #tpu.memory_space<hbm>>, %arg6: memref<2x10000x72xf32, #tpu.memory_space<hbm>>, %arg7: memref<10000x72xf32, #tpu.memory_space<vmem_shared>>, %arg8: memref<80x72xf32, #tpu.memory_space<vmem>>, %arg9: memref<80x72xf32, #tpu.memory_space<vmem>>, %arg10: memref<80x72xf32, #tpu.memory_space<vmem>>, %arg11: memref<80x8xf32, #tpu.memory_space<vmem>>, %arg12: memref<80x8xf32, #tpu.memory_space<vmem>>, %arg13: memref<80x8xf32, #tpu.memory_space<vmem>>, %arg14: memref<2x80xi32, #tpu.memory_space<vmem>>, %arg15: memref<2x80xi32, #tpu.memory_space<vmem>>, %arg16: memref<2x80xi32, #tpu.memory_space<vmem>>, %arg17: memref<2x80xi32, #tpu.memory_space<vmem>>, %arg18: memref<2x80xi32, #tpu.memory_space<vmem>>, %arg19: memref<2x80xi32, #tpu.memory_space<vmem>>, %arg20: memref<!tpu.dma_semaphore, #tpu.memory_space<semaphore_mem>>, %arg21: memref<!tpu.dma_semaphore, #tpu.memory_space<semaphore_mem>>, %arg22: memref<!tpu.dma_semaphore, #tpu.memory_space<semaphore_mem>>, %arg23: memref<!tpu.dma_semaphore, #tpu.memory_space<semaphore_mem>>, %arg24: memref<!tpu.dma_semaphore, #tpu.memory_space<semaphore_mem>>, %arg25: memref<!tpu.dma_semaphore, #tpu.memory_space<semaphore_mem>>, %arg26: memref<!tpu.dma_semaphore, #tpu.memory_space<semaphore_mem>>, %arg27: memref<!tpu.dma_semaphore, #tpu.memory_space<semaphore_mem>>, %arg28: memref<!tpu.dma_semaphore, #tpu.memory_space<semaphore_mem>>, %arg29: memref<!tpu.dma_semaphore, #tpu.memory_space<semaphore_mem>>, %arg30: memref<!tpu.dma_semaphore, #tpu.memory_space<semaphore_mem>>, %arg31: memref<!tpu.dma_semaphore, #tpu.memory_space<semaphore_mem>>) attributes {dimension_semantics = [#tpu.dimension_semantics<core_parallel>, #tpu.dimension_semantics<subcore_parallel>], iteration_bounds = array<i64: 2, 16>, scalar_prefetch = 0 : i64, scratch_operands = 25 : i64, tpu.core_type = #tpu.core_type<sc_vector_subcore>, window_params = [{transform_indices = #map}, {transform_indices = #map1}, {transform_indices = #map}, {transform_indices = #map2}, {transform_indices = #map1}]} {
    %mul3A = arith.constant 16 : i32
    %mul3A_0 = arith.muli %arg0, %mul3A : i32
    %add3A = arith.addi %mul3A_0, %arg1 : i32
    %mul3A_1 = arith.constant 624 : i32
    %mul3A_2 = arith.muli %arg1, %mul3A_1 : i32
    "tpu.region"() ({
      %run_scoped3A = tpu.sem_alloc : memref<!tpu.dma_semaphore, #tpu.memory_space<semaphore_mem>>
      %dma_start3A_159 = arith.constant 0 : i32
      %dma_start3A_160 = tpu.memref_slice %arg7[%mul3A_2, %dma_start3A_159] : memref<10000x72xf32, #tpu.memory_space<vmem_shared>> -> memref<624x72xf32, #tpu.memory_space<vmem_shared>>
      %dma_start3A_161 = arith.constant 0 : i32
      %dma_start3A_162 = tpu.memref_slice %arg3[%arg0, %mul3A_2, %dma_start3A_161] : memref<2x10000x72xf32, #tpu.memory_space<hbm>> -> memref<1x624x72xf32, #tpu.memory_space<hbm>>
      %dma_start3A_163 = tpu.memref_squeeze %dma_start3A_162 : memref<1x624x72xf32, #tpu.memory_space<hbm>> -> memref<624x72xf32, #tpu.memory_space<hbm>>
      tpu.enqueue_dma source(%dma_start3A_163 : memref<624x72xf32, #tpu.memory_space<hbm>>) target(%dma_start3A_160 : memref<624x72xf32, #tpu.memory_space<vmem_shared>>) target_semaphore(%run_scoped3A : memref<!tpu.dma_semaphore, #tpu.memory_space<semaphore_mem>>)
      %dma_wait3A_164 = arith.constant 0 : i32
      %dma_wait3A_165 = tpu.memref_slice %arg7[%mul3A_2, %dma_wait3A_164] : memref<10000x72xf32, #tpu.memory_space<vmem_shared>> -> memref<624x72xf32, #tpu.memory_space<vmem_shared>>
      %dma_wait3A_166 = arith.constant 0 : i32
      %dma_wait3A_167 = tpu.memref_slice %arg3[%arg0, %mul3A_2, %dma_wait3A_166] : memref<2x10000x72xf32, #tpu.memory_space<hbm>> -> memref<1x624x72xf32, #tpu.memory_space<hbm>>
      %dma_wait3A_168 = tpu.memref_squeeze %dma_wait3A_167 : memref<1x624x72xf32, #tpu.memory_space<hbm>> -> memref<624x72xf32, #tpu.memory_space<hbm>>
      tpu.wait_dma2 semaphore(%run_scoped3A : memref<!tpu.dma_semaphore, #tpu.memory_space<semaphore_mem>>) src(%dma_wait3A_168 : memref<624x72xf32, #tpu.memory_space<hbm>>) dst(%dma_wait3A_165 : memref<624x72xf32, #tpu.memory_space<vmem_shared>>)
      tpu.yield
    }) : () -> ()
    %eq3A = arith.constant 0 : i32
    %eq3A_3 = arith.cmpi eq, %arg1, %eq3A : i32
    %convert_element_type3A = arith.extui %eq3A_3 : i1 to i32
    %cond3A = arith.constant 0 : i32
    %cond3A_4 = arith.cmpi ne, %convert_element_type3A, %cond3A : i32
    scf.if %cond3A_4 {
      "tpu.region"() ({
        %run_scoped3A = tpu.sem_alloc : memref<!tpu.dma_semaphore, #tpu.memory_space<semaphore_mem>>
        %dma_start3A_159 = arith.constant 9984 : i32
        %dma_start3A_160 = arith.constant 0 : i32
        %dma_start3A_161 = tpu.memref_slice %arg7[%dma_start3A_159, %dma_start3A_160] : memref<10000x72xf32, #tpu.memory_space<vmem_shared>> -> memref<16x72xf32, #tpu.memory_space<vmem_shared>>
        %dma_start3A_162 = arith.constant 9984 : i32
        %dma_start3A_163 = arith.constant 0 : i32
        %dma_start3A_164 = tpu.memref_slice %arg3[%arg0, %dma_start3A_162, %dma_start3A_163] : memref<2x10000x72xf32, #tpu.memory_space<hbm>> -> memref<1x16x72xf32, #tpu.memory_space<hbm>>
        %dma_start3A_165 = tpu.memref_squeeze %dma_start3A_164 : memref<1x16x72xf32, #tpu.memory_space<hbm>> -> memref<16x72xf32, #tpu.memory_space<hbm>>
        tpu.enqueue_dma source(%dma_start3A_165 : memref<16x72xf32, #tpu.memory_space<hbm>>) target(%dma_start3A_161 : memref<16x72xf32, #tpu.memory_space<vmem_shared>>) target_semaphore(%run_scoped3A : memref<!tpu.dma_semaphore, #tpu.memory_space<semaphore_mem>>)
        %dma_wait3A_166 = arith.constant 9984 : i32
        %dma_wait3A_167 = arith.constant 0 : i32
        %dma_wait3A_168 = tpu.memref_slice %arg7[%dma_wait3A_166, %dma_wait3A_167] : memref<10000x72xf32, #tpu.memory_space<vmem_shared>> -> memref<16x72xf32, #tpu.memory_space<vmem_shared>>
        %dma_wait3A_169 = arith.constant 9984 : i32
        %dma_wait3A_170 = arith.constant 0 : i32
        %dma_wait3A_171 = tpu.memref_slice %arg3[%arg0, %dma_wait3A_169, %dma_wait3A_170] : memref<2x10000x72xf32, #tpu.memory_space<hbm>> -> memref<1x16x72xf32, #tpu.memory_space<hbm>>
        %dma_wait3A_172 = tpu.memref_squeeze %dma_wait3A_171 : memref<1x16x72xf32, #tpu.memory_space<hbm>> -> memref<16x72xf32, #tpu.memory_space<hbm>>
        tpu.wait_dma2 semaphore(%run_scoped3A : memref<!tpu.dma_semaphore, #tpu.memory_space<semaphore_mem>>) src(%dma_wait3A_172 : memref<16x72xf32, #tpu.memory_space<hbm>>) dst(%dma_wait3A_168 : memref<16x72xf32, #tpu.memory_space<vmem_shared>>)
        tpu.yield
      }) : () -> ()
    } else {
    }
    %barrier3A = arith.constant 0 : index
    tpu.barrier barrier_id(%barrier3A)
    %broadcast_in_dim3A = arith.constant 65 : i32
    %broadcast_in_dim3A_5 = vector.broadcast %broadcast_in_dim3A : i32 to vector<16xi32>
    %iota3A = tpu.iota {dimensions = array<i32: 0>} : vector<16xi32>
    %dma_start3A = arith.constant 0 : i32
    %dma_start3A_6 = arith.constant 0 : i32
    %dma_start3A_7 = arith.constant 0 : i32
    %dma_start3A_8 = tpu.memref_slice %arg5[%add3A, %dma_start3A, %dma_start3A_6, %dma_start3A_7] : memref<32x125x2x80xi32, #tpu.memory_space<hbm>> -> memref<1x1x2x80xi32, #tpu.memory_space<hbm>>
    %dma_start3A_9 = tpu.memref_squeeze %dma_start3A_8 : memref<1x1x2x80xi32, #tpu.memory_space<hbm>> -> memref<2x80xi32, #tpu.memory_space<hbm>>
    %dma_start3A_10 = arith.constant 0 : i32
    %dma_start3A_11 = arith.constant 0 : i32
    %dma_start3A_12 = tpu.memref_slice %arg5[%add3A, %dma_start3A, %dma_start3A_10, %dma_start3A_11] : memref<32x125x2x80xi32, #tpu.memory_space<hbm>> -> memref<1x1x2x80xi32, #tpu.memory_space<hbm>>
    %dma_start3A_13 = tpu.memref_squeeze %dma_start3A_12 : memref<1x1x2x80xi32, #tpu.memory_space<hbm>> -> memref<2x80xi32, #tpu.memory_space<hbm>>
    tpu.enqueue_dma source(%dma_start3A_13 : memref<2x80xi32, #tpu.memory_space<hbm>>) target(%arg14 : memref<2x80xi32, #tpu.memory_space<vmem>>) target_semaphore(%arg26 : memref<!tpu.dma_semaphore, #tpu.memory_space<semaphore_mem>>)
    %dma_wait3A = arith.constant 0 : i32
    %dma_wait3A_14 = arith.constant 0 : i32
    %dma_wait3A_15 = arith.constant 0 : i32
    %dma_wait3A_16 = tpu.memref_slice %arg5[%add3A, %dma_wait3A, %dma_wait3A_14, %dma_wait3A_15] : memref<32x125x2x80xi32, #tpu.memory_space<hbm>> -> memref<1x1x2x80xi32, #tpu.memory_space<hbm>>
    %dma_wait3A_17 = tpu.memref_squeeze %dma_wait3A_16 : memref<1x1x2x80xi32, #tpu.memory_space<hbm>> -> memref<2x80xi32, #tpu.memory_space<hbm>>
    %dma_wait3A_18 = arith.constant 0 : i32
    %dma_wait3A_19 = arith.constant 0 : i32
    %dma_wait3A_20 = tpu.memref_slice %arg5[%add3A, %dma_wait3A, %dma_wait3A_18, %dma_wait3A_19] : memref<32x125x2x80xi32, #tpu.memory_space<hbm>> -> memref<1x1x2x80xi32, #tpu.memory_space<hbm>>
    %dma_wait3A_21 = tpu.memref_squeeze %dma_wait3A_20 : memref<1x1x2x80xi32, #tpu.memory_space<hbm>> -> memref<2x80xi32, #tpu.memory_space<hbm>>
    tpu.wait_dma2 semaphore(%arg26 : memref<!tpu.dma_semaphore, #tpu.memory_space<semaphore_mem>>) src(%dma_wait3A_21 : memref<2x80xi32, #tpu.memory_space<hbm>>) dst(%arg14 : memref<2x80xi32, #tpu.memory_space<vmem>>)
    %dma_start3A_22 = arith.constant 0 : i32
    %dma_start3A_23 = arith.constant 0 : i32
    %dma_start3A_24 = tpu.memref_slice %arg14[%dma_start3A_22, %dma_start3A_23] : memref<2x80xi32, #tpu.memory_space<vmem>> -> memref<1x80xi32, #tpu.memory_space<vmem>>
    %dma_start3A_25 = tpu.memref_squeeze %dma_start3A_24 : memref<1x80xi32, #tpu.memory_space<vmem>> -> memref<80xi32, #tpu.memory_space<vmem>>
    %dma_start3A_26 = arith.constant 0 : i32
    %dma_start3A_27 = arith.constant 0 : i32
    %dma_start3A_28 = tpu.memref_slice %arg2[%dma_start3A_26, %dma_start3A_27] : memref<10000x72xf32, #tpu.memory_space<hbm>> -> memref<10000x72xf32, #tpu.memory_space<hbm>>
    tpu.enqueue_indirect_dma source(%dma_start3A_28 : memref<10000x72xf32, #tpu.memory_space<hbm>>) target(%arg8 : memref<80x72xf32, #tpu.memory_space<vmem>>) offsets(%dma_start3A_25 : memref<80xi32, #tpu.memory_space<vmem>>) semaphore(%arg20 : memref<!tpu.dma_semaphore, #tpu.memory_space<semaphore_mem>>)
    %dma_start3A_29 = arith.constant 1 : i32
    %dma_start3A_30 = arith.constant 0 : i32
    %dma_start3A_31 = tpu.memref_slice %arg14[%dma_start3A_29, %dma_start3A_30] : memref<2x80xi32, #tpu.memory_space<vmem>> -> memref<1x80xi32, #tpu.memory_space<vmem>>
    %dma_start3A_32 = tpu.memref_squeeze %dma_start3A_31 : memref<1x80xi32, #tpu.memory_space<vmem>> -> memref<80xi32, #tpu.memory_space<vmem>>
    %dma_start3A_33 = arith.constant 0 : i32
    %dma_start3A_34 = arith.constant 0 : i32
    %dma_start3A_35 = tpu.memref_slice %arg4[%dma_start3A_33, %dma_start3A_34] : memref<10000x8xf32, #tpu.memory_space<hbm>> -> memref<10000x8xf32, #tpu.memory_space<hbm>>
    tpu.enqueue_indirect_dma source(%dma_start3A_35 : memref<10000x8xf32, #tpu.memory_space<hbm>>) target(%arg11 : memref<80x8xf32, #tpu.memory_space<vmem>>) offsets(%dma_start3A_32 : memref<80xi32, #tpu.memory_space<vmem>>) semaphore(%arg20 : memref<!tpu.dma_semaphore, #tpu.memory_space<semaphore_mem>>)
    %dma_start3A_36 = arith.constant 1 : i32
    %dma_start3A_37 = arith.constant 0 : i32
    %dma_start3A_38 = arith.constant 0 : i32
    %dma_start3A_39 = tpu.memref_slice %arg5[%add3A, %dma_start3A_36, %dma_start3A_37, %dma_start3A_38] : memref<32x125x2x80xi32, #tpu.memory_space<hbm>> -> memref<1x1x2x80xi32, #tpu.memory_space<hbm>>
    %dma_start3A_40 = tpu.memref_squeeze %dma_start3A_39 : memref<1x1x2x80xi32, #tpu.memory_space<hbm>> -> memref<2x80xi32, #tpu.memory_space<hbm>>
    %dma_start3A_41 = arith.constant 0 : i32
    %dma_start3A_42 = arith.constant 0 : i32
    %dma_start3A_43 = tpu.memref_slice %arg5[%add3A, %dma_start3A_36, %dma_start3A_41, %dma_start3A_42] : memref<32x125x2x80xi32, #tpu.memory_space<hbm>> -> memref<1x1x2x80xi32, #tpu.memory_space<hbm>>
    %dma_start3A_44 = tpu.memref_squeeze %dma_start3A_43 : memref<1x1x2x80xi32, #tpu.memory_space<hbm>> -> memref<2x80xi32, #tpu.memory_space<hbm>>
    tpu.enqueue_dma source(%dma_start3A_44 : memref<2x80xi32, #tpu.memory_space<hbm>>) target(%arg15 : memref<2x80xi32, #tpu.memory_space<vmem>>) target_semaphore(%arg27 : memref<!tpu.dma_semaphore, #tpu.memory_space<semaphore_mem>>)
    %dma_wait3A_45 = arith.constant 1 : i32
    %dma_wait3A_46 = arith.constant 0 : i32
    %dma_wait3A_47 = arith.constant 0 : i32
    %dma_wait3A_48 = tpu.memref_slice %arg5[%add3A, %dma_wait3A_45, %dma_wait3A_46, %dma_wait3A_47] : memref<32x125x2x80xi32, #tpu.memory_space<hbm>> -> memref<1x1x2x80xi32, #tpu.memory_space<hbm>>
    %dma_wait3A_49 = tpu.memref_squeeze %dma_wait3A_48 : memref<1x1x2x80xi32, #tpu.memory_space<hbm>> -> memref<2x80xi32, #tpu.memory_space<hbm>>
    %dma_wait3A_50 = arith.constant 0 : i32
    %dma_wait3A_51 = arith.constant 0 : i32
    %dma_wait3A_52 = tpu.memref_slice %arg5[%add3A, %dma_wait3A_45, %dma_wait3A_50, %dma_wait3A_51] : memref<32x125x2x80xi32, #tpu.memory_space<hbm>> -> memref<1x1x2x80xi32, #tpu.memory_space<hbm>>
    %dma_wait3A_53 = tpu.memref_squeeze %dma_wait3A_52 : memref<1x1x2x80xi32, #tpu.memory_space<hbm>> -> memref<2x80xi32, #tpu.memory_space<hbm>>
    tpu.wait_dma2 semaphore(%arg27 : memref<!tpu.dma_semaphore, #tpu.memory_space<semaphore_mem>>) src(%dma_wait3A_53 : memref<2x80xi32, #tpu.memory_space<hbm>>) dst(%arg15 : memref<2x80xi32, #tpu.memory_space<vmem>>)
    %dma_start3A_54 = arith.constant 0 : i32
    %dma_start3A_55 = arith.constant 0 : i32
    %dma_start3A_56 = tpu.memref_slice %arg15[%dma_start3A_54, %dma_start3A_55] : memref<2x80xi32, #tpu.memory_space<vmem>> -> memref<1x80xi32, #tpu.memory_space<vmem>>
    %dma_start3A_57 = tpu.memref_squeeze %dma_start3A_56 : memref<1x80xi32, #tpu.memory_space<vmem>> -> memref<80xi32, #tpu.memory_space<vmem>>
    %dma_start3A_58 = arith.constant 0 : i32
    %dma_start3A_59 = arith.constant 0 : i32
    %dma_start3A_60 = tpu.memref_slice %arg2[%dma_start3A_58, %dma_start3A_59] : memref<10000x72xf32, #tpu.memory_space<hbm>> -> memref<10000x72xf32, #tpu.memory_space<hbm>>
    tpu.enqueue_indirect_dma source(%dma_start3A_60 : memref<10000x72xf32, #tpu.memory_space<hbm>>) target(%arg9 : memref<80x72xf32, #tpu.memory_space<vmem>>) offsets(%dma_start3A_57 : memref<80xi32, #tpu.memory_space<vmem>>) semaphore(%arg21 : memref<!tpu.dma_semaphore, #tpu.memory_space<semaphore_mem>>)
    %dma_start3A_61 = arith.constant 1 : i32
    %dma_start3A_62 = arith.constant 0 : i32
    %dma_start3A_63 = tpu.memref_slice %arg15[%dma_start3A_61, %dma_start3A_62] : memref<2x80xi32, #tpu.memory_space<vmem>> -> memref<1x80xi32, #tpu.memory_space<vmem>>
    %dma_start3A_64 = tpu.memref_squeeze %dma_start3A_63 : memref<1x80xi32, #tpu.memory_space<vmem>> -> memref<80xi32, #tpu.memory_space<vmem>>
    %dma_start3A_65 = arith.constant 0 : i32
    %dma_start3A_66 = arith.constant 0 : i32
    %dma_start3A_67 = tpu.memref_slice %arg4[%dma_start3A_65, %dma_start3A_66] : memref<10000x8xf32, #tpu.memory_space<hbm>> -> memref<10000x8xf32, #tpu.memory_space<hbm>>
    tpu.enqueue_indirect_dma source(%dma_start3A_67 : memref<10000x8xf32, #tpu.memory_space<hbm>>) target(%arg12 : memref<80x8xf32, #tpu.memory_space<vmem>>) offsets(%dma_start3A_64 : memref<80xi32, #tpu.memory_space<vmem>>) semaphore(%arg21 : memref<!tpu.dma_semaphore, #tpu.memory_space<semaphore_mem>>)
    %dma_start3A_68 = arith.constant 2 : i32
    %dma_start3A_69 = arith.constant 0 : i32
    %dma_start3A_70 = arith.constant 0 : i32
    %dma_start3A_71 = tpu.memref_slice %arg5[%add3A, %dma_start3A_68, %dma_start3A_69, %dma_start3A_70] : memref<32x125x2x80xi32, #tpu.memory_space<hbm>> -> memref<1x1x2x80xi32, #tpu.memory_space<hbm>>
    %dma_start3A_72 = tpu.memref_squeeze %dma_start3A_71 : memref<1x1x2x80xi32, #tpu.memory_space<hbm>> -> memref<2x80xi32, #tpu.memory_space<hbm>>
    %dma_start3A_73 = arith.constant 0 : i32
    %dma_start3A_74 = arith.constant 0 : i32
    %dma_start3A_75 = tpu.memref_slice %arg5[%add3A, %dma_start3A_68, %dma_start3A_73, %dma_start3A_74] : memref<32x125x2x80xi32, #tpu.memory_space<hbm>> -> memref<1x1x2x80xi32, #tpu.memory_space<hbm>>
    %dma_start3A_76 = tpu.memref_squeeze %dma_start3A_75 : memref<1x1x2x80xi32, #tpu.memory_space<hbm>> -> memref<2x80xi32, #tpu.memory_space<hbm>>
    tpu.enqueue_dma source(%dma_start3A_76 : memref<2x80xi32, #tpu.memory_space<hbm>>) target(%arg16 : memref<2x80xi32, #tpu.memory_space<vmem>>) target_semaphore(%arg28 : memref<!tpu.dma_semaphore, #tpu.memory_space<semaphore_mem>>)
    %dma_wait3A_77 = arith.constant 2 : i32
    %dma_wait3A_78 = arith.constant 0 : i32
    %dma_wait3A_79 = arith.constant 0 : i32
    %dma_wait3A_80 = tpu.memref_slice %arg5[%add3A, %dma_wait3A_77, %dma_wait3A_78, %dma_wait3A_79] : memref<32x125x2x80xi32, #tpu.memory_space<hbm>> -> memref<1x1x2x80xi32, #tpu.memory_space<hbm>>
    %dma_wait3A_81 = tpu.memref_squeeze %dma_wait3A_80 : memref<1x1x2x80xi32, #tpu.memory_space<hbm>> -> memref<2x80xi32, #tpu.memory_space<hbm>>
    %dma_wait3A_82 = arith.constant 0 : i32
    %dma_wait3A_83 = arith.constant 0 : i32
    %dma_wait3A_84 = tpu.memref_slice %arg5[%add3A, %dma_wait3A_77, %dma_wait3A_82, %dma_wait3A_83] : memref<32x125x2x80xi32, #tpu.memory_space<hbm>> -> memref<1x1x2x80xi32, #tpu.memory_space<hbm>>
    %dma_wait3A_85 = tpu.memref_squeeze %dma_wait3A_84 : memref<1x1x2x80xi32, #tpu.memory_space<hbm>> -> memref<2x80xi32, #tpu.memory_space<hbm>>
    tpu.wait_dma2 semaphore(%arg28 : memref<!tpu.dma_semaphore, #tpu.memory_space<semaphore_mem>>) src(%dma_wait3A_85 : memref<2x80xi32, #tpu.memory_space<hbm>>) dst(%arg16 : memref<2x80xi32, #tpu.memory_space<vmem>>)
    %dma_start3A_86 = arith.constant 0 : i32
    %dma_start3A_87 = arith.constant 0 : i32
    %dma_start3A_88 = tpu.memref_slice %arg16[%dma_start3A_86, %dma_start3A_87] : memref<2x80xi32, #tpu.memory_space<vmem>> -> memref<1x80xi32, #tpu.memory_space<vmem>>
    %dma_start3A_89 = tpu.memref_squeeze %dma_start3A_88 : memref<1x80xi32, #tpu.memory_space<vmem>> -> memref<80xi32, #tpu.memory_space<vmem>>
    %dma_start3A_90 = arith.constant 0 : i32
    %dma_start3A_91 = arith.constant 0 : i32
    %dma_start3A_92 = tpu.memref_slice %arg2[%dma_start3A_90, %dma_start3A_91] : memref<10000x72xf32, #tpu.memory_space<hbm>> -> memref<10000x72xf32, #tpu.memory_space<hbm>>
    tpu.enqueue_indirect_dma source(%dma_start3A_92 : memref<10000x72xf32, #tpu.memory_space<hbm>>) target(%arg10 : memref<80x72xf32, #tpu.memory_space<vmem>>) offsets(%dma_start3A_89 : memref<80xi32, #tpu.memory_space<vmem>>) semaphore(%arg22 : memref<!tpu.dma_semaphore, #tpu.memory_space<semaphore_mem>>)
    %dma_start3A_93 = arith.constant 1 : i32
    %dma_start3A_94 = arith.constant 0 : i32
    %dma_start3A_95 = tpu.memref_slice %arg16[%dma_start3A_93, %dma_start3A_94] : memref<2x80xi32, #tpu.memory_space<vmem>> -> memref<1x80xi32, #tpu.memory_space<vmem>>
    %dma_start3A_96 = tpu.memref_squeeze %dma_start3A_95 : memref<1x80xi32, #tpu.memory_space<vmem>> -> memref<80xi32, #tpu.memory_space<vmem>>
    %dma_start3A_97 = arith.constant 0 : i32
    %dma_start3A_98 = arith.constant 0 : i32
    %dma_start3A_99 = tpu.memref_slice %arg4[%dma_start3A_97, %dma_start3A_98] : memref<10000x8xf32, #tpu.memory_space<hbm>> -> memref<10000x8xf32, #tpu.memory_space<hbm>>
    tpu.enqueue_indirect_dma source(%dma_start3A_99 : memref<10000x8xf32, #tpu.memory_space<hbm>>) target(%arg13 : memref<80x8xf32, #tpu.memory_space<vmem>>) offsets(%dma_start3A_96 : memref<80xi32, #tpu.memory_space<vmem>>) semaphore(%arg22 : memref<!tpu.dma_semaphore, #tpu.memory_space<semaphore_mem>>)
    %dma_start3A_100 = arith.constant 3 : i32
    %dma_start3A_101 = arith.constant 0 : i32
    %dma_start3A_102 = arith.constant 0 : i32
    %dma_start3A_103 = tpu.memref_slice %arg5[%add3A, %dma_start3A_100, %dma_start3A_101, %dma_start3A_102] : memref<32x125x2x80xi32, #tpu.memory_space<hbm>> -> memref<1x1x2x80xi32, #tpu.memory_space<hbm>>
    %dma_start3A_104 = tpu.memref_squeeze %dma_start3A_103 : memref<1x1x2x80xi32, #tpu.memory_space<hbm>> -> memref<2x80xi32, #tpu.memory_space<hbm>>
    %dma_start3A_105 = arith.constant 0 : i32
    %dma_start3A_106 = arith.constant 0 : i32
    %dma_start3A_107 = tpu.memref_slice %arg5[%add3A, %dma_start3A_100, %dma_start3A_105, %dma_start3A_106] : memref<32x125x2x80xi32, #tpu.memory_space<hbm>> -> memref<1x1x2x80xi32, #tpu.memory_space<hbm>>
    %dma_start3A_108 = tpu.memref_squeeze %dma_start3A_107 : memref<1x1x2x80xi32, #tpu.memory_space<hbm>> -> memref<2x80xi32, #tpu.memory_space<hbm>>
    tpu.enqueue_dma source(%dma_start3A_108 : memref<2x80xi32, #tpu.memory_space<hbm>>) target(%arg17 : memref<2x80xi32, #tpu.memory_space<vmem>>) target_semaphore(%arg29 : memref<!tpu.dma_semaphore, #tpu.memory_space<semaphore_mem>>)
    %dma_start3A_109 = arith.constant 4 : i32
    %dma_start3A_110 = arith.constant 0 : i32
    %dma_start3A_111 = arith.constant 0 : i32
    %dma_start3A_112 = tpu.memref_slice %arg5[%add3A, %dma_start3A_109, %dma_start3A_110, %dma_start3A_111] : memref<32x125x2x80xi32, #tpu.memory_space<hbm>> -> memref<1x1x2x80xi32, #tpu.memory_space<hbm>>
    %dma_start3A_113 = tpu.memref_squeeze %dma_start3A_112 : memref<1x1x2x80xi32, #tpu.memory_space<hbm>> -> memref<2x80xi32, #tpu.memory_space<hbm>>
    %dma_start3A_114 = arith.constant 0 : i32
    %dma_start3A_115 = arith.constant 0 : i32
    %dma_start3A_116 = tpu.memref_slice %arg5[%add3A, %dma_start3A_109, %dma_start3A_114, %dma_start3A_115] : memref<32x125x2x80xi32, #tpu.memory_space<hbm>> -> memref<1x1x2x80xi32, #tpu.memory_space<hbm>>
    %dma_start3A_117 = tpu.memref_squeeze %dma_start3A_116 : memref<1x1x2x80xi32, #tpu.memory_space<hbm>> -> memref<2x80xi32, #tpu.memory_space<hbm>>
    tpu.enqueue_dma source(%dma_start3A_117 : memref<2x80xi32, #tpu.memory_space<hbm>>) target(%arg18 : memref<2x80xi32, #tpu.memory_space<vmem>>) target_semaphore(%arg30 : memref<!tpu.dma_semaphore, #tpu.memory_space<semaphore_mem>>)
    %dma_start3A_118 = arith.constant 5 : i32
    %dma_start3A_119 = arith.constant 0 : i32
    %dma_start3A_120 = arith.constant 0 : i32
    %dma_start3A_121 = tpu.memref_slice %arg5[%add3A, %dma_start3A_118, %dma_start3A_119, %dma_start3A_120] : memref<32x125x2x80xi32, #tpu.memory_space<hbm>> -> memref<1x1x2x80xi32, #tpu.memory_space<hbm>>
    %dma_start3A_122 = tpu.memref_squeeze %dma_start3A_121 : memref<1x1x2x80xi32, #tpu.memory_space<hbm>> -> memref<2x80xi32, #tpu.memory_space<hbm>>
    %dma_start3A_123 = arith.constant 0 : i32
    %dma_start3A_124 = arith.constant 0 : i32
    %dma_start3A_125 = tpu.memref_slice %arg5[%add3A, %dma_start3A_118, %dma_start3A_123, %dma_start3A_124] : memref<32x125x2x80xi32, #tpu.memory_space<hbm>> -> memref<1x1x2x80xi32, #tpu.memory_space<hbm>>
    %dma_start3A_126 = tpu.memref_squeeze %dma_start3A_125 : memref<1x1x2x80xi32, #tpu.memory_space<hbm>> -> memref<2x80xi32, #tpu.memory_space<hbm>>
    tpu.enqueue_dma source(%dma_start3A_126 : memref<2x80xi32, #tpu.memory_space<hbm>>) target(%arg19 : memref<2x80xi32, #tpu.memory_space<vmem>>) target_semaphore(%arg31 : memref<!tpu.dma_semaphore, #tpu.memory_space<semaphore_mem>>)
    %scan3A = arith.constant 0 : i32
    %scan3A_127 = arith.constant 0 : i32
    %scan3A_128 = arith.constant 21 : i32
    %scan3A_129 = arith.addi %scan3A_127, %scan3A_128 : i32
    %scan3A_130 = arith.constant 1 : i32
    scf.for %scan3A_159 = %scan3A_127 to %scan3A_129 step %scan3A_130  : i32 {
      %mul3A_160 = arith.constant 6 : i32
      %mul3A_161 = arith.muli %mul3A_160, %scan3A_159 : i32
      %add3A_162 = arith.constant 0 : i32
      %add3A_163 = arith.addi %mul3A_161, %add3A_162 : i32
      %add3A_164 = arith.constant 0 : i32
      %add3A_165 = arith.addi %add3A_163, %add3A_164 : i32
      %lt3A = arith.constant 125 : i32
      %lt3A_166 = arith.cmpi slt, %add3A_165, %lt3A : i32
      %convert_element_type3A_167 = arith.extui %lt3A_166 : i1 to i32
      %cond3A_168 = arith.constant 0 : i32
      %cond3A_169 = arith.cmpi ne, %convert_element_type3A_167, %cond3A_168 : i32
      scf.if %cond3A_169 {
        %dma_wait3A_303 = arith.constant 0 : i32
        %dma_wait3A_304 = arith.constant 0 : i32
        %dma_wait3A_305 = tpu.memref_slice %arg14[%dma_wait3A_303, %dma_wait3A_304] : memref<2x80xi32, #tpu.memory_space<vmem>> -> memref<1x80xi32, #tpu.memory_space<vmem>>
        %dma_wait3A_306 = tpu.memref_squeeze %dma_wait3A_305 : memref<1x80xi32, #tpu.memory_space<vmem>> -> memref<80xi32, #tpu.memory_space<vmem>>
        %dma_wait3A_307 = arith.constant 0 : i32
        %dma_wait3A_308 = arith.constant 0 : i32
        %dma_wait3A_309 = tpu.memref_slice %arg2[%dma_wait3A_307, %dma_wait3A_308] : memref<10000x72xf32, #tpu.memory_space<hbm>> -> memref<10000x72xf32, #tpu.memory_space<hbm>>
        tpu.wait_indirect_dma semaphore(%arg20 : memref<!tpu.dma_semaphore, #tpu.memory_space<semaphore_mem>>) src(%dma_wait3A_309 : memref<10000x72xf32, #tpu.memory_space<hbm>>) dst(%arg8 : memref<80x72xf32, #tpu.memory_space<vmem>>)
        %dma_wait3A_310 = arith.constant 1 : i32
        %dma_wait3A_311 = arith.constant 0 : i32
        %dma_wait3A_312 = tpu.memref_slice %arg14[%dma_wait3A_310, %dma_wait3A_311] : memref<2x80xi32, #tpu.memory_space<vmem>> -> memref<1x80xi32, #tpu.memory_space<vmem>>
        %dma_wait3A_313 = tpu.memref_squeeze %dma_wait3A_312 : memref<1x80xi32, #tpu.memory_space<vmem>> -> memref<80xi32, #tpu.memory_space<vmem>>
        %dma_wait3A_314 = arith.constant 0 : i32
        %dma_wait3A_315 = arith.constant 0 : i32
        %dma_wait3A_316 = tpu.memref_slice %arg4[%dma_wait3A_314, %dma_wait3A_315] : memref<10000x8xf32, #tpu.memory_space<hbm>> -> memref<10000x8xf32, #tpu.memory_space<hbm>>
        tpu.wait_indirect_dma semaphore(%arg20 : memref<!tpu.dma_semaphore, #tpu.memory_space<semaphore_mem>>) src(%dma_wait3A_316 : memref<10000x8xf32, #tpu.memory_space<hbm>>) dst(%arg11 : memref<80x8xf32, #tpu.memory_space<vmem>>)
        %scan3A_317 = arith.constant 0 : i32
        %scan3A_318 = arith.constant 0 : i32
        %scan3A_319 = arith.constant 5 : i32
        %scan3A_320 = arith.addi %scan3A_318, %scan3A_319 : i32
        %scan3A_321 = arith.constant 1 : i32
        scf.for %scan3A_330 = %scan3A_318 to %scan3A_320 step %scan3A_321  : i32 {
          %mul3A_331 = arith.constant 16 : i32
          %mul3A_332 = arith.muli %scan3A_330, %mul3A_331 : i32
          %add3A_333 = vector.broadcast %mul3A_332 : i32 to vector<16xi32>
          %add3A_334 = arith.addi %iota3A, %add3A_333 : vector<16xi32>
          %gather3A = tpu.vector_load_idx %arg8[%add3A_334, %broadcast_in_dim3A_5] : memref<80x72xf32, #tpu.memory_space<vmem>>[vector<16xi32>, vector<16xi32>], vector<16xf32>,
          %broadcast_in_dim3A_335 = arith.constant 0 : i32
          %broadcast_in_dim3A_336 = vector.broadcast %broadcast_in_dim3A_335 : i32 to vector<16xi32>
          %gather3A_337 = tpu.vector_load_idx %arg11[%add3A_334, %broadcast_in_dim3A_336] : memref<80x8xf32, #tpu.memory_space<vmem>>[vector<16xi32>, vector<16xi32>], vector<16xf32>,
          %add3A_338 = arith.addf %gather3A, %gather3A_337 : vector<16xf32>
          %mul3A_339 = arith.constant 2.000000e-01 : f32
          %mul3A_340 = vector.broadcast %mul3A_339 : f32 to vector<16xf32>
          %mul3A_341 = arith.mulf %mul3A_340, %add3A_338 : vector<16xf32>
          %max3A = arith.maximumf %add3A_338, %mul3A_341 : vector<16xf32>
          %exp3A = math.exp %max3A : vector<16xf32>
          %parallel_loop3A = arith.constant 0 : i32
          %parallel_loop3A_342 = arith.constant 65 : i32
          %parallel_loop3A_343 = arith.constant 1 : i32
          scf.for %parallel_loop3A_344 = %parallel_loop3A to %parallel_loop3A_342 step %parallel_loop3A_343  : i32 {
            %parallel_loop3A_345 = arith.constant 0 : i32
            %parallel_loop3A_346 = vector.broadcast %parallel_loop3A_345 : i32 to vector<16xi32>
            %parallel_loop3A_347 = vector.broadcast %parallel_loop3A_344 : i32 to vector<16xi32>
            %parallel_loop3A_348 = arith.addi %parallel_loop3A_346, %parallel_loop3A_347 : vector<16xi32>
            %parallel_loop3A_349 = tpu.vector_load_idx %arg8[%add3A_334, %parallel_loop3A_348] : memref<80x72xf32, #tpu.memory_space<vmem>>[vector<16xi32>, vector<16xi32>], vector<16xf32>,
            %parallel_loop3A_350 = arith.mulf %parallel_loop3A_349, %exp3A : vector<16xf32>
            tpu.vector_store_idx %arg8[%add3A_334, %parallel_loop3A_348], %parallel_loop3A_350 : memref<80x72xf32, #tpu.memory_space<vmem>>[vector<16xi32>, vector<16xi32>], vector<16xf32>,
          } {sc.loop_unroll_factor = 8 : i64, sc.parallel_access}
        }
        %scan3A_322 = arith.constant 5 : i32
        %dma_start3A_323 = arith.constant 1 : i32
        %dma_start3A_324 = arith.constant 0 : i32
        %dma_start3A_325 = tpu.memref_slice %arg14[%dma_start3A_323, %dma_start3A_324] : memref<2x80xi32, #tpu.memory_space<vmem>> -> memref<1x80xi32, #tpu.memory_space<vmem>>
        %dma_start3A_326 = tpu.memref_squeeze %dma_start3A_325 : memref<1x80xi32, #tpu.memory_space<vmem>> -> memref<80xi32, #tpu.memory_space<vmem>>
        %dma_start3A_327 = arith.constant 0 : i32
        %dma_start3A_328 = arith.constant 0 : i32
        %dma_start3A_329 = tpu.memref_slice %arg7[%dma_start3A_327, %dma_start3A_328] : memref<10000x72xf32, #tpu.memory_space<vmem_shared>> -> memref<10000x72xf32, #tpu.memory_space<vmem_shared>>
        tpu.enqueue_indirect_dma source(%arg8 : memref<80x72xf32, #tpu.memory_space<vmem>>) target(%dma_start3A_329 : memref<10000x72xf32, #tpu.memory_space<vmem_shared>>) offsets(%dma_start3A_326 : memref<80xi32, #tpu.memory_space<vmem>>) semaphore(%arg23 : memref<!tpu.dma_semaphore, #tpu.memory_space<semaphore_mem>>) {add = true}
      } else {
      }
      %mul3A_170 = arith.constant 6 : i32
      %mul3A_171 = arith.muli %mul3A_170, %scan3A_159 : i32
      %add3A_172 = arith.constant 0 : i32
      %add3A_173 = arith.addi %mul3A_171, %add3A_172 : i32
      %add3A_174 = arith.constant 1 : i32
      %add3A_175 = arith.addi %add3A_173, %add3A_174 : i32
      %lt3A_176 = arith.constant 125 : i32
      %lt3A_177 = arith.cmpi slt, %add3A_175, %lt3A_176 : i32
      %convert_element_type3A_178 = arith.extui %lt3A_177 : i1 to i32
      %cond3A_179 = arith.constant 0 : i32
      %cond3A_180 = arith.cmpi ne, %convert_element_type3A_178, %cond3A_179 : i32
      scf.if %cond3A_180 {
        %dma_wait3A_303 = arith.constant 0 : i32
        %dma_wait3A_304 = arith.constant 0 : i32
        %dma_wait3A_305 = tpu.memref_slice %arg15[%dma_wait3A_303, %dma_wait3A_304] : memref<2x80xi32, #tpu.memory_space<vmem>> -> memref<1x80xi32, #tpu.memory_space<vmem>>
        %dma_wait3A_306 = tpu.memref_squeeze %dma_wait3A_305 : memref<1x80xi32, #tpu.memory_space<vmem>> -> memref<80xi32, #tpu.memory_space<vmem>>
        %dma_wait3A_307 = arith.constant 0 : i32
        %dma_wait3A_308 = arith.constant 0 : i32
        %dma_wait3A_309 = tpu.memref_slice %arg2[%dma_wait3A_307, %dma_wait3A_308] : memref<10000x72xf32, #tpu.memory_space<hbm>> -> memref<10000x72xf32, #tpu.memory_space<hbm>>
        tpu.wait_indirect_dma semaphore(%arg21 : memref<!tpu.dma_semaphore, #tpu.memory_space<semaphore_mem>>) src(%dma_wait3A_309 : memref<10000x72xf32, #tpu.memory_space<hbm>>) dst(%arg9 : memref<80x72xf32, #tpu.memory_space<vmem>>)
        %dma_wait3A_310 = arith.constant 1 : i32
        %dma_wait3A_311 = arith.constant 0 : i32
        %dma_wait3A_312 = tpu.memref_slice %arg15[%dma_wait3A_310, %dma_wait3A_311] : memref<2x80xi32, #tpu.memory_space<vmem>> -> memref<1x80xi32, #tpu.memory_space<vmem>>
        %dma_wait3A_313 = tpu.memref_squeeze %dma_wait3A_312 : memref<1x80xi32, #tpu.memory_space<vmem>> -> memref<80xi32, #tpu.memory_space<vmem>>
        %dma_wait3A_314 = arith.constant 0 : i32
        %dma_wait3A_315 = arith.constant 0 : i32
        %dma_wait3A_316 = tpu.memref_slice %arg4[%dma_wait3A_314, %dma_wait3A_315] : memref<10000x8xf32, #tpu.memory_space<hbm>> -> memref<10000x8xf32, #tpu.memory_space<hbm>>
        tpu.wait_indirect_dma semaphore(%arg21 : memref<!tpu.dma_semaphore, #tpu.memory_space<semaphore_mem>>) src(%dma_wait3A_316 : memref<10000x8xf32, #tpu.memory_space<hbm>>) dst(%arg12 : memref<80x8xf32, #tpu.memory_space<vmem>>)
        %scan3A_317 = arith.constant 0 : i32
        %scan3A_318 = arith.constant 0 : i32
        %scan3A_319 = arith.constant 5 : i32
        %scan3A_320 = arith.addi %scan3A_318, %scan3A_319 : i32
        %scan3A_321 = arith.constant 1 : i32
        scf.for %scan3A_330 = %scan3A_318 to %scan3A_320 step %scan3A_321  : i32 {
          %mul3A_331 = arith.constant 16 : i32
          %mul3A_332 = arith.muli %scan3A_330, %mul3A_331 : i32
          %add3A_333 = vector.broadcast %mul3A_332 : i32 to vector<16xi32>
          %add3A_334 = arith.addi %iota3A, %add3A_333 : vector<16xi32>
          %gather3A = tpu.vector_load_idx %arg9[%add3A_334, %broadcast_in_dim3A_5] : memref<80x72xf32, #tpu.memory_space<vmem>>[vector<16xi32>, vector<16xi32>], vector<16xf32>,
          %broadcast_in_dim3A_335 = arith.constant 0 : i32
          %broadcast_in_dim3A_336 = vector.broadcast %broadcast_in_dim3A_335 : i32 to vector<16xi32>
          %gather3A_337 = tpu.vector_load_idx %arg12[%add3A_334, %broadcast_in_dim3A_336] : memref<80x8xf32, #tpu.memory_space<vmem>>[vector<16xi32>, vector<16xi32>], vector<16xf32>,
          %add3A_338 = arith.addf %gather3A, %gather3A_337 : vector<16xf32>
          %mul3A_339 = arith.constant 2.000000e-01 : f32
          %mul3A_340 = vector.broadcast %mul3A_339 : f32 to vector<16xf32>
          %mul3A_341 = arith.mulf %mul3A_340, %add3A_338 : vector<16xf32>
          %max3A = arith.maximumf %add3A_338, %mul3A_341 : vector<16xf32>
          %exp3A = math.exp %max3A : vector<16xf32>
          %parallel_loop3A = arith.constant 0 : i32
          %parallel_loop3A_342 = arith.constant 65 : i32
          %parallel_loop3A_343 = arith.constant 1 : i32
          scf.for %parallel_loop3A_344 = %parallel_loop3A to %parallel_loop3A_342 step %parallel_loop3A_343  : i32 {
            %parallel_loop3A_345 = arith.constant 0 : i32
            %parallel_loop3A_346 = vector.broadcast %parallel_loop3A_345 : i32 to vector<16xi32>
            %parallel_loop3A_347 = vector.broadcast %parallel_loop3A_344 : i32 to vector<16xi32>
            %parallel_loop3A_348 = arith.addi %parallel_loop3A_346, %parallel_loop3A_347 : vector<16xi32>
            %parallel_loop3A_349 = tpu.vector_load_idx %arg9[%add3A_334, %parallel_loop3A_348] : memref<80x72xf32, #tpu.memory_space<vmem>>[vector<16xi32>, vector<16xi32>], vector<16xf32>,
            %parallel_loop3A_350 = arith.mulf %parallel_loop3A_349, %exp3A : vector<16xf32>
            tpu.vector_store_idx %arg9[%add3A_334, %parallel_loop3A_348], %parallel_loop3A_350 : memref<80x72xf32, #tpu.memory_space<vmem>>[vector<16xi32>, vector<16xi32>], vector<16xf32>,
          } {sc.loop_unroll_factor = 8 : i64, sc.parallel_access}
        }
        %scan3A_322 = arith.constant 5 : i32
        %dma_start3A_323 = arith.constant 1 : i32
        %dma_start3A_324 = arith.constant 0 : i32
        %dma_start3A_325 = tpu.memref_slice %arg15[%dma_start3A_323, %dma_start3A_324] : memref<2x80xi32, #tpu.memory_space<vmem>> -> memref<1x80xi32, #tpu.memory_space<vmem>>
        %dma_start3A_326 = tpu.memref_squeeze %dma_start3A_325 : memref<1x80xi32, #tpu.memory_space<vmem>> -> memref<80xi32, #tpu.memory_space<vmem>>
        %dma_start3A_327 = arith.constant 0 : i32
        %dma_start3A_328 = arith.constant 0 : i32
        %dma_start3A_329 = tpu.memref_slice %arg7[%dma_start3A_327, %dma_start3A_328] : memref<10000x72xf32, #tpu.memory_space<vmem_shared>> -> memref<10000x72xf32, #tpu.memory_space<vmem_shared>>
        tpu.enqueue_indirect_dma source(%arg9 : memref<80x72xf32, #tpu.memory_space<vmem>>) target(%dma_start3A_329 : memref<10000x72xf32, #tpu.memory_space<vmem_shared>>) offsets(%dma_start3A_326 : memref<80xi32, #tpu.memory_space<vmem>>) semaphore(%arg24 : memref<!tpu.dma_semaphore, #tpu.memory_space<semaphore_mem>>) {add = true}
      } else {
      }
      %mul3A_181 = arith.constant 6 : i32
      %mul3A_182 = arith.muli %mul3A_181, %scan3A_159 : i32
      %add3A_183 = arith.constant 0 : i32
      %add3A_184 = arith.addi %mul3A_182, %add3A_183 : i32
      %add3A_185 = arith.constant 2 : i32
      %add3A_186 = arith.addi %add3A_184, %add3A_185 : i32
      %lt3A_187 = arith.constant 125 : i32
      %lt3A_188 = arith.cmpi slt, %add3A_186, %lt3A_187 : i32
      %convert_element_type3A_189 = arith.extui %lt3A_188 : i1 to i32
      %cond3A_190 = arith.constant 0 : i32
      %cond3A_191 = arith.cmpi ne, %convert_element_type3A_189, %cond3A_190 : i32
      scf.if %cond3A_191 {
        %dma_wait3A_303 = arith.constant 0 : i32
        %dma_wait3A_304 = arith.constant 0 : i32
        %dma_wait3A_305 = tpu.memref_slice %arg16[%dma_wait3A_303, %dma_wait3A_304] : memref<2x80xi32, #tpu.memory_space<vmem>> -> memref<1x80xi32, #tpu.memory_space<vmem>>
        %dma_wait3A_306 = tpu.memref_squeeze %dma_wait3A_305 : memref<1x80xi32, #tpu.memory_space<vmem>> -> memref<80xi32, #tpu.memory_space<vmem>>
        %dma_wait3A_307 = arith.constant 0 : i32
        %dma_wait3A_308 = arith.constant 0 : i32
        %dma_wait3A_309 = tpu.memref_slice %arg2[%dma_wait3A_307, %dma_wait3A_308] : memref<10000x72xf32, #tpu.memory_space<hbm>> -> memref<10000x72xf32, #tpu.memory_space<hbm>>
        tpu.wait_indirect_dma semaphore(%arg22 : memref<!tpu.dma_semaphore, #tpu.memory_space<semaphore_mem>>) src(%dma_wait3A_309 : memref<10000x72xf32, #tpu.memory_space<hbm>>) dst(%arg10 : memref<80x72xf32, #tpu.memory_space<vmem>>)
        %dma_wait3A_310 = arith.constant 1 : i32
        %dma_wait3A_311 = arith.constant 0 : i32
        %dma_wait3A_312 = tpu.memref_slice %arg16[%dma_wait3A_310, %dma_wait3A_311] : memref<2x80xi32, #tpu.memory_space<vmem>> -> memref<1x80xi32, #tpu.memory_space<vmem>>
        %dma_wait3A_313 = tpu.memref_squeeze %dma_wait3A_312 : memref<1x80xi32, #tpu.memory_space<vmem>> -> memref<80xi32, #tpu.memory_space<vmem>>
        %dma_wait3A_314 = arith.constant 0 : i32
        %dma_wait3A_315 = arith.constant 0 : i32
        %dma_wait3A_316 = tpu.memref_slice %arg4[%dma_wait3A_314, %dma_wait3A_315] : memref<10000x8xf32, #tpu.memory_space<hbm>> -> memref<10000x8xf32, #tpu.memory_space<hbm>>
        tpu.wait_indirect_dma semaphore(%arg22 : memref<!tpu.dma_semaphore, #tpu.memory_space<semaphore_mem>>) src(%dma_wait3A_316 : memref<10000x8xf32, #tpu.memory_space<hbm>>) dst(%arg13 : memref<80x8xf32, #tpu.memory_space<vmem>>)
        %scan3A_317 = arith.constant 0 : i32
        %scan3A_318 = arith.constant 0 : i32
        %scan3A_319 = arith.constant 5 : i32
        %scan3A_320 = arith.addi %scan3A_318, %scan3A_319 : i32
        %scan3A_321 = arith.constant 1 : i32
        scf.for %scan3A_330 = %scan3A_318 to %scan3A_320 step %scan3A_321  : i32 {
          %mul3A_331 = arith.constant 16 : i32
          %mul3A_332 = arith.muli %scan3A_330, %mul3A_331 : i32
          %add3A_333 = vector.broadcast %mul3A_332 : i32 to vector<16xi32>
          %add3A_334 = arith.addi %iota3A, %add3A_333 : vector<16xi32>
          %gather3A = tpu.vector_load_idx %arg10[%add3A_334, %broadcast_in_dim3A_5] : memref<80x72xf32, #tpu.memory_space<vmem>>[vector<16xi32>, vector<16xi32>], vector<16xf32>,
          %broadcast_in_dim3A_335 = arith.constant 0 : i32
          %broadcast_in_dim3A_336 = vector.broadcast %broadcast_in_dim3A_335 : i32 to vector<16xi32>
          %gather3A_337 = tpu.vector_load_idx %arg13[%add3A_334, %broadcast_in_dim3A_336] : memref<80x8xf32, #tpu.memory_space<vmem>>[vector<16xi32>, vector<16xi32>], vector<16xf32>,
          %add3A_338 = arith.addf %gather3A, %gather3A_337 : vector<16xf32>
          %mul3A_339 = arith.constant 2.000000e-01 : f32
          %mul3A_340 = vector.broadcast %mul3A_339 : f32 to vector<16xf32>
          %mul3A_341 = arith.mulf %mul3A_340, %add3A_338 : vector<16xf32>
          %max3A = arith.maximumf %add3A_338, %mul3A_341 : vector<16xf32>
          %exp3A = math.exp %max3A : vector<16xf32>
          %parallel_loop3A = arith.constant 0 : i32
          %parallel_loop3A_342 = arith.constant 65 : i32
          %parallel_loop3A_343 = arith.constant 1 : i32
          scf.for %parallel_loop3A_344 = %parallel_loop3A to %parallel_loop3A_342 step %parallel_loop3A_343  : i32 {
            %parallel_loop3A_345 = arith.constant 0 : i32
            %parallel_loop3A_346 = vector.broadcast %parallel_loop3A_345 : i32 to vector<16xi32>
            %parallel_loop3A_347 = vector.broadcast %parallel_loop3A_344 : i32 to vector<16xi32>
            %parallel_loop3A_348 = arith.addi %parallel_loop3A_346, %parallel_loop3A_347 : vector<16xi32>
            %parallel_loop3A_349 = tpu.vector_load_idx %arg10[%add3A_334, %parallel_loop3A_348] : memref<80x72xf32, #tpu.memory_space<vmem>>[vector<16xi32>, vector<16xi32>], vector<16xf32>,
            %parallel_loop3A_350 = arith.mulf %parallel_loop3A_349, %exp3A : vector<16xf32>
            tpu.vector_store_idx %arg10[%add3A_334, %parallel_loop3A_348], %parallel_loop3A_350 : memref<80x72xf32, #tpu.memory_space<vmem>>[vector<16xi32>, vector<16xi32>], vector<16xf32>,
          } {sc.loop_unroll_factor = 8 : i64, sc.parallel_access}
        }
        %scan3A_322 = arith.constant 5 : i32
        %dma_start3A_323 = arith.constant 1 : i32
        %dma_start3A_324 = arith.constant 0 : i32
        %dma_start3A_325 = tpu.memref_slice %arg16[%dma_start3A_323, %dma_start3A_324] : memref<2x80xi32, #tpu.memory_space<vmem>> -> memref<1x80xi32, #tpu.memory_space<vmem>>
        %dma_start3A_326 = tpu.memref_squeeze %dma_start3A_325 : memref<1x80xi32, #tpu.memory_space<vmem>> -> memref<80xi32, #tpu.memory_space<vmem>>
        %dma_start3A_327 = arith.constant 0 : i32
        %dma_start3A_328 = arith.constant 0 : i32
        %dma_start3A_329 = tpu.memref_slice %arg7[%dma_start3A_327, %dma_start3A_328] : memref<10000x72xf32, #tpu.memory_space<vmem_shared>> -> memref<10000x72xf32, #tpu.memory_space<vmem_shared>>
        tpu.enqueue_indirect_dma source(%arg10 : memref<80x72xf32, #tpu.memory_space<vmem>>) target(%dma_start3A_329 : memref<10000x72xf32, #tpu.memory_space<vmem_shared>>) offsets(%dma_start3A_326 : memref<80xi32, #tpu.memory_space<vmem>>) semaphore(%arg25 : memref<!tpu.dma_semaphore, #tpu.memory_space<semaphore_mem>>) {add = true}
      } else {
      }
      %mul3A_192 = arith.constant 6 : i32
      %mul3A_193 = arith.muli %mul3A_192, %scan3A_159 : i32
      %add3A_194 = arith.constant 0 : i32
      %add3A_195 = arith.addi %mul3A_193, %add3A_194 : i32
      %add3A_196 = arith.constant 3 : i32
      %add3A_197 = arith.addi %add3A_195, %add3A_196 : i32
      %add3A_198 = arith.constant 0 : i32
      %add3A_199 = arith.addi %add3A_197, %add3A_198 : i32
      %lt3A_200 = arith.constant 125 : i32
      %lt3A_201 = arith.cmpi slt, %add3A_199, %lt3A_200 : i32
      %convert_element_type3A_202 = arith.extui %lt3A_201 : i1 to i32
      %cond3A_203 = arith.constant 0 : i32
      %cond3A_204 = arith.cmpi ne, %convert_element_type3A_202, %cond3A_203 : i32
      scf.if %cond3A_204 {
        %dma_wait3A_303 = arith.constant 1 : i32
        %dma_wait3A_304 = arith.constant 0 : i32
        %dma_wait3A_305 = tpu.memref_slice %arg14[%dma_wait3A_303, %dma_wait3A_304] : memref<2x80xi32, #tpu.memory_space<vmem>> -> memref<1x80xi32, #tpu.memory_space<vmem>>
        %dma_wait3A_306 = tpu.memref_squeeze %dma_wait3A_305 : memref<1x80xi32, #tpu.memory_space<vmem>> -> memref<80xi32, #tpu.memory_space<vmem>>
        %dma_wait3A_307 = arith.constant 0 : i32
        %dma_wait3A_308 = arith.constant 0 : i32
        %dma_wait3A_309 = tpu.memref_slice %arg7[%dma_wait3A_307, %dma_wait3A_308] : memref<10000x72xf32, #tpu.memory_space<vmem_shared>> -> memref<10000x72xf32, #tpu.memory_space<vmem_shared>>
        tpu.wait_indirect_dma semaphore(%arg23 : memref<!tpu.dma_semaphore, #tpu.memory_space<semaphore_mem>>) src(%arg8 : memref<80x72xf32, #tpu.memory_space<vmem>>) dst(%dma_wait3A_309 : memref<10000x72xf32, #tpu.memory_space<vmem_shared>>)
        %dma_wait3A_310 = arith.constant 0 : i32
        %dma_wait3A_311 = arith.constant 0 : i32
        %dma_wait3A_312 = tpu.memref_slice %arg5[%add3A, %add3A_199, %dma_wait3A_310, %dma_wait3A_311] : memref<32x125x2x80xi32, #tpu.memory_space<hbm>> -> memref<1x1x2x80xi32, #tpu.memory_space<hbm>>
        %dma_wait3A_313 = tpu.memref_squeeze %dma_wait3A_312 : memref<1x1x2x80xi32, #tpu.memory_space<hbm>> -> memref<2x80xi32, #tpu.memory_space<hbm>>
        %dma_wait3A_314 = arith.constant 0 : i32
        %dma_wait3A_315 = arith.constant 0 : i32
        %dma_wait3A_316 = tpu.memref_slice %arg5[%add3A, %add3A_199, %dma_wait3A_314, %dma_wait3A_315] : memref<32x125x2x80xi32, #tpu.memory_space<hbm>> -> memref<1x1x2x80xi32, #tpu.memory_space<hbm>>
        %dma_wait3A_317 = tpu.memref_squeeze %dma_wait3A_316 : memref<1x1x2x80xi32, #tpu.memory_space<hbm>> -> memref<2x80xi32, #tpu.memory_space<hbm>>
        tpu.wait_dma2 semaphore(%arg29 : memref<!tpu.dma_semaphore, #tpu.memory_space<semaphore_mem>>) src(%dma_wait3A_317 : memref<2x80xi32, #tpu.memory_space<hbm>>) dst(%arg17 : memref<2x80xi32, #tpu.memory_space<vmem>>)
        %dma_start3A_318 = arith.constant 0 : i32
        %dma_start3A_319 = arith.constant 0 : i32
        %dma_start3A_320 = tpu.memref_slice %arg17[%dma_start3A_318, %dma_start3A_319] : memref<2x80xi32, #tpu.memory_space<vmem>> -> memref<1x80xi32, #tpu.memory_space<vmem>>
        %dma_start3A_321 = tpu.memref_squeeze %dma_start3A_320 : memref<1x80xi32, #tpu.memory_space<vmem>> -> memref<80xi32, #tpu.memory_space<vmem>>
        %dma_start3A_322 = arith.constant 0 : i32
        %dma_start3A_323 = arith.constant 0 : i32
        %dma_start3A_324 = tpu.memref_slice %arg2[%dma_start3A_322, %dma_start3A_323] : memref<10000x72xf32, #tpu.memory_space<hbm>> -> memref<10000x72xf32, #tpu.memory_space<hbm>>
        tpu.enqueue_indirect_dma source(%dma_start3A_324 : memref<10000x72xf32, #tpu.memory_space<hbm>>) target(%arg8 : memref<80x72xf32, #tpu.memory_space<vmem>>) offsets(%dma_start3A_321 : memref<80xi32, #tpu.memory_space<vmem>>) semaphore(%arg20 : memref<!tpu.dma_semaphore, #tpu.memory_space<semaphore_mem>>)
        %dma_start3A_325 = arith.constant 1 : i32
        %dma_start3A_326 = arith.constant 0 : i32
        %dma_start3A_327 = tpu.memref_slice %arg17[%dma_start3A_325, %dma_start3A_326] : memref<2x80xi32, #tpu.memory_space<vmem>> -> memref<1x80xi32, #tpu.memory_space<vmem>>
        %dma_start3A_328 = tpu.memref_squeeze %dma_start3A_327 : memref<1x80xi32, #tpu.memory_space<vmem>> -> memref<80xi32, #tpu.memory_space<vmem>>
        %dma_start3A_329 = arith.constant 0 : i32
        %dma_start3A_330 = arith.constant 0 : i32
        %dma_start3A_331 = tpu.memref_slice %arg4[%dma_start3A_329, %dma_start3A_330] : memref<10000x8xf32, #tpu.memory_space<hbm>> -> memref<10000x8xf32, #tpu.memory_space<hbm>>
        tpu.enqueue_indirect_dma source(%dma_start3A_331 : memref<10000x8xf32, #tpu.memory_space<hbm>>) target(%arg11 : memref<80x8xf32, #tpu.memory_space<vmem>>) offsets(%dma_start3A_328 : memref<80xi32, #tpu.memory_space<vmem>>) semaphore(%arg20 : memref<!tpu.dma_semaphore, #tpu.memory_space<semaphore_mem>>)
        %add3A_332 = arith.constant 3 : i32
        %add3A_333 = arith.addi %add3A_199, %add3A_332 : i32
        %lt3A_334 = arith.constant 125 : i32
        %lt3A_335 = arith.cmpi slt, %add3A_333, %lt3A_334 : i32
        %convert_element_type3A_336 = arith.extui %lt3A_335 : i1 to i32
        %cond3A_337 = arith.constant 0 : i32
        %cond3A_338 = arith.cmpi ne, %convert_element_type3A_336, %cond3A_337 : i32
        scf.if %cond3A_338 {
          %add3A_339 = arith.constant 3 : i32
          %add3A_340 = arith.addi %add3A_199, %add3A_339 : i32
          %dma_start3A_341 = arith.constant 0 : i32
          %dma_start3A_342 = arith.constant 0 : i32
          %dma_start3A_343 = tpu.memref_slice %arg5[%add3A, %add3A_340, %dma_start3A_341, %dma_start3A_342] : memref<32x125x2x80xi32, #tpu.memory_space<hbm>> -> memref<1x1x2x80xi32, #tpu.memory_space<hbm>>
          %dma_start3A_344 = tpu.memref_squeeze %dma_start3A_343 : memref<1x1x2x80xi32, #tpu.memory_space<hbm>> -> memref<2x80xi32, #tpu.memory_space<hbm>>
          %dma_start3A_345 = arith.constant 0 : i32
          %dma_start3A_346 = arith.constant 0 : i32
          %dma_start3A_347 = tpu.memref_slice %arg5[%add3A, %add3A_340, %dma_start3A_345, %dma_start3A_346] : memref<32x125x2x80xi32, #tpu.memory_space<hbm>> -> memref<1x1x2x80xi32, #tpu.memory_space<hbm>>
          %dma_start3A_348 = tpu.memref_squeeze %dma_start3A_347 : memref<1x1x2x80xi32, #tpu.memory_space<hbm>> -> memref<2x80xi32, #tpu.memory_space<hbm>>
          tpu.enqueue_dma source(%dma_start3A_348 : memref<2x80xi32, #tpu.memory_space<hbm>>) target(%arg14 : memref<2x80xi32, #tpu.memory_space<vmem>>) target_semaphore(%arg26 : memref<!tpu.dma_semaphore, #tpu.memory_space<semaphore_mem>>)
        } else {
        }
      } else {
      }
      %mul3A_205 = arith.constant 6 : i32
      %mul3A_206 = arith.muli %mul3A_205, %scan3A_159 : i32
      %add3A_207 = arith.constant 0 : i32
      %add3A_208 = arith.addi %mul3A_206, %add3A_207 : i32
      %add3A_209 = arith.constant 3 : i32
      %add3A_210 = arith.addi %add3A_208, %add3A_209 : i32
      %add3A_211 = arith.constant 1 : i32
      %add3A_212 = arith.addi %add3A_210, %add3A_211 : i32
      %lt3A_213 = arith.constant 125 : i32
      %lt3A_214 = arith.cmpi slt, %add3A_212, %lt3A_213 : i32
      %convert_element_type3A_215 = arith.extui %lt3A_214 : i1 to i32
      %cond3A_216 = arith.constant 0 : i32
      %cond3A_217 = arith.cmpi ne, %convert_element_type3A_215, %cond3A_216 : i32
      scf.if %cond3A_217 {
        %dma_wait3A_303 = arith.constant 1 : i32
        %dma_wait3A_304 = arith.constant 0 : i32
        %dma_wait3A_305 = tpu.memref_slice %arg15[%dma_wait3A_303, %dma_wait3A_304] : memref<2x80xi32, #tpu.memory_space<vmem>> -> memref<1x80xi32, #tpu.memory_space<vmem>>
        %dma_wait3A_306 = tpu.memref_squeeze %dma_wait3A_305 : memref<1x80xi32, #tpu.memory_space<vmem>> -> memref<80xi32, #tpu.memory_space<vmem>>
        %dma_wait3A_307 = arith.constant 0 : i32
        %dma_wait3A_308 = arith.constant 0 : i32
        %dma_wait3A_309 = tpu.memref_slice %arg7[%dma_wait3A_307, %dma_wait3A_308] : memref<10000x72xf32, #tpu.memory_space<vmem_shared>> -> memref<10000x72xf32, #tpu.memory_space<vmem_shared>>
        tpu.wait_indirect_dma semaphore(%arg24 : memref<!tpu.dma_semaphore, #tpu.memory_space<semaphore_mem>>) src(%arg9 : memref<80x72xf32, #tpu.memory_space<vmem>>) dst(%dma_wait3A_309 : memref<10000x72xf32, #tpu.memory_space<vmem_shared>>)
        %dma_wait3A_310 = arith.constant 0 : i32
        %dma_wait3A_311 = arith.constant 0 : i32
        %dma_wait3A_312 = tpu.memref_slice %arg5[%add3A, %add3A_212, %dma_wait3A_310, %dma_wait3A_311] : memref<32x125x2x80xi32, #tpu.memory_space<hbm>> -> memref<1x1x2x80xi32, #tpu.memory_space<hbm>>
        %dma_wait3A_313 = tpu.memref_squeeze %dma_wait3A_312 : memref<1x1x2x80xi32, #tpu.memory_space<hbm>> -> memref<2x80xi32, #tpu.memory_space<hbm>>
        %dma_wait3A_314 = arith.constant 0 : i32
        %dma_wait3A_315 = arith.constant 0 : i32
        %dma_wait3A_316 = tpu.memref_slice %arg5[%add3A, %add3A_212, %dma_wait3A_314, %dma_wait3A_315] : memref<32x125x2x80xi32, #tpu.memory_space<hbm>> -> memref<1x1x2x80xi32, #tpu.memory_space<hbm>>
        %dma_wait3A_317 = tpu.memref_squeeze %dma_wait3A_316 : memref<1x1x2x80xi32, #tpu.memory_space<hbm>> -> memref<2x80xi32, #tpu.memory_space<hbm>>
        tpu.wait_dma2 semaphore(%arg30 : memref<!tpu.dma_semaphore, #tpu.memory_space<semaphore_mem>>) src(%dma_wait3A_317 : memref<2x80xi32, #tpu.memory_space<hbm>>) dst(%arg18 : memref<2x80xi32, #tpu.memory_space<vmem>>)
        %dma_start3A_318 = arith.constant 0 : i32
        %dma_start3A_319 = arith.constant 0 : i32
        %dma_start3A_320 = tpu.memref_slice %arg18[%dma_start3A_318, %dma_start3A_319] : memref<2x80xi32, #tpu.memory_space<vmem>> -> memref<1x80xi32, #tpu.memory_space<vmem>>
        %dma_start3A_321 = tpu.memref_squeeze %dma_start3A_320 : memref<1x80xi32, #tpu.memory_space<vmem>> -> memref<80xi32, #tpu.memory_space<vmem>>
        %dma_start3A_322 = arith.constant 0 : i32
        %dma_start3A_323 = arith.constant 0 : i32
        %dma_start3A_324 = tpu.memref_slice %arg2[%dma_start3A_322, %dma_start3A_323] : memref<10000x72xf32, #tpu.memory_space<hbm>> -> memref<10000x72xf32, #tpu.memory_space<hbm>>
        tpu.enqueue_indirect_dma source(%dma_start3A_324 : memref<10000x72xf32, #tpu.memory_space<hbm>>) target(%arg9 : memref<80x72xf32, #tpu.memory_space<vmem>>) offsets(%dma_start3A_321 : memref<80xi32, #tpu.memory_space<vmem>>) semaphore(%arg21 : memref<!tpu.dma_semaphore, #tpu.memory_space<semaphore_mem>>)
        %dma_start3A_325 = arith.constant 1 : i32
        %dma_start3A_326 = arith.constant 0 : i32
        %dma_start3A_327 = tpu.memref_slice %arg18[%dma_start3A_325, %dma_start3A_326] : memref<2x80xi32, #tpu.memory_space<vmem>> -> memref<1x80xi32, #tpu.memory_space<vmem>>
        %dma_start3A_328 = tpu.memref_squeeze %dma_start3A_327 : memref<1x80xi32, #tpu.memory_space<vmem>> -> memref<80xi32, #tpu.memory_space<vmem>>
        %dma_start3A_329 = arith.constant 0 : i32
        %dma_start3A_330 = arith.constant 0 : i32
        %dma_start3A_331 = tpu.memref_slice %arg4[%dma_start3A_329, %dma_start3A_330] : memref<10000x8xf32, #tpu.memory_space<hbm>> -> memref<10000x8xf32, #tpu.memory_space<hbm>>
        tpu.enqueue_indirect_dma source(%dma_start3A_331 : memref<10000x8xf32, #tpu.memory_space<hbm>>) target(%arg12 : memref<80x8xf32, #tpu.memory_space<vmem>>) offsets(%dma_start3A_328 : memref<80xi32, #tpu.memory_space<vmem>>) semaphore(%arg21 : memref<!tpu.dma_semaphore, #tpu.memory_space<semaphore_mem>>)
        %add3A_332 = arith.constant 3 : i32
        %add3A_333 = arith.addi %add3A_212, %add3A_332 : i32
        %lt3A_334 = arith.constant 125 : i32
        %lt3A_335 = arith.cmpi slt, %add3A_333, %lt3A_334 : i32
        %convert_element_type3A_336 = arith.extui %lt3A_335 : i1 to i32
        %cond3A_337 = arith.constant 0 : i32
        %cond3A_338 = arith.cmpi ne, %convert_element_type3A_336, %cond3A_337 : i32
        scf.if %cond3A_338 {
          %add3A_339 = arith.constant 3 : i32
          %add3A_340 = arith.addi %add3A_212, %add3A_339 : i32
          %dma_start3A_341 = arith.constant 0 : i32
          %dma_start3A_342 = arith.constant 0 : i32
          %dma_start3A_343 = tpu.memref_slice %arg5[%add3A, %add3A_340, %dma_start3A_341, %dma_start3A_342] : memref<32x125x2x80xi32, #tpu.memory_space<hbm>> -> memref<1x1x2x80xi32, #tpu.memory_space<hbm>>
          %dma_start3A_344 = tpu.memref_squeeze %dma_start3A_343 : memref<1x1x2x80xi32, #tpu.memory_space<hbm>> -> memref<2x80xi32, #tpu.memory_space<hbm>>
          %dma_start3A_345 = arith.constant 0 : i32
          %dma_start3A_346 = arith.constant 0 : i32
          %dma_start3A_347 = tpu.memref_slice %arg5[%add3A, %add3A_340, %dma_start3A_345, %dma_start3A_346] : memref<32x125x2x80xi32, #tpu.memory_space<hbm>> -> memref<1x1x2x80xi32, #tpu.memory_space<hbm>>
          %dma_start3A_348 = tpu.memref_squeeze %dma_start3A_347 : memref<1x1x2x80xi32, #tpu.memory_space<hbm>> -> memref<2x80xi32, #tpu.memory_space<hbm>>
          tpu.enqueue_dma source(%dma_start3A_348 : memref<2x80xi32, #tpu.memory_space<hbm>>) target(%arg15 : memref<2x80xi32, #tpu.memory_space<vmem>>) target_semaphore(%arg27 : memref<!tpu.dma_semaphore, #tpu.memory_space<semaphore_mem>>)
        } else {
        }
      } else {
      }
      %mul3A_218 = arith.constant 6 : i32
      %mul3A_219 = arith.muli %mul3A_218, %scan3A_159 : i32
      %add3A_220 = arith.constant 0 : i32
      %add3A_221 = arith.addi %mul3A_219, %add3A_220 : i32
      %add3A_222 = arith.constant 3 : i32
      %add3A_223 = arith.addi %add3A_221, %add3A_222 : i32
      %add3A_224 = arith.constant 2 : i32
      %add3A_225 = arith.addi %add3A_223, %add3A_224 : i32
      %lt3A_226 = arith.constant 125 : i32
      %lt3A_227 = arith.cmpi slt, %add3A_225, %lt3A_226 : i32
      %convert_element_type3A_228 = arith.extui %lt3A_227 : i1 to i32
      %cond3A_229 = arith.constant 0 : i32
      %cond3A_230 = arith.cmpi ne, %convert_element_type3A_228, %cond3A_229 : i32
      scf.if %cond3A_230 {
        %dma_wait3A_303 = arith.constant 1 : i32
        %dma_wait3A_304 = arith.constant 0 : i32
        %dma_wait3A_305 = tpu.memref_slice %arg16[%dma_wait3A_303, %dma_wait3A_304] : memref<2x80xi32, #tpu.memory_space<vmem>> -> memref<1x80xi32, #tpu.memory_space<vmem>>
        %dma_wait3A_306 = tpu.memref_squeeze %dma_wait3A_305 : memref<1x80xi32, #tpu.memory_space<vmem>> -> memref<80xi32, #tpu.memory_space<vmem>>
        %dma_wait3A_307 = arith.constant 0 : i32
        %dma_wait3A_308 = arith.constant 0 : i32
        %dma_wait3A_309 = tpu.memref_slice %arg7[%dma_wait3A_307, %dma_wait3A_308] : memref<10000x72xf32, #tpu.memory_space<vmem_shared>> -> memref<10000x72xf32, #tpu.memory_space<vmem_shared>>
        tpu.wait_indirect_dma semaphore(%arg25 : memref<!tpu.dma_semaphore, #tpu.memory_space<semaphore_mem>>) src(%arg10 : memref<80x72xf32, #tpu.memory_space<vmem>>) dst(%dma_wait3A_309 : memref<10000x72xf32, #tpu.memory_space<vmem_shared>>)
        %dma_wait3A_310 = arith.constant 0 : i32
        %dma_wait3A_311 = arith.constant 0 : i32
        %dma_wait3A_312 = tpu.memref_slice %arg5[%add3A, %add3A_225, %dma_wait3A_310, %dma_wait3A_311] : memref<32x125x2x80xi32, #tpu.memory_space<hbm>> -> memref<1x1x2x80xi32, #tpu.memory_space<hbm>>
        %dma_wait3A_313 = tpu.memref_squeeze %dma_wait3A_312 : memref<1x1x2x80xi32, #tpu.memory_space<hbm>> -> memref<2x80xi32, #tpu.memory_space<hbm>>
        %dma_wait3A_314 = arith.constant 0 : i32
        %dma_wait3A_315 = arith.constant 0 : i32
        %dma_wait3A_316 = tpu.memref_slice %arg5[%add3A, %add3A_225, %dma_wait3A_314, %dma_wait3A_315] : memref<32x125x2x80xi32, #tpu.memory_space<hbm>> -> memref<1x1x2x80xi32, #tpu.memory_space<hbm>>
        %dma_wait3A_317 = tpu.memref_squeeze %dma_wait3A_316 : memref<1x1x2x80xi32, #tpu.memory_space<hbm>> -> memref<2x80xi32, #tpu.memory_space<hbm>>
        tpu.wait_dma2 semaphore(%arg31 : memref<!tpu.dma_semaphore, #tpu.memory_space<semaphore_mem>>) src(%dma_wait3A_317 : memref<2x80xi32, #tpu.memory_space<hbm>>) dst(%arg19 : memref<2x80xi32, #tpu.memory_space<vmem>>)
        %dma_start3A_318 = arith.constant 0 : i32
        %dma_start3A_319 = arith.constant 0 : i32
        %dma_start3A_320 = tpu.memref_slice %arg19[%dma_start3A_318, %dma_start3A_319] : memref<2x80xi32, #tpu.memory_space<vmem>> -> memref<1x80xi32, #tpu.memory_space<vmem>>
        %dma_start3A_321 = tpu.memref_squeeze %dma_start3A_320 : memref<1x80xi32, #tpu.memory_space<vmem>> -> memref<80xi32, #tpu.memory_space<vmem>>
        %dma_start3A_322 = arith.constant 0 : i32
        %dma_start3A_323 = arith.constant 0 : i32
        %dma_start3A_324 = tpu.memref_slice %arg2[%dma_start3A_322, %dma_start3A_323] : memref<10000x72xf32, #tpu.memory_space<hbm>> -> memref<10000x72xf32, #tpu.memory_space<hbm>>
        tpu.enqueue_indirect_dma source(%dma_start3A_324 : memref<10000x72xf32, #tpu.memory_space<hbm>>) target(%arg10 : memref<80x72xf32, #tpu.memory_space<vmem>>) offsets(%dma_start3A_321 : memref<80xi32, #tpu.memory_space<vmem>>) semaphore(%arg22 : memref<!tpu.dma_semaphore, #tpu.memory_space<semaphore_mem>>)
        %dma_start3A_325 = arith.constant 1 : i32
        %dma_start3A_326 = arith.constant 0 : i32
        %dma_start3A_327 = tpu.memref_slice %arg19[%dma_start3A_325, %dma_start3A_326] : memref<2x80xi32, #tpu.memory_space<vmem>> -> memref<1x80xi32, #tpu.memory_space<vmem>>
        %dma_start3A_328 = tpu.memref_squeeze %dma_start3A_327 : memref<1x80xi32, #tpu.memory_space<vmem>> -> memref<80xi32, #tpu.memory_space<vmem>>
        %dma_start3A_329 = arith.constant 0 : i32
        %dma_start3A_330 = arith.constant 0 : i32
        %dma_start3A_331 = tpu.memref_slice %arg4[%dma_start3A_329, %dma_start3A_330] : memref<10000x8xf32, #tpu.memory_space<hbm>> -> memref<10000x8xf32, #tpu.memory_space<hbm>>
        tpu.enqueue_indirect_dma source(%dma_start3A_331 : memref<10000x8xf32, #tpu.memory_space<hbm>>) target(%arg13 : memref<80x8xf32, #tpu.memory_space<vmem>>) offsets(%dma_start3A_328 : memref<80xi32, #tpu.memory_space<vmem>>) semaphore(%arg22 : memref<!tpu.dma_semaphore, #tpu.memory_space<semaphore_mem>>)
        %add3A_332 = arith.constant 3 : i32
        %add3A_333 = arith.addi %add3A_225, %add3A_332 : i32
        %lt3A_334 = arith.constant 125 : i32
        %lt3A_335 = arith.cmpi slt, %add3A_333, %lt3A_334 : i32
        %convert_element_type3A_336 = arith.extui %lt3A_335 : i1 to i32
        %cond3A_337 = arith.constant 0 : i32
        %cond3A_338 = arith.cmpi ne, %convert_element_type3A_336, %cond3A_337 : i32
        scf.if %cond3A_338 {
          %add3A_339 = arith.constant 3 : i32
          %add3A_340 = arith.addi %add3A_225, %add3A_339 : i32
          %dma_start3A_341 = arith.constant 0 : i32
          %dma_start3A_342 = arith.constant 0 : i32
          %dma_start3A_343 = tpu.memref_slice %arg5[%add3A, %add3A_340, %dma_start3A_341, %dma_start3A_342] : memref<32x125x2x80xi32, #tpu.memory_space<hbm>> -> memref<1x1x2x80xi32, #tpu.memory_space<hbm>>
          %dma_start3A_344 = tpu.memref_squeeze %dma_start3A_343 : memref<1x1x2x80xi32, #tpu.memory_space<hbm>> -> memref<2x80xi32, #tpu.memory_space<hbm>>
          %dma_start3A_345 = arith.constant 0 : i32
          %dma_start3A_346 = arith.constant 0 : i32
          %dma_start3A_347 = tpu.memref_slice %arg5[%add3A, %add3A_340, %dma_start3A_345, %dma_start3A_346] : memref<32x125x2x80xi32, #tpu.memory_space<hbm>> -> memref<1x1x2x80xi32, #tpu.memory_space<hbm>>
          %dma_start3A_348 = tpu.memref_squeeze %dma_start3A_347 : memref<1x1x2x80xi32, #tpu.memory_space<hbm>> -> memref<2x80xi32, #tpu.memory_space<hbm>>
          tpu.enqueue_dma source(%dma_start3A_348 : memref<2x80xi32, #tpu.memory_space<hbm>>) target(%arg16 : memref<2x80xi32, #tpu.memory_space<vmem>>) target_semaphore(%arg28 : memref<!tpu.dma_semaphore, #tpu.memory_space<semaphore_mem>>)
        } else {
        }
      } else {
      }
      %mul3A_231 = arith.constant 6 : i32
      %mul3A_232 = arith.muli %mul3A_231, %scan3A_159 : i32
      %add3A_233 = arith.constant 3 : i32
      %add3A_234 = arith.addi %mul3A_232, %add3A_233 : i32
      %add3A_235 = arith.constant 0 : i32
      %add3A_236 = arith.addi %add3A_234, %add3A_235 : i32
      %lt3A_237 = arith.constant 125 : i32
      %lt3A_238 = arith.cmpi slt, %add3A_236, %lt3A_237 : i32
      %convert_element_type3A_239 = arith.extui %lt3A_238 : i1 to i32
      %cond3A_240 = arith.constant 0 : i32
      %cond3A_241 = arith.cmpi ne, %convert_element_type3A_239, %cond3A_240 : i32
      scf.if %cond3A_241 {
        %dma_wait3A_303 = arith.constant 0 : i32
        %dma_wait3A_304 = arith.constant 0 : i32
        %dma_wait3A_305 = tpu.memref_slice %arg17[%dma_wait3A_303, %dma_wait3A_304] : memref<2x80xi32, #tpu.memory_space<vmem>> -> memref<1x80xi32, #tpu.memory_space<vmem>>
        %dma_wait3A_306 = tpu.memref_squeeze %dma_wait3A_305 : memref<1x80xi32, #tpu.memory_space<vmem>> -> memref<80xi32, #tpu.memory_space<vmem>>
        %dma_wait3A_307 = arith.constant 0 : i32
        %dma_wait3A_308 = arith.constant 0 : i32
        %dma_wait3A_309 = tpu.memref_slice %arg2[%dma_wait3A_307, %dma_wait3A_308] : memref<10000x72xf32, #tpu.memory_space<hbm>> -> memref<10000x72xf32, #tpu.memory_space<hbm>>
        tpu.wait_indirect_dma semaphore(%arg20 : memref<!tpu.dma_semaphore, #tpu.memory_space<semaphore_mem>>) src(%dma_wait3A_309 : memref<10000x72xf32, #tpu.memory_space<hbm>>) dst(%arg8 : memref<80x72xf32, #tpu.memory_space<vmem>>)
        %dma_wait3A_310 = arith.constant 1 : i32
        %dma_wait3A_311 = arith.constant 0 : i32
        %dma_wait3A_312 = tpu.memref_slice %arg17[%dma_wait3A_310, %dma_wait3A_311] : memref<2x80xi32, #tpu.memory_space<vmem>> -> memref<1x80xi32, #tpu.memory_space<vmem>>
        %dma_wait3A_313 = tpu.memref_squeeze %dma_wait3A_312 : memref<1x80xi32, #tpu.memory_space<vmem>> -> memref<80xi32, #tpu.memory_space<vmem>>
        %dma_wait3A_314 = arith.constant 0 : i32
        %dma_wait3A_315 = arith.constant 0 : i32
        %dma_wait3A_316 = tpu.memref_slice %arg4[%dma_wait3A_314, %dma_wait3A_315] : memref<10000x8xf32, #tpu.memory_space<hbm>> -> memref<10000x8xf32, #tpu.memory_space<hbm>>
        tpu.wait_indirect_dma semaphore(%arg20 : memref<!tpu.dma_semaphore, #tpu.memory_space<semaphore_mem>>) src(%dma_wait3A_316 : memref<10000x8xf32, #tpu.memory_space<hbm>>) dst(%arg11 : memref<80x8xf32, #tpu.memory_space<vmem>>)
        %scan3A_317 = arith.constant 0 : i32
        %scan3A_318 = arith.constant 0 : i32
        %scan3A_319 = arith.constant 5 : i32
        %scan3A_320 = arith.addi %scan3A_318, %scan3A_319 : i32
        %scan3A_321 = arith.constant 1 : i32
        scf.for %scan3A_330 = %scan3A_318 to %scan3A_320 step %scan3A_321  : i32 {
          %mul3A_331 = arith.constant 16 : i32
          %mul3A_332 = arith.muli %scan3A_330, %mul3A_331 : i32
          %add3A_333 = vector.broadcast %mul3A_332 : i32 to vector<16xi32>
          %add3A_334 = arith.addi %iota3A, %add3A_333 : vector<16xi32>
          %gather3A = tpu.vector_load_idx %arg8[%add3A_334, %broadcast_in_dim3A_5] : memref<80x72xf32, #tpu.memory_space<vmem>>[vector<16xi32>, vector<16xi32>], vector<16xf32>,
          %broadcast_in_dim3A_335 = arith.constant 0 : i32
          %broadcast_in_dim3A_336 = vector.broadcast %broadcast_in_dim3A_335 : i32 to vector<16xi32>
          %gather3A_337 = tpu.vector_load_idx %arg11[%add3A_334, %broadcast_in_dim3A_336] : memref<80x8xf32, #tpu.memory_space<vmem>>[vector<16xi32>, vector<16xi32>], vector<16xf32>,
          %add3A_338 = arith.addf %gather3A, %gather3A_337 : vector<16xf32>
          %mul3A_339 = arith.constant 2.000000e-01 : f32
          %mul3A_340 = vector.broadcast %mul3A_339 : f32 to vector<16xf32>
          %mul3A_341 = arith.mulf %mul3A_340, %add3A_338 : vector<16xf32>
          %max3A = arith.maximumf %add3A_338, %mul3A_341 : vector<16xf32>
          %exp3A = math.exp %max3A : vector<16xf32>
          %parallel_loop3A = arith.constant 0 : i32
          %parallel_loop3A_342 = arith.constant 65 : i32
          %parallel_loop3A_343 = arith.constant 1 : i32
          scf.for %parallel_loop3A_344 = %parallel_loop3A to %parallel_loop3A_342 step %parallel_loop3A_343  : i32 {
            %parallel_loop3A_345 = arith.constant 0 : i32
            %parallel_loop3A_346 = vector.broadcast %parallel_loop3A_345 : i32 to vector<16xi32>
            %parallel_loop3A_347 = vector.broadcast %parallel_loop3A_344 : i32 to vector<16xi32>
            %parallel_loop3A_348 = arith.addi %parallel_loop3A_346, %parallel_loop3A_347 : vector<16xi32>
            %parallel_loop3A_349 = tpu.vector_load_idx %arg8[%add3A_334, %parallel_loop3A_348] : memref<80x72xf32, #tpu.memory_space<vmem>>[vector<16xi32>, vector<16xi32>], vector<16xf32>,
            %parallel_loop3A_350 = arith.mulf %parallel_loop3A_349, %exp3A : vector<16xf32>
            tpu.vector_store_idx %arg8[%add3A_334, %parallel_loop3A_348], %parallel_loop3A_350 : memref<80x72xf32, #tpu.memory_space<vmem>>[vector<16xi32>, vector<16xi32>], vector<16xf32>,
          } {sc.loop_unroll_factor = 8 : i64, sc.parallel_access}
        }
        %scan3A_322 = arith.constant 5 : i32
        %dma_start3A_323 = arith.constant 1 : i32
        %dma_start3A_324 = arith.constant 0 : i32
        %dma_start3A_325 = tpu.memref_slice %arg17[%dma_start3A_323, %dma_start3A_324] : memref<2x80xi32, #tpu.memory_space<vmem>> -> memref<1x80xi32, #tpu.memory_space<vmem>>
        %dma_start3A_326 = tpu.memref_squeeze %dma_start3A_325 : memref<1x80xi32, #tpu.memory_space<vmem>> -> memref<80xi32, #tpu.memory_space<vmem>>
        %dma_start3A_327 = arith.constant 0 : i32
        %dma_start3A_328 = arith.constant 0 : i32
        %dma_start3A_329 = tpu.memref_slice %arg7[%dma_start3A_327, %dma_start3A_328] : memref<10000x72xf32, #tpu.memory_space<vmem_shared>> -> memref<10000x72xf32, #tpu.memory_space<vmem_shared>>
        tpu.enqueue_indirect_dma source(%arg8 : memref<80x72xf32, #tpu.memory_space<vmem>>) target(%dma_start3A_329 : memref<10000x72xf32, #tpu.memory_space<vmem_shared>>) offsets(%dma_start3A_326 : memref<80xi32, #tpu.memory_space<vmem>>) semaphore(%arg23 : memref<!tpu.dma_semaphore, #tpu.memory_space<semaphore_mem>>) {add = true}
      } else {
      }
      %mul3A_242 = arith.constant 6 : i32
      %mul3A_243 = arith.muli %mul3A_242, %scan3A_159 : i32
      %add3A_244 = arith.constant 3 : i32
      %add3A_245 = arith.addi %mul3A_243, %add3A_244 : i32
      %add3A_246 = arith.constant 1 : i32
      %add3A_247 = arith.addi %add3A_245, %add3A_246 : i32
      %lt3A_248 = arith.constant 125 : i32
      %lt3A_249 = arith.cmpi slt, %add3A_247, %lt3A_248 : i32
      %convert_element_type3A_250 = arith.extui %lt3A_249 : i1 to i32
      %cond3A_251 = arith.constant 0 : i32
      %cond3A_252 = arith.cmpi ne, %convert_element_type3A_250, %cond3A_251 : i32
      scf.if %cond3A_252 {
        %dma_wait3A_303 = arith.constant 0 : i32
        %dma_wait3A_304 = arith.constant 0 : i32
        %dma_wait3A_305 = tpu.memref_slice %arg18[%dma_wait3A_303, %dma_wait3A_304] : memref<2x80xi32, #tpu.memory_space<vmem>> -> memref<1x80xi32, #tpu.memory_space<vmem>>
        %dma_wait3A_306 = tpu.memref_squeeze %dma_wait3A_305 : memref<1x80xi32, #tpu.memory_space<vmem>> -> memref<80xi32, #tpu.memory_space<vmem>>
        %dma_wait3A_307 = arith.constant 0 : i32
        %dma_wait3A_308 = arith.constant 0 : i32
        %dma_wait3A_309 = tpu.memref_slice %arg2[%dma_wait3A_307, %dma_wait3A_308] : memref<10000x72xf32, #tpu.memory_space<hbm>> -> memref<10000x72xf32, #tpu.memory_space<hbm>>
        tpu.wait_indirect_dma semaphore(%arg21 : memref<!tpu.dma_semaphore, #tpu.memory_space<semaphore_mem>>) src(%dma_wait3A_309 : memref<10000x72xf32, #tpu.memory_space<hbm>>) dst(%arg9 : memref<80x72xf32, #tpu.memory_space<vmem>>)
        %dma_wait3A_310 = arith.constant 1 : i32
        %dma_wait3A_311 = arith.constant 0 : i32
        %dma_wait3A_312 = tpu.memref_slice %arg18[%dma_wait3A_310, %dma_wait3A_311] : memref<2x80xi32, #tpu.memory_space<vmem>> -> memref<1x80xi32, #tpu.memory_space<vmem>>
        %dma_wait3A_313 = tpu.memref_squeeze %dma_wait3A_312 : memref<1x80xi32, #tpu.memory_space<vmem>> -> memref<80xi32, #tpu.memory_space<vmem>>
        %dma_wait3A_314 = arith.constant 0 : i32
        %dma_wait3A_315 = arith.constant 0 : i32
        %dma_wait3A_316 = tpu.memref_slice %arg4[%dma_wait3A_314, %dma_wait3A_315] : memref<10000x8xf32, #tpu.memory_space<hbm>> -> memref<10000x8xf32, #tpu.memory_space<hbm>>
        tpu.wait_indirect_dma semaphore(%arg21 : memref<!tpu.dma_semaphore, #tpu.memory_space<semaphore_mem>>) src(%dma_wait3A_316 : memref<10000x8xf32, #tpu.memory_space<hbm>>) dst(%arg12 : memref<80x8xf32, #tpu.memory_space<vmem>>)
        %scan3A_317 = arith.constant 0 : i32
        %scan3A_318 = arith.constant 0 : i32
        %scan3A_319 = arith.constant 5 : i32
        %scan3A_320 = arith.addi %scan3A_318, %scan3A_319 : i32
        %scan3A_321 = arith.constant 1 : i32
        scf.for %scan3A_330 = %scan3A_318 to %scan3A_320 step %scan3A_321  : i32 {
          %mul3A_331 = arith.constant 16 : i32
          %mul3A_332 = arith.muli %scan3A_330, %mul3A_331 : i32
          %add3A_333 = vector.broadcast %mul3A_332 : i32 to vector<16xi32>
          %add3A_334 = arith.addi %iota3A, %add3A_333 : vector<16xi32>
          %gather3A = tpu.vector_load_idx %arg9[%add3A_334, %broadcast_in_dim3A_5] : memref<80x72xf32, #tpu.memory_space<vmem>>[vector<16xi32>, vector<16xi32>], vector<16xf32>,
          %broadcast_in_dim3A_335 = arith.constant 0 : i32
          %broadcast_in_dim3A_336 = vector.broadcast %broadcast_in_dim3A_335 : i32 to vector<16xi32>
          %gather3A_337 = tpu.vector_load_idx %arg12[%add3A_334, %broadcast_in_dim3A_336] : memref<80x8xf32, #tpu.memory_space<vmem>>[vector<16xi32>, vector<16xi32>], vector<16xf32>,
          %add3A_338 = arith.addf %gather3A, %gather3A_337 : vector<16xf32>
          %mul3A_339 = arith.constant 2.000000e-01 : f32
          %mul3A_340 = vector.broadcast %mul3A_339 : f32 to vector<16xf32>
          %mul3A_341 = arith.mulf %mul3A_340, %add3A_338 : vector<16xf32>
          %max3A = arith.maximumf %add3A_338, %mul3A_341 : vector<16xf32>
          %exp3A = math.exp %max3A : vector<16xf32>
          %parallel_loop3A = arith.constant 0 : i32
          %parallel_loop3A_342 = arith.constant 65 : i32
          %parallel_loop3A_343 = arith.constant 1 : i32
          scf.for %parallel_loop3A_344 = %parallel_loop3A to %parallel_loop3A_342 step %parallel_loop3A_343  : i32 {
            %parallel_loop3A_345 = arith.constant 0 : i32
            %parallel_loop3A_346 = vector.broadcast %parallel_loop3A_345 : i32 to vector<16xi32>
            %parallel_loop3A_347 = vector.broadcast %parallel_loop3A_344 : i32 to vector<16xi32>
            %parallel_loop3A_348 = arith.addi %parallel_loop3A_346, %parallel_loop3A_347 : vector<16xi32>
            %parallel_loop3A_349 = tpu.vector_load_idx %arg9[%add3A_334, %parallel_loop3A_348] : memref<80x72xf32, #tpu.memory_space<vmem>>[vector<16xi32>, vector<16xi32>], vector<16xf32>,
            %parallel_loop3A_350 = arith.mulf %parallel_loop3A_349, %exp3A : vector<16xf32>
            tpu.vector_store_idx %arg9[%add3A_334, %parallel_loop3A_348], %parallel_loop3A_350 : memref<80x72xf32, #tpu.memory_space<vmem>>[vector<16xi32>, vector<16xi32>], vector<16xf32>,
          } {sc.loop_unroll_factor = 8 : i64, sc.parallel_access}
        }
        %scan3A_322 = arith.constant 5 : i32
        %dma_start3A_323 = arith.constant 1 : i32
        %dma_start3A_324 = arith.constant 0 : i32
        %dma_start3A_325 = tpu.memref_slice %arg18[%dma_start3A_323, %dma_start3A_324] : memref<2x80xi32, #tpu.memory_space<vmem>> -> memref<1x80xi32, #tpu.memory_space<vmem>>
        %dma_start3A_326 = tpu.memref_squeeze %dma_start3A_325 : memref<1x80xi32, #tpu.memory_space<vmem>> -> memref<80xi32, #tpu.memory_space<vmem>>
        %dma_start3A_327 = arith.constant 0 : i32
        %dma_start3A_328 = arith.constant 0 : i32
        %dma_start3A_329 = tpu.memref_slice %arg7[%dma_start3A_327, %dma_start3A_328] : memref<10000x72xf32, #tpu.memory_space<vmem_shared>> -> memref<10000x72xf32, #tpu.memory_space<vmem_shared>>
        tpu.enqueue_indirect_dma source(%arg9 : memref<80x72xf32, #tpu.memory_space<vmem>>) target(%dma_start3A_329 : memref<10000x72xf32, #tpu.memory_space<vmem_shared>>) offsets(%dma_start3A_326 : memref<80xi32, #tpu.memory_space<vmem>>) semaphore(%arg24 : memref<!tpu.dma_semaphore, #tpu.memory_space<semaphore_mem>>) {add = true}
      } else {
      }
      %mul3A_253 = arith.constant 6 : i32
      %mul3A_254 = arith.muli %mul3A_253, %scan3A_159 : i32
      %add3A_255 = arith.constant 3 : i32
      %add3A_256 = arith.addi %mul3A_254, %add3A_255 : i32
      %add3A_257 = arith.constant 2 : i32
      %add3A_258 = arith.addi %add3A_256, %add3A_257 : i32
      %lt3A_259 = arith.constant 125 : i32
      %lt3A_260 = arith.cmpi slt, %add3A_258, %lt3A_259 : i32
      %convert_element_type3A_261 = arith.extui %lt3A_260 : i1 to i32
      %cond3A_262 = arith.constant 0 : i32
      %cond3A_263 = arith.cmpi ne, %convert_element_type3A_261, %cond3A_262 : i32
      scf.if %cond3A_263 {
        %dma_wait3A_303 = arith.constant 0 : i32
        %dma_wait3A_304 = arith.constant 0 : i32
        %dma_wait3A_305 = tpu.memref_slice %arg19[%dma_wait3A_303, %dma_wait3A_304] : memref<2x80xi32, #tpu.memory_space<vmem>> -> memref<1x80xi32, #tpu.memory_space<vmem>>
        %dma_wait3A_306 = tpu.memref_squeeze %dma_wait3A_305 : memref<1x80xi32, #tpu.memory_space<vmem>> -> memref<80xi32, #tpu.memory_space<vmem>>
        %dma_wait3A_307 = arith.constant 0 : i32
        %dma_wait3A_308 = arith.constant 0 : i32
        %dma_wait3A_309 = tpu.memref_slice %arg2[%dma_wait3A_307, %dma_wait3A_308] : memref<10000x72xf32, #tpu.memory_space<hbm>> -> memref<10000x72xf32, #tpu.memory_space<hbm>>
        tpu.wait_indirect_dma semaphore(%arg22 : memref<!tpu.dma_semaphore, #tpu.memory_space<semaphore_mem>>) src(%dma_wait3A_309 : memref<10000x72xf32, #tpu.memory_space<hbm>>) dst(%arg10 : memref<80x72xf32, #tpu.memory_space<vmem>>)
        %dma_wait3A_310 = arith.constant 1 : i32
        %dma_wait3A_311 = arith.constant 0 : i32
        %dma_wait3A_312 = tpu.memref_slice %arg19[%dma_wait3A_310, %dma_wait3A_311] : memref<2x80xi32, #tpu.memory_space<vmem>> -> memref<1x80xi32, #tpu.memory_space<vmem>>
        %dma_wait3A_313 = tpu.memref_squeeze %dma_wait3A_312 : memref<1x80xi32, #tpu.memory_space<vmem>> -> memref<80xi32, #tpu.memory_space<vmem>>
        %dma_wait3A_314 = arith.constant 0 : i32
        %dma_wait3A_315 = arith.constant 0 : i32
        %dma_wait3A_316 = tpu.memref_slice %arg4[%dma_wait3A_314, %dma_wait3A_315] : memref<10000x8xf32, #tpu.memory_space<hbm>> -> memref<10000x8xf32, #tpu.memory_space<hbm>>
        tpu.wait_indirect_dma semaphore(%arg22 : memref<!tpu.dma_semaphore, #tpu.memory_space<semaphore_mem>>) src(%dma_wait3A_316 : memref<10000x8xf32, #tpu.memory_space<hbm>>) dst(%arg13 : memref<80x8xf32, #tpu.memory_space<vmem>>)
        %scan3A_317 = arith.constant 0 : i32
        %scan3A_318 = arith.constant 0 : i32
        %scan3A_319 = arith.constant 5 : i32
        %scan3A_320 = arith.addi %scan3A_318, %scan3A_319 : i32
        %scan3A_321 = arith.constant 1 : i32
        scf.for %scan3A_330 = %scan3A_318 to %scan3A_320 step %scan3A_321  : i32 {
          %mul3A_331 = arith.constant 16 : i32
          %mul3A_332 = arith.muli %scan3A_330, %mul3A_331 : i32
          %add3A_333 = vector.broadcast %mul3A_332 : i32 to vector<16xi32>
          %add3A_334 = arith.addi %iota3A, %add3A_333 : vector<16xi32>
          %gather3A = tpu.vector_load_idx %arg10[%add3A_334, %broadcast_in_dim3A_5] : memref<80x72xf32, #tpu.memory_space<vmem>>[vector<16xi32>, vector<16xi32>], vector<16xf32>,
          %broadcast_in_dim3A_335 = arith.constant 0 : i32
          %broadcast_in_dim3A_336 = vector.broadcast %broadcast_in_dim3A_335 : i32 to vector<16xi32>
          %gather3A_337 = tpu.vector_load_idx %arg13[%add3A_334, %broadcast_in_dim3A_336] : memref<80x8xf32, #tpu.memory_space<vmem>>[vector<16xi32>, vector<16xi32>], vector<16xf32>,
          %add3A_338 = arith.addf %gather3A, %gather3A_337 : vector<16xf32>
          %mul3A_339 = arith.constant 2.000000e-01 : f32
          %mul3A_340 = vector.broadcast %mul3A_339 : f32 to vector<16xf32>
          %mul3A_341 = arith.mulf %mul3A_340, %add3A_338 : vector<16xf32>
          %max3A = arith.maximumf %add3A_338, %mul3A_341 : vector<16xf32>
          %exp3A = math.exp %max3A : vector<16xf32>
          %parallel_loop3A = arith.constant 0 : i32
          %parallel_loop3A_342 = arith.constant 65 : i32
          %parallel_loop3A_343 = arith.constant 1 : i32
          scf.for %parallel_loop3A_344 = %parallel_loop3A to %parallel_loop3A_342 step %parallel_loop3A_343  : i32 {
            %parallel_loop3A_345 = arith.constant 0 : i32
            %parallel_loop3A_346 = vector.broadcast %parallel_loop3A_345 : i32 to vector<16xi32>
            %parallel_loop3A_347 = vector.broadcast %parallel_loop3A_344 : i32 to vector<16xi32>
            %parallel_loop3A_348 = arith.addi %parallel_loop3A_346, %parallel_loop3A_347 : vector<16xi32>
            %parallel_loop3A_349 = tpu.vector_load_idx %arg10[%add3A_334, %parallel_loop3A_348] : memref<80x72xf32, #tpu.memory_space<vmem>>[vector<16xi32>, vector<16xi32>], vector<16xf32>,
            %parallel_loop3A_350 = arith.mulf %parallel_loop3A_349, %exp3A : vector<16xf32>
            tpu.vector_store_idx %arg10[%add3A_334, %parallel_loop3A_348], %parallel_loop3A_350 : memref<80x72xf32, #tpu.memory_space<vmem>>[vector<16xi32>, vector<16xi32>], vector<16xf32>,
          } {sc.loop_unroll_factor = 8 : i64, sc.parallel_access}
        }
        %scan3A_322 = arith.constant 5 : i32
        %dma_start3A_323 = arith.constant 1 : i32
        %dma_start3A_324 = arith.constant 0 : i32
        %dma_start3A_325 = tpu.memref_slice %arg19[%dma_start3A_323, %dma_start3A_324] : memref<2x80xi32, #tpu.memory_space<vmem>> -> memref<1x80xi32, #tpu.memory_space<vmem>>
        %dma_start3A_326 = tpu.memref_squeeze %dma_start3A_325 : memref<1x80xi32, #tpu.memory_space<vmem>> -> memref<80xi32, #tpu.memory_space<vmem>>
        %dma_start3A_327 = arith.constant 0 : i32
        %dma_start3A_328 = arith.constant 0 : i32
        %dma_start3A_329 = tpu.memref_slice %arg7[%dma_start3A_327, %dma_start3A_328] : memref<10000x72xf32, #tpu.memory_space<vmem_shared>> -> memref<10000x72xf32, #tpu.memory_space<vmem_shared>>
        tpu.enqueue_indirect_dma source(%arg10 : memref<80x72xf32, #tpu.memory_space<vmem>>) target(%dma_start3A_329 : memref<10000x72xf32, #tpu.memory_space<vmem_shared>>) offsets(%dma_start3A_326 : memref<80xi32, #tpu.memory_space<vmem>>) semaphore(%arg25 : memref<!tpu.dma_semaphore, #tpu.memory_space<semaphore_mem>>) {add = true}
      } else {
      }
      %mul3A_264 = arith.constant 6 : i32
      %mul3A_265 = arith.muli %mul3A_264, %scan3A_159 : i32
      %add3A_266 = arith.constant 3 : i32
      %add3A_267 = arith.addi %mul3A_265, %add3A_266 : i32
      %add3A_268 = arith.constant 3 : i32
      %add3A_269 = arith.addi %add3A_267, %add3A_268 : i32
      %add3A_270 = arith.constant 0 : i32
      %add3A_271 = arith.addi %add3A_269, %add3A_270 : i32
      %lt3A_272 = arith.constant 125 : i32
      %lt3A_273 = arith.cmpi slt, %add3A_271, %lt3A_272 : i32
      %convert_element_type3A_274 = arith.extui %lt3A_273 : i1 to i32
      %cond3A_275 = arith.constant 0 : i32
      %cond3A_276 = arith.cmpi ne, %convert_element_type3A_274, %cond3A_275 : i32
      scf.if %cond3A_276 {
        %dma_wait3A_303 = arith.constant 1 : i32
        %dma_wait3A_304 = arith.constant 0 : i32
        %dma_wait3A_305 = tpu.memref_slice %arg17[%dma_wait3A_303, %dma_wait3A_304] : memref<2x80xi32, #tpu.memory_space<vmem>> -> memref<1x80xi32, #tpu.memory_space<vmem>>
        %dma_wait3A_306 = tpu.memref_squeeze %dma_wait3A_305 : memref<1x80xi32, #tpu.memory_space<vmem>> -> memref<80xi32, #tpu.memory_space<vmem>>
        %dma_wait3A_307 = arith.constant 0 : i32
        %dma_wait3A_308 = arith.constant 0 : i32
        %dma_wait3A_309 = tpu.memref_slice %arg7[%dma_wait3A_307, %dma_wait3A_308] : memref<10000x72xf32, #tpu.memory_space<vmem_shared>> -> memref<10000x72xf32, #tpu.memory_space<vmem_shared>>
        tpu.wait_indirect_dma semaphore(%arg23 : memref<!tpu.dma_semaphore, #tpu.memory_space<semaphore_mem>>) src(%arg8 : memref<80x72xf32, #tpu.memory_space<vmem>>) dst(%dma_wait3A_309 : memref<10000x72xf32, #tpu.memory_space<vmem_shared>>)
        %dma_wait3A_310 = arith.constant 0 : i32
        %dma_wait3A_311 = arith.constant 0 : i32
        %dma_wait3A_312 = tpu.memref_slice %arg5[%add3A, %add3A_271, %dma_wait3A_310, %dma_wait3A_311] : memref<32x125x2x80xi32, #tpu.memory_space<hbm>> -> memref<1x1x2x80xi32, #tpu.memory_space<hbm>>
        %dma_wait3A_313 = tpu.memref_squeeze %dma_wait3A_312 : memref<1x1x2x80xi32, #tpu.memory_space<hbm>> -> memref<2x80xi32, #tpu.memory_space<hbm>>
        %dma_wait3A_314 = arith.constant 0 : i32
        %dma_wait3A_315 = arith.constant 0 : i32
        %dma_wait3A_316 = tpu.memref_slice %arg5[%add3A, %add3A_271, %dma_wait3A_314, %dma_wait3A_315] : memref<32x125x2x80xi32, #tpu.memory_space<hbm>> -> memref<1x1x2x80xi32, #tpu.memory_space<hbm>>
        %dma_wait3A_317 = tpu.memref_squeeze %dma_wait3A_316 : memref<1x1x2x80xi32, #tpu.memory_space<hbm>> -> memref<2x80xi32, #tpu.memory_space<hbm>>
        tpu.wait_dma2 semaphore(%arg26 : memref<!tpu.dma_semaphore, #tpu.memory_space<semaphore_mem>>) src(%dma_wait3A_317 : memref<2x80xi32, #tpu.memory_space<hbm>>) dst(%arg14 : memref<2x80xi32, #tpu.memory_space<vmem>>)
        %dma_start3A_318 = arith.constant 0 : i32
        %dma_start3A_319 = arith.constant 0 : i32
        %dma_start3A_320 = tpu.memref_slice %arg14[%dma_start3A_318, %dma_start3A_319] : memref<2x80xi32, #tpu.memory_space<vmem>> -> memref<1x80xi32, #tpu.memory_space<vmem>>
        %dma_start3A_321 = tpu.memref_squeeze %dma_start3A_320 : memref<1x80xi32, #tpu.memory_space<vmem>> -> memref<80xi32, #tpu.memory_space<vmem>>
        %dma_start3A_322 = arith.constant 0 : i32
        %dma_start3A_323 = arith.constant 0 : i32
        %dma_start3A_324 = tpu.memref_slice %arg2[%dma_start3A_322, %dma_start3A_323] : memref<10000x72xf32, #tpu.memory_space<hbm>> -> memref<10000x72xf32, #tpu.memory_space<hbm>>
        tpu.enqueue_indirect_dma source(%dma_start3A_324 : memref<10000x72xf32, #tpu.memory_space<hbm>>) target(%arg8 : memref<80x72xf32, #tpu.memory_space<vmem>>) offsets(%dma_start3A_321 : memref<80xi32, #tpu.memory_space<vmem>>) semaphore(%arg20 : memref<!tpu.dma_semaphore, #tpu.memory_space<semaphore_mem>>)
        %dma_start3A_325 = arith.constant 1 : i32
        %dma_start3A_326 = arith.constant 0 : i32
        %dma_start3A_327 = tpu.memref_slice %arg14[%dma_start3A_325, %dma_start3A_326] : memref<2x80xi32, #tpu.memory_space<vmem>> -> memref<1x80xi32, #tpu.memory_space<vmem>>
        %dma_start3A_328 = tpu.memref_squeeze %dma_start3A_327 : memref<1x80xi32, #tpu.memory_space<vmem>> -> memref<80xi32, #tpu.memory_space<vmem>>
        %dma_start3A_329 = arith.constant 0 : i32
        %dma_start3A_330 = arith.constant 0 : i32
        %dma_start3A_331 = tpu.memref_slice %arg4[%dma_start3A_329, %dma_start3A_330] : memref<10000x8xf32, #tpu.memory_space<hbm>> -> memref<10000x8xf32, #tpu.memory_space<hbm>>
        tpu.enqueue_indirect_dma source(%dma_start3A_331 : memref<10000x8xf32, #tpu.memory_space<hbm>>) target(%arg11 : memref<80x8xf32, #tpu.memory_space<vmem>>) offsets(%dma_start3A_328 : memref<80xi32, #tpu.memory_space<vmem>>) semaphore(%arg20 : memref<!tpu.dma_semaphore, #tpu.memory_space<semaphore_mem>>)
        %add3A_332 = arith.constant 3 : i32
        %add3A_333 = arith.addi %add3A_271, %add3A_332 : i32
        %lt3A_334 = arith.constant 125 : i32
        %lt3A_335 = arith.cmpi slt, %add3A_333, %lt3A_334 : i32
        %convert_element_type3A_336 = arith.extui %lt3A_335 : i1 to i32
        %cond3A_337 = arith.constant 0 : i32
        %cond3A_338 = arith.cmpi ne, %convert_element_type3A_336, %cond3A_337 : i32
        scf.if %cond3A_338 {
          %add3A_339 = arith.constant 3 : i32
          %add3A_340 = arith.addi %add3A_271, %add3A_339 : i32
          %dma_start3A_341 = arith.constant 0 : i32
          %dma_start3A_342 = arith.constant 0 : i32
          %dma_start3A_343 = tpu.memref_slice %arg5[%add3A, %add3A_340, %dma_start3A_341, %dma_start3A_342] : memref<32x125x2x80xi32, #tpu.memory_space<hbm>> -> memref<1x1x2x80xi32, #tpu.memory_space<hbm>>
          %dma_start3A_344 = tpu.memref_squeeze %dma_start3A_343 : memref<1x1x2x80xi32, #tpu.memory_space<hbm>> -> memref<2x80xi32, #tpu.memory_space<hbm>>
          %dma_start3A_345 = arith.constant 0 : i32
          %dma_start3A_346 = arith.constant 0 : i32
          %dma_start3A_347 = tpu.memref_slice %arg5[%add3A, %add3A_340, %dma_start3A_345, %dma_start3A_346] : memref<32x125x2x80xi32, #tpu.memory_space<hbm>> -> memref<1x1x2x80xi32, #tpu.memory_space<hbm>>
          %dma_start3A_348 = tpu.memref_squeeze %dma_start3A_347 : memref<1x1x2x80xi32, #tpu.memory_space<hbm>> -> memref<2x80xi32, #tpu.memory_space<hbm>>
          tpu.enqueue_dma source(%dma_start3A_348 : memref<2x80xi32, #tpu.memory_space<hbm>>) target(%arg17 : memref<2x80xi32, #tpu.memory_space<vmem>>) target_semaphore(%arg29 : memref<!tpu.dma_semaphore, #tpu.memory_space<semaphore_mem>>)
        } else {
        }
      } else {
      }
      %mul3A_277 = arith.constant 6 : i32
      %mul3A_278 = arith.muli %mul3A_277, %scan3A_159 : i32
      %add3A_279 = arith.constant 3 : i32
      %add3A_280 = arith.addi %mul3A_278, %add3A_279 : i32
      %add3A_281 = arith.constant 3 : i32
      %add3A_282 = arith.addi %add3A_280, %add3A_281 : i32
      %add3A_283 = arith.constant 1 : i32
      %add3A_284 = arith.addi %add3A_282, %add3A_283 : i32
      %lt3A_285 = arith.constant 125 : i32
      %lt3A_286 = arith.cmpi slt, %add3A_284, %lt3A_285 : i32
      %convert_element_type3A_287 = arith.extui %lt3A_286 : i1 to i32
      %cond3A_288 = arith.constant 0 : i32
      %cond3A_289 = arith.cmpi ne, %convert_element_type3A_287, %cond3A_288 : i32
      scf.if %cond3A_289 {
        %dma_wait3A_303 = arith.constant 1 : i32
        %dma_wait3A_304 = arith.constant 0 : i32
        %dma_wait3A_305 = tpu.memref_slice %arg18[%dma_wait3A_303, %dma_wait3A_304] : memref<2x80xi32, #tpu.memory_space<vmem>> -> memref<1x80xi32, #tpu.memory_space<vmem>>
        %dma_wait3A_306 = tpu.memref_squeeze %dma_wait3A_305 : memref<1x80xi32, #tpu.memory_space<vmem>> -> memref<80xi32, #tpu.memory_space<vmem>>
        %dma_wait3A_307 = arith.constant 0 : i32
        %dma_wait3A_308 = arith.constant 0 : i32
        %dma_wait3A_309 = tpu.memref_slice %arg7[%dma_wait3A_307, %dma_wait3A_308] : memref<10000x72xf32, #tpu.memory_space<vmem_shared>> -> memref<10000x72xf32, #tpu.memory_space<vmem_shared>>
        tpu.wait_indirect_dma semaphore(%arg24 : memref<!tpu.dma_semaphore, #tpu.memory_space<semaphore_mem>>) src(%arg9 : memref<80x72xf32, #tpu.memory_space<vmem>>) dst(%dma_wait3A_309 : memref<10000x72xf32, #tpu.memory_space<vmem_shared>>)
        %dma_wait3A_310 = arith.constant 0 : i32
        %dma_wait3A_311 = arith.constant 0 : i32
        %dma_wait3A_312 = tpu.memref_slice %arg5[%add3A, %add3A_284, %dma_wait3A_310, %dma_wait3A_311] : memref<32x125x2x80xi32, #tpu.memory_space<hbm>> -> memref<1x1x2x80xi32, #tpu.memory_space<hbm>>
        %dma_wait3A_313 = tpu.memref_squeeze %dma_wait3A_312 : memref<1x1x2x80xi32, #tpu.memory_space<hbm>> -> memref<2x80xi32, #tpu.memory_space<hbm>>
        %dma_wait3A_314 = arith.constant 0 : i32
        %dma_wait3A_315 = arith.constant 0 : i32
        %dma_wait3A_316 = tpu.memref_slice %arg5[%add3A, %add3A_284, %dma_wait3A_314, %dma_wait3A_315] : memref<32x125x2x80xi32, #tpu.memory_space<hbm>> -> memref<1x1x2x80xi32, #tpu.memory_space<hbm>>
        %dma_wait3A_317 = tpu.memref_squeeze %dma_wait3A_316 : memref<1x1x2x80xi32, #tpu.memory_space<hbm>> -> memref<2x80xi32, #tpu.memory_space<hbm>>
        tpu.wait_dma2 semaphore(%arg27 : memref<!tpu.dma_semaphore, #tpu.memory_space<semaphore_mem>>) src(%dma_wait3A_317 : memref<2x80xi32, #tpu.memory_space<hbm>>) dst(%arg15 : memref<2x80xi32, #tpu.memory_space<vmem>>)
        %dma_start3A_318 = arith.constant 0 : i32
        %dma_start3A_319 = arith.constant 0 : i32
        %dma_start3A_320 = tpu.memref_slice %arg15[%dma_start3A_318, %dma_start3A_319] : memref<2x80xi32, #tpu.memory_space<vmem>> -> memref<1x80xi32, #tpu.memory_space<vmem>>
        %dma_start3A_321 = tpu.memref_squeeze %dma_start3A_320 : memref<1x80xi32, #tpu.memory_space<vmem>> -> memref<80xi32, #tpu.memory_space<vmem>>
        %dma_start3A_322 = arith.constant 0 : i32
        %dma_start3A_323 = arith.constant 0 : i32
        %dma_start3A_324 = tpu.memref_slice %arg2[%dma_start3A_322, %dma_start3A_323] : memref<10000x72xf32, #tpu.memory_space<hbm>> -> memref<10000x72xf32, #tpu.memory_space<hbm>>
        tpu.enqueue_indirect_dma source(%dma_start3A_324 : memref<10000x72xf32, #tpu.memory_space<hbm>>) target(%arg9 : memref<80x72xf32, #tpu.memory_space<vmem>>) offsets(%dma_start3A_321 : memref<80xi32, #tpu.memory_space<vmem>>) semaphore(%arg21 : memref<!tpu.dma_semaphore, #tpu.memory_space<semaphore_mem>>)
        %dma_start3A_325 = arith.constant 1 : i32
        %dma_start3A_326 = arith.constant 0 : i32
        %dma_start3A_327 = tpu.memref_slice %arg15[%dma_start3A_325, %dma_start3A_326] : memref<2x80xi32, #tpu.memory_space<vmem>> -> memref<1x80xi32, #tpu.memory_space<vmem>>
        %dma_start3A_328 = tpu.memref_squeeze %dma_start3A_327 : memref<1x80xi32, #tpu.memory_space<vmem>> -> memref<80xi32, #tpu.memory_space<vmem>>
        %dma_start3A_329 = arith.constant 0 : i32
        %dma_start3A_330 = arith.constant 0 : i32
        %dma_start3A_331 = tpu.memref_slice %arg4[%dma_start3A_329, %dma_start3A_330] : memref<10000x8xf32, #tpu.memory_space<hbm>> -> memref<10000x8xf32, #tpu.memory_space<hbm>>
        tpu.enqueue_indirect_dma source(%dma_start3A_331 : memref<10000x8xf32, #tpu.memory_space<hbm>>) target(%arg12 : memref<80x8xf32, #tpu.memory_space<vmem>>) offsets(%dma_start3A_328 : memref<80xi32, #tpu.memory_space<vmem>>) semaphore(%arg21 : memref<!tpu.dma_semaphore, #tpu.memory_space<semaphore_mem>>)
        %add3A_332 = arith.constant 3 : i32
        %add3A_333 = arith.addi %add3A_284, %add3A_332 : i32
        %lt3A_334 = arith.constant 125 : i32
        %lt3A_335 = arith.cmpi slt, %add3A_333, %lt3A_334 : i32
        %convert_element_type3A_336 = arith.extui %lt3A_335 : i1 to i32
        %cond3A_337 = arith.constant 0 : i32
        %cond3A_338 = arith.cmpi ne, %convert_element_type3A_336, %cond3A_337 : i32
        scf.if %cond3A_338 {
          %add3A_339 = arith.constant 3 : i32
          %add3A_340 = arith.addi %add3A_284, %add3A_339 : i32
          %dma_start3A_341 = arith.constant 0 : i32
          %dma_start3A_342 = arith.constant 0 : i32
          %dma_start3A_343 = tpu.memref_slice %arg5[%add3A, %add3A_340, %dma_start3A_341, %dma_start3A_342] : memref<32x125x2x80xi32, #tpu.memory_space<hbm>> -> memref<1x1x2x80xi32, #tpu.memory_space<hbm>>
          %dma_start3A_344 = tpu.memref_squeeze %dma_start3A_343 : memref<1x1x2x80xi32, #tpu.memory_space<hbm>> -> memref<2x80xi32, #tpu.memory_space<hbm>>
          %dma_start3A_345 = arith.constant 0 : i32
          %dma_start3A_346 = arith.constant 0 : i32
          %dma_start3A_347 = tpu.memref_slice %arg5[%add3A, %add3A_340, %dma_start3A_345, %dma_start3A_346] : memref<32x125x2x80xi32, #tpu.memory_space<hbm>> -> memref<1x1x2x80xi32, #tpu.memory_space<hbm>>
          %dma_start3A_348 = tpu.memref_squeeze %dma_start3A_347 : memref<1x1x2x80xi32, #tpu.memory_space<hbm>> -> memref<2x80xi32, #tpu.memory_space<hbm>>
          tpu.enqueue_dma source(%dma_start3A_348 : memref<2x80xi32, #tpu.memory_space<hbm>>) target(%arg18 : memref<2x80xi32, #tpu.memory_space<vmem>>) target_semaphore(%arg30 : memref<!tpu.dma_semaphore, #tpu.memory_space<semaphore_mem>>)
        } else {
        }
      } else {
      }
      %mul3A_290 = arith.constant 6 : i32
      %mul3A_291 = arith.muli %mul3A_290, %scan3A_159 : i32
      %add3A_292 = arith.constant 3 : i32
      %add3A_293 = arith.addi %mul3A_291, %add3A_292 : i32
      %add3A_294 = arith.constant 3 : i32
      %add3A_295 = arith.addi %add3A_293, %add3A_294 : i32
      %add3A_296 = arith.constant 2 : i32
      %add3A_297 = arith.addi %add3A_295, %add3A_296 : i32
      %lt3A_298 = arith.constant 125 : i32
      %lt3A_299 = arith.cmpi slt, %add3A_297, %lt3A_298 : i32
      %convert_element_type3A_300 = arith.extui %lt3A_299 : i1 to i32
      %cond3A_301 = arith.constant 0 : i32
      %cond3A_302 = arith.cmpi ne, %convert_element_type3A_300, %cond3A_301 : i32
      scf.if %cond3A_302 {
        %dma_wait3A_303 = arith.constant 1 : i32
        %dma_wait3A_304 = arith.constant 0 : i32
        %dma_wait3A_305 = tpu.memref_slice %arg19[%dma_wait3A_303, %dma_wait3A_304] : memref<2x80xi32, #tpu.memory_space<vmem>> -> memref<1x80xi32, #tpu.memory_space<vmem>>
        %dma_wait3A_306 = tpu.memref_squeeze %dma_wait3A_305 : memref<1x80xi32, #tpu.memory_space<vmem>> -> memref<80xi32, #tpu.memory_space<vmem>>
        %dma_wait3A_307 = arith.constant 0 : i32
        %dma_wait3A_308 = arith.constant 0 : i32
        %dma_wait3A_309 = tpu.memref_slice %arg7[%dma_wait3A_307, %dma_wait3A_308] : memref<10000x72xf32, #tpu.memory_space<vmem_shared>> -> memref<10000x72xf32, #tpu.memory_space<vmem_shared>>
        tpu.wait_indirect_dma semaphore(%arg25 : memref<!tpu.dma_semaphore, #tpu.memory_space<semaphore_mem>>) src(%arg10 : memref<80x72xf32, #tpu.memory_space<vmem>>) dst(%dma_wait3A_309 : memref<10000x72xf32, #tpu.memory_space<vmem_shared>>)
        %dma_wait3A_310 = arith.constant 0 : i32
        %dma_wait3A_311 = arith.constant 0 : i32
        %dma_wait3A_312 = tpu.memref_slice %arg5[%add3A, %add3A_297, %dma_wait3A_310, %dma_wait3A_311] : memref<32x125x2x80xi32, #tpu.memory_space<hbm>> -> memref<1x1x2x80xi32, #tpu.memory_space<hbm>>
        %dma_wait3A_313 = tpu.memref_squeeze %dma_wait3A_312 : memref<1x1x2x80xi32, #tpu.memory_space<hbm>> -> memref<2x80xi32, #tpu.memory_space<hbm>>
        %dma_wait3A_314 = arith.constant 0 : i32
        %dma_wait3A_315 = arith.constant 0 : i32
        %dma_wait3A_316 = tpu.memref_slice %arg5[%add3A, %add3A_297, %dma_wait3A_314, %dma_wait3A_315] : memref<32x125x2x80xi32, #tpu.memory_space<hbm>> -> memref<1x1x2x80xi32, #tpu.memory_space<hbm>>
        %dma_wait3A_317 = tpu.memref_squeeze %dma_wait3A_316 : memref<1x1x2x80xi32, #tpu.memory_space<hbm>> -> memref<2x80xi32, #tpu.memory_space<hbm>>
        tpu.wait_dma2 semaphore(%arg28 : memref<!tpu.dma_semaphore, #tpu.memory_space<semaphore_mem>>) src(%dma_wait3A_317 : memref<2x80xi32, #tpu.memory_space<hbm>>) dst(%arg16 : memref<2x80xi32, #tpu.memory_space<vmem>>)
        %dma_start3A_318 = arith.constant 0 : i32
        %dma_start3A_319 = arith.constant 0 : i32
        %dma_start3A_320 = tpu.memref_slice %arg16[%dma_start3A_318, %dma_start3A_319] : memref<2x80xi32, #tpu.memory_space<vmem>> -> memref<1x80xi32, #tpu.memory_space<vmem>>
        %dma_start3A_321 = tpu.memref_squeeze %dma_start3A_320 : memref<1x80xi32, #tpu.memory_space<vmem>> -> memref<80xi32, #tpu.memory_space<vmem>>
        %dma_start3A_322 = arith.constant 0 : i32
        %dma_start3A_323 = arith.constant 0 : i32
        %dma_start3A_324 = tpu.memref_slice %arg2[%dma_start3A_322, %dma_start3A_323] : memref<10000x72xf32, #tpu.memory_space<hbm>> -> memref<10000x72xf32, #tpu.memory_space<hbm>>
        tpu.enqueue_indirect_dma source(%dma_start3A_324 : memref<10000x72xf32, #tpu.memory_space<hbm>>) target(%arg10 : memref<80x72xf32, #tpu.memory_space<vmem>>) offsets(%dma_start3A_321 : memref<80xi32, #tpu.memory_space<vmem>>) semaphore(%arg22 : memref<!tpu.dma_semaphore, #tpu.memory_space<semaphore_mem>>)
        %dma_start3A_325 = arith.constant 1 : i32
        %dma_start3A_326 = arith.constant 0 : i32
        %dma_start3A_327 = tpu.memref_slice %arg16[%dma_start3A_325, %dma_start3A_326] : memref<2x80xi32, #tpu.memory_space<vmem>> -> memref<1x80xi32, #tpu.memory_space<vmem>>
        %dma_start3A_328 = tpu.memref_squeeze %dma_start3A_327 : memref<1x80xi32, #tpu.memory_space<vmem>> -> memref<80xi32, #tpu.memory_space<vmem>>
        %dma_start3A_329 = arith.constant 0 : i32
        %dma_start3A_330 = arith.constant 0 : i32
        %dma_start3A_331 = tpu.memref_slice %arg4[%dma_start3A_329, %dma_start3A_330] : memref<10000x8xf32, #tpu.memory_space<hbm>> -> memref<10000x8xf32, #tpu.memory_space<hbm>>
        tpu.enqueue_indirect_dma source(%dma_start3A_331 : memref<10000x8xf32, #tpu.memory_space<hbm>>) target(%arg13 : memref<80x8xf32, #tpu.memory_space<vmem>>) offsets(%dma_start3A_328 : memref<80xi32, #tpu.memory_space<vmem>>) semaphore(%arg22 : memref<!tpu.dma_semaphore, #tpu.memory_space<semaphore_mem>>)
        %add3A_332 = arith.constant 3 : i32
        %add3A_333 = arith.addi %add3A_297, %add3A_332 : i32
        %lt3A_334 = arith.constant 125 : i32
        %lt3A_335 = arith.cmpi slt, %add3A_333, %lt3A_334 : i32
        %convert_element_type3A_336 = arith.extui %lt3A_335 : i1 to i32
        %cond3A_337 = arith.constant 0 : i32
        %cond3A_338 = arith.cmpi ne, %convert_element_type3A_336, %cond3A_337 : i32
        scf.if %cond3A_338 {
          %add3A_339 = arith.constant 3 : i32
          %add3A_340 = arith.addi %add3A_297, %add3A_339 : i32
          %dma_start3A_341 = arith.constant 0 : i32
          %dma_start3A_342 = arith.constant 0 : i32
          %dma_start3A_343 = tpu.memref_slice %arg5[%add3A, %add3A_340, %dma_start3A_341, %dma_start3A_342] : memref<32x125x2x80xi32, #tpu.memory_space<hbm>> -> memref<1x1x2x80xi32, #tpu.memory_space<hbm>>
          %dma_start3A_344 = tpu.memref_squeeze %dma_start3A_343 : memref<1x1x2x80xi32, #tpu.memory_space<hbm>> -> memref<2x80xi32, #tpu.memory_space<hbm>>
          %dma_start3A_345 = arith.constant 0 : i32
          %dma_start3A_346 = arith.constant 0 : i32
          %dma_start3A_347 = tpu.memref_slice %arg5[%add3A, %add3A_340, %dma_start3A_345, %dma_start3A_346] : memref<32x125x2x80xi32, #tpu.memory_space<hbm>> -> memref<1x1x2x80xi32, #tpu.memory_space<hbm>>
          %dma_start3A_348 = tpu.memref_squeeze %dma_start3A_347 : memref<1x1x2x80xi32, #tpu.memory_space<hbm>> -> memref<2x80xi32, #tpu.memory_space<hbm>>
          tpu.enqueue_dma source(%dma_start3A_348 : memref<2x80xi32, #tpu.memory_space<hbm>>) target(%arg19 : memref<2x80xi32, #tpu.memory_space<vmem>>) target_semaphore(%arg31 : memref<!tpu.dma_semaphore, #tpu.memory_space<semaphore_mem>>)
        } else {
        }
      } else {
      }
    }
    %scan3A_131 = arith.constant 21 : i32
    %dma_wait3A_132 = arith.constant 1 : i32
    %dma_wait3A_133 = arith.constant 0 : i32
    %dma_wait3A_134 = tpu.memref_slice %arg16[%dma_wait3A_132, %dma_wait3A_133] : memref<2x80xi32, #tpu.memory_space<vmem>> -> memref<1x80xi32, #tpu.memory_space<vmem>>
    %dma_wait3A_135 = tpu.memref_squeeze %dma_wait3A_134 : memref<1x80xi32, #tpu.memory_space<vmem>> -> memref<80xi32, #tpu.memory_space<vmem>>
    %dma_wait3A_136 = arith.constant 0 : i32
    %dma_wait3A_137 = arith.constant 0 : i32
    %dma_wait3A_138 = tpu.memref_slice %arg7[%dma_wait3A_136, %dma_wait3A_137] : memref<10000x72xf32, #tpu.memory_space<vmem_shared>> -> memref<10000x72xf32, #tpu.memory_space<vmem_shared>>
    tpu.wait_indirect_dma semaphore(%arg25 : memref<!tpu.dma_semaphore, #tpu.memory_space<semaphore_mem>>) src(%arg10 : memref<80x72xf32, #tpu.memory_space<vmem>>) dst(%dma_wait3A_138 : memref<10000x72xf32, #tpu.memory_space<vmem_shared>>)
    %dma_wait3A_139 = arith.constant 1 : i32
    %dma_wait3A_140 = arith.constant 0 : i32
    %dma_wait3A_141 = tpu.memref_slice %arg17[%dma_wait3A_139, %dma_wait3A_140] : memref<2x80xi32, #tpu.memory_space<vmem>> -> memref<1x80xi32, #tpu.memory_space<vmem>>
    %dma_wait3A_142 = tpu.memref_squeeze %dma_wait3A_141 : memref<1x80xi32, #tpu.memory_space<vmem>> -> memref<80xi32, #tpu.memory_space<vmem>>
    %dma_wait3A_143 = arith.constant 0 : i32
    %dma_wait3A_144 = arith.constant 0 : i32
    %dma_wait3A_145 = tpu.memref_slice %arg7[%dma_wait3A_143, %dma_wait3A_144] : memref<10000x72xf32, #tpu.memory_space<vmem_shared>> -> memref<10000x72xf32, #tpu.memory_space<vmem_shared>>
    tpu.wait_indirect_dma semaphore(%arg23 : memref<!tpu.dma_semaphore, #tpu.memory_space<semaphore_mem>>) src(%arg8 : memref<80x72xf32, #tpu.memory_space<vmem>>) dst(%dma_wait3A_145 : memref<10000x72xf32, #tpu.memory_space<vmem_shared>>)
    %dma_wait3A_146 = arith.constant 1 : i32
    %dma_wait3A_147 = arith.constant 0 : i32
    %dma_wait3A_148 = tpu.memref_slice %arg18[%dma_wait3A_146, %dma_wait3A_147] : memref<2x80xi32, #tpu.memory_space<vmem>> -> memref<1x80xi32, #tpu.memory_space<vmem>>
    %dma_wait3A_149 = tpu.memref_squeeze %dma_wait3A_148 : memref<1x80xi32, #tpu.memory_space<vmem>> -> memref<80xi32, #tpu.memory_space<vmem>>
    %dma_wait3A_150 = arith.constant 0 : i32
    %dma_wait3A_151 = arith.constant 0 : i32
    %dma_wait3A_152 = tpu.memref_slice %arg7[%dma_wait3A_150, %dma_wait3A_151] : memref<10000x72xf32, #tpu.memory_space<vmem_shared>> -> memref<10000x72xf32, #tpu.memory_space<vmem_shared>>
    tpu.wait_indirect_dma semaphore(%arg24 : memref<!tpu.dma_semaphore, #tpu.memory_space<semaphore_mem>>) src(%arg9 : memref<80x72xf32, #tpu.memory_space<vmem>>) dst(%dma_wait3A_152 : memref<10000x72xf32, #tpu.memory_space<vmem_shared>>)
    %barrier3A_153 = arith.constant 0 : index
    tpu.barrier barrier_id(%barrier3A_153)
    "tpu.region"() ({
      %run_scoped3A = tpu.sem_alloc : memref<!tpu.dma_semaphore, #tpu.memory_space<semaphore_mem>>
      %dma_start3A_159 = arith.constant 0 : i32
      %dma_start3A_160 = tpu.memref_slice %arg6[%arg0, %mul3A_2, %dma_start3A_159] : memref<2x10000x72xf32, #tpu.memory_space<hbm>> -> memref<1x624x72xf32, #tpu.memory_space<hbm>>
      %dma_start3A_161 = tpu.memref_squeeze %dma_start3A_160 : memref<1x624x72xf32, #tpu.memory_space<hbm>> -> memref<624x72xf32, #tpu.memory_space<hbm>>
      %dma_start3A_162 = arith.constant 0 : i32
      %dma_start3A_163 = tpu.memref_slice %arg7[%mul3A_2, %dma_start3A_162] : memref<10000x72xf32, #tpu.memory_space<vmem_shared>> -> memref<624x72xf32, #tpu.memory_space<vmem_shared>>
      tpu.enqueue_dma source(%dma_start3A_163 : memref<624x72xf32, #tpu.memory_space<vmem_shared>>) target(%dma_start3A_161 : memref<624x72xf32, #tpu.memory_space<hbm>>) target_semaphore(%run_scoped3A : memref<!tpu.dma_semaphore, #tpu.memory_space<semaphore_mem>>)
      %dma_wait3A_164 = arith.constant 0 : i32
      %dma_wait3A_165 = tpu.memref_slice %arg6[%arg0, %mul3A_2, %dma_wait3A_164] : memref<2x10000x72xf32, #tpu.memory_space<hbm>> -> memref<1x624x72xf32, #tpu.memory_space<hbm>>
      %dma_wait3A_166 = tpu.memref_squeeze %dma_wait3A_165 : memref<1x624x72xf32, #tpu.memory_space<hbm>> -> memref<624x72xf32, #tpu.memory_space<hbm>>
      %dma_wait3A_167 = arith.constant 0 : i32
      %dma_wait3A_168 = tpu.memref_slice %arg7[%mul3A_2, %dma_wait3A_167] : memref<10000x72xf32, #tpu.memory_space<vmem_shared>> -> memref<624x72xf32, #tpu.memory_space<vmem_shared>>
      tpu.wait_dma2 semaphore(%run_scoped3A : memref<!tpu.dma_semaphore, #tpu.memory_space<semaphore_mem>>) src(%dma_wait3A_168 : memref<624x72xf32, #tpu.memory_space<vmem_shared>>) dst(%dma_wait3A_166 : memref<624x72xf32, #tpu.memory_space<hbm>>)
      tpu.yield
    }) : () -> ()
    %eq3A_154 = arith.constant 0 : i32
    %eq3A_155 = arith.cmpi eq, %arg1, %eq3A_154 : i32
    %convert_element_type3A_156 = arith.extui %eq3A_155 : i1 to i32
    %cond3A_157 = arith.constant 0 : i32
    %cond3A_158 = arith.cmpi ne, %convert_element_type3A_156, %cond3A_157 : i32
    scf.if %cond3A_158 {
      "tpu.region"() ({
        %run_scoped3A = tpu.sem_alloc : memref<!tpu.dma_semaphore, #tpu.memory_space<semaphore_mem>>
        %dma_start3A_159 = arith.constant 9984 : i32
        %dma_start3A_160 = arith.constant 0 : i32
        %dma_start3A_161 = tpu.memref_slice %arg6[%arg0, %dma_start3A_159, %dma_start3A_160] : memref<2x10000x72xf32, #tpu.memory_space<hbm>> -> memref<1x16x72xf32, #tpu.memory_space<hbm>>
        %dma_start3A_162 = tpu.memref_squeeze %dma_start3A_161 : memref<1x16x72xf32, #tpu.memory_space<hbm>> -> memref<16x72xf32, #tpu.memory_space<hbm>>
        %dma_start3A_163 = arith.constant 9984 : i32
        %dma_start3A_164 = arith.constant 0 : i32
        %dma_start3A_165 = tpu.memref_slice %arg7[%dma_start3A_163, %dma_start3A_164] : memref<10000x72xf32, #tpu.memory_space<vmem_shared>> -> memref<16x72xf32, #tpu.memory_space<vmem_shared>>
        tpu.enqueue_dma source(%dma_start3A_165 : memref<16x72xf32, #tpu.memory_space<vmem_shared>>) target(%dma_start3A_162 : memref<16x72xf32, #tpu.memory_space<hbm>>) target_semaphore(%run_scoped3A : memref<!tpu.dma_semaphore, #tpu.memory_space<semaphore_mem>>)
        %dma_wait3A_166 = arith.constant 9984 : i32
        %dma_wait3A_167 = arith.constant 0 : i32
        %dma_wait3A_168 = tpu.memref_slice %arg6[%arg0, %dma_wait3A_166, %dma_wait3A_167] : memref<2x10000x72xf32, #tpu.memory_space<hbm>> -> memref<1x16x72xf32, #tpu.memory_space<hbm>>
        %dma_wait3A_169 = tpu.memref_squeeze %dma_wait3A_168 : memref<1x16x72xf32, #tpu.memory_space<hbm>> -> memref<16x72xf32, #tpu.memory_space<hbm>>
        %dma_wait3A_170 = arith.constant 9984 : i32
        %dma_wait3A_171 = arith.constant 0 : i32
        %dma_wait3A_172 = tpu.memref_slice %arg7[%dma_wait3A_170, %dma_wait3A_171] : memref<10000x72xf32, #tpu.memory_space<vmem_shared>> -> memref<16x72xf32, #tpu.memory_space<vmem_shared>>
        tpu.wait_dma2 semaphore(%run_scoped3A : memref<!tpu.dma_semaphore, #tpu.memory_space<semaphore_mem>>) src(%dma_wait3A_172 : memref<16x72xf32, #tpu.memory_space<vmem_shared>>) dst(%dma_wait3A_169 : memref<16x72xf32, #tpu.memory_space<hbm>>)
        tpu.yield
      }) : () -> ()
    } else {
    }
    return
  }
}

module attributes {stable_mosaic.version = 14 : i64} {
  func.func @_pre_body(%arg0: i32, %arg1: memref<1000x128xf32, #tpu.memory_space<vmem>>, %arg2: memref<128x64xf32, #tpu.memory_space<vmem>>, %arg3: memref<64x2xf32, #tpu.memory_space<vmem>>, %arg4: memref<1000x72xf32, #tpu.memory_space<vmem>>, %arg5: memref<2x1000x72xf32, #tpu.memory_space<vmem>>, %arg6: memref<1000x8xf32, #tpu.memory_space<vmem>>) attributes {dimension_semantics = [#tpu.dimension_semantics<arbitrary>], iteration_bounds = array<i64: 10>, scalar_prefetch = 0 : i64, scratch_operands = 0 : i64, tpu.core_type = #tpu.core_type<tc>, window_params = [{transform_indices = @transform_0, window_bounds = array<i64: 1000, 128>}, {pipeline_mode = #tpu.pipeline_mode<synchronous>, transform_indices = @transform_1, window_bounds = array<i64: 128, 64>}, {pipeline_mode = #tpu.pipeline_mode<synchronous>, transform_indices = @transform_2, window_bounds = array<i64: 64, 2>}, {transform_indices = @transform_3, window_bounds = array<i64: 1000, 72>}, {transform_indices = @transform_4, window_bounds = array<i64: 2, 1000, 72>}, {transform_indices = @transform_5, window_bounds = array<i64: 1000, 8>}]} {
    %get3A = arith.constant 0 : index
    %get3A_0 = arith.constant 0 : index
    %get3A_1 = vector.load %arg1[%get3A, %get3A_0] : memref<1000x128xf32, #tpu.memory_space<vmem>>, vector<1000x128xf32>
    %get3A_2 = arith.constant 0 : index
    %get3A_3 = arith.constant 0 : index
    %get3A_4 = vector.load %arg2[%get3A_2, %get3A_3] : memref<128x64xf32, #tpu.memory_space<vmem>>, vector<128x64xf32>
    %dot_general3A = arith.constant dense<0.000000e+00> : vector<1000x64xf32>
    %dot_general3A_5 = tpu.matmul %get3A_1, %get3A_4, %dot_general3A {dimension_numbers = #tpu.dot_dimension_numbers<[1], [0], [0], [1], [0, 0, 1, 1], [], []>, transpose_lhs_hint = false} : vector<1000x128xf32>, vector<128x64xf32>, vector<1000x64xf32> -> vector<1000x64xf32>
    %get3A_6 = arith.constant 0 : index
    %get3A_7 = arith.constant 0 : index
    %get3A_8 = vector.load %arg3[%get3A_6, %get3A_7] : memref<64x2xf32, #tpu.memory_space<vmem>>, vector<64x2xf32>
    %dot_general3A_9 = arith.constant dense<0.000000e+00> : vector<1000x2xf32>
    %dot_general3A_10 = tpu.matmul %dot_general3A_5, %get3A_8, %dot_general3A_9 {dimension_numbers = #tpu.dot_dimension_numbers<[1], [0], [0], [1], [0, 0, 1, 1], [], []>, transpose_lhs_hint = false} : vector<1000x64xf32>, vector<64x2xf32>, vector<1000x2xf32> -> vector<1000x2xf32>
    %slice3A = vector.extract_strided_slice %dot_general3A_10 {offsets = [0, 0], sizes = [1000, 1], strides = [1, 1]} : vector<1000x2xf32> to vector<1000x1xf32>
    %slice3A_11 = vector.extract_strided_slice %dot_general3A_10 {offsets = [0, 1], sizes = [1000, 1], strides = [1, 1]} : vector<1000x2xf32> to vector<1000x1xf32>
    %add3A = arith.addf %slice3A, %slice3A_11 : vector<1000x1xf32>
    %mul3A = arith.constant 2.000000e-01 : f32
    %mul3A_12 = vector.broadcast %mul3A : f32 to vector<1000x1xf32>
    %mul3A_13 = arith.mulf %mul3A_12, %add3A : vector<1000x1xf32>
    %max3A = arith.maximumf %add3A, %mul3A_13 : vector<1000x1xf32>
    %exp3A = math.exp %max3A : vector<1000x1xf32>
    %broadcast_in_dim3A = arith.constant 1.000000e+00 : f32
    %broadcast_in_dim3A_14 = vector.broadcast %broadcast_in_dim3A : f32 to vector<1000x1xf32>
    %slice3A_15 = vector.extract_strided_slice %dot_general3A_10 {offsets = [0, 0], sizes = [1000, 1], strides = [1, 1]} : vector<1000x2xf32> to vector<1000x1xf32>
    %broadcast_in_dim3A_16 = arith.constant 0.000000e+00 : f32
    %broadcast_in_dim3A_17 = vector.broadcast %broadcast_in_dim3A_16 : f32 to vector<1000x6xf32>
    %concatenate3A = tpu.concatenate %dot_general3A_5, %broadcast_in_dim3A_14, %slice3A_15, %broadcast_in_dim3A_17 in 1 : vector<1000x64xf32>, vector<1000x1xf32>, vector<1000x1xf32>, vector<1000x6xf32> -> vector<1000x72xf32>
    %swap3A = arith.constant 0 : index
    %swap3A_18 = arith.constant 0 : index
    %swap3A_19 = vector.load %arg4[%swap3A, %swap3A_18] : memref<1000x72xf32, #tpu.memory_space<vmem>>, vector<1000x72xf32>
    tpu.vector_store %arg4[%swap3A, %swap3A_18], %concatenate3A {strides = array<i32>} : memref<1000x72xf32, #tpu.memory_space<vmem>>, vector<1000x72xf32>,
    %mul3A_20 = vector.broadcast %exp3A : vector<1000x1xf32> to vector<1000x72xf32>
    %mul3A_21 = arith.mulf %mul3A_20, %concatenate3A : vector<1000x72xf32>
    %swap3A_22 = arith.constant 0 : index
    %swap3A_23 = arith.constant 0 : index
    %swap3A_24 = arith.constant 0 : index
    %swap3A_25 = vector.load %arg5[%swap3A_22, %swap3A_23, %swap3A_24] : memref<2x1000x72xf32, #tpu.memory_space<vmem>>, vector<1x1000x72xf32>
    %swap3A_26 = vector.shape_cast %swap3A_25 : vector<1x1000x72xf32> to vector<1000x72xf32>
    %swap3A_27 = vector.shape_cast %mul3A_21 : vector<1000x72xf32> to vector<1x1000x72xf32>
    tpu.vector_store %arg5[%swap3A_22, %swap3A_23, %swap3A_24], %swap3A_27 {strides = array<i32>} : memref<2x1000x72xf32, #tpu.memory_space<vmem>>, vector<1x1000x72xf32>,
    %broadcast_in_dim3A_28 = arith.constant 0.000000e+00 : f32
    %broadcast_in_dim3A_29 = vector.broadcast %broadcast_in_dim3A_28 : f32 to vector<1000x72xf32>
    %swap3A_30 = arith.constant 1 : index
    %swap3A_31 = arith.constant 0 : index
    %swap3A_32 = arith.constant 0 : index
    %swap3A_33 = vector.load %arg5[%swap3A_30, %swap3A_31, %swap3A_32] : memref<2x1000x72xf32, #tpu.memory_space<vmem>>, vector<1x1000x72xf32>
    %swap3A_34 = vector.shape_cast %swap3A_33 : vector<1x1000x72xf32> to vector<1000x72xf32>
    %swap3A_35 = vector.shape_cast %broadcast_in_dim3A_29 : vector<1000x72xf32> to vector<1x1000x72xf32>
    tpu.vector_store %arg5[%swap3A_30, %swap3A_31, %swap3A_32], %swap3A_35 {strides = array<i32>} : memref<2x1000x72xf32, #tpu.memory_space<vmem>>, vector<1x1000x72xf32>,
    %slice3A_36 = vector.extract_strided_slice %dot_general3A_10 {offsets = [0, 1], sizes = [1000, 1], strides = [1, 1]} : vector<1000x2xf32> to vector<1000x1xf32>
    %broadcast_in_dim3A_37 = arith.constant 0.000000e+00 : f32
    %broadcast_in_dim3A_38 = vector.broadcast %broadcast_in_dim3A_37 : f32 to vector<1000x7xf32>
    %concatenate3A_39 = tpu.concatenate %slice3A_36, %broadcast_in_dim3A_38 in 1 : vector<1000x1xf32>, vector<1000x7xf32> -> vector<1000x8xf32>
    %swap3A_40 = arith.constant 0 : index
    %swap3A_41 = arith.constant 0 : index
    %swap3A_42 = vector.load %arg6[%swap3A_40, %swap3A_41] : memref<1000x8xf32, #tpu.memory_space<vmem>>, vector<1000x8xf32>
    tpu.vector_store %arg6[%swap3A_40, %swap3A_41], %concatenate3A_39 {strides = array<i32>} : memref<1000x8xf32, #tpu.memory_space<vmem>>, vector<1000x8xf32>,
    return
  }
  func.func @transform_0(%arg0: i32) -> (i32, i32) {
    %c0_i32 = arith.constant 0 : i32
    %c0_i32_0 = arith.constant 0 : i32
    return %arg0, %c0_i32 : i32, i32
  }
  func.func @transform_1(%arg0: i32) -> (i32, i32) {
    %c0_i32 = arith.constant 0 : i32
    %c0_i32_0 = arith.constant 0 : i32
    %c0_i32_1 = arith.constant 0 : i32
    return %c0_i32, %c0_i32_0 : i32, i32
  }
  func.func @transform_2(%arg0: i32) -> (i32, i32) {
    %c0_i32 = arith.constant 0 : i32
    %c0_i32_0 = arith.constant 0 : i32
    %c0_i32_1 = arith.constant 0 : i32
    return %c0_i32, %c0_i32_0 : i32, i32
  }
  func.func @transform_3(%arg0: i32) -> (i32, i32) {
    %c0_i32 = arith.constant 0 : i32
    %c0_i32_0 = arith.constant 0 : i32
    return %arg0, %c0_i32 : i32, i32
  }
  func.func @transform_4(%arg0: i32) -> (i32, i32, i32) {
    %c0_i32 = arith.constant 0 : i32
    %c0_i32_0 = arith.constant 0 : i32
    %c0_i32_1 = arith.constant 0 : i32
    return %c0_i32, %arg0, %c0_i32_0 : i32, i32, i32
  }
  func.func @transform_5(%arg0: i32) -> (i32, i32) {
    %c0_i32 = arith.constant 0 : i32
    %c0_i32_0 = arith.constant 0 : i32
    return %arg0, %c0_i32 : i32, i32
  }
}

module attributes {stable_mosaic.version = 14 : i64} {
  func.func @_mid_body(%arg0: i32, %arg1: memref<2x1000x72xf32, #tpu.memory_space<vmem>>, %arg2: memref<1x64xf32, #tpu.memory_space<vmem>>, %arg3: memref<64x64xf32, #tpu.memory_space<vmem>>, %arg4: memref<64x2xf32, #tpu.memory_space<vmem>>, %arg5: memref<1000x72xf32, #tpu.memory_space<vmem>>, %arg6: memref<2x1000x72xf32, #tpu.memory_space<vmem>>, %arg7: memref<1000x8xf32, #tpu.memory_space<vmem>>) attributes {dimension_semantics = [#tpu.dimension_semantics<arbitrary>], iteration_bounds = array<i64: 10>, scalar_prefetch = 0 : i64, scratch_operands = 0 : i64, tpu.core_type = #tpu.core_type<tc>, window_params = [{transform_indices = @transform_0, window_bounds = array<i64: 2, 1000, 72>}, {pipeline_mode = #tpu.pipeline_mode<synchronous>, transform_indices = @transform_1, window_bounds = array<i64: 1, 64>}, {pipeline_mode = #tpu.pipeline_mode<synchronous>, transform_indices = @transform_2, window_bounds = array<i64: 64, 64>}, {pipeline_mode = #tpu.pipeline_mode<synchronous>, transform_indices = @transform_3, window_bounds = array<i64: 64, 2>}, {transform_indices = @transform_4, window_bounds = array<i64: 1000, 72>}, {transform_indices = @transform_5, window_bounds = array<i64: 2, 1000, 72>}, {transform_indices = @transform_6, window_bounds = array<i64: 1000, 8>}]} {
    %get3A = arith.constant 0 : index
    %get3A_0 = arith.constant 0 : index
    %get3A_1 = arith.constant 0 : index
    %get3A_2 = vector.load %arg1[%get3A, %get3A_0, %get3A_1] : memref<2x1000x72xf32, #tpu.memory_space<vmem>>, vector<2x1000x72xf32>
    %get3A_3 = arith.constant 0 : index
    %get3A_4 = arith.constant 0 : index
    %get3A_5 = vector.load %arg2[%get3A_3, %get3A_4] : memref<1x64xf32, #tpu.memory_space<vmem>>, vector<1x64xf32>
    %slice3A = vector.extract_strided_slice %get3A_2 {offsets = [0, 0, 0], sizes = [1, 1000, 72], strides = [1, 1, 1]} : vector<2x1000x72xf32> to vector<1x1000x72xf32>
    %squeeze3A = vector.shape_cast %slice3A : vector<1x1000x72xf32> to vector<1000x72xf32>
    %slice3A_6 = vector.extract_strided_slice %get3A_2 {offsets = [1, 0, 0], sizes = [1, 1000, 72], strides = [1, 1, 1]} : vector<2x1000x72xf32> to vector<1x1000x72xf32>
    %squeeze3A_7 = vector.shape_cast %slice3A_6 : vector<1x1000x72xf32> to vector<1000x72xf32>
    %add3A = arith.addf %squeeze3A, %squeeze3A_7 : vector<1000x72xf32>
    %slice3A_8 = vector.extract_strided_slice %add3A {offsets = [0, 64], sizes = [1000, 1], strides = [1, 1]} : vector<1000x72xf32> to vector<1000x1xf32>
    %slice3A_9 = vector.extract_strided_slice %add3A {offsets = [0, 0], sizes = [1000, 64], strides = [1, 1]} : vector<1000x72xf32> to vector<1000x64xf32>
    %add3A_10 = arith.constant 1.000000e-16 : f32
    %add3A_11 = vector.broadcast %add3A_10 : f32 to vector<1000x1xf32>
    %add3A_12 = arith.addf %slice3A_8, %add3A_11 : vector<1000x1xf32>
    %div3A = vector.broadcast %add3A_12 : vector<1000x1xf32> to vector<1000x64xf32>
    %div3A_13 = arith.divf %slice3A_9, %div3A : vector<1000x64xf32>
    %add3A_14 = vector.broadcast %get3A_5 : vector<1x64xf32> to vector<1000x64xf32>
    %add3A_15 = arith.addf %div3A_13, %add3A_14 : vector<1000x64xf32>
    %max3A = arith.constant 0.000000e+00 : f32
    %max3A_16 = vector.broadcast %max3A : f32 to vector<1000x64xf32>
    %max3A_17 = arith.maximumf %add3A_15, %max3A_16 : vector<1000x64xf32>
    %get3A_18 = arith.constant 0 : index
    %get3A_19 = arith.constant 0 : index
    %get3A_20 = vector.load %arg3[%get3A_18, %get3A_19] : memref<64x64xf32, #tpu.memory_space<vmem>>, vector<64x64xf32>
    %dot_general3A = arith.constant dense<0.000000e+00> : vector<1000x64xf32>
    %dot_general3A_21 = tpu.matmul %max3A_17, %get3A_20, %dot_general3A {dimension_numbers = #tpu.dot_dimension_numbers<[1], [0], [0], [1], [0, 0, 1, 1], [], []>, transpose_lhs_hint = false} : vector<1000x64xf32>, vector<64x64xf32>, vector<1000x64xf32> -> vector<1000x64xf32>
    %get3A_22 = arith.constant 0 : index
    %get3A_23 = arith.constant 0 : index
    %get3A_24 = vector.load %arg4[%get3A_22, %get3A_23] : memref<64x2xf32, #tpu.memory_space<vmem>>, vector<64x2xf32>
    %dot_general3A_25 = arith.constant dense<0.000000e+00> : vector<1000x2xf32>
    %dot_general3A_26 = tpu.matmul %dot_general3A_21, %get3A_24, %dot_general3A_25 {dimension_numbers = #tpu.dot_dimension_numbers<[1], [0], [0], [1], [0, 0, 1, 1], [], []>, transpose_lhs_hint = false} : vector<1000x64xf32>, vector<64x2xf32>, vector<1000x2xf32> -> vector<1000x2xf32>
    %slice3A_27 = vector.extract_strided_slice %dot_general3A_26 {offsets = [0, 0], sizes = [1000, 1], strides = [1, 1]} : vector<1000x2xf32> to vector<1000x1xf32>
    %slice3A_28 = vector.extract_strided_slice %dot_general3A_26 {offsets = [0, 1], sizes = [1000, 1], strides = [1, 1]} : vector<1000x2xf32> to vector<1000x1xf32>
    %add3A_29 = arith.addf %slice3A_27, %slice3A_28 : vector<1000x1xf32>
    %mul3A = arith.constant 2.000000e-01 : f32
    %mul3A_30 = vector.broadcast %mul3A : f32 to vector<1000x1xf32>
    %mul3A_31 = arith.mulf %mul3A_30, %add3A_29 : vector<1000x1xf32>
    %max3A_32 = arith.maximumf %add3A_29, %mul3A_31 : vector<1000x1xf32>
    %exp3A = math.exp %max3A_32 : vector<1000x1xf32>
    %broadcast_in_dim3A = arith.constant 1.000000e+00 : f32
    %broadcast_in_dim3A_33 = vector.broadcast %broadcast_in_dim3A : f32 to vector<1000x1xf32>
    %slice3A_34 = vector.extract_strided_slice %dot_general3A_26 {offsets = [0, 0], sizes = [1000, 1], strides = [1, 1]} : vector<1000x2xf32> to vector<1000x1xf32>
    %broadcast_in_dim3A_35 = arith.constant 0.000000e+00 : f32
    %broadcast_in_dim3A_36 = vector.broadcast %broadcast_in_dim3A_35 : f32 to vector<1000x6xf32>
    %concatenate3A = tpu.concatenate %dot_general3A_21, %broadcast_in_dim3A_33, %slice3A_34, %broadcast_in_dim3A_36 in 1 : vector<1000x64xf32>, vector<1000x1xf32>, vector<1000x1xf32>, vector<1000x6xf32> -> vector<1000x72xf32>
    %swap3A = arith.constant 0 : index
    %swap3A_37 = arith.constant 0 : index
    %swap3A_38 = vector.load %arg5[%swap3A, %swap3A_37] : memref<1000x72xf32, #tpu.memory_space<vmem>>, vector<1000x72xf32>
    tpu.vector_store %arg5[%swap3A, %swap3A_37], %concatenate3A {strides = array<i32>} : memref<1000x72xf32, #tpu.memory_space<vmem>>, vector<1000x72xf32>,
    %mul3A_39 = vector.broadcast %exp3A : vector<1000x1xf32> to vector<1000x72xf32>
    %mul3A_40 = arith.mulf %mul3A_39, %concatenate3A : vector<1000x72xf32>
    %swap3A_41 = arith.constant 0 : index
    %swap3A_42 = arith.constant 0 : index
    %swap3A_43 = arith.constant 0 : index
    %swap3A_44 = vector.load %arg6[%swap3A_41, %swap3A_42, %swap3A_43] : memref<2x1000x72xf32, #tpu.memory_space<vmem>>, vector<1x1000x72xf32>
    %swap3A_45 = vector.shape_cast %swap3A_44 : vector<1x1000x72xf32> to vector<1000x72xf32>
    %swap3A_46 = vector.shape_cast %mul3A_40 : vector<1000x72xf32> to vector<1x1000x72xf32>
    tpu.vector_store %arg6[%swap3A_41, %swap3A_42, %swap3A_43], %swap3A_46 {strides = array<i32>} : memref<2x1000x72xf32, #tpu.memory_space<vmem>>, vector<1x1000x72xf32>,
    %broadcast_in_dim3A_47 = arith.constant 0.000000e+00 : f32
    %broadcast_in_dim3A_48 = vector.broadcast %broadcast_in_dim3A_47 : f32 to vector<1000x72xf32>
    %swap3A_49 = arith.constant 1 : index
    %swap3A_50 = arith.constant 0 : index
    %swap3A_51 = arith.constant 0 : index
    %swap3A_52 = vector.load %arg6[%swap3A_49, %swap3A_50, %swap3A_51] : memref<2x1000x72xf32, #tpu.memory_space<vmem>>, vector<1x1000x72xf32>
    %swap3A_53 = vector.shape_cast %swap3A_52 : vector<1x1000x72xf32> to vector<1000x72xf32>
    %swap3A_54 = vector.shape_cast %broadcast_in_dim3A_48 : vector<1000x72xf32> to vector<1x1000x72xf32>
    tpu.vector_store %arg6[%swap3A_49, %swap3A_50, %swap3A_51], %swap3A_54 {strides = array<i32>} : memref<2x1000x72xf32, #tpu.memory_space<vmem>>, vector<1x1000x72xf32>,
    %slice3A_55 = vector.extract_strided_slice %dot_general3A_26 {offsets = [0, 1], sizes = [1000, 1], strides = [1, 1]} : vector<1000x2xf32> to vector<1000x1xf32>
    %broadcast_in_dim3A_56 = arith.constant 0.000000e+00 : f32
    %broadcast_in_dim3A_57 = vector.broadcast %broadcast_in_dim3A_56 : f32 to vector<1000x7xf32>
    %concatenate3A_58 = tpu.concatenate %slice3A_55, %broadcast_in_dim3A_57 in 1 : vector<1000x1xf32>, vector<1000x7xf32> -> vector<1000x8xf32>
    %swap3A_59 = arith.constant 0 : index
    %swap3A_60 = arith.constant 0 : index
    %swap3A_61 = vector.load %arg7[%swap3A_59, %swap3A_60] : memref<1000x8xf32, #tpu.memory_space<vmem>>, vector<1000x8xf32>
    tpu.vector_store %arg7[%swap3A_59, %swap3A_60], %concatenate3A_58 {strides = array<i32>} : memref<1000x8xf32, #tpu.memory_space<vmem>>, vector<1000x8xf32>,
    return
  }
  func.func @transform_0(%arg0: i32) -> (i32, i32, i32) {
    %c0_i32 = arith.constant 0 : i32
    %c0_i32_0 = arith.constant 0 : i32
    %c0_i32_1 = arith.constant 0 : i32
    return %c0_i32, %arg0, %c0_i32_0 : i32, i32, i32
  }
  func.func @transform_1(%arg0: i32) -> (i32, i32) {
    %c0_i32 = arith.constant 0 : i32
    %c0_i32_0 = arith.constant 0 : i32
    %c0_i32_1 = arith.constant 0 : i32
    return %c0_i32, %c0_i32_0 : i32, i32
  }
  func.func @transform_2(%arg0: i32) -> (i32, i32) {
    %c0_i32 = arith.constant 0 : i32
    %c0_i32_0 = arith.constant 0 : i32
    %c0_i32_1 = arith.constant 0 : i32
    return %c0_i32, %c0_i32_0 : i32, i32
  }
  func.func @transform_3(%arg0: i32) -> (i32, i32) {
    %c0_i32 = arith.constant 0 : i32
    %c0_i32_0 = arith.constant 0 : i32
    %c0_i32_1 = arith.constant 0 : i32
    return %c0_i32, %c0_i32_0 : i32, i32
  }
  func.func @transform_4(%arg0: i32) -> (i32, i32) {
    %c0_i32 = arith.constant 0 : i32
    %c0_i32_0 = arith.constant 0 : i32
    return %arg0, %c0_i32 : i32, i32
  }
  func.func @transform_5(%arg0: i32) -> (i32, i32, i32) {
    %c0_i32 = arith.constant 0 : i32
    %c0_i32_0 = arith.constant 0 : i32
    %c0_i32_1 = arith.constant 0 : i32
    return %c0_i32, %arg0, %c0_i32_0 : i32, i32, i32
  }
  func.func @transform_6(%arg0: i32) -> (i32, i32) {
    %c0_i32 = arith.constant 0 : i32
    %c0_i32_0 = arith.constant 0 : i32
    return %arg0, %c0_i32 : i32, i32
  }
}

module attributes {stable_mosaic.version = 14 : i64} {
  func.func @_pool_body(%arg0: i32, %arg1: memref<2x1000x72xf32, #tpu.memory_space<vmem>>, %arg2: memref<1x64xf32, #tpu.memory_space<vmem>>, %arg3: memref<1x1x1000xi32, #tpu.memory_space<vmem>>, %arg4: memref<64x168xf32, #tpu.memory_space<vmem>>, %arg5: memref<1x168xf32, #tpu.memory_space<vmem>>, %arg6: memref<32x168xf32, #tpu.memory_space<vmem>>, %arg7: memref<32x72xf32, #tpu.memory_space<vmem>>) attributes {dimension_semantics = [#tpu.dimension_semantics<arbitrary>], iteration_bounds = array<i64: 10>, scalar_prefetch = 0 : i64, scratch_operands = 1 : i64, tpu.core_type = #tpu.core_type<tc>, window_params = [{transform_indices = @transform_0, window_bounds = array<i64: 2, 1000, 72>}, {pipeline_mode = #tpu.pipeline_mode<synchronous>, transform_indices = @transform_1, window_bounds = array<i64: 1, 64>}, {transform_indices = @transform_2, window_bounds = array<i64: 1, 1, 1000>}, {pipeline_mode = #tpu.pipeline_mode<synchronous>, transform_indices = @transform_3, window_bounds = array<i64: 64, 168>}, {pipeline_mode = #tpu.pipeline_mode<synchronous>, transform_indices = @transform_4, window_bounds = array<i64: 1, 168>}, {pipeline_mode = #tpu.pipeline_mode<synchronous>, transform_indices = @transform_5, window_bounds = array<i64: 32, 168>}]} {
    %get3A = arith.constant 0 : index
    %get3A_0 = arith.constant 0 : index
    %get3A_1 = arith.constant 0 : index
    %get3A_2 = vector.load %arg1[%get3A, %get3A_0, %get3A_1] : memref<2x1000x72xf32, #tpu.memory_space<vmem>>, vector<2x1000x72xf32>
    %get3A_3 = arith.constant 0 : index
    %get3A_4 = arith.constant 0 : index
    %get3A_5 = vector.load %arg2[%get3A_3, %get3A_4] : memref<1x64xf32, #tpu.memory_space<vmem>>, vector<1x64xf32>
    %slice3A = vector.extract_strided_slice %get3A_2 {offsets = [0, 0, 0], sizes = [1, 1000, 72], strides = [1, 1, 1]} : vector<2x1000x72xf32> to vector<1x1000x72xf32>
    %squeeze3A = vector.shape_cast %slice3A : vector<1x1000x72xf32> to vector<1000x72xf32>
    %slice3A_6 = vector.extract_strided_slice %get3A_2 {offsets = [1, 0, 0], sizes = [1, 1000, 72], strides = [1, 1, 1]} : vector<2x1000x72xf32> to vector<1x1000x72xf32>
    %squeeze3A_7 = vector.shape_cast %slice3A_6 : vector<1x1000x72xf32> to vector<1000x72xf32>
    %add3A = arith.addf %squeeze3A, %squeeze3A_7 : vector<1000x72xf32>
    %slice3A_8 = vector.extract_strided_slice %add3A {offsets = [0, 64], sizes = [1000, 1], strides = [1, 1]} : vector<1000x72xf32> to vector<1000x1xf32>
    %slice3A_9 = vector.extract_strided_slice %add3A {offsets = [0, 0], sizes = [1000, 64], strides = [1, 1]} : vector<1000x72xf32> to vector<1000x64xf32>
    %add3A_10 = arith.constant 1.000000e-16 : f32
    %add3A_11 = vector.broadcast %add3A_10 : f32 to vector<1000x1xf32>
    %add3A_12 = arith.addf %slice3A_8, %add3A_11 : vector<1000x1xf32>
    %div3A = vector.broadcast %add3A_12 : vector<1000x1xf32> to vector<1000x64xf32>
    %div3A_13 = arith.divf %slice3A_9, %div3A : vector<1000x64xf32>
    %add3A_14 = vector.broadcast %get3A_5 : vector<1x64xf32> to vector<1000x64xf32>
    %add3A_15 = arith.addf %div3A_13, %add3A_14 : vector<1000x64xf32>
    %max3A = arith.constant 0.000000e+00 : f32
    %max3A_16 = vector.broadcast %max3A : f32 to vector<1000x64xf32>
    %max3A_17 = arith.maximumf %add3A_15, %max3A_16 : vector<1000x64xf32>
    %get3A_18 = arith.constant 0 : index
    %get3A_19 = arith.constant 0 : index
    %get3A_20 = arith.constant 0 : index
    %get3A_21 = vector.load %arg3[%get3A_18, %get3A_19, %get3A_20] : memref<1x1x1000xi32, #tpu.memory_space<vmem>>, vector<1x1x1000xi32>
    %get3A_22 = vector.shape_cast %get3A_21 : vector<1x1x1000xi32> to vector<1000xi32>
    %iota3A = tpu.iota {dimensions = array<i32: 0>} : vector<32x1000xi32>
    %broadcast_in_dim3A = vector.shape_cast %get3A_22 : vector<1000xi32> to vector<1x1000xi32>
    %eq3A = vector.broadcast %broadcast_in_dim3A : vector<1x1000xi32> to vector<32x1000xi32>
    %eq3A_23 = arith.cmpi eq, %iota3A, %eq3A : vector<32x1000xi32>
    %convert_element_type3A = arith.extui %eq3A_23 : vector<32x1000xi1> to vector<32x1000xi32>
    %convert_element_type3A_24 = arith.sitofp %convert_element_type3A : vector<32x1000xi32> to vector<32x1000xf32>
    %broadcast_in_dim3A_25 = arith.constant 1.000000e+00 : f32
    %broadcast_in_dim3A_26 = vector.broadcast %broadcast_in_dim3A_25 : f32 to vector<1000x1xf32>
    %broadcast_in_dim3A_27 = arith.constant 0.000000e+00 : f32
    %broadcast_in_dim3A_28 = vector.broadcast %broadcast_in_dim3A_27 : f32 to vector<1000x7xf32>
    %concatenate3A = tpu.concatenate %max3A_17, %broadcast_in_dim3A_26, %broadcast_in_dim3A_28 in 1 : vector<1000x64xf32>, vector<1000x1xf32>, vector<1000x7xf32> -> vector<1000x72xf32>
    %dot_general3A = arith.constant dense<0.000000e+00> : vector<32x72xf32>
    %dot_general3A_29 = tpu.matmul %convert_element_type3A_24, %concatenate3A, %dot_general3A {dimension_numbers = #tpu.dot_dimension_numbers<[1], [0], [0], [1], [0, 0, 1, 1], [], []>, transpose_lhs_hint = false} : vector<32x1000xf32>, vector<1000x72xf32>, vector<32x72xf32> -> vector<32x72xf32>
    %eq3A_30 = arith.constant 0 : i32
    %eq3A_31 = arith.cmpi eq, %arg0, %eq3A_30 : i32
    %convert_element_type3A_32 = arith.extui %eq3A_31 : i1 to i32
    %cond3A = arith.constant 0 : i32
    %cond3A_33 = arith.cmpi ne, %convert_element_type3A_32, %cond3A : i32
    scf.if %cond3A_33 {
      %swap3A = arith.constant 0 : index
      %swap3A_43 = arith.constant 0 : index
      %swap3A_44 = vector.load %arg7[%swap3A, %swap3A_43] : memref<32x72xf32, #tpu.memory_space<vmem>>, vector<32x72xf32>
      tpu.vector_store %arg7[%swap3A, %swap3A_43], %dot_general3A_29 {strides = array<i32>} : memref<32x72xf32, #tpu.memory_space<vmem>>, vector<32x72xf32>,
    } else {
    }
    %gt3A = arith.constant 0 : i32
    %gt3A_34 = arith.cmpi sgt, %arg0, %gt3A : i32
    %convert_element_type3A_35 = arith.extui %gt3A_34 : i1 to i32
    %cond3A_36 = arith.constant 0 : i32
    %cond3A_37 = arith.cmpi ne, %convert_element_type3A_35, %cond3A_36 : i32
    scf.if %cond3A_37 {
      %get3A_43 = arith.constant 0 : index
      %get3A_44 = arith.constant 0 : index
      %get3A_45 = vector.load %arg7[%get3A_43, %get3A_44] : memref<32x72xf32, #tpu.memory_space<vmem>>, vector<32x72xf32>
      %add3A_46 = arith.addf %get3A_45, %dot_general3A_29 : vector<32x72xf32>
      %swap3A = arith.constant 0 : index
      %swap3A_47 = arith.constant 0 : index
      %swap3A_48 = vector.load %arg7[%swap3A, %swap3A_47] : memref<32x72xf32, #tpu.memory_space<vmem>>, vector<32x72xf32>
      tpu.vector_store %arg7[%swap3A, %swap3A_47], %add3A_46 {strides = array<i32>} : memref<32x72xf32, #tpu.memory_space<vmem>>, vector<32x72xf32>,
    } else {
    }
    %eq3A_38 = arith.constant 9 : i32
    %eq3A_39 = arith.cmpi eq, %arg0, %eq3A_38 : i32
    %convert_element_type3A_40 = arith.extui %eq3A_39 : i1 to i32
    %cond3A_41 = arith.constant 0 : i32
    %cond3A_42 = arith.cmpi ne, %convert_element_type3A_40, %cond3A_41 : i32
    scf.if %cond3A_42 {
      %get3A_43 = arith.constant 0 : index
      %get3A_44 = arith.constant 0 : index
      %get3A_45 = vector.load %arg7[%get3A_43, %get3A_44] : memref<32x72xf32, #tpu.memory_space<vmem>>, vector<32x72xf32>
      %slice3A_46 = vector.extract_strided_slice %get3A_45 {offsets = [0, 0], sizes = [32, 64], strides = [1, 1]} : vector<32x72xf32> to vector<32x64xf32>
      %slice3A_47 = vector.extract_strided_slice %get3A_45 {offsets = [0, 64], sizes = [32, 1], strides = [1, 1]} : vector<32x72xf32> to vector<32x1xf32>
      %max3A_48 = arith.constant 1.000000e+00 : f32
      %max3A_49 = vector.broadcast %max3A_48 : f32 to vector<32x1xf32>
      %max3A_50 = arith.maximumf %slice3A_47, %max3A_49 : vector<32x1xf32>
      %div3A_51 = vector.broadcast %max3A_50 : vector<32x1xf32> to vector<32x64xf32>
      %div3A_52 = arith.divf %slice3A_46, %div3A_51 : vector<32x64xf32>
      %get3A_53 = arith.constant 0 : index
      %get3A_54 = arith.constant 0 : index
      %get3A_55 = vector.load %arg4[%get3A_53, %get3A_54] : memref<64x168xf32, #tpu.memory_space<vmem>>, vector<64x168xf32>
      %dot_general3A_56 = arith.constant dense<0.000000e+00> : vector<32x168xf32>
      %dot_general3A_57 = tpu.matmul %div3A_52, %get3A_55, %dot_general3A_56 {dimension_numbers = #tpu.dot_dimension_numbers<[1], [0], [0], [1], [0, 0, 1, 1], [], []>, transpose_lhs_hint = false} : vector<32x64xf32>, vector<64x168xf32>, vector<32x168xf32> -> vector<32x168xf32>
      %get3A_58 = arith.constant 0 : index
      %get3A_59 = arith.constant 0 : index
      %get3A_60 = vector.load %arg5[%get3A_58, %get3A_59] : memref<1x168xf32, #tpu.memory_space<vmem>>, vector<1x168xf32>
      %add3A_61 = vector.broadcast %get3A_60 : vector<1x168xf32> to vector<32x168xf32>
      %add3A_62 = arith.addf %dot_general3A_57, %add3A_61 : vector<32x168xf32>
      %swap3A = arith.constant 0 : index
      %swap3A_63 = arith.constant 0 : index
      %swap3A_64 = vector.load %arg6[%swap3A, %swap3A_63] : memref<32x168xf32, #tpu.memory_space<vmem>>, vector<32x168xf32>
      tpu.vector_store %arg6[%swap3A, %swap3A_63], %add3A_62 {strides = array<i32>} : memref<32x168xf32, #tpu.memory_space<vmem>>, vector<32x168xf32>,
    } else {
    }
    return
  }
  func.func @transform_0(%arg0: i32) -> (i32, i32, i32) {
    %c0_i32 = arith.constant 0 : i32
    %c0_i32_0 = arith.constant 0 : i32
    %c0_i32_1 = arith.constant 0 : i32
    return %c0_i32, %arg0, %c0_i32_0 : i32, i32, i32
  }
  func.func @transform_1(%arg0: i32) -> (i32, i32) {
    %c0_i32 = arith.constant 0 : i32
    %c0_i32_0 = arith.constant 0 : i32
    %c0_i32_1 = arith.constant 0 : i32
    return %c0_i32, %c0_i32_0 : i32, i32
  }
  func.func @transform_2(%arg0: i32) -> (i32, i32, i32) {
    %c0_i32 = arith.constant 0 : i32
    %c0_i32_0 = arith.constant 0 : i32
    %c0_i32_1 = arith.constant 0 : i32
    return %arg0, %c0_i32, %c0_i32_0 : i32, i32, i32
  }
  func.func @transform_3(%arg0: i32) -> (i32, i32) {
    %c0_i32 = arith.constant 0 : i32
    %c0_i32_0 = arith.constant 0 : i32
    %c0_i32_1 = arith.constant 0 : i32
    return %c0_i32, %c0_i32_0 : i32, i32
  }
  func.func @transform_4(%arg0: i32) -> (i32, i32) {
    %c0_i32 = arith.constant 0 : i32
    %c0_i32_0 = arith.constant 0 : i32
    %c0_i32_1 = arith.constant 0 : i32
    return %c0_i32, %c0_i32_0 : i32, i32
  }
  func.func @transform_5(%arg0: i32) -> (i32, i32) {
    %c0_i32 = arith.constant 0 : i32
    %c0_i32_0 = arith.constant 0 : i32
    %c0_i32_1 = arith.constant 0 : i32
    return %c0_i32, %c0_i32_0 : i32, i32
  }
}

</mosaic_0001>

<sc_bundles>
// kernel: kernel.10.cloned.1.call-start
scs
__scs_entry_jumppad:
0x0: {  	(pc) =	sbr.rel $0x88, $3  }
0x1: {  	(tag) =	ssettag $0x0;
	lr =	simm.s32 $0x1  }
0x2: {  	[smem:$0x3F94] =	sst lr;
	_ =	strace $0xD0000000  }
0x3: {  	_ = 	snop  }
0x4: {  	_ = 	snop  }
0x5: {  	_ = 	snop  }
0x6: {  	_ = 	snop  }
0x7: {  	_ = 	snop  }
__scs_overlays_trampoline_lowered:
0x8: {  	[smem:$0x3FA3] =	sst s0  }
0x9: {  	[smem:$0x3FA4] =	sst s1  }
0xa: {  	[smem:$0x3FA5] =	sst s2  }
0xb: {  	[smem:$0x3FA6] =	sst s3  }
0xc: {  	[smem:$0x3FA7] =	sst s4  }
0xd: {  	[smem:$0x3FA8] =	sst s5  }
0xe: {  	[smem:$0x3FA9] =	sst s6  }
0xf: {  	[smem:$0x3FAA] =	sst s7  }
0x10: {  	[smem:$0x3FAB] =	sst s8  }
0x11: {  	[smem:$0x3FAC] =	sst s9;
	s0 =	simm.s32 @!p0 $0x0  }
0x12: {  	s1 =	sld [smem:$0x3F92];
	s0 =	simm.s32 @p0 $0x1  }
0x13: {  	[smem:$0x3FAD] =	sst s0;
	s0 =	simm.s32 @!p1 $0x0  }
0x14: {  	s2 =	sld [smem:$0x3F91];
	s0 =	simm.s32 @p1 $0x1  }
0x15: {  	[smem:$0x3FAE] =	sst s0;
	s0 =	simm.s32 @!p2 $0x0  }
0x16: {  	s3 =	sld [smem:$0x3FDB];
	s0 =	simm.s32 @p2 $0x1  }
0x17: {  	s4 =	simm.s32 $0x1BF5;
	[smem:$0x3FB0] =	sst s0  }
0x18: {  	s0 =	sld [smem:$0x3F93];
	_ =	swait.ge [sflag:s4], $0x0  }
0x19: {  	s7 =	sld [smem:$0x3F94]  }
0x1a: {  	s8 =	sadd.s32 $0xFFFFE003, lr  }
0x1b: {  	s9 =	sadd.s32 $0xFFFFFEF7, lr;
	s5 =	simm.s32 $0xFFFFFFFF;
	p2 =	slt.u32 s8, $0xFFFFF086  }
0x1c: {  	p1 =	slt.u32 s9, $0xF7A;
	s5 =	simm.s32 @!p2 $0x0  }
0x1d: {  	s5 =	simm.s32 @p1 $0x1;
	p0 =	seq.s32 s7, s2  }
0x1e: {  	s7 =	smul.u32 @!p0 $0xF7A, s2;
	p2 =	seq.s32 @!p0 s5, $0x0  }
0x1f: {  	s9 =	smul.u32 $0xF7A, s1;
	s8 =	simm.s32 @!p0 $0x1BF5;
	p2 =	por !p2, p0  }
0x20: {  	[sflag:s8] =	ssyncset.s32 @!p0 $0xFFFFF086;
	s6 =	sadd.s32 @!p0 s3, s7;
	s7 =	simm.s32 @!p0 $0x108  }
0x21: {  	s3 =	sadd.s32 s3, s9;
	s6 =	sadd.s32 @!p0 $0x88, s6;
	s7 =	simm.s32 @p2 $0x1082  }
0x22: {  	[simem:s7], [sflag:s8] =	dma.local @!p0 [hbm:s6], $0xF7A  }
0x23: {  	s9 =	sor.u32 $0xD0000000, s2;
	s6 =	simm.s32 $0x108;
	_ =	swait.ge @!p0 [sflag:s8], $0x0  }
0x24: {  	s3 =	sadd.s32 $0x88, s3;
	s6 =	simm.s32 @!p1 $0x1082;
	[sflag:s4] =	ssyncset.s32 $0xFFFFF086  }
0x25: {  	[simem:s6], [sflag:s4] =	dma.local [hbm:s3], $0xF7A  }
0x26: {  	[smem:$0x3F94] =	sst s1;
	(tag) =	ssettag s2;
	_ =	strace s9  }
0x27: {  	s1 =	sld [smem:$0x3FA4]  }
0x28: {  	s2 =	sld [smem:$0x3FA5]  }
0x29: {  	s4 =	sld [smem:$0x3FA7]  }
0x2a: {  	p0 =	seq.s32 s5, $0x0;
	s5 =	sld [smem:$0x3FA8]  }
0x2b: {  	s6 =	sld [smem:$0x3FA9]  }
0x2c: {  	s7 =	sld [smem:$0x3FAA]  }
0x2d: {  	s3 =	simm.s32 $0x108;
	s8 =	sld [smem:$0x3FAB]  }
0x2e: {  	s3 =	simm.s32 @!p0 $0x1082;
	s9 =	sld [smem:$0x3FAC]  }
0x2f: {  	lr =	sadd.s32 s0, s3;
	s0 =	sld [smem:$0x3FA3]  }
0x30: {  	s3 =	sld [smem:$0x3FA6]  }
0x31: {  	[smem:$0x3FAF] =	sst s10  }
0x32: {  	s10 =	sld [smem:$0x3FAD];
	_ =	sdelay $0x3  }
0x33: {  	p0 =	seq.s32 s10, $0x1;
	s10 =	sld [smem:$0x3FAF];
	_ =	sdelay $0x3  }
0x34: {  	[smem:$0x3FAF] =	sst s10  }
0x35: {  	s10 =	sld [smem:$0x3FAE];
	_ =	sdelay $0x3  }
0x36: {  	p1 =	seq.s32 s10, $0x1;
	s10 =	sld [smem:$0x3FAF];
	_ =	sdelay $0x3  }
0x37: {  	[smem:$0x3FAF] =	sst s10  }
0x38: {  	s10 =	sld [smem:$0x3FB0]  }
0x39: {  	_ = 	snop;
	(pc) =	sbr.ind lr, $3  }
0x3a: {  	_ = 	snop  }
0x3b: {  	_ = 	snop  }
0x3c: {  	p2 =	seq.s32 s10, $0x1;
	s10 =	sld [smem:$0x3FAF]  }
0x3d: {  	_ =	shalt  }
0x3e: {  	_ =	shalt  }
0x3f: {  	_ =	shalt  }
0x40: {  	_ =	shalt  }
0x41: {  	_ =	shalt  }
0x42: {  	_ =	shalt  }
0x43: {  	_ =	shalt  }
0x44: {  	_ =	shalt  }
0x45: {  	_ =	shalt  }
0x46: {  	_ =	shalt  }
0x47: {  	_ =	shalt  }
0x48: {  	_ =	shalt  }
0x49: {  	_ =	shalt  }
0x4a: {  	_ =	shalt  }
0x4b: {  	_ =	shalt  }
0x4c: {  	_ =	shalt  }
0x4d: {  	_ =	shalt  }
0x4e: {  	_ =	shalt  }
0x4f: {  	_ =	shalt  }
0x50: {  	_ =	shalt  }
0x51: {  	_ =	shalt  }
0x52: {  	_ =	shalt  }
0x53: {  	_ =	shalt  }
0x54: {  	_ =	shalt  }
0x55: {  	_ =	shalt  }
0x56: {  	_ =	shalt  }
0x57: {  	_ =	shalt  }
0x58: {  	_ =	shalt  }
0x59: {  	_ =	shalt  }
0x5a: {  	_ =	shalt  }
0x5b: {  	_ =	shalt  }
0x5c: {  	_ =	shalt  }
0x5d: {  	_ =	shalt  }
0x5e: {  	_ =	shalt  }
0x5f: {  	_ =	shalt  }
0x60: {  	_ =	shalt  }
0x61: {  	_ =	shalt  }
0x62: {  	_ =	shalt  }
0x63: {  	_ =	shalt  }
0x64: {  	_ =	shalt  }
0x65: {  	_ =	shalt  }
0x66: {  	_ =	shalt  }
0x67: {  	_ =	shalt  }
0x68: {  	_ =	shalt  }
0x69: {  	_ =	shalt  }
0x6a: {  	_ =	shalt  }
0x6b: {  	_ =	shalt  }
0x6c: {  	_ =	shalt  }
0x6d: {  	_ =	shalt  }
0x6e: {  	_ =	shalt  }
0x6f: {  	_ =	shalt  }
0x70: {  	_ =	shalt  }
0x71: {  	_ =	shalt  }
0x72: {  	_ =	shalt  }
0x73: {  	_ =	shalt  }
0x74: {  	_ =	shalt  }
0x75: {  	_ =	shalt  }
0x76: {  	_ =	shalt  }
0x77: {  	_ =	shalt  }
0x78: {  	_ =	shalt  }
0x79: {  	_ =	shalt  }
0x7a: {  	_ =	shalt  }
0x7b: {  	_ =	shalt  }
0x7c: {  	_ =	shalt  }
0x7d: {  	_ =	shalt  }
0x7e: {  	_ =	shalt  }
0x7f: {  	_ =	shalt  }
0x80: {  	_ =	shalt  }
0x81: {  	_ =	shalt  }
0x82: {  	_ =	shalt  }
0x83: {  	_ =	shalt  }
0x84: {  	_ =	shalt  }
0x85: {  	_ =	shalt  }
0x86: {  	_ =	shalt  }
0x87: {  	_ =	shalt  }
.Lfunc_end0:
.L_simem_size_0:
called_computation.1_lowered:
.L_overlay_start_0:
0x88: {  	s2 =	sld [smem:$0x3FD9]  }
0x89: {  	s3 =	sld [smem:$0x3FFE];
	_ =	sdelay $0x1  }
0x8a: {  	s1 =	srdreg.scid  }
0x8b: {  	s0 =	sand.u32 $0x1, s1  }
0x8c: {  	s16 =	sshll.u32 s0, $0xA;
	s2 =	sadd.s32 s3, s2  }
0x8d: {  	s2 =	sadd.s32 s2, s16  }
0x8e: {  	[smem:$0x3FBB] =	sst s2  }
0x8f: {  	_ = 	snop  }
0x90: {  	(tm) =	ssettm $0x1  }
0x91: {  	s17 =	sld [smem:$0x3FFB];
	_ =	sdelay $0x3  }
0x92: {  	_ =	strace s17  }
0x93: {  	s2 =	sld [smem:$0x3FFC];
	_ =	sdelay $0x3  }
0x94: {  	_ =	strace s2  }
0x95: {  	s2 =	sld [smem:$0x3FFD];
	_ =	sdelay $0x3  }
0x96: {  	_ =	strace s2  }
0x97: {  	_ =	strace $0x8FFFFFFF  }
0x98: {  	s18 =	sld [smem:$0x3FDB];
	_ =	sdelay $0x1  }
0x99: {  	s19 =	simm.s32 $_scs_section_size  }
0x9a: {  	s4 =	simm.s32 $_size__tile_overlayer_lowered;
	s5 =	simm.s32 $_tile_overlayer_lowered  }
0x9b: {  	s22 =	simm.s32 $0x1BFF;
	s21 =	sshll.u32 s5, $0x1;
	s2 =	sadd.s32 s19, s18  }
0x9c: {  	s6 =	simm.s32 $0x0;
	s20 =	sshll.u32 s4, $0x1;
	s4 =	sadd.s32 s21, s2  }
0x9d: {  	[timem:s6], [sflag:s22] =	dma.local [hbm:s4], s20  }
0x9e: {  	_ =	swait.ge [sflag:s22], s20  }
0x9f: {  	s3 =	ssub.s32 $0x0, s20;
	[sflag:s22] =	ssyncset.done $0x0  }
0xa0: {  	[sflag:s22] =	ssyncadd.s32 s3;
	_ =	sdelay $0x1  }
0xa1: {  	s23 =	simm.s32 $0x1B8B  }
0xa2: {  	_ =	swait.ge [sflag:s23], $0x1  }
0xa3: {  	[sflag:s23] =	ssyncset.done $0x0  }
0xa4: {  	s25 =	simm.s32 $0x1B8E;
	s24 =	sld [smem:$0x3FFE];
	[sflag:s23] =	ssyncadd.s32 $0xFFFFFFFF  }
0xa5: {  	s26 =	simm.s32 $execute0_lowered;
	[smem:$0x3FD2] =	sst s25  }
0xa6: {  	s4 =	sshll.u32 s26, $0x1;
	_ =	strace $0x80000049;
	[dreg:$0x1] =	wrdreg $0xFFFFFFFF  }
0xa7: {  	s28 =	simm.s32 $_size_execute0_lowered;
	s2 =	sadd.s32 s2, s4;
	[dreg:$0x0] =	wrdreg $0x0  }
0xa8: {  	s4 =	sshll.u32 s28, $0x1;
	[dreg:$0x2] =	wrdreg s2  }
0xa9: {  	[dreg:$0x3] =	wrdreg s4  }
0xaa: {  	[dreg:$0x4] =	wrdreg $0xC0  }
0xab: {  	_ =	task [dreg:s6], $0x5FFFF  }
0xac: {  	[dreg:$0x1] =	wrdreg $0xFFFFFFFF  }
0xad: {  	[dreg:$0x0] =	wrdreg $0x60  }
0xae: {  	[dreg:$0x2] =	wrdreg s24  }
0xaf: {  	[dreg:$0x3] =	wrdreg $0x0  }
0xb0: {  	[dreg:$0x4] =	wrdreg $0x9  }
0xb1: {  	_ =	task.clear_ibuf [dreg:s6], $0x5FFFF;
	_ =	strace $0x90000049  }
0xb2: {  	s29 =	simm.s32 $0x9;
	_ =	strace $0x8000004B  }
0xb3: {  	_ =	swait.ge [sflag:s29], $0x1  }
0xb4: {  	[sflag:s29] =	ssyncadd.s32 $0xFFFFFFFF  }
0xb5: {  	_ =	strace $0x9000004B  }
0xb6: {  	_ =	sfence  }
0xb7: {  	s30 =	sld [smem:$0x0];
	_ =	sdelay $0x2  }
0xb8: {  	s31 =	sshll.u32 s1, $0xD;
	s1 =	sshrl.u32 s1, $0x2  }
0xb9: {  	s3 =	sand.u32 $0x4000, s31;
	s1 =	sadd.s32 s1, s30  }
0xba: {  	s0 =	sor.u32 s3, s0;
	s1 =	sshll.u32 s1, $0x11  }
0xbb: {  	s0 =	sor.u32 s1, s0  }
0xbc: {  	s0 =	sadd.s32 $0x8F2B, s0  }
0xbd: {  	[sflag:s0] =	ssyncadd.remote.s32 $0x1  }
0xbe: {  	_ =	sfence.sel $0xFFFF  }
0xbf: {  	[dreg:$0x0] =	wrdreg $0xFFFFFFFF;
	(pc) =	sbr.abs _section_cstart, $3  }
0xc0: {  	[dreg:$0x1] =	wrdreg $0xFFFFFFFF  }
0xc1: {  	_ =	task.clear_ibuf [dreg:s6], $0x2FFFF;
	_ =	strace $0x9FFFFFFF  }
0xc2: {  	(tm) =	ssettm $0x7FFFFFFF  }
0xc3: {  	_ =	shalt  }
tec
execute0_lowered:
.L_overlay_start_1:
0x0: {  	(tag) =	ssettag $0x1  }
0x1: {  	s0 =	rddreg [dreg:$0x0]  }
0x2: {  	s1 =	rddreg [dreg:$0x1]  }
0x3: {  	s2 =	simm.s32 $0x0;
	s4 =	srdreg.scid;
	s6 =	stileid.u32  }
0x4: {  	s29 =	simm.s32 $0x7;
	s30 =	simm.s32 $0x50;
	s31 =	simm.s32 $0xAFC8  }
0x5: {  	s28 =	simm.s32 $0x4;
	[smem:$0x7FF] =	sst s2;
	s3 =	sadd.s32 $0x2000, s0  }
0x6: {  	s7 =	sand.u32 $0x1, s4;
	s8 =	smul.u32 $0xAF80, s6;
	s9 =	sadd.s32 $0x2E200, s0  }
0x7: {  	s4 =	sadd.s32 $0x18000, s0;
	s5 =	sadd.s32 $0x1A800, s0;
	s0 =	sadd.s32 $0x5A200, s0  }
0x8: {  	s22 =	sshll.u32 s6, $0x6;
	s26 =	sadd.s32 $0xAF800, s1;
	p0 =	sne.s32 s6, $0x0  }
0x9: {  	_ =	strace $0x8000004A;
	s10 =	smul.u32 $0xAFC80, s7;
	s11 =	sshll.u32 s7, $0x4  }
0xa: {  	s7 =	ssub.s32 $0x2, s7;
	s14 =	sor.u32 $0x1C0D, s22;
	[dreg:$0x7] =	wrdreg s26  }
0xb: {  	s11 =	sor.u32 s6, s11;
	s13 =	sshrl.u32 s7, $0x1;
	s6 =	simm.s32 $0xF348  }
0xc: {  	[dreg:$0x5] =	wrdreg s14;
	s12 =	sadd.s32 s8, s10;
	s11 =	smul.u32 $0x4E20, s11  }
0xd: {  	s7 =	ssub.s32 s7, s13;
	s8 =	sadd.s32 s8, s1;
	s10 =	sshrl.u32 s10, $0x3  }
0xe: {  	s12 =	sshrl.u32 s12, $0x3;
	[dreg:$0x3] =	wrdreg s8;
	s26 =	smax.u32 s7, $0x1  }
0xf: {  	s24 =	sadd.s32 $0x15F00, s10;
	s21 =	sadd.s32 s9, s12;
	[dreg:$0x16] =	wrdreg s26  }
0x10: {  	s10 =	simm.s32 $0x8;
	s9 =	sadd.s32 s9, s24;
	[dreg:$0x4] =	wrdreg s21  }
0x11: {  	s8 =	simm.s32 $0x2;
	s19 =	sadd.s32 $0x3C0, s11;
	[dreg:$0x8] =	wrdreg s9  }
0x12: {  	s7 =	simm.s32 $0xA;
	s20 =	sadd.s32 $0x460, s11;
	[dreg:$0xe] =	wrdreg s19  }
0x13: {  	s23 =	sshrl.u32 s11, $0x3;
	s22 =	sadd.s32 s0, s12;
	[dreg:$0xf] =	wrdreg s20  }
0x14: {  	s0 =	sadd.s32 s0, s24;
	s24 =	sadd.s32 $0x640, s11;
	[dreg:$0x11] =	wrdreg s22  }
0x15: {  	s12 =	simm.s32 $0xFBB8;
	s26 =	simm.s32 $0x1;
	[dreg:$0x12] =	wrdreg s0  }
0x16: {  	s25 =	sadd.s32 s5, s23;
	s21 =	sadd.s32 $0x500, s11;
	[dreg:$0x14] =	wrdreg s24  }
0x17: {  	s23 =	sadd.s32 $0x5A0, s11;
	s19 =	simm.s32 $0xFB18;
	[dreg:$0x6] =	wrdreg s25  }
0x18: {  	s20 =	simm.s32 $0xFC58;
	s9 =	simm.s32 $0x3;
	[dreg:$0x10] =	wrdreg s21  }
0x19: {  	s22 =	simm.s32 $0x6;
	s13 =	sadd.s32 $0x14, s25;
	[dreg:$0x13] =	wrdreg s23  }
0x1a: {  	s24 =	simm.s32 $0x0;
	s15 =	sadd.s32 $0x28, s25;
	[dreg:$0x9] =	wrdreg s13  }
0x1b: {  	s16 =	sadd.s32 $0x3C, s25;
	s17 =	sadd.s32 $0x50, s25;
	[dreg:$0xa] =	wrdreg s15  }
.Ltmp0:
0x1c: {  	s18 =	sadd.s32 $0x64, s25;
	[dreg:$0xb] =	wrdreg s16;
	(pc) =	sbr.rel .LBB2_1-.Ltmp0, $4  }
0x1d: {  	s25 =	sadd.s32 $0x6E0, s11;
	s11 =	simm.s32 $0xC648;
	[dreg:$0xc] =	wrdreg s17  }
0x1e: {  	s21 =	simm.s32 $0xF848;
	s23 =	simm.s32 $0x5;
	[dreg:$0xd] =	wrdreg s18  }
0x1f: {  	[dreg:$0x15] =	wrdreg s25;
	s18 =	simm.s32 $0xD;
	s13 =	simm.s32 $0xF5C8  }
0x20: {  	v0 =	vlaneseq.u32;
	s15 =	simm.s32 $0x9;
	s16 =	simm.s32 $0xDCC8;
	s25 =	simm.s32 $0xFCA8  }
.LBB2_28:
0x21: {  	_ =	swait.ge [sflag:s22], $0x1680  }
0x22: {  	[sflag:s22] =	ssyncset.done $0x0  }
0x23: {  	[sflag:s22] =	ssyncadd.s32 $0xFFFFE980  }
0x24: {  	_ =	swait.ge [sflag:s28], $0x1680  }
0x25: {  	[sflag:s28] =	ssyncset.done $0x0  }
0x26: {  	[sflag:s28] =	ssyncadd.s32 $0xFFFFE980  }
0x27: {  	_ =	swait.ge [sflag:s23], $0x1680  }
0x28: {  	[sflag:s23] =	ssyncset.done $0x0  }
0x29: {  	[sflag:s23] =	ssyncadd.s32 $0xFFFFE980  }
0x2a: {  	[bflag:$0x0] =	sbarrier.arrive $0xFFFF  }
0x2b: {  	s14 =	rddreg [dreg:$0x5]  }
0x2c: {  	s0 =	rddreg [dreg:$0x11]  }
0x2d: {  	s18 =	simm.s32 $0xD;
	s17 =	rddreg [dreg:$0x18]  }
0x2e: {  	[hbm:s0], [sflag:s14] =	dma.local [spmem:s17], $0x15F0  }
0x2f: {  	_ =	swait.ge [sflag:s18], $0x15F0  }
0x30: {  	[sflag:s18] =	ssyncset.done $0x0;
	s0 =	rddreg [dreg:$0x12]  }
0x31: {  	s17 =	rddreg [dreg:$0x19];
	[sflag:s18] =	ssyncadd.s32 $0xFFFFEA10  }
0x32: {  	[hbm:s0], [sflag:s14] =	dma.local @!p0 [spmem:s17], $0x90  }
0x33: {  	s0 =	simm.s32 @!p0 $0xD  }
0x34: {  	_ =	swait.ge @!p0 [sflag:s0], $0x90  }
0x35: {  	s24 =	rddreg [dreg:$0x17]  }
0x36: {  	s17 =	rddreg [dreg:$0x16];
	s24 =	sadd.s32 $0x1, s24  }
0x37: {  	p1 =	sne.s32 s24, s17  }
.Ltmp1:
0x38: {  	_ = 	snop;
	(pc) =	sbr.rel @!p1 .LBB2_29-.Ltmp1, $3  }
0x39: {  	_ =	sdelay $0x1  }
0x3a: {  	[sflag:s0] =	ssyncset.done @!p0 $0x0  }
0x3b: {  	[sflag:s0] =	ssyncadd.s32 @!p0 $0xFFFFFF70  }
.LBB2_1:
0x3c: {  	[dreg:$0x17] =	wrdreg s24  }
0x3d: {  	s0 =	rddreg [dreg:$0x3]  }
0x3e: {  	s24 =	rddreg [dreg:$0x4];
	s17 =	sshrl.u32 s0, $0x3  }
0x3f: {  	[dreg:$0x18] =	wrdreg s17  }
0x40: {  	[spmem:s17], [sflag:s14] =	dma.local [hbm:s24], $0x15F0  }
0x41: {  	_ =	swait.ge [sflag:s18], $0x15F0  }
0x42: {  	s0 =	rddreg [dreg:$0x7]  }
0x43: {  	[sflag:s18] =	ssyncset.done $0x0;
	s17 =	sshrl.u32 @!p0 s0, $0x3;
	s0 =	rddreg [dreg:$0x8]  }
0x44: {  	[sflag:s18] =	ssyncadd.s32 $0xFFFFEA10;
	[dreg:$0x19] =	wrdreg s17  }
0x45: {  	[spmem:s17], [sflag:s14] =	dma.local @!p0 [hbm:s0], $0x90  }
0x46: {  	s17 =	simm.s32 @!p0 $0xD  }
0x47: {  	_ =	swait.ge @!p0 [sflag:s17], $0x90  }
0x48: {  	[sflag:s17] =	ssyncset.done @!p0 $0x0  }
0x49: {  	[sflag:s17] =	ssyncadd.s32 @!p0 $0xFFFFFF70  }
0x4a: {  	[bflag:$0x0] =	sbarrier.arrive $0xFFFF  }
0x4b: {  	s17 =	simm.s32 $0xFAC8;
	s14 =	rddreg [dreg:$0x6]  }
0x4c: {  	[tilespmem:s17], [sflag:$0x7] =	stream.linear.gather [hbm4b:s14+s2], $0xA0, $0x38;
	[tilespmem:$0xFE88] =	vst v63  }
0x4d: {  	_ =	swait.ge [sflag:s29], $0xA0  }
0x4e: {  	[sflag:s29] =	ssyncset.done $0x0  }
0x4f: {  	[sflag:s29] =	ssyncadd.s32 $0xFFFFFF60  }
0x50: {  	[tilespmem:s31], [sflag:$0x1] =	stream.indirect.gather [hbm4b:s3+s30], $0x48, s17, s30, $0xb8;
	[tilespmem:$0xFE88] =	vst v63  }
0x51: {  	_ = 	snop  }
0x52: {  	[tilespmem:s6], [sflag:$0x1] =	stream.indirect.gather [hbm4b:s4+s30], $0x8, s19, s30, $0xb8;
	[tilespmem:$0xFE88] =	vst v63  }
0x53: {  	s24 =	simm.s32 $0xFB68;
	s18 =	rddreg [dreg:$0x9]  }
0x54: {  	[tilespmem:s24], [sflag:$0x8] =	stream.linear.gather [hbm4b:s18+s2], $0xA0, $0x38;
	[tilespmem:$0xFE88] =	vst v63  }
0x55: {  	_ =	swait.ge [sflag:s10], $0xA0  }
0x56: {  	[sflag:s10] =	ssyncset.done $0x0  }
0x57: {  	[sflag:s10] =	ssyncadd.s32 $0xFFFFFF60  }
0x58: {  	[tilespmem:s11], [sflag:$0x2] =	stream.indirect.gather [hbm4b:s3+s30], $0x48, s24, s30, $0xb8;
	[tilespmem:$0xFE88] =	vst v63  }
0x59: {  	_ = 	snop  }
0x5a: {  	[tilespmem:s13], [sflag:$0x2] =	stream.indirect.gather [hbm4b:s4+s30], $0x8, s12, s30, $0xb8;
	[tilespmem:$0xFE88] =	vst v63  }
0x5b: {  	s18 =	simm.s32 $0xFC08;
	s17 =	rddreg [dreg:$0xa]  }
0x5c: {  	[tilespmem:s18], [sflag:$0x9] =	stream.linear.gather [hbm4b:s17+s2], $0xA0, $0x38;
	[tilespmem:$0xFE88] =	vst v63  }
0x5d: {  	_ =	swait.ge [sflag:s15], $0xA0  }
0x5e: {  	[sflag:s15] =	ssyncset.done $0x0  }
0x5f: {  	[sflag:s15] =	ssyncadd.s32 $0xFFFFFF60  }
0x60: {  	[tilespmem:s16], [sflag:$0x3] =	stream.indirect.gather [hbm4b:s3+s30], $0x48, s18, s30, $0xb8;
	[tilespmem:$0xFE88] =	vst v63  }
0x61: {  	_ = 	snop  }
0x62: {  	[tilespmem:s21], [sflag:$0x3] =	stream.indirect.gather [hbm4b:s4+s30], $0x8, s20, s30, $0xb8;
	[tilespmem:$0xFE88] =	vst v63  }
0x63: {  	s24 =	rddreg [dreg:$0xb]  }
0x64: {  	[tilespmem:s25], [sflag:$0xA] =	stream.linear.gather [hbm4b:s24+s2], $0xA0, $0x38;
	[tilespmem:$0xFE88] =	vst v63  }
0x65: {  	s17 =	simm.s32 $0xFD48;
	s14 =	rddreg [dreg:$0xc]  }
0x66: {  	[tilespmem:s17], [sflag:$0xB] =	stream.linear.gather [hbm4b:s14+s2], $0xA0, $0x38;
	[tilespmem:$0xFE88] =	vst v63  }
0x67: {  	s18 =	rddreg [dreg:$0xd];
	s24 =	simm.s32 $0xFDE8  }
0x68: {  	[tilespmem:s24], [sflag:$0xC] =	stream.linear.gather [hbm4b:s18+s2], $0xA0, $0x38;
	[tilespmem:$0xFE88] =	vst v63  }
0x69: {  	s24 =	simm.s32 $0x0  }
.LBB2_2:
0x6a: {  	_ =	swait.ge [sflag:s26], $0x1680  }
0x6b: {  	[sflag:s26] =	ssyncset.done $0x0  }
0x6c: {  	[sflag:s26] =	ssyncadd.s32 $0xFFFFE980  }
0x6d: {  	_ =	swait.ge [sflag:s26], $0x280  }
0x6e: {  	[sflag:s26] =	ssyncset.done $0x0  }
0x6f: {  	s17 =	simm.s32 $0x0;
	[sflag:s26] =	ssyncadd.s32 $0xFFFFFD80  }
.LBB2_3:
0x70: {  	s18 =	sshll.u32 s17, $0x4  }
0x71: {  	v2 =	vor.u32 s18, v0  }
0x72: {  	v1 =	vmul.u32 $0x48, v2  }
0x73: {  	v2 =	vshll.u32 v2, $0x3  }
0x74: {  	v3 =	vadd.s32 $0x41, v1;
	_ =	sdelay $0x3  }
0x75: {  	v2 =	vld.idx.msk [tilespmem:v2+s6+$0x0], $0xffff  }
0x76: {  	v3 =	vld.idx.msk [tilespmem:v3+s31+$0x0], $0xffff;
	_ =	sdelay $0x4  }
0x77: {  	s14 =	simm.s32 $0x0;
	v2 =	vadd.f32 v2, v3  }
0x78: {  	v3 =	vmov s14  }
0x79: {  	v3 =	vshrl.u32 v3, $0x3;
	v4 =	vmul.f32 $2.000000030e-01, v2  }
0x7a: {  	v3 =	vshll.u32 v3, $0x3  }
0x7b: {  	v11 =	vbroadcast v3, $0x0;
	v2 =	vmax.f32 v2, v4  }
0x7c: {  	v2 =	vmul.f32 $1.442695020e+00, v2  }
0x7d: {  	v6 =	vor.u32 $0x1, v1;
	v3 =	vadd.s32 v1, v11  }
0x7e: {  	v7 =	vor.u32 $0x2, v1;
	v8 =	vadd.s32 v6, v11;
	(erf) = vpow2.f32 v2  }
0x7f: {  	v9 =	vor.u32 $0x6, v1;
	v24 =	vadd.s32 v7, v11  }
0x80: {  	s18 =	simm.s32 $0x8;
	v10 =	vor.u32 $0x5, v1;
	v12 =	vadd.s32 v9, v11  }
0x81: {  	v13 =	vor.u32 $0x7, v1;
	v4 =	vadd.s32 v10, v11;
	v2 =	vmov s18  }
0x82: {  	v16 =	vor.u32 $0x3, v1;
	v5 =	vadd.s32 v13, v11;
	v2 =	vshrl.u32 v2, $0x3;
	v31 =	vld.idx.msk [tilespmem:v3+s31+$0x0], $0xffff  }
0x83: {  	v19 =	vor.u32 $0x4, v1;
	v17 =	vadd.s32 v16, v11;
	v2 =	vshll.u32 v2, $0x3;
	v21 =	vld.idx.msk [tilespmem:v8+s31+$0x0], $0xffff  }
0x84: {  	v14 =	vadd.s32 v19, v11;
	v33 =	vld.idx.msk [tilespmem:v24+s31+$0x0], $0xffff;
	v30 =	vbroadcast v2, $0x0  }
0x85: {  	v29 =	vld.idx.msk [tilespmem:v12+s31+$0x0], $0xffff  }
0x86: {  	v25 =	vld.idx.msk [tilespmem:v4+s31+$0x0], $0xffff;
	v18 =	vadd.s32 v1, v30  }
0x87: {  	v26 =	vld.idx.msk [tilespmem:v5+s31+$0x0], $0xffff;
	v23 =	vadd.s32 v6, v30;
	v22 =	vadd.s32 v16, v30;
	v15 =	vadd.s32 v19, v30;
	v2 =	vpop (erf)  }
0x88: {  	v27 =	vld.idx.msk [tilespmem:v17+s31+$0x0], $0xffff;
	v20 =	vadd.s32 v7, v30;
	v11 =	vadd.s32 v13, v30;
	v32 =	vmul.f32 v21, v2  }
0x89: {  	v28 =	vld.idx.msk [tilespmem:v14+s31+$0x0], $0xffff;
	v21 =	vadd.s32 v9, v30;
	v31 =	vmul.f32 v31, v2;
	v33 =	vmul.f32 v33, v2  }
.LBB2_4:
0x8a: {  	s18 =	sadd.s32 $0x8, s18;
	v34 =	vadd.s32 v10, v30;
	[tilespmem:v8+s31+$0x0] =	vst.idx.msk $0xffff, v32;
	v29 =	vmul.f32 v29, v2;
	v8 =	vmov v23  }
0x8b: {  	v36 =	vmovc v22;
	v32 =	vmov v14;
	v30 =	vmov s18;
	p1 =	slt.u32 s18, $0x38;
	v35 =	vld.idx.msk [tilespmem:v18+s31+$0x0], $0xffff;
	[tilespmem:v24+s31+$0x0] =	vst.idx.msk $0xffff, v33;
	v24 =	vmul.f32 v25, v2  }
0x8c: {  	v22 =	vmul.f32 v26, v2;
	v25 =	vshrl.u32 v30, $0x3;
	v33 =	vld.idx.msk [tilespmem:v23+s31+$0x0], $0xffff;
	[tilespmem:v3+s31+$0x0] =	vst.idx.msk $0xffff, v31;
	v3 =	vmov v18  }
0x8d: {  	v14 =	vmov v15;
	v27 =	vmul.f32 v27, v2;
	v18 =	vshll.u32 v25, $0x3;
	v37 =	vld.idx.msk [tilespmem:v20+s31+$0x0], $0xffff;
	[tilespmem:v12+s31+$0x0] =	vst.idx.msk $0xffff, v29  }
0x8e: {  	v28 =	vmul.f32 v28, v2;
	v30 =	vbroadcast v18, $0x0;
	v29 =	vld.idx.msk [tilespmem:v21+s31+$0x0], $0xffff;
	[tilespmem:v4+s31+$0x0] =	vst.idx.msk $0xffff, v24;
	v4 =	vmov v34  }
.Ltmp2:
0x8f: {  	v12 =	vmov v21;
	v25 =	vld.idx.msk [tilespmem:v34+s31+$0x0], $0xffff;
	[tilespmem:v5+s31+$0x0] =	vst.idx.msk $0xffff, v22;
	v24 =	vmov v20;
	v5 =	vmov v11;
	(pc) =	sbr.rel @p1 .LBB2_4-.Ltmp2, $4  }
0x90: {  	v18 =	vadd.s32 v1, v30;
	v23 =	vadd.s32 v6, v30;
	v26 =	vld.idx.msk [tilespmem:v11+s31+$0x0], $0xffff;
	[tilespmem:v17+s31+$0x0] =	vst.idx.msk $0xffff, v27  }
0x91: {  	v22 =	vadd.s32 v16, v30;
	v15 =	vadd.s32 v19, v30;
	v27 =	vld.idx.msk [tilespmem:v36+s31+$0x0], $0xffff;
	[tilespmem:v32+s31+$0x0] =	vst.idx.msk $0xffff, v28  }
0x92: {  	v20 =	vadd.s32 v7, v30;
	v11 =	vadd.s32 v13, v30;
	v32 =	vmul.f32 v33, v2;
	v28 =	vld.idx.msk [tilespmem:v14+s31+$0x0], $0xffff  }
0x93: {  	v21 =	vadd.s32 v9, v30;
	v31 =	vmul.f32 v35, v2;
	v17 =	vmovc v36;
	v33 =	vmul.f32 v37, v2  }
0x94: {  	_ =	sdelay $0x3  }
0x95: {  	[tilespmem:v8+s31+$0x0] =	vst.idx.msk $0xffff, v32  }
0x96: {  	v6 =	vadd.s32 v10, v30;
	v7 =	vmul.f32 v29, v2;
	v52 =	vld.idx.msk [tilespmem:v23+s31+$0x0], $0xffff;
	[tilespmem:v24+s31+$0x0] =	vst.idx.msk $0xffff, v33  }
0x97: {  	v9 =	vmul.f32 v25, v2;
	v53 =	vld.idx.msk [tilespmem:v18+s31+$0x0], $0xffff;
	[tilespmem:v3+s31+$0x0] =	vst.idx.msk $0xffff, v31  }
0x98: {  	v55 =	vld.idx.msk [tilespmem:v21+s31+$0x0], $0xffff;
	v13 =	vmul.f32 v26, v2;
	[tilespmem:v12+s31+$0x0] =	vst.idx.msk $0xffff, v7  }
0x99: {  	v3 =	vld.idx.msk [tilespmem:v20+s31+$0x0], $0xffff;
	v54 =	vmul.f32 v27, v2;
	[tilespmem:v4+s31+$0x0] =	vst.idx.msk $0xffff, v9  }
0x9a: {  	v58 =	vld.idx.msk [tilespmem:v11+s31+$0x0], $0xffff;
	v56 =	vmul.f32 v28, v2;
	[tilespmem:v5+s31+$0x0] =	vst.idx.msk $0xffff, v13  }
0x9b: {  	[tilespmem:v17+s31+$0x0] =	vst.idx.msk $0xffff, v54;
	v57 =	vld.idx.msk [tilespmem:v6+s31+$0x0], $0xffff;
	v59 =	vmul.f32 v52, v2  }
0x9c: {  	v60 =	vld.idx.msk [tilespmem:v22+s31+$0x0], $0xffff;
	[tilespmem:v14+s31+$0x0] =	vst.idx.msk $0xffff, v56;
	v10 =	vmul.f32 v53, v2  }
0x9d: {  	v61 =	vld.idx.msk [tilespmem:v15+s31+$0x0], $0xffff;
	v62 =	vmul.f32 v55, v2;
	[tilespmem:v23+s31+$0x0] =	vst.idx.msk $0xffff, v59  }
0x9e: {  	v3 =	vmul.f32 v3, v2;
	[tilespmem:v18+s31+$0x0] =	vst.idx.msk $0xffff, v10  }
0x9f: {  	v5 =	vmul.f32 v58, v2;
	[tilespmem:v21+s31+$0x0] =	vst.idx.msk $0xffff, v62  }
0xa0: {  	v1 =	vadd.s32 $0x40, v1;
	[tilespmem:v20+s31+$0x0] =	vst.idx.msk $0xffff, v3;
	v3 =	vmul.f32 v57, v2  }
0xa1: {  	v63 =	vmul.f32 v60, v2;
	[tilespmem:v11+s31+$0x0] =	vst.idx.msk $0xffff, v5  }
0xa2: {  	[tilespmem:v6+s31+$0x0] =	vst.idx.msk $0xffff, v3;
	v3 =	vmul.f32 v61, v2  }
0xa3: {  	[tilespmem:v22+s31+$0x0] =	vst.idx.msk $0xffff, v63  }
0xa4: {  	[tilespmem:v15+s31+$0x0] =	vst.idx.msk $0xffff, v3  }
0xa5: {  	v3 =	vld.idx.msk [tilespmem:v1+s31+$0x0], $0xffff  }
0xa6: {  	s17 =	sadd.s32 $0x1, s17  }
0xa7: {  	p1 =	sne.s32 s17, $0x5  }
.Ltmp3:
0xa8: {  	_ = 	snop;
	(pc) =	sbr.rel @p1 .LBB2_3-.Ltmp3, $3  }
0xa9: {  	_ = 	snop  }
0xaa: {  	v2 =	vmul.f32 v3, v2;
	_ =	sdelay $0x1  }
0xab: {  	[tilespmem:v1+s31+$0x0] =	vst.idx.msk $0xffff, v2  }
0xac: {  	[spmem:s1] =	stream.indirect.scatter.add.f32 [tilespmem:s31], [sflag:$0x4], $0x48, s19, s30, $0xb8;
	[tilespmem:$0xFE88] =	vst v63  }
0xad: {  	_ =	swait.ge [sflag:s8], $0x1680  }
0xae: {  	[sflag:s8] =	ssyncset.done $0x0  }
0xaf: {  	[sflag:s8] =	ssyncadd.s32 $0xFFFFE980  }
0xb0: {  	_ =	swait.ge [sflag:s8], $0x280  }
0xb1: {  	[sflag:s8] =	ssyncset.done $0x0  }
0xb2: {  	s17 =	simm.s32 $0x0;
	[sflag:s8] =	ssyncadd.s32 $0xFFFFFD80  }
.LBB2_7:
0xb3: {  	s18 =	sshll.u32 s17, $0x4  }
0xb4: {  	v2 =	vor.u32 s18, v0  }
0xb5: {  	v1 =	vmul.u32 $0x48, v2  }
0xb6: {  	v2 =	vshll.u32 v2, $0x3  }
0xb7: {  	v3 =	vadd.s32 $0x41, v1;
	_ =	sdelay $0x3  }
0xb8: {  	v2 =	vld.idx.msk [tilespmem:v2+s13+$0x0], $0xffff  }
0xb9: {  	v3 =	vld.idx.msk [tilespmem:v3+s11+$0x0], $0xffff;
	_ =	sdelay $0x4  }
0xba: {  	s19 =	simm.s32 $0x0;
	v2 =	vadd.f32 v2, v3  }
0xbb: {  	v3 =	vmov s19  }
0xbc: {  	v3 =	vshrl.u32 v3, $0x3;
	v4 =	vmul.f32 $2.000000030e-01, v2  }
0xbd: {  	v3 =	vshll.u32 v3, $0x3  }
0xbe: {  	v11 =	vbroadcast v3, $0x0;
	v2 =	vmax.f32 v2, v4  }
0xbf: {  	v2 =	vmul.f32 $1.442695020e+00, v2  }
0xc0: {  	v6 =	vor.u32 $0x1, v1;
	v3 =	vadd.s32 v1, v11  }
0xc1: {  	v7 =	vor.u32 $0x2, v1;
	v8 =	vadd.s32 v6, v11;
	(erf) = vpow2.f32 v2  }
0xc2: {  	v9 =	vor.u32 $0x6, v1;
	v24 =	vadd.s32 v7, v11  }
0xc3: {  	s18 =	simm.s32 $0x8;
	v10 =	vor.u32 $0x5, v1;
	v12 =	vadd.s32 v9, v11  }
0xc4: {  	v13 =	vor.u32 $0x7, v1;
	v4 =	vadd.s32 v10, v11;
	v2 =	vmov s18  }
0xc5: {  	v16 =	vor.u32 $0x3, v1;
	v5 =	vadd.s32 v13, v11;
	v2 =	vshrl.u32 v2, $0x3;
	v31 =	vld.idx.msk [tilespmem:v3+s11+$0x0], $0xffff  }
0xc6: {  	v19 =	vor.u32 $0x4, v1;
	v17 =	vadd.s32 v16, v11;
	v2 =	vshll.u32 v2, $0x3;
	v21 =	vld.idx.msk [tilespmem:v8+s11+$0x0], $0xffff  }
0xc7: {  	v14 =	vadd.s32 v19, v11;
	v33 =	vld.idx.msk [tilespmem:v24+s11+$0x0], $0xffff;
	v30 =	vbroadcast v2, $0x0  }
0xc8: {  	v29 =	vld.idx.msk [tilespmem:v12+s11+$0x0], $0xffff  }
0xc9: {  	v25 =	vld.idx.msk [tilespmem:v4+s11+$0x0], $0xffff;
	v18 =	vadd.s32 v1, v30  }
0xca: {  	v26 =	vld.idx.msk [tilespmem:v5+s11+$0x0], $0xffff;
	v23 =	vadd.s32 v6, v30;
	v22 =	vadd.s32 v16, v30;
	v15 =	vadd.s32 v19, v30;
	v2 =	vpop (erf)  }
0xcb: {  	v27 =	vld.idx.msk [tilespmem:v17+s11+$0x0], $0xffff;
	v20 =	vadd.s32 v7, v30;
	v11 =	vadd.s32 v13, v30;
	v32 =	vmul.f32 v21, v2  }
0xcc: {  	v28 =	vld.idx.msk [tilespmem:v14+s11+$0x0], $0xffff;
	v21 =	vadd.s32 v9, v30;
	v31 =	vmul.f32 v31, v2;
	v33 =	vmul.f32 v33, v2  }
.LBB2_8:
0xcd: {  	s18 =	sadd.s32 $0x8, s18;
	v34 =	vadd.s32 v10, v30;
	[tilespmem:v8+s11+$0x0] =	vst.idx.msk $0xffff, v32;
	v29 =	vmul.f32 v29, v2;
	v8 =	vmov v23  }
0xce: {  	v36 =	vmovc v22;
	v32 =	vmov v14;
	v30 =	vmov s18;
	p1 =	slt.u32 s18, $0x38;
	v35 =	vld.idx.msk [tilespmem:v18+s11+$0x0], $0xffff;
	[tilespmem:v24+s11+$0x0] =	vst.idx.msk $0xffff, v33;
	v24 =	vmul.f32 v25, v2  }
0xcf: {  	v22 =	vmul.f32 v26, v2;
	v25 =	vshrl.u32 v30, $0x3;
	v33 =	vld.idx.msk [tilespmem:v23+s11+$0x0], $0xffff;
	[tilespmem:v3+s11+$0x0] =	vst.idx.msk $0xffff, v31;
	v3 =	vmov v18  }
0xd0: {  	v14 =	vmov v15;
	v27 =	vmul.f32 v27, v2;
	v18 =	vshll.u32 v25, $0x3;
	v37 =	vld.idx.msk [tilespmem:v20+s11+$0x0], $0xffff;
	[tilespmem:v12+s11+$0x0] =	vst.idx.msk $0xffff, v29  }
0xd1: {  	v28 =	vmul.f32 v28, v2;
	v30 =	vbroadcast v18, $0x0;
	v29 =	vld.idx.msk [tilespmem:v21+s11+$0x0], $0xffff;
	[tilespmem:v4+s11+$0x0] =	vst.idx.msk $0xffff, v24;
	v4 =	vmov v34  }
.Ltmp4:
0xd2: {  	v12 =	vmov v21;
	v25 =	vld.idx.msk [tilespmem:v34+s11+$0x0], $0xffff;
	[tilespmem:v5+s11+$0x0] =	vst.idx.msk $0xffff, v22;
	v24 =	vmov v20;
	v5 =	vmov v11;
	(pc) =	sbr.rel @p1 .LBB2_8-.Ltmp4, $4  }
0xd3: {  	v18 =	vadd.s32 v1, v30;
	v23 =	vadd.s32 v6, v30;
	v26 =	vld.idx.msk [tilespmem:v11+s11+$0x0], $0xffff;
	[tilespmem:v17+s11+$0x0] =	vst.idx.msk $0xffff, v27  }
0xd4: {  	v22 =	vadd.s32 v16, v30;
	v15 =	vadd.s32 v19, v30;
	v27 =	vld.idx.msk [tilespmem:v36+s11+$0x0], $0xffff;
	[tilespmem:v32+s11+$0x0] =	vst.idx.msk $0xffff, v28  }
0xd5: {  	v20 =	vadd.s32 v7, v30;
	v11 =	vadd.s32 v13, v30;
	v32 =	vmul.f32 v33, v2;
	v28 =	vld.idx.msk [tilespmem:v14+s11+$0x0], $0xffff  }
0xd6: {  	v21 =	vadd.s32 v9, v30;
	v31 =	vmul.f32 v35, v2;
	v17 =	vmovc v36;
	v33 =	vmul.f32 v37, v2  }
0xd7: {  	_ =	sdelay $0x3  }
0xd8: {  	[tilespmem:v8+s11+$0x0] =	vst.idx.msk $0xffff, v32  }
0xd9: {  	v6 =	vadd.s32 v10, v30;
	v7 =	vmul.f32 v29, v2;
	v52 =	vld.idx.msk [tilespmem:v23+s11+$0x0], $0xffff;
	[tilespmem:v24+s11+$0x0] =	vst.idx.msk $0xffff, v33  }
0xda: {  	v9 =	vmul.f32 v25, v2;
	v53 =	vld.idx.msk [tilespmem:v18+s11+$0x0], $0xffff;
	[tilespmem:v3+s11+$0x0] =	vst.idx.msk $0xffff, v31  }
0xdb: {  	v55 =	vld.idx.msk [tilespmem:v21+s11+$0x0], $0xffff;
	v13 =	vmul.f32 v26, v2;
	[tilespmem:v12+s11+$0x0] =	vst.idx.msk $0xffff, v7  }
0xdc: {  	v3 =	vld.idx.msk [tilespmem:v20+s11+$0x0], $0xffff;
	v54 =	vmul.f32 v27, v2;
	[tilespmem:v4+s11+$0x0] =	vst.idx.msk $0xffff, v9  }
0xdd: {  	v58 =	vld.idx.msk [tilespmem:v11+s11+$0x0], $0xffff;
	v56 =	vmul.f32 v28, v2;
	[tilespmem:v5+s11+$0x0] =	vst.idx.msk $0xffff, v13  }
0xde: {  	[tilespmem:v17+s11+$0x0] =	vst.idx.msk $0xffff, v54;
	v57 =	vld.idx.msk [tilespmem:v6+s11+$0x0], $0xffff;
	v59 =	vmul.f32 v52, v2  }
0xdf: {  	v60 =	vld.idx.msk [tilespmem:v22+s11+$0x0], $0xffff;
	[tilespmem:v14+s11+$0x0] =	vst.idx.msk $0xffff, v56;
	v10 =	vmul.f32 v53, v2  }
0xe0: {  	v61 =	vld.idx.msk [tilespmem:v15+s11+$0x0], $0xffff;
	v62 =	vmul.f32 v55, v2;
	[tilespmem:v23+s11+$0x0] =	vst.idx.msk $0xffff, v59  }
0xe1: {  	v3 =	vmul.f32 v3, v2;
	[tilespmem:v18+s11+$0x0] =	vst.idx.msk $0xffff, v10  }
0xe2: {  	v5 =	vmul.f32 v58, v2;
	[tilespmem:v21+s11+$0x0] =	vst.idx.msk $0xffff, v62  }
0xe3: {  	v1 =	vadd.s32 $0x40, v1;
	[tilespmem:v20+s11+$0x0] =	vst.idx.msk $0xffff, v3;
	v3 =	vmul.f32 v57, v2  }
0xe4: {  	v63 =	vmul.f32 v60, v2;
	[tilespmem:v11+s11+$0x0] =	vst.idx.msk $0xffff, v5  }
0xe5: {  	[tilespmem:v6+s11+$0x0] =	vst.idx.msk $0xffff, v3;
	v3 =	vmul.f32 v61, v2  }
0xe6: {  	[tilespmem:v22+s11+$0x0] =	vst.idx.msk $0xffff, v63  }
0xe7: {  	[tilespmem:v15+s11+$0x0] =	vst.idx.msk $0xffff, v3  }
0xe8: {  	v3 =	vld.idx.msk [tilespmem:v1+s11+$0x0], $0xffff  }
0xe9: {  	s17 =	sadd.s32 $0x1, s17  }
0xea: {  	p1 =	sne.s32 s17, $0x5  }
.Ltmp5:
0xeb: {  	_ = 	snop;
	(pc) =	sbr.rel @p1 .LBB2_7-.Ltmp5, $3  }
0xec: {  	_ = 	snop  }
0xed: {  	v2 =	vmul.f32 v3, v2;
	_ =	sdelay $0x1  }
0xee: {  	[tilespmem:v1+s11+$0x0] =	vst.idx.msk $0xffff, v2  }
0xef: {  	[spmem:s1] =	stream.indirect.scatter.add.f32 [tilespmem:s11], [sflag:$0x5], $0x48, s12, s30, $0xb8;
	[tilespmem:$0xFE88] =	vst v63  }
0xf0: {  	_ =	swait.ge [sflag:s9], $0x1680  }
0xf1: {  	[sflag:s9] =	ssyncset.done $0x0  }
0xf2: {  	[sflag:s9] =	ssyncadd.s32 $0xFFFFE980  }
0xf3: {  	_ =	swait.ge [sflag:s9], $0x280  }
0xf4: {  	[sflag:s9] =	ssyncset.done $0x0  }
0xf5: {  	s17 =	simm.s32 $0x0;
	[sflag:s9] =	ssyncadd.s32 $0xFFFFFD80  }
.LBB2_11:
0xf6: {  	s18 =	sshll.u32 s17, $0x4  }
0xf7: {  	v2 =	vor.u32 s18, v0  }
0xf8: {  	v1 =	vmul.u32 $0x48, v2  }
0xf9: {  	v2 =	vshll.u32 v2, $0x3  }
0xfa: {  	v3 =	vadd.s32 $0x41, v1;
	_ =	sdelay $0x3  }
0xfb: {  	v2 =	vld.idx.msk [tilespmem:v2+s21+$0x0], $0xffff  }
0xfc: {  	v3 =	vld.idx.msk [tilespmem:v3+s16+$0x0], $0xffff;
	_ =	sdelay $0x4  }
0xfd: {  	s19 =	simm.s32 $0x0;
	v2 =	vadd.f32 v2, v3  }
0xfe: {  	v3 =	vmov s19  }
0xff: {  	v3 =	vshrl.u32 v3, $0x3;
	v4 =	vmul.f32 $2.000000030e-01, v2  }
0x100: {  	v3 =	vshll.u32 v3, $0x3  }
0x101: {  	v11 =	vbroadcast v3, $0x0;
	v2 =	vmax.f32 v2, v4  }
0x102: {  	v2 =	vmul.f32 $1.442695020e+00, v2  }
0x103: {  	v6 =	vor.u32 $0x1, v1;
	v3 =	vadd.s32 v1, v11  }
0x104: {  	v7 =	vor.u32 $0x2, v1;
	v8 =	vadd.s32 v6, v11;
	(erf) = vpow2.f32 v2  }
0x105: {  	v9 =	vor.u32 $0x6, v1;
	v24 =	vadd.s32 v7, v11  }
0x106: {  	s18 =	simm.s32 $0x8;
	v10 =	vor.u32 $0x5, v1;
	v12 =	vadd.s32 v9, v11  }
0x107: {  	v13 =	vor.u32 $0x7, v1;
	v4 =	vadd.s32 v10, v11;
	v2 =	vmov s18  }
0x108: {  	v16 =	vor.u32 $0x3, v1;
	v5 =	vadd.s32 v13, v11;
	v2 =	vshrl.u32 v2, $0x3;
	v31 =	vld.idx.msk [tilespmem:v3+s16+$0x0], $0xffff  }
0x109: {  	v19 =	vor.u32 $0x4, v1;
	v17 =	vadd.s32 v16, v11;
	v2 =	vshll.u32 v2, $0x3;
	v21 =	vld.idx.msk [tilespmem:v8+s16+$0x0], $0xffff  }
0x10a: {  	v14 =	vadd.s32 v19, v11;
	v33 =	vld.idx.msk [tilespmem:v24+s16+$0x0], $0xffff;
	v30 =	vbroadcast v2, $0x0  }
0x10b: {  	v29 =	vld.idx.msk [tilespmem:v12+s16+$0x0], $0xffff  }
0x10c: {  	v25 =	vld.idx.msk [tilespmem:v4+s16+$0x0], $0xffff;
	v18 =	vadd.s32 v1, v30  }
0x10d: {  	v26 =	vld.idx.msk [tilespmem:v5+s16+$0x0], $0xffff;
	v23 =	vadd.s32 v6, v30;
	v22 =	vadd.s32 v16, v30;
	v15 =	vadd.s32 v19, v30;
	v2 =	vpop (erf)  }
0x10e: {  	v27 =	vld.idx.msk [tilespmem:v17+s16+$0x0], $0xffff;
	v20 =	vadd.s32 v7, v30;
	v11 =	vadd.s32 v13, v30;
	v32 =	vmul.f32 v21, v2  }
0x10f: {  	v28 =	vld.idx.msk [tilespmem:v14+s16+$0x0], $0xffff;
	v21 =	vadd.s32 v9, v30;
	v31 =	vmul.f32 v31, v2;
	v33 =	vmul.f32 v33, v2  }
.LBB2_12:
0x110: {  	s18 =	sadd.s32 $0x8, s18;
	v34 =	vadd.s32 v10, v30;
	[tilespmem:v8+s16+$0x0] =	vst.idx.msk $0xffff, v32;
	v29 =	vmul.f32 v29, v2;
	v8 =	vmov v23  }
0x111: {  	v36 =	vmovc v22;
	v32 =	vmov v14;
	v30 =	vmov s18;
	p1 =	slt.u32 s18, $0x38;
	v35 =	vld.idx.msk [tilespmem:v18+s16+$0x0], $0xffff;
	[tilespmem:v24+s16+$0x0] =	vst.idx.msk $0xffff, v33;
	v24 =	vmul.f32 v25, v2  }
0x112: {  	v22 =	vmul.f32 v26, v2;
	v25 =	vshrl.u32 v30, $0x3;
	v33 =	vld.idx.msk [tilespmem:v23+s16+$0x0], $0xffff;
	[tilespmem:v3+s16+$0x0] =	vst.idx.msk $0xffff, v31;
	v3 =	vmov v18  }
0x113: {  	v14 =	vmov v15;
	v27 =	vmul.f32 v27, v2;
	v18 =	vshll.u32 v25, $0x3;
	v37 =	vld.idx.msk [tilespmem:v20+s16+$0x0], $0xffff;
	[tilespmem:v12+s16+$0x0] =	vst.idx.msk $0xffff, v29  }
0x114: {  	v28 =	vmul.f32 v28, v2;
	v30 =	vbroadcast v18, $0x0;
	v29 =	vld.idx.msk [tilespmem:v21+s16+$0x0], $0xffff;
	[tilespmem:v4+s16+$0x0] =	vst.idx.msk $0xffff, v24;
	v4 =	vmov v34  }
.Ltmp6:
0x115: {  	v12 =	vmov v21;
	v25 =	vld.idx.msk [tilespmem:v34+s16+$0x0], $0xffff;
	[tilespmem:v5+s16+$0x0] =	vst.idx.msk $0xffff, v22;
	v24 =	vmov v20;
	v5 =	vmov v11;
	(pc) =	sbr.rel @p1 .LBB2_12-.Ltmp6, $4  }
0x116: {  	v18 =	vadd.s32 v1, v30;
	v23 =	vadd.s32 v6, v30;
	v26 =	vld.idx.msk [tilespmem:v11+s16+$0x0], $0xffff;
	[tilespmem:v17+s16+$0x0] =	vst.idx.msk $0xffff, v27  }
0x117: {  	v22 =	vadd.s32 v16, v30;
	v15 =	vadd.s32 v19, v30;
	v27 =	vld.idx.msk [tilespmem:v36+s16+$0x0], $0xffff;
	[tilespmem:v32+s16+$0x0] =	vst.idx.msk $0xffff, v28  }
0x118: {  	v20 =	vadd.s32 v7, v30;
	v11 =	vadd.s32 v13, v30;
	v32 =	vmul.f32 v33, v2;
	v28 =	vld.idx.msk [tilespmem:v14+s16+$0x0], $0xffff  }
0x119: {  	v21 =	vadd.s32 v9, v30;
	v31 =	vmul.f32 v35, v2;
	v17 =	vmovc v36;
	v33 =	vmul.f32 v37, v2  }
0x11a: {  	_ =	sdelay $0x3  }
0x11b: {  	[tilespmem:v8+s16+$0x0] =	vst.idx.msk $0xffff, v32  }
0x11c: {  	v6 =	vadd.s32 v10, v30;
	v7 =	vmul.f32 v29, v2;
	v52 =	vld.idx.msk [tilespmem:v23+s16+$0x0], $0xffff;
	[tilespmem:v24+s16+$0x0] =	vst.idx.msk $0xffff, v33  }
0x11d: {  	v9 =	vmul.f32 v25, v2;
	v53 =	vld.idx.msk [tilespmem:v18+s16+$0x0], $0xffff;
	[tilespmem:v3+s16+$0x0] =	vst.idx.msk $0xffff, v31  }
0x11e: {  	v55 =	vld.idx.msk [tilespmem:v21+s16+$0x0], $0xffff;
	v13 =	vmul.f32 v26, v2;
	[tilespmem:v12+s16+$0x0] =	vst.idx.msk $0xffff, v7  }
0x11f: {  	v3 =	vld.idx.msk [tilespmem:v20+s16+$0x0], $0xffff;
	v54 =	vmul.f32 v27, v2;
	[tilespmem:v4+s16+$0x0] =	vst.idx.msk $0xffff, v9  }
0x120: {  	v58 =	vld.idx.msk [tilespmem:v11+s16+$0x0], $0xffff;
	v56 =	vmul.f32 v28, v2;
	[tilespmem:v5+s16+$0x0] =	vst.idx.msk $0xffff, v13  }
0x121: {  	[tilespmem:v17+s16+$0x0] =	vst.idx.msk $0xffff, v54;
	v57 =	vld.idx.msk [tilespmem:v6+s16+$0x0], $0xffff;
	v59 =	vmul.f32 v52, v2  }
0x122: {  	v60 =	vld.idx.msk [tilespmem:v22+s16+$0x0], $0xffff;
	[tilespmem:v14+s16+$0x0] =	vst.idx.msk $0xffff, v56;
	v10 =	vmul.f32 v53, v2  }
0x123: {  	v61 =	vld.idx.msk [tilespmem:v15+s16+$0x0], $0xffff;
	v62 =	vmul.f32 v55, v2;
	[tilespmem:v23+s16+$0x0] =	vst.idx.msk $0xffff, v59  }
0x124: {  	v3 =	vmul.f32 v3, v2;
	[tilespmem:v18+s16+$0x0] =	vst.idx.msk $0xffff, v10  }
0x125: {  	v5 =	vmul.f32 v58, v2;
	[tilespmem:v21+s16+$0x0] =	vst.idx.msk $0xffff, v62  }
0x126: {  	v1 =	vadd.s32 $0x40, v1;
	[tilespmem:v20+s16+$0x0] =	vst.idx.msk $0xffff, v3;
	v3 =	vmul.f32 v57, v2  }
0x127: {  	v63 =	vmul.f32 v60, v2;
	[tilespmem:v11+s16+$0x0] =	vst.idx.msk $0xffff, v5  }
0x128: {  	[tilespmem:v6+s16+$0x0] =	vst.idx.msk $0xffff, v3;
	v3 =	vmul.f32 v61, v2  }
0x129: {  	[tilespmem:v22+s16+$0x0] =	vst.idx.msk $0xffff, v63  }
0x12a: {  	[tilespmem:v15+s16+$0x0] =	vst.idx.msk $0xffff, v3  }
0x12b: {  	v3 =	vld.idx.msk [tilespmem:v1+s16+$0x0], $0xffff  }
0x12c: {  	s17 =	sadd.s32 $0x1, s17  }
0x12d: {  	p1 =	sne.s32 s17, $0x5  }
.Ltmp7:
0x12e: {  	_ = 	snop;
	(pc) =	sbr.rel @p1 .LBB2_11-.Ltmp7, $3  }
0x12f: {  	_ = 	snop  }
0x130: {  	v2 =	vmul.f32 v3, v2;
	_ =	sdelay $0x1  }
0x131: {  	[tilespmem:v1+s16+$0x0] =	vst.idx.msk $0xffff, v2  }
0x132: {  	[spmem:s1] =	stream.indirect.scatter.add.f32 [tilespmem:s16], [sflag:$0x6], $0x48, s20, s30, $0xb8;
	[tilespmem:$0xFE88] =	vst v63  }
0x133: {  	_ =	swait.ge [sflag:s28], $0x1680  }
0x134: {  	[sflag:s28] =	ssyncset.done $0x0  }
0x135: {  	[sflag:s28] =	ssyncadd.s32 $0xFFFFE980  }
0x136: {  	_ =	swait.ge [sflag:s7], $0xA0  }
0x137: {  	[sflag:s7] =	ssyncset.done $0x0  }
0x138: {  	p1 =	seq.s32 s24, $0x14;
	[sflag:s7] =	ssyncadd.s32 $0xFFFFFF60  }
0x139: {  	[tilespmem:s31], [sflag:$0x1] =	stream.indirect.gather [hbm4b:s3+s30], $0x48, s25, s30, $0xb8;
	[tilespmem:$0xFE88] =	vst v63  }
0x13a: {  	s0 =	simm.s32 $0xFCF8;
	s17 =	simm.s32 @p1 $0x5  }
0x13b: {  	[tilespmem:s6], [sflag:$0x1] =	stream.indirect.gather [hbm4b:s4+s30], $0x8, s0, s30, $0xb8;
	[tilespmem:$0xFE88] =	vst v63  }
0x13c: {  	_ =	swait.ge @p1 [sflag:s17], $0x1680  }
0x13d: {  	[sflag:s17] =	ssyncset.done @p1 $0x0  }
0x13e: {  	[sflag:s17] =	ssyncadd.s32 @p1 $0xFFFFE980;
	s17 =	simm.s32 @p1 $0xB  }
0x13f: {  	_ =	swait.ge @p1 [sflag:s17], $0xA0  }
0x140: {  	s18 =	simm.s32 @p1 $0xFD48;
	s19 =	simm.s32 @p1 $0xC648;
	[sflag:s17] =	ssyncset.done @p1 $0x0  }
0x141: {  	s0 =	smul.u32 @!p1 $0x3C0, s24;
	[sflag:s17] =	ssyncadd.s32 @p1 $0xFFFFFF60;
	s17 =	simm.s32 @p1 $0x50  }
0x142: {  	[tilespmem:s19], [sflag:$0x2] =	stream.indirect.gather @p1 [hbm4b:s3+s17], $0x48, s18, s17, $0xb8;
	[tilespmem:$0xFE88] =	vst v63  }
0x143: {  	s14 =	rddreg [dreg:$0xe];
	s18 =	simm.s32 @p1 $0xFD98;
	s19 =	simm.s32 @p1 $0xF5C8  }
0x144: {  	[tilespmem:s19], [sflag:$0x2] =	stream.indirect.gather @p1 [hbm4b:s4+s17], $0x8, s18, s17, $0xb8;
	[tilespmem:$0xFE88] =	vst v63  }
0x145: {  	s17 =	sadd.s32 @!p1 s0, s14  }
0x146: {  	s17 =	sshrl.u32 @!p1 s17, $0x3  }
0x147: {  	s18 =	simm.s32 @!p1 $0x0;
	s19 =	simm.s32 @!p1 $0xFAC8;
	s17 =	sadd.s32 @!p1 s5, s17  }
0x148: {  	[tilespmem:s19], [sflag:$0x7] =	stream.linear.gather @!p1 [hbm4b:s17+s18], $0xA0, $0x38;
	[tilespmem:$0xFE88] =	vst v63  }
0x149: {  	s17 =	simm.s32 @!p1 $0x5  }
0x14a: {  	_ =	swait.ge @!p1 [sflag:s17], $0x1680  }
0x14b: {  	[sflag:s17] =	ssyncset.done @!p1 $0x0  }
0x14c: {  	[sflag:s17] =	ssyncadd.s32 @!p1 $0xFFFFE980;
	s17 =	simm.s32 @!p1 $0xB  }
0x14d: {  	_ =	swait.ge @!p1 [sflag:s17], $0xA0  }
0x14e: {  	s14 =	simm.s32 @!p1 $0xC648;
	[sflag:s17] =	ssyncset.done @!p1 $0x0  }
0x14f: {  	s19 =	simm.s32 @!p1 $0xFD48;
	[sflag:s17] =	ssyncadd.s32 @!p1 $0xFFFFFF60;
	s17 =	simm.s32 @!p1 $0x50  }
0x150: {  	[tilespmem:s14], [sflag:$0x2] =	stream.indirect.gather @!p1 [hbm4b:s3+s17], $0x48, s19, s17, $0xb8;
	[tilespmem:$0xFE88] =	vst v63  }
0x151: {  	s14 =	simm.s32 @!p1 $0xFD98;
	s19 =	simm.s32 @!p1 $0xF5C8  }
0x152: {  	[tilespmem:s19], [sflag:$0x2] =	stream.indirect.gather @!p1 [hbm4b:s4+s17], $0x8, s14, s17, $0xb8;
	[tilespmem:$0xFE88] =	vst v63  }
0x153: {  	s14 =	rddreg [dreg:$0xf]  }
0x154: {  	s14 =	sadd.s32 @!p1 s0, s14  }
0x155: {  	s14 =	sshrl.u32 @!p1 s14, $0x3  }
0x156: {  	s19 =	simm.s32 @!p1 $0xFB68;
	s14 =	sadd.s32 @!p1 s5, s14  }
0x157: {  	[tilespmem:s19], [sflag:$0x8] =	stream.linear.gather @!p1 [hbm4b:s14+s18], $0xA0, $0x38;
	[tilespmem:$0xFE88] =	vst v63  }
0x158: {  	s14 =	simm.s32 @!p1 $0x6  }
0x159: {  	_ =	swait.ge @!p1 [sflag:s14], $0x1680  }
0x15a: {  	[sflag:s14] =	ssyncset.done @!p1 $0x0  }
0x15b: {  	[sflag:s14] =	ssyncadd.s32 @!p1 $0xFFFFE980;
	s14 =	simm.s32 @!p1 $0xC  }
0x15c: {  	_ =	swait.ge @!p1 [sflag:s14], $0xA0  }
0x15d: {  	[sflag:s14] =	ssyncset.done @!p1 $0x0  }
0x15e: {  	s19 =	simm.s32 @!p1 $0xDCC8;
	[sflag:s14] =	ssyncadd.s32 @!p1 $0xFFFFFF60;
	s14 =	simm.s32 @!p1 $0xFDE8  }
0x15f: {  	[tilespmem:s19], [sflag:$0x3] =	stream.indirect.gather @!p1 [hbm4b:s3+s17], $0x48, s14, s17, $0xb8;
	[tilespmem:$0xFE88] =	vst v63  }
0x160: {  	s14 =	simm.s32 @!p1 $0xFE38;
	s19 =	simm.s32 @!p1 $0xF848  }
0x161: {  	[tilespmem:s19], [sflag:$0x3] =	stream.indirect.gather @!p1 [hbm4b:s4+s17], $0x8, s14, s17, $0xb8;
	[tilespmem:$0xFE88] =	vst v63  }
0x162: {  	s14 =	rddreg [dreg:$0x10]  }
0x163: {  	s0 =	sadd.s32 @!p1 s0, s14  }
0x164: {  	s0 =	sshrl.u32 @!p1 s0, $0x3  }
0x165: {  	s14 =	simm.s32 @!p1 $0xFC08;
	s0 =	sadd.s32 @!p1 s5, s0  }
0x166: {  	[tilespmem:s14], [sflag:$0x9] =	stream.linear.gather @!p1 [hbm4b:s0+s18], $0xA0, $0x38;
	[tilespmem:$0xFE88] =	vst v63  }
0x167: {  	_ =	swait.ge [sflag:s26], $0x1680  }
0x168: {  	[sflag:s26] =	ssyncset.done $0x0  }
0x169: {  	[sflag:s26] =	ssyncadd.s32 $0xFFFFE980  }
0x16a: {  	_ =	swait.ge [sflag:s26], $0x280  }
0x16b: {  	[sflag:s26] =	ssyncset.done $0x0  }
0x16c: {  	s17 =	simm.s32 $0x0;
	[sflag:s26] =	ssyncadd.s32 $0xFFFFFD80  }
.LBB2_15:
0x16d: {  	s0 =	sshll.u32 s17, $0x4  }
0x16e: {  	v2 =	vor.u32 s0, v0  }
0x16f: {  	v1 =	vmul.u32 $0x48, v2  }
0x170: {  	v2 =	vshll.u32 v2, $0x3  }
0x171: {  	v3 =	vadd.s32 $0x41, v1;
	_ =	sdelay $0x3  }
0x172: {  	v2 =	vld.idx.msk [tilespmem:v2+s6+$0x0], $0xffff  }
0x173: {  	v3 =	vld.idx.msk [tilespmem:v3+s31+$0x0], $0xffff;
	_ =	sdelay $0x4  }
0x174: {  	s19 =	simm.s32 $0x0;
	v2 =	vadd.f32 v2, v3  }
0x175: {  	v3 =	vmov s19  }
0x176: {  	v3 =	vshrl.u32 v3, $0x3;
	v4 =	vmul.f32 $2.000000030e-01, v2  }
0x177: {  	v3 =	vshll.u32 v3, $0x3  }
0x178: {  	v11 =	vbroadcast v3, $0x0;
	v2 =	vmax.f32 v2, v4  }
0x179: {  	v2 =	vmul.f32 $1.442695020e+00, v2  }
0x17a: {  	v6 =	vor.u32 $0x1, v1;
	v3 =	vadd.s32 v1, v11  }
0x17b: {  	v7 =	vor.u32 $0x2, v1;
	v8 =	vadd.s32 v6, v11;
	(erf) = vpow2.f32 v2  }
0x17c: {  	v9 =	vor.u32 $0x6, v1;
	v24 =	vadd.s32 v7, v11  }
0x17d: {  	s18 =	simm.s32 $0x8;
	v10 =	vor.u32 $0x5, v1;
	v12 =	vadd.s32 v9, v11  }
0x17e: {  	v13 =	vor.u32 $0x7, v1;
	v4 =	vadd.s32 v10, v11;
	v2 =	vmov s18  }
0x17f: {  	v16 =	vor.u32 $0x3, v1;
	v5 =	vadd.s32 v13, v11;
	v2 =	vshrl.u32 v2, $0x3;
	v31 =	vld.idx.msk [tilespmem:v3+s31+$0x0], $0xffff  }
0x180: {  	v19 =	vor.u32 $0x4, v1;
	v17 =	vadd.s32 v16, v11;
	v2 =	vshll.u32 v2, $0x3;
	v21 =	vld.idx.msk [tilespmem:v8+s31+$0x0], $0xffff  }
0x181: {  	v14 =	vadd.s32 v19, v11;
	v33 =	vld.idx.msk [tilespmem:v24+s31+$0x0], $0xffff;
	v30 =	vbroadcast v2, $0x0  }
0x182: {  	v29 =	vld.idx.msk [tilespmem:v12+s31+$0x0], $0xffff  }
0x183: {  	v25 =	vld.idx.msk [tilespmem:v4+s31+$0x0], $0xffff;
	v18 =	vadd.s32 v1, v30  }
0x184: {  	v26 =	vld.idx.msk [tilespmem:v5+s31+$0x0], $0xffff;
	v23 =	vadd.s32 v6, v30;
	v22 =	vadd.s32 v16, v30;
	v15 =	vadd.s32 v19, v30;
	v2 =	vpop (erf)  }
0x185: {  	v27 =	vld.idx.msk [tilespmem:v17+s31+$0x0], $0xffff;
	v20 =	vadd.s32 v7, v30;
	v11 =	vadd.s32 v13, v30;
	v32 =	vmul.f32 v21, v2  }
0x186: {  	v28 =	vld.idx.msk [tilespmem:v14+s31+$0x0], $0xffff;
	v21 =	vadd.s32 v9, v30;
	v31 =	vmul.f32 v31, v2;
	v33 =	vmul.f32 v33, v2  }
.LBB2_16:
0x187: {  	s18 =	sadd.s32 $0x8, s18;
	v34 =	vadd.s32 v10, v30;
	[tilespmem:v8+s31+$0x0] =	vst.idx.msk $0xffff, v32;
	v29 =	vmul.f32 v29, v2;
	v8 =	vmov v23  }
0x188: {  	v36 =	vmovc v22;
	v32 =	vmov v14;
	v30 =	vmov s18;
	p2 =	slt.u32 s18, $0x38;
	v35 =	vld.idx.msk [tilespmem:v18+s31+$0x0], $0xffff;
	[tilespmem:v24+s31+$0x0] =	vst.idx.msk $0xffff, v33;
	v24 =	vmul.f32 v25, v2  }
0x189: {  	v22 =	vmul.f32 v26, v2;
	v25 =	vshrl.u32 v30, $0x3;
	v33 =	vld.idx.msk [tilespmem:v23+s31+$0x0], $0xffff;
	[tilespmem:v3+s31+$0x0] =	vst.idx.msk $0xffff, v31;
	v3 =	vmov v18  }
0x18a: {  	v14 =	vmov v15;
	v27 =	vmul.f32 v27, v2;
	v18 =	vshll.u32 v25, $0x3;
	v37 =	vld.idx.msk [tilespmem:v20+s31+$0x0], $0xffff;
	[tilespmem:v12+s31+$0x0] =	vst.idx.msk $0xffff, v29  }
0x18b: {  	v28 =	vmul.f32 v28, v2;
	v30 =	vbroadcast v18, $0x0;
	v29 =	vld.idx.msk [tilespmem:v21+s31+$0x0], $0xffff;
	[tilespmem:v4+s31+$0x0] =	vst.idx.msk $0xffff, v24;
	v4 =	vmov v34  }
.Ltmp8:
0x18c: {  	v12 =	vmov v21;
	v25 =	vld.idx.msk [tilespmem:v34+s31+$0x0], $0xffff;
	[tilespmem:v5+s31+$0x0] =	vst.idx.msk $0xffff, v22;
	v24 =	vmov v20;
	v5 =	vmov v11;
	(pc) =	sbr.rel @p2 .LBB2_16-.Ltmp8, $4  }
0x18d: {  	v18 =	vadd.s32 v1, v30;
	v23 =	vadd.s32 v6, v30;
	v26 =	vld.idx.msk [tilespmem:v11+s31+$0x0], $0xffff;
	[tilespmem:v17+s31+$0x0] =	vst.idx.msk $0xffff, v27  }
0x18e: {  	v22 =	vadd.s32 v16, v30;
	v15 =	vadd.s32 v19, v30;
	v27 =	vld.idx.msk [tilespmem:v36+s31+$0x0], $0xffff;
	[tilespmem:v32+s31+$0x0] =	vst.idx.msk $0xffff, v28  }
0x18f: {  	v20 =	vadd.s32 v7, v30;
	v11 =	vadd.s32 v13, v30;
	v32 =	vmul.f32 v33, v2;
	v28 =	vld.idx.msk [tilespmem:v14+s31+$0x0], $0xffff  }
0x190: {  	v21 =	vadd.s32 v9, v30;
	v31 =	vmul.f32 v35, v2;
	v17 =	vmovc v36;
	v33 =	vmul.f32 v37, v2  }
0x191: {  	_ =	sdelay $0x3  }
0x192: {  	[tilespmem:v8+s31+$0x0] =	vst.idx.msk $0xffff, v32  }
0x193: {  	v6 =	vadd.s32 v10, v30;
	v7 =	vmul.f32 v29, v2;
	v52 =	vld.idx.msk [tilespmem:v23+s31+$0x0], $0xffff;
	[tilespmem:v24+s31+$0x0] =	vst.idx.msk $0xffff, v33  }
0x194: {  	v9 =	vmul.f32 v25, v2;
	v53 =	vld.idx.msk [tilespmem:v18+s31+$0x0], $0xffff;
	[tilespmem:v3+s31+$0x0] =	vst.idx.msk $0xffff, v31  }
0x195: {  	v55 =	vld.idx.msk [tilespmem:v21+s31+$0x0], $0xffff;
	v13 =	vmul.f32 v26, v2;
	[tilespmem:v12+s31+$0x0] =	vst.idx.msk $0xffff, v7  }
0x196: {  	v3 =	vld.idx.msk [tilespmem:v20+s31+$0x0], $0xffff;
	v54 =	vmul.f32 v27, v2;
	[tilespmem:v4+s31+$0x0] =	vst.idx.msk $0xffff, v9  }
0x197: {  	v58 =	vld.idx.msk [tilespmem:v11+s31+$0x0], $0xffff;
	v56 =	vmul.f32 v28, v2;
	[tilespmem:v5+s31+$0x0] =	vst.idx.msk $0xffff, v13  }
0x198: {  	[tilespmem:v17+s31+$0x0] =	vst.idx.msk $0xffff, v54;
	v57 =	vld.idx.msk [tilespmem:v6+s31+$0x0], $0xffff;
	v59 =	vmul.f32 v52, v2  }
0x199: {  	v60 =	vld.idx.msk [tilespmem:v22+s31+$0x0], $0xffff;
	[tilespmem:v14+s31+$0x0] =	vst.idx.msk $0xffff, v56;
	v10 =	vmul.f32 v53, v2  }
0x19a: {  	v61 =	vld.idx.msk [tilespmem:v15+s31+$0x0], $0xffff;
	v62 =	vmul.f32 v55, v2;
	[tilespmem:v23+s31+$0x0] =	vst.idx.msk $0xffff, v59  }
0x19b: {  	v3 =	vmul.f32 v3, v2;
	[tilespmem:v18+s31+$0x0] =	vst.idx.msk $0xffff, v10  }
0x19c: {  	v5 =	vmul.f32 v58, v2;
	[tilespmem:v21+s31+$0x0] =	vst.idx.msk $0xffff, v62  }
0x19d: {  	v1 =	vadd.s32 $0x40, v1;
	[tilespmem:v20+s31+$0x0] =	vst.idx.msk $0xffff, v3;
	v3 =	vmul.f32 v57, v2  }
0x19e: {  	v63 =	vmul.f32 v60, v2;
	[tilespmem:v11+s31+$0x0] =	vst.idx.msk $0xffff, v5  }
0x19f: {  	[tilespmem:v6+s31+$0x0] =	vst.idx.msk $0xffff, v3;
	v3 =	vmul.f32 v61, v2  }
0x1a0: {  	[tilespmem:v22+s31+$0x0] =	vst.idx.msk $0xffff, v63  }
0x1a1: {  	[tilespmem:v15+s31+$0x0] =	vst.idx.msk $0xffff, v3  }
0x1a2: {  	v3 =	vld.idx.msk [tilespmem:v1+s31+$0x0], $0xffff  }
0x1a3: {  	s17 =	sadd.s32 $0x1, s17  }
0x1a4: {  	p2 =	sne.s32 s17, $0x5  }
.Ltmp9:
0x1a5: {  	_ = 	snop;
	(pc) =	sbr.rel @p2 .LBB2_15-.Ltmp9, $3  }
0x1a6: {  	_ = 	snop  }
0x1a7: {  	v2 =	vmul.f32 v3, v2;
	_ =	sdelay $0x1  }
0x1a8: {  	[tilespmem:v1+s31+$0x0] =	vst.idx.msk $0xffff, v2  }
0x1a9: {  	s0 =	simm.s32 $0xFCF8  }
0x1aa: {  	[spmem:s1] =	stream.indirect.scatter.add.f32 [tilespmem:s31], [sflag:$0x4], $0x48, s0, s30, $0xb8;
	[tilespmem:$0xFE88] =	vst v63  }
0x1ab: {  	_ =	swait.ge [sflag:s8], $0x1680  }
0x1ac: {  	[sflag:s8] =	ssyncset.done $0x0  }
0x1ad: {  	[sflag:s8] =	ssyncadd.s32 $0xFFFFE980  }
0x1ae: {  	_ =	swait.ge [sflag:s8], $0x280  }
0x1af: {  	[sflag:s8] =	ssyncset.done $0x0  }
0x1b0: {  	s17 =	simm.s32 $0x0;
	s19 =	simm.s32 $0xFB18;
	[sflag:s8] =	ssyncadd.s32 $0xFFFFFD80  }
.LBB2_19:
0x1b1: {  	s0 =	sshll.u32 s17, $0x4  }
0x1b2: {  	v2 =	vor.u32 s0, v0  }
0x1b3: {  	v1 =	vmul.u32 $0x48, v2  }
0x1b4: {  	v2 =	vshll.u32 v2, $0x3  }
0x1b5: {  	v3 =	vadd.s32 $0x41, v1;
	_ =	sdelay $0x3  }
0x1b6: {  	v2 =	vld.idx.msk [tilespmem:v2+s13+$0x0], $0xffff  }
0x1b7: {  	v3 =	vld.idx.msk [tilespmem:v3+s11+$0x0], $0xffff;
	_ =	sdelay $0x4  }
0x1b8: {  	s18 =	simm.s32 $0x0;
	v2 =	vadd.f32 v2, v3  }
0x1b9: {  	v3 =	vmov s18  }
0x1ba: {  	v3 =	vshrl.u32 v3, $0x3;
	v4 =	vmul.f32 $2.000000030e-01, v2  }
0x1bb: {  	v3 =	vshll.u32 v3, $0x3  }
0x1bc: {  	v11 =	vbroadcast v3, $0x0;
	v2 =	vmax.f32 v2, v4  }
0x1bd: {  	v2 =	vmul.f32 $1.442695020e+00, v2  }
0x1be: {  	v6 =	vor.u32 $0x1, v1;
	v3 =	vadd.s32 v1, v11  }
0x1bf: {  	v7 =	vor.u32 $0x2, v1;
	v8 =	vadd.s32 v6, v11;
	(erf) = vpow2.f32 v2  }
0x1c0: {  	v9 =	vor.u32 $0x6, v1;
	v24 =	vadd.s32 v7, v11  }
0x1c1: {  	v10 =	vor.u32 $0x5, v1;
	s18 =	simm.s32 $0x8;
	v12 =	vadd.s32 v9, v11  }
0x1c2: {  	v13 =	vor.u32 $0x7, v1;
	v4 =	vadd.s32 v10, v11;
	v2 =	vmov s18  }
0x1c3: {  	v16 =	vor.u32 $0x3, v1;
	v5 =	vadd.s32 v13, v11;
	v2 =	vshrl.u32 v2, $0x3;
	v31 =	vld.idx.msk [tilespmem:v3+s11+$0x0], $0xffff  }
0x1c4: {  	v19 =	vor.u32 $0x4, v1;
	v17 =	vadd.s32 v16, v11;
	v2 =	vshll.u32 v2, $0x3;
	v21 =	vld.idx.msk [tilespmem:v8+s11+$0x0], $0xffff  }
0x1c5: {  	v14 =	vadd.s32 v19, v11;
	v33 =	vld.idx.msk [tilespmem:v24+s11+$0x0], $0xffff;
	v30 =	vbroadcast v2, $0x0  }
0x1c6: {  	v29 =	vld.idx.msk [tilespmem:v12+s11+$0x0], $0xffff  }
0x1c7: {  	v25 =	vld.idx.msk [tilespmem:v4+s11+$0x0], $0xffff;
	v18 =	vadd.s32 v1, v30  }
0x1c8: {  	v26 =	vld.idx.msk [tilespmem:v5+s11+$0x0], $0xffff;
	v23 =	vadd.s32 v6, v30;
	v22 =	vadd.s32 v16, v30;
	v15 =	vadd.s32 v19, v30;
	v2 =	vpop (erf)  }
0x1c9: {  	v27 =	vld.idx.msk [tilespmem:v17+s11+$0x0], $0xffff;
	v20 =	vadd.s32 v7, v30;
	v11 =	vadd.s32 v13, v30;
	v32 =	vmul.f32 v21, v2  }
0x1ca: {  	v28 =	vld.idx.msk [tilespmem:v14+s11+$0x0], $0xffff;
	v21 =	vadd.s32 v9, v30;
	v31 =	vmul.f32 v31, v2;
	v33 =	vmul.f32 v33, v2  }
.LBB2_20:
0x1cb: {  	s18 =	sadd.s32 $0x8, s18;
	v34 =	vadd.s32 v10, v30;
	[tilespmem:v8+s11+$0x0] =	vst.idx.msk $0xffff, v32;
	v29 =	vmul.f32 v29, v2;
	v8 =	vmov v23  }
0x1cc: {  	v36 =	vmovc v22;
	v32 =	vmov v14;
	v30 =	vmov s18;
	p2 =	slt.u32 s18, $0x38;
	v35 =	vld.idx.msk [tilespmem:v18+s11+$0x0], $0xffff;
	[tilespmem:v24+s11+$0x0] =	vst.idx.msk $0xffff, v33;
	v24 =	vmul.f32 v25, v2  }
0x1cd: {  	v22 =	vmul.f32 v26, v2;
	v25 =	vshrl.u32 v30, $0x3;
	v33 =	vld.idx.msk [tilespmem:v23+s11+$0x0], $0xffff;
	[tilespmem:v3+s11+$0x0] =	vst.idx.msk $0xffff, v31;
	v3 =	vmov v18  }
0x1ce: {  	v14 =	vmov v15;
	v27 =	vmul.f32 v27, v2;
	v18 =	vshll.u32 v25, $0x3;
	v37 =	vld.idx.msk [tilespmem:v20+s11+$0x0], $0xffff;
	[tilespmem:v12+s11+$0x0] =	vst.idx.msk $0xffff, v29  }
0x1cf: {  	v28 =	vmul.f32 v28, v2;
	v30 =	vbroadcast v18, $0x0;
	v29 =	vld.idx.msk [tilespmem:v21+s11+$0x0], $0xffff;
	[tilespmem:v4+s11+$0x0] =	vst.idx.msk $0xffff, v24;
	v4 =	vmov v34  }
.Ltmp10:
0x1d0: {  	v12 =	vmov v21;
	v25 =	vld.idx.msk [tilespmem:v34+s11+$0x0], $0xffff;
	[tilespmem:v5+s11+$0x0] =	vst.idx.msk $0xffff, v22;
	v24 =	vmov v20;
	v5 =	vmov v11;
	(pc) =	sbr.rel @p2 .LBB2_20-.Ltmp10, $4  }
0x1d1: {  	v18 =	vadd.s32 v1, v30;
	v23 =	vadd.s32 v6, v30;
	v26 =	vld.idx.msk [tilespmem:v11+s11+$0x0], $0xffff;
	[tilespmem:v17+s11+$0x0] =	vst.idx.msk $0xffff, v27  }
0x1d2: {  	v22 =	vadd.s32 v16, v30;
	v15 =	vadd.s32 v19, v30;
	v27 =	vld.idx.msk [tilespmem:v36+s11+$0x0], $0xffff;
	[tilespmem:v32+s11+$0x0] =	vst.idx.msk $0xffff, v28  }
0x1d3: {  	v20 =	vadd.s32 v7, v30;
	v11 =	vadd.s32 v13, v30;
	v32 =	vmul.f32 v33, v2;
	v28 =	vld.idx.msk [tilespmem:v14+s11+$0x0], $0xffff  }
0x1d4: {  	v21 =	vadd.s32 v9, v30;
	v31 =	vmul.f32 v35, v2;
	v17 =	vmovc v36;
	v33 =	vmul.f32 v37, v2  }
0x1d5: {  	_ =	sdelay $0x3  }
0x1d6: {  	[tilespmem:v8+s11+$0x0] =	vst.idx.msk $0xffff, v32  }
0x1d7: {  	v6 =	vadd.s32 v10, v30;
	v7 =	vmul.f32 v29, v2;
	v52 =	vld.idx.msk [tilespmem:v23+s11+$0x0], $0xffff;
	[tilespmem:v24+s11+$0x0] =	vst.idx.msk $0xffff, v33  }
0x1d8: {  	v9 =	vmul.f32 v25, v2;
	v53 =	vld.idx.msk [tilespmem:v18+s11+$0x0], $0xffff;
	[tilespmem:v3+s11+$0x0] =	vst.idx.msk $0xffff, v31  }
0x1d9: {  	v55 =	vld.idx.msk [tilespmem:v21+s11+$0x0], $0xffff;
	v13 =	vmul.f32 v26, v2;
	[tilespmem:v12+s11+$0x0] =	vst.idx.msk $0xffff, v7  }
0x1da: {  	v3 =	vld.idx.msk [tilespmem:v20+s11+$0x0], $0xffff;
	v54 =	vmul.f32 v27, v2;
	[tilespmem:v4+s11+$0x0] =	vst.idx.msk $0xffff, v9  }
0x1db: {  	v58 =	vld.idx.msk [tilespmem:v11+s11+$0x0], $0xffff;
	v56 =	vmul.f32 v28, v2;
	[tilespmem:v5+s11+$0x0] =	vst.idx.msk $0xffff, v13  }
0x1dc: {  	[tilespmem:v17+s11+$0x0] =	vst.idx.msk $0xffff, v54;
	v57 =	vld.idx.msk [tilespmem:v6+s11+$0x0], $0xffff;
	v59 =	vmul.f32 v52, v2  }
0x1dd: {  	v60 =	vld.idx.msk [tilespmem:v22+s11+$0x0], $0xffff;
	[tilespmem:v14+s11+$0x0] =	vst.idx.msk $0xffff, v56;
	v10 =	vmul.f32 v53, v2  }
0x1de: {  	v61 =	vld.idx.msk [tilespmem:v15+s11+$0x0], $0xffff;
	v62 =	vmul.f32 v55, v2;
	[tilespmem:v23+s11+$0x0] =	vst.idx.msk $0xffff, v59  }
0x1df: {  	v3 =	vmul.f32 v3, v2;
	[tilespmem:v18+s11+$0x0] =	vst.idx.msk $0xffff, v10  }
0x1e0: {  	v5 =	vmul.f32 v58, v2;
	[tilespmem:v21+s11+$0x0] =	vst.idx.msk $0xffff, v62  }
0x1e1: {  	v1 =	vadd.s32 $0x40, v1;
	[tilespmem:v20+s11+$0x0] =	vst.idx.msk $0xffff, v3;
	v3 =	vmul.f32 v57, v2  }
0x1e2: {  	v63 =	vmul.f32 v60, v2;
	[tilespmem:v11+s11+$0x0] =	vst.idx.msk $0xffff, v5  }
0x1e3: {  	[tilespmem:v6+s11+$0x0] =	vst.idx.msk $0xffff, v3;
	v3 =	vmul.f32 v61, v2  }
0x1e4: {  	[tilespmem:v22+s11+$0x0] =	vst.idx.msk $0xffff, v63  }
0x1e5: {  	[tilespmem:v15+s11+$0x0] =	vst.idx.msk $0xffff, v3  }
0x1e6: {  	v3 =	vld.idx.msk [tilespmem:v1+s11+$0x0], $0xffff  }
0x1e7: {  	s17 =	sadd.s32 $0x1, s17  }
0x1e8: {  	p2 =	sne.s32 s17, $0x5  }
.Ltmp11:
0x1e9: {  	_ = 	snop;
	(pc) =	sbr.rel @p2 .LBB2_19-.Ltmp11, $3  }
0x1ea: {  	_ = 	snop  }
0x1eb: {  	v2 =	vmul.f32 v3, v2;
	_ =	sdelay $0x1  }
0x1ec: {  	[tilespmem:v1+s11+$0x0] =	vst.idx.msk $0xffff, v2  }
.Ltmp12:
0x1ed: {  	(pc) =	sbr.rel @p1 .LBB2_28-.Ltmp12, $3  }
0x1ee: {  	_ =	sdelay $0x1  }
0x1ef: {  	s0 =	simm.s32 $0xFD98  }
0x1f0: {  	[spmem:s1] =	stream.indirect.scatter.add.f32 [tilespmem:s11], [sflag:$0x5], $0x48, s0, s30, $0xb8;
	[tilespmem:$0xFE88] =	vst v63  }
0x1f1: {  	_ =	swait.ge [sflag:s9], $0x1680  }
0x1f2: {  	[sflag:s9] =	ssyncset.done $0x0  }
0x1f3: {  	[sflag:s9] =	ssyncadd.s32 $0xFFFFE980  }
0x1f4: {  	_ =	swait.ge [sflag:s9], $0x280  }
0x1f5: {  	[sflag:s9] =	ssyncset.done $0x0  }
0x1f6: {  	s17 =	simm.s32 $0x0;
	[sflag:s9] =	ssyncadd.s32 $0xFFFFFD80  }
.LBB2_24:
0x1f7: {  	s0 =	sshll.u32 s17, $0x4  }
0x1f8: {  	v2 =	vor.u32 s0, v0  }
0x1f9: {  	v1 =	vmul.u32 $0x48, v2  }
0x1fa: {  	v2 =	vshll.u32 v2, $0x3  }
0x1fb: {  	v3 =	vadd.s32 $0x41, v1;
	_ =	sdelay $0x3  }
0x1fc: {  	v2 =	vld.idx.msk [tilespmem:v2+s21+$0x0], $0xffff  }
0x1fd: {  	v3 =	vld.idx.msk [tilespmem:v3+s16+$0x0], $0xffff;
	_ =	sdelay $0x4  }
0x1fe: {  	s18 =	simm.s32 $0x0;
	v2 =	vadd.f32 v2, v3  }
0x1ff: {  	v3 =	vmov s18  }
0x200: {  	v3 =	vshrl.u32 v3, $0x3;
	v4 =	vmul.f32 $2.000000030e-01, v2  }
0x201: {  	v3 =	vshll.u32 v3, $0x3  }
0x202: {  	v11 =	vbroadcast v3, $0x0;
	v2 =	vmax.f32 v2, v4  }
0x203: {  	v2 =	vmul.f32 $1.442695020e+00, v2  }
0x204: {  	v6 =	vor.u32 $0x1, v1;
	v3 =	vadd.s32 v1, v11  }
0x205: {  	v7 =	vor.u32 $0x2, v1;
	v8 =	vadd.s32 v6, v11;
	(erf) = vpow2.f32 v2  }
0x206: {  	v9 =	vor.u32 $0x6, v1;
	v24 =	vadd.s32 v7, v11  }
0x207: {  	v10 =	vor.u32 $0x5, v1;
	s18 =	simm.s32 $0x8;
	v12 =	vadd.s32 v9, v11  }
0x208: {  	v13 =	vor.u32 $0x7, v1;
	v4 =	vadd.s32 v10, v11;
	v2 =	vmov s18  }
0x209: {  	v16 =	vor.u32 $0x3, v1;
	v5 =	vadd.s32 v13, v11;
	v2 =	vshrl.u32 v2, $0x3;
	v31 =	vld.idx.msk [tilespmem:v3+s16+$0x0], $0xffff  }
0x20a: {  	v19 =	vor.u32 $0x4, v1;
	v17 =	vadd.s32 v16, v11;
	v2 =	vshll.u32 v2, $0x3;
	v21 =	vld.idx.msk [tilespmem:v8+s16+$0x0], $0xffff  }
0x20b: {  	v14 =	vadd.s32 v19, v11;
	v33 =	vld.idx.msk [tilespmem:v24+s16+$0x0], $0xffff;
	v30 =	vbroadcast v2, $0x0  }
0x20c: {  	v29 =	vld.idx.msk [tilespmem:v12+s16+$0x0], $0xffff  }
0x20d: {  	v25 =	vld.idx.msk [tilespmem:v4+s16+$0x0], $0xffff;
	v18 =	vadd.s32 v1, v30  }
0x20e: {  	v26 =	vld.idx.msk [tilespmem:v5+s16+$0x0], $0xffff;
	v23 =	vadd.s32 v6, v30;
	v22 =	vadd.s32 v16, v30;
	v15 =	vadd.s32 v19, v30;
	v2 =	vpop (erf)  }
0x20f: {  	v27 =	vld.idx.msk [tilespmem:v17+s16+$0x0], $0xffff;
	v20 =	vadd.s32 v7, v30;
	v11 =	vadd.s32 v13, v30;
	v32 =	vmul.f32 v21, v2  }
0x210: {  	v28 =	vld.idx.msk [tilespmem:v14+s16+$0x0], $0xffff;
	v21 =	vadd.s32 v9, v30;
	v31 =	vmul.f32 v31, v2;
	v33 =	vmul.f32 v33, v2  }
.LBB2_25:
0x211: {  	s18 =	sadd.s32 $0x8, s18;
	v34 =	vadd.s32 v10, v30;
	[tilespmem:v8+s16+$0x0] =	vst.idx.msk $0xffff, v32;
	v29 =	vmul.f32 v29, v2;
	v8 =	vmov v23  }
0x212: {  	v36 =	vmovc v22;
	v32 =	vmov v14;
	v30 =	vmov s18;
	p1 =	slt.u32 s18, $0x38;
	v35 =	vld.idx.msk [tilespmem:v18+s16+$0x0], $0xffff;
	[tilespmem:v24+s16+$0x0] =	vst.idx.msk $0xffff, v33;
	v24 =	vmul.f32 v25, v2  }
0x213: {  	v22 =	vmul.f32 v26, v2;
	v25 =	vshrl.u32 v30, $0x3;
	v33 =	vld.idx.msk [tilespmem:v23+s16+$0x0], $0xffff;
	[tilespmem:v3+s16+$0x0] =	vst.idx.msk $0xffff, v31;
	v3 =	vmov v18  }
0x214: {  	v14 =	vmov v15;
	v27 =	vmul.f32 v27, v2;
	v18 =	vshll.u32 v25, $0x3;
	v37 =	vld.idx.msk [tilespmem:v20+s16+$0x0], $0xffff;
	[tilespmem:v12+s16+$0x0] =	vst.idx.msk $0xffff, v29  }
0x215: {  	v28 =	vmul.f32 v28, v2;
	v30 =	vbroadcast v18, $0x0;
	v29 =	vld.idx.msk [tilespmem:v21+s16+$0x0], $0xffff;
	[tilespmem:v4+s16+$0x0] =	vst.idx.msk $0xffff, v24;
	v4 =	vmov v34  }
.Ltmp13:
0x216: {  	v12 =	vmov v21;
	v25 =	vld.idx.msk [tilespmem:v34+s16+$0x0], $0xffff;
	[tilespmem:v5+s16+$0x0] =	vst.idx.msk $0xffff, v22;
	v24 =	vmov v20;
	v5 =	vmov v11;
	(pc) =	sbr.rel @p1 .LBB2_25-.Ltmp13, $4  }
0x217: {  	v18 =	vadd.s32 v1, v30;
	v23 =	vadd.s32 v6, v30;
	v26 =	vld.idx.msk [tilespmem:v11+s16+$0x0], $0xffff;
	[tilespmem:v17+s16+$0x0] =	vst.idx.msk $0xffff, v27  }
0x218: {  	v22 =	vadd.s32 v16, v30;
	v15 =	vadd.s32 v19, v30;
	v27 =	vld.idx.msk [tilespmem:v36+s16+$0x0], $0xffff;
	[tilespmem:v32+s16+$0x0] =	vst.idx.msk $0xffff, v28  }
0x219: {  	v20 =	vadd.s32 v7, v30;
	v11 =	vadd.s32 v13, v30;
	v32 =	vmul.f32 v33, v2;
	v28 =	vld.idx.msk [tilespmem:v14+s16+$0x0], $0xffff  }
0x21a: {  	v21 =	vadd.s32 v9, v30;
	v31 =	vmul.f32 v35, v2;
	v17 =	vmovc v36;
	v33 =	vmul.f32 v37, v2  }
0x21b: {  	_ =	sdelay $0x3  }
0x21c: {  	[tilespmem:v8+s16+$0x0] =	vst.idx.msk $0xffff, v32  }
0x21d: {  	v6 =	vadd.s32 v10, v30;
	v7 =	vmul.f32 v29, v2;
	v52 =	vld.idx.msk [tilespmem:v23+s16+$0x0], $0xffff;
	[tilespmem:v24+s16+$0x0] =	vst.idx.msk $0xffff, v33  }
0x21e: {  	v9 =	vmul.f32 v25, v2;
	v53 =	vld.idx.msk [tilespmem:v18+s16+$0x0], $0xffff;
	[tilespmem:v3+s16+$0x0] =	vst.idx.msk $0xffff, v31  }
0x21f: {  	v55 =	vld.idx.msk [tilespmem:v21+s16+$0x0], $0xffff;
	v13 =	vmul.f32 v26, v2;
	[tilespmem:v12+s16+$0x0] =	vst.idx.msk $0xffff, v7  }
0x220: {  	v3 =	vld.idx.msk [tilespmem:v20+s16+$0x0], $0xffff;
	v54 =	vmul.f32 v27, v2;
	[tilespmem:v4+s16+$0x0] =	vst.idx.msk $0xffff, v9  }
0x221: {  	v58 =	vld.idx.msk [tilespmem:v11+s16+$0x0], $0xffff;
	v56 =	vmul.f32 v28, v2;
	[tilespmem:v5+s16+$0x0] =	vst.idx.msk $0xffff, v13  }
0x222: {  	[tilespmem:v17+s16+$0x0] =	vst.idx.msk $0xffff, v54;
	v57 =	vld.idx.msk [tilespmem:v6+s16+$0x0], $0xffff;
	v59 =	vmul.f32 v52, v2  }
0x223: {  	v60 =	vld.idx.msk [tilespmem:v22+s16+$0x0], $0xffff;
	[tilespmem:v14+s16+$0x0] =	vst.idx.msk $0xffff, v56;
	v10 =	vmul.f32 v53, v2  }
0x224: {  	v61 =	vld.idx.msk [tilespmem:v15+s16+$0x0], $0xffff;
	v62 =	vmul.f32 v55, v2;
	[tilespmem:v23+s16+$0x0] =	vst.idx.msk $0xffff, v59  }
0x225: {  	v3 =	vmul.f32 v3, v2;
	[tilespmem:v18+s16+$0x0] =	vst.idx.msk $0xffff, v10  }
0x226: {  	v5 =	vmul.f32 v58, v2;
	[tilespmem:v21+s16+$0x0] =	vst.idx.msk $0xffff, v62  }
0x227: {  	v1 =	vadd.s32 $0x40, v1;
	[tilespmem:v20+s16+$0x0] =	vst.idx.msk $0xffff, v3;
	v3 =	vmul.f32 v57, v2  }
0x228: {  	v63 =	vmul.f32 v60, v2;
	[tilespmem:v11+s16+$0x0] =	vst.idx.msk $0xffff, v5  }
0x229: {  	[tilespmem:v6+s16+$0x0] =	vst.idx.msk $0xffff, v3;
	v3 =	vmul.f32 v61, v2  }
0x22a: {  	[tilespmem:v22+s16+$0x0] =	vst.idx.msk $0xffff, v63  }
0x22b: {  	[tilespmem:v15+s16+$0x0] =	vst.idx.msk $0xffff, v3  }
0x22c: {  	v3 =	vld.idx.msk [tilespmem:v1+s16+$0x0], $0xffff  }
0x22d: {  	s17 =	sadd.s32 $0x1, s17  }
0x22e: {  	p1 =	sne.s32 s17, $0x5  }
.Ltmp14:
0x22f: {  	_ = 	snop;
	(pc) =	sbr.rel @p1 .LBB2_24-.Ltmp14, $3  }
0x230: {  	_ = 	snop  }
0x231: {  	v2 =	vmul.f32 v3, v2;
	_ =	sdelay $0x1  }
0x232: {  	[tilespmem:v1+s16+$0x0] =	vst.idx.msk $0xffff, v2  }
0x233: {  	s0 =	simm.s32 $0xFE38  }
0x234: {  	[spmem:s1] =	stream.indirect.scatter.add.f32 [tilespmem:s16], [sflag:$0x6], $0x48, s0, s30, $0xb8;
	[tilespmem:$0xFE88] =	vst v63  }
0x235: {  	_ =	swait.ge [sflag:s28], $0x1680  }
0x236: {  	[sflag:s28] =	ssyncset.done $0x0  }
0x237: {  	[sflag:s28] =	ssyncadd.s32 $0xFFFFE980  }
0x238: {  	s0 =	smul.u32 $0x3C0, s24;
	_ =	swait.ge [sflag:s29], $0xA0  }
0x239: {  	[sflag:s29] =	ssyncset.done $0x0;
	s14 =	rddreg [dreg:$0x13]  }
0x23a: {  	s17 =	simm.s32 $0xFAC8;
	[sflag:s29] =	ssyncadd.s32 $0xFFFFFF60;
	s14 =	sadd.s32 s0, s14  }
0x23b: {  	[tilespmem:s31], [sflag:$0x1] =	stream.indirect.gather [hbm4b:s3+s30], $0x48, s17, s30, $0xb8;
	[tilespmem:$0xFE88] =	vst v63  }
0x23c: {  	s14 =	sshrl.u32 s14, $0x3  }
0x23d: {  	[tilespmem:s6], [sflag:$0x1] =	stream.indirect.gather [hbm4b:s4+s30], $0x8, s19, s30, $0xb8;
	[tilespmem:$0xFE88] =	vst v63  }
0x23e: {  	s14 =	sadd.s32 s5, s14  }
0x23f: {  	[tilespmem:s25], [sflag:$0xA] =	stream.linear.gather [hbm4b:s14+s2], $0xA0, $0x38;
	[tilespmem:$0xFE88] =	vst v63  }
0x240: {  	_ =	swait.ge [sflag:s23], $0x1680  }
0x241: {  	[sflag:s23] =	ssyncset.done $0x0  }
0x242: {  	[sflag:s23] =	ssyncadd.s32 $0xFFFFE980  }
0x243: {  	_ =	swait.ge [sflag:s10], $0xA0  }
0x244: {  	[sflag:s10] =	ssyncset.done $0x0;
	s17 =	rddreg [dreg:$0x14]  }
0x245: {  	s18 =	simm.s32 $0xFB68;
	[sflag:s10] =	ssyncadd.s32 $0xFFFFFF60;
	s14 =	sadd.s32 s0, s17  }
0x246: {  	[tilespmem:s11], [sflag:$0x2] =	stream.indirect.gather [hbm4b:s3+s30], $0x48, s18, s30, $0xb8;
	[tilespmem:$0xFE88] =	vst v63  }
0x247: {  	s14 =	sshrl.u32 s14, $0x3  }
0x248: {  	[tilespmem:s13], [sflag:$0x2] =	stream.indirect.gather [hbm4b:s4+s30], $0x8, s12, s30, $0xb8;
	[tilespmem:$0xFE88] =	vst v63  }
0x249: {  	s17 =	simm.s32 $0xFD48;
	s14 =	sadd.s32 s5, s14  }
0x24a: {  	[tilespmem:s17], [sflag:$0xB] =	stream.linear.gather [hbm4b:s14+s2], $0xA0, $0x38;
	[tilespmem:$0xFE88] =	vst v63  }
0x24b: {  	_ =	swait.ge [sflag:s22], $0x1680  }
0x24c: {  	[sflag:s22] =	ssyncset.done $0x0  }
0x24d: {  	[sflag:s22] =	ssyncadd.s32 $0xFFFFE980  }
0x24e: {  	_ =	swait.ge [sflag:s15], $0xA0  }
0x24f: {  	p1 =	sgt.u32 s24, $0x12;
	[sflag:s15] =	ssyncset.done $0x0;
	s14 =	rddreg [dreg:$0x15]  }
0x250: {  	s18 =	simm.s32 $0xFC08;
	[sflag:s15] =	ssyncadd.s32 $0xFFFFFF60;
	s0 =	sadd.s32 @!p1 s0, s14  }
0x251: {  	[tilespmem:s16], [sflag:$0x3] =	stream.indirect.gather [hbm4b:s3+s30], $0x48, s18, s30, $0xb8;
	[tilespmem:$0xFE88] =	vst v63  }
0x252: {  	s24 =	sadd.s32 $0x1, s24;
	s0 =	sshrl.u32 @!p1 s0, $0x3  }
0x253: {  	[tilespmem:s21], [sflag:$0x3] =	stream.indirect.gather [hbm4b:s4+s30], $0x8, s20, s30, $0xb8;
	[tilespmem:$0xFE88] =	vst v63  }
0x254: {  	s17 =	simm.s32 @!p1 $0xFDE8;
	s14 =	simm.s32 @!p1 $0x0;
	s0 =	sadd.s32 @!p1 s5, s0  }
0x255: {  	[tilespmem:s17], [sflag:$0xC] =	stream.linear.gather @!p1 [hbm4b:s0+s14], $0xA0, $0x38;
	[tilespmem:$0xFE88] =	vst v63  }
0x256: {  	p1 =	sne.s32 s24, $0x15  }
.Ltmp15:
0x257: {  	_ = 	snop;
	(pc) =	sbr.rel @p1 .LBB2_2-.Ltmp15, $4  }
.Ltmp16:
0x258: {  	_ = 	snop;
	(pc) =	sbr.rel @!p1 .LBB2_28-.Ltmp16, $4  }
0x259: {  	_ = 	snop  }
0x25a: {  	_ = 	snop  }
0x25b: {  	_ = 	snop  }
0x25c: {  	_ = 	snop  }
.LBB2_29:
0x25d: {  	_ =	sfence.sel $0x180000  }
0x25e: {  	[bflag:$0x0] =	sbarrier.arrive $0xFFFF  }
0x25f: {  	_ =	strace $0x9000004A  }
0x260: {  	[bflag:$0x2] =	sbarrier.arrive $0xFFFF  }
0x261: {  	s0 =	rddreg [dreg:$0x2]  }
0x262: {  	s0 =	sadd.s32 @!p0 $0x100000, s0  }
0x263: {  	[sflag:s0] =	ssyncadd.tile.s32 @!p0 $0x1;
	_ =	shalt  }
.Lfunc_end2:
_tile_overlayer_lowered:
.L_overlay_start_2:
0x264: {  	(tag) =	ssettag $0x2  }
0x265: {  	s0 =	rddreg [dreg:$0x0];
	s2 =	stileid.u32  }
0x266: {  	s1 =	rddreg [dreg:$0x1];
	p0 =	sne.s32 s2, $0x0  }
0x267: {  	s3 =	rddreg [dreg:$0x2];
	[bflag:$0x3] =	sbarrier.arrive $0xFFFF;
	s2 =	simm.s32 @!p0 $0x1C0D  }
0x268: {  	[timem:s3], [sflag:s2] =	dma.local @!p0 [hbm:s0], s1  }
0x269: {  	s0 =	simm.s32 @!p0 $0xD  }
0x26a: {  	_ =	swait.ge @!p0 [sflag:s0], s1  }
0x26b: {  	s1 =	ssub.s32 @!p0 $0x0, s1;
	[sflag:s0] =	ssyncset.done @!p0 $0x0  }
0x26c: {  	[sflag:s0] =	ssyncadd.s32 @!p0 s1  }
0x26d: {  	[bflag:$0x3] =	sbarrier.arrive $0xFFFF  }
0x26e: {  	_ =	shalt  }

// kernel: kernel.7.cloned.1.call-start
scs
__scs_entry_jumppad:
0x0: {  	(pc) =	sbr.rel $0x88, $3  }
0x1: {  	(tag) =	ssettag $0x0;
	lr =	simm.s32 $0x1  }
0x2: {  	[smem:$0x3F94] =	sst lr;
	_ =	strace $0xD0000000  }
0x3: {  	_ = 	snop  }
0x4: {  	_ = 	snop  }
0x5: {  	_ = 	snop  }
0x6: {  	_ = 	snop  }
0x7: {  	_ = 	snop  }
__scs_overlays_trampoline_lowered:
0x8: {  	[smem:$0x3FA3] =	sst s0  }
0x9: {  	[smem:$0x3FA4] =	sst s1  }
0xa: {  	[smem:$0x3FA5] =	sst s2  }
0xb: {  	[smem:$0x3FA6] =	sst s3  }
0xc: {  	[smem:$0x3FA7] =	sst s4  }
0xd: {  	[smem:$0x3FA8] =	sst s5  }
0xe: {  	[smem:$0x3FA9] =	sst s6  }
0xf: {  	[smem:$0x3FAA] =	sst s7  }
0x10: {  	[smem:$0x3FAB] =	sst s8  }
0x11: {  	[smem:$0x3FAC] =	sst s9;
	s0 =	simm.s32 @!p0 $0x0  }
0x12: {  	s1 =	sld [smem:$0x3F92];
	s0 =	simm.s32 @p0 $0x1  }
0x13: {  	[smem:$0x3FAD] =	sst s0;
	s0 =	simm.s32 @!p1 $0x0  }
0x14: {  	s2 =	sld [smem:$0x3F91];
	s0 =	simm.s32 @p1 $0x1  }
0x15: {  	[smem:$0x3FAE] =	sst s0;
	s0 =	simm.s32 @!p2 $0x0  }
0x16: {  	s3 =	sld [smem:$0x3FDB];
	s0 =	simm.s32 @p2 $0x1  }
0x17: {  	s4 =	simm.s32 $0x1BF5;
	[smem:$0x3FB0] =	sst s0  }
0x18: {  	s0 =	sld [smem:$0x3F93];
	_ =	swait.ge [sflag:s4], $0x0  }
0x19: {  	s7 =	sld [smem:$0x3F94]  }
0x1a: {  	s8 =	sadd.s32 $0xFFFFE003, lr  }
0x1b: {  	s9 =	sadd.s32 $0xFFFFFEF7, lr;
	s5 =	simm.s32 $0xFFFFFFFF;
	p2 =	slt.u32 s8, $0xFFFFF086  }
0x1c: {  	p1 =	slt.u32 s9, $0xF7A;
	s5 =	simm.s32 @!p2 $0x0  }
0x1d: {  	s5 =	simm.s32 @p1 $0x1;
	p0 =	seq.s32 s7, s2  }
0x1e: {  	s7 =	smul.u32 @!p0 $0xF7A, s2;
	p2 =	seq.s32 @!p0 s5, $0x0  }
0x1f: {  	s9 =	smul.u32 $0xF7A, s1;
	s8 =	simm.s32 @!p0 $0x1BF5;
	p2 =	por !p2, p0  }
0x20: {  	[sflag:s8] =	ssyncset.s32 @!p0 $0xFFFFF086;
	s6 =	sadd.s32 @!p0 s3, s7;
	s7 =	simm.s32 @!p0 $0x108  }
0x21: {  	s3 =	sadd.s32 s3, s9;
	s6 =	sadd.s32 @!p0 $0x88, s6;
	s7 =	simm.s32 @p2 $0x1082  }
0x22: {  	[simem:s7], [sflag:s8] =	dma.local @!p0 [hbm:s6], $0xF7A  }
0x23: {  	s9 =	sor.u32 $0xD0000000, s2;
	s6 =	simm.s32 $0x108;
	_ =	swait.ge @!p0 [sflag:s8], $0x0  }
0x24: {  	s3 =	sadd.s32 $0x88, s3;
	s6 =	simm.s32 @!p1 $0x1082;
	[sflag:s4] =	ssyncset.s32 $0xFFFFF086  }
0x25: {  	[simem:s6], [sflag:s4] =	dma.local [hbm:s3], $0xF7A  }
0x26: {  	[smem:$0x3F94] =	sst s1;
	(tag) =	ssettag s2;
	_ =	strace s9  }
0x27: {  	s1 =	sld [smem:$0x3FA4]  }
0x28: {  	s2 =	sld [smem:$0x3FA5]  }
0x29: {  	s4 =	sld [smem:$0x3FA7]  }
0x2a: {  	p0 =	seq.s32 s5, $0x0;
	s5 =	sld [smem:$0x3FA8]  }
0x2b: {  	s6 =	sld [smem:$0x3FA9]  }
0x2c: {  	s7 =	sld [smem:$0x3FAA]  }
0x2d: {  	s3 =	simm.s32 $0x108;
	s8 =	sld [smem:$0x3FAB]  }
0x2e: {  	s3 =	simm.s32 @!p0 $0x1082;
	s9 =	sld [smem:$0x3FAC]  }
0x2f: {  	lr =	sadd.s32 s0, s3;
	s0 =	sld [smem:$0x3FA3]  }
0x30: {  	s3 =	sld [smem:$0x3FA6]  }
0x31: {  	[smem:$0x3FAF] =	sst s10  }
0x32: {  	s10 =	sld [smem:$0x3FAD];
	_ =	sdelay $0x3  }
0x33: {  	p0 =	seq.s32 s10, $0x1;
	s10 =	sld [smem:$0x3FAF];
	_ =	sdelay $0x3  }
0x34: {  	[smem:$0x3FAF] =	sst s10  }
0x35: {  	s10 =	sld [smem:$0x3FAE];
	_ =	sdelay $0x3  }
0x36: {  	p1 =	seq.s32 s10, $0x1;
	s10 =	sld [smem:$0x3FAF];
	_ =	sdelay $0x3  }
0x37: {  	[smem:$0x3FAF] =	sst s10  }
0x38: {  	s10 =	sld [smem:$0x3FB0]  }
0x39: {  	_ = 	snop;
	(pc) =	sbr.ind lr, $3  }
0x3a: {  	_ = 	snop  }
0x3b: {  	_ = 	snop  }
0x3c: {  	p2 =	seq.s32 s10, $0x1;
	s10 =	sld [smem:$0x3FAF]  }
0x3d: {  	_ =	shalt  }
0x3e: {  	_ =	shalt  }
0x3f: {  	_ =	shalt  }
0x40: {  	_ =	shalt  }
0x41: {  	_ =	shalt  }
0x42: {  	_ =	shalt  }
0x43: {  	_ =	shalt  }
0x44: {  	_ =	shalt  }
0x45: {  	_ =	shalt  }
0x46: {  	_ =	shalt  }
0x47: {  	_ =	shalt  }
0x48: {  	_ =	shalt  }
0x49: {  	_ =	shalt  }
0x4a: {  	_ =	shalt  }
0x4b: {  	_ =	shalt  }
0x4c: {  	_ =	shalt  }
0x4d: {  	_ =	shalt  }
0x4e: {  	_ =	shalt  }
0x4f: {  	_ =	shalt  }
0x50: {  	_ =	shalt  }
0x51: {  	_ =	shalt  }
0x52: {  	_ =	shalt  }
0x53: {  	_ =	shalt  }
0x54: {  	_ =	shalt  }
0x55: {  	_ =	shalt  }
0x56: {  	_ =	shalt  }
0x57: {  	_ =	shalt  }
0x58: {  	_ =	shalt  }
0x59: {  	_ =	shalt  }
0x5a: {  	_ =	shalt  }
0x5b: {  	_ =	shalt  }
0x5c: {  	_ =	shalt  }
0x5d: {  	_ =	shalt  }
0x5e: {  	_ =	shalt  }
0x5f: {  	_ =	shalt  }
0x60: {  	_ =	shalt  }
0x61: {  	_ =	shalt  }
0x62: {  	_ =	shalt  }
0x63: {  	_ =	shalt  }
0x64: {  	_ =	shalt  }
0x65: {  	_ =	shalt  }
0x66: {  	_ =	shalt  }
0x67: {  	_ =	shalt  }
0x68: {  	_ =	shalt  }
0x69: {  	_ =	shalt  }
0x6a: {  	_ =	shalt  }
0x6b: {  	_ =	shalt  }
0x6c: {  	_ =	shalt  }
0x6d: {  	_ =	shalt  }
0x6e: {  	_ =	shalt  }
0x6f: {  	_ =	shalt  }
0x70: {  	_ =	shalt  }
0x71: {  	_ =	shalt  }
0x72: {  	_ =	shalt  }
0x73: {  	_ =	shalt  }
0x74: {  	_ =	shalt  }
0x75: {  	_ =	shalt  }
0x76: {  	_ =	shalt  }
0x77: {  	_ =	shalt  }
0x78: {  	_ =	shalt  }
0x79: {  	_ =	shalt  }
0x7a: {  	_ =	shalt  }
0x7b: {  	_ =	shalt  }
0x7c: {  	_ =	shalt  }
0x7d: {  	_ =	shalt  }
0x7e: {  	_ =	shalt  }
0x7f: {  	_ =	shalt  }
0x80: {  	_ =	shalt  }
0x81: {  	_ =	shalt  }
0x82: {  	_ =	shalt  }
0x83: {  	_ =	shalt  }
0x84: {  	_ =	shalt  }
0x85: {  	_ =	shalt  }
0x86: {  	_ =	shalt  }
0x87: {  	_ =	shalt  }
.Lfunc_end0:
.L_simem_size_0:
called_computation_lowered:
.L_overlay_start_0:
0x88: {  	s2 =	sld [smem:$0x3FD9]  }
0x89: {  	s3 =	sld [smem:$0x3FFE];
	_ =	sdelay $0x1  }
0x8a: {  	s1 =	srdreg.scid  }
0x8b: {  	s0 =	sand.u32 $0x1, s1  }
0x8c: {  	s16 =	sshll.u32 s0, $0xA;
	s2 =	sadd.s32 s3, s2  }
0x8d: {  	s2 =	sadd.s32 s2, s16  }
0x8e: {  	[smem:$0x3FBB] =	sst s2  }
0x8f: {  	_ = 	snop  }
0x90: {  	(tm) =	ssettm $0x1  }
0x91: {  	s17 =	sld [smem:$0x3FFB];
	_ =	sdelay $0x3  }
0x92: {  	_ =	strace s17  }
0x93: {  	s2 =	sld [smem:$0x3FFC];
	_ =	sdelay $0x3  }
0x94: {  	_ =	strace s2  }
0x95: {  	s2 =	sld [smem:$0x3FFD];
	_ =	sdelay $0x3  }
0x96: {  	_ =	strace s2  }
0x97: {  	_ =	strace $0x8FFFFFFF  }
0x98: {  	s18 =	sld [smem:$0x3FDB];
	_ =	sdelay $0x1  }
0x99: {  	s19 =	simm.s32 $_scs_section_size  }
0x9a: {  	s4 =	simm.s32 $_size__tile_overlayer_lowered;
	s5 =	simm.s32 $_tile_overlayer_lowered  }
0x9b: {  	s22 =	simm.s32 $0x1BFF;
	s21 =	sshll.u32 s5, $0x1;
	s2 =	sadd.s32 s19, s18  }
0x9c: {  	s6 =	simm.s32 $0x0;
	s20 =	sshll.u32 s4, $0x1;
	s4 =	sadd.s32 s21, s2  }
0x9d: {  	[timem:s6], [sflag:s22] =	dma.local [hbm:s4], s20  }
0x9e: {  	_ =	swait.ge [sflag:s22], s20  }
0x9f: {  	s3 =	ssub.s32 $0x0, s20;
	[sflag:s22] =	ssyncset.done $0x0  }
0xa0: {  	[sflag:s22] =	ssyncadd.s32 s3;
	_ =	sdelay $0x1  }
0xa1: {  	s23 =	simm.s32 $0x1B8B  }
0xa2: {  	_ =	swait.ge [sflag:s23], $0x1  }
0xa3: {  	[sflag:s23] =	ssyncset.done $0x0  }
0xa4: {  	s25 =	simm.s32 $0x1B8E;
	s24 =	sld [smem:$0x3FFE];
	[sflag:s23] =	ssyncadd.s32 $0xFFFFFFFF  }
0xa5: {  	s26 =	simm.s32 $execute0_lowered;
	[smem:$0x3FD2] =	sst s25  }
0xa6: {  	s4 =	sshll.u32 s26, $0x1;
	_ =	strace $0x80000046;
	[dreg:$0x1] =	wrdreg $0xFFFFFFFF  }
0xa7: {  	s28 =	simm.s32 $_size_execute0_lowered;
	s2 =	sadd.s32 s2, s4;
	[dreg:$0x0] =	wrdreg $0x0  }
0xa8: {  	s4 =	sshll.u32 s28, $0x1;
	[dreg:$0x2] =	wrdreg s2  }
0xa9: {  	[dreg:$0x3] =	wrdreg s4  }
0xaa: {  	[dreg:$0x4] =	wrdreg $0xC0  }
0xab: {  	_ =	task [dreg:s6], $0x5FFFF  }
0xac: {  	[dreg:$0x1] =	wrdreg $0xFFFFFFFF  }
0xad: {  	[dreg:$0x0] =	wrdreg $0x60  }
0xae: {  	[dreg:$0x2] =	wrdreg s24  }
0xaf: {  	[dreg:$0x3] =	wrdreg $0x0  }
0xb0: {  	[dreg:$0x4] =	wrdreg $0x9  }
0xb1: {  	_ =	task.clear_ibuf [dreg:s6], $0x5FFFF;
	_ =	strace $0x90000046  }
0xb2: {  	s29 =	simm.s32 $0x9;
	_ =	strace $0x80000048  }
0xb3: {  	_ =	swait.ge [sflag:s29], $0x1  }
0xb4: {  	[sflag:s29] =	ssyncadd.s32 $0xFFFFFFFF  }
0xb5: {  	_ =	strace $0x90000048  }
0xb6: {  	_ =	sfence  }
0xb7: {  	s30 =	sld [smem:$0x0];
	_ =	sdelay $0x2  }
0xb8: {  	s31 =	sshll.u32 s1, $0xD;
	s1 =	sshrl.u32 s1, $0x2  }
0xb9: {  	s3 =	sand.u32 $0x4000, s31;
	s1 =	sadd.s32 s1, s30  }
0xba: {  	s0 =	sor.u32 s3, s0;
	s1 =	sshll.u32 s1, $0x11  }
0xbb: {  	s0 =	sor.u32 s1, s0  }
0xbc: {  	s0 =	sadd.s32 $0x8F2B, s0  }
0xbd: {  	[sflag:s0] =	ssyncadd.remote.s32 $0x1  }
0xbe: {  	_ =	sfence.sel $0xFFFF  }
0xbf: {  	[dreg:$0x0] =	wrdreg $0xFFFFFFFF;
	(pc) =	sbr.abs _section_cstart, $3  }
0xc0: {  	[dreg:$0x1] =	wrdreg $0xFFFFFFFF  }
0xc1: {  	_ =	task.clear_ibuf [dreg:s6], $0x2FFFF;
	_ =	strace $0x9FFFFFFF  }
0xc2: {  	(tm) =	ssettm $0x7FFFFFFF  }
0xc3: {  	_ =	shalt  }
tec
execute0_lowered:
.L_overlay_start_1:
0x0: {  	(tag) =	ssettag $0x1  }
0x1: {  	s0 =	rddreg [dreg:$0x0]  }
0x2: {  	s1 =	rddreg [dreg:$0x1]  }
0x3: {  	s2 =	simm.s32 $0x0;
	s4 =	srdreg.scid;
	s6 =	stileid.u32  }
0x4: {  	s29 =	simm.s32 $0x7;
	s30 =	simm.s32 $0x50;
	s31 =	simm.s32 $0xAFC8  }
0x5: {  	s28 =	simm.s32 $0x4;
	[smem:$0x7FF] =	sst s2;
	s3 =	sadd.s32 $0x2000, s0  }
0x6: {  	s7 =	sand.u32 $0x1, s4;
	s8 =	smul.u32 $0xAF80, s6;
	s9 =	sadd.s32 $0x50200, s0  }
0x7: {  	s4 =	sadd.s32 $0x18000, s0;
	s5 =	sadd.s32 $0x1A800, s0;
	s0 =	sadd.s32 $0x7C200, s0  }
0x8: {  	s22 =	sshll.u32 s6, $0x6;
	s26 =	sadd.s32 $0xAF800, s1;
	p0 =	sne.s32 s6, $0x0  }
0x9: {  	_ =	strace $0x80000047;
	s10 =	smul.u32 $0xAFC80, s7;
	s11 =	sshll.u32 s7, $0x4  }
0xa: {  	s7 =	ssub.s32 $0x2, s7;
	s14 =	sor.u32 $0x1C0D, s22;
	[dreg:$0x7] =	wrdreg s26  }
0xb: {  	s11 =	sor.u32 s6, s11;
	s13 =	sshrl.u32 s7, $0x1;
	s6 =	simm.s32 $0xF348  }
0xc: {  	[dreg:$0x5] =	wrdreg s14;
	s12 =	sadd.s32 s8, s10;
	s11 =	smul.u32 $0x4E20, s11  }
0xd: {  	s7 =	ssub.s32 s7, s13;
	s8 =	sadd.s32 s8, s1;
	s10 =	sshrl.u32 s10, $0x3  }
0xe: {  	s12 =	sshrl.u32 s12, $0x3;
	[dreg:$0x3] =	wrdreg s8;
	s26 =	smax.u32 s7, $0x1  }
0xf: {  	s24 =	sadd.s32 $0x15F00, s10;
	s21 =	sadd.s32 s9, s12;
	[dreg:$0x16] =	wrdreg s26  }
0x10: {  	s10 =	simm.s32 $0x8;
	s9 =	sadd.s32 s9, s24;
	[dreg:$0x4] =	wrdreg s21  }
0x11: {  	s8 =	simm.s32 $0x2;
	s19 =	sadd.s32 $0x3C0, s11;
	[dreg:$0x8] =	wrdreg s9  }
0x12: {  	s7 =	simm.s32 $0xA;
	s20 =	sadd.s32 $0x460, s11;
	[dreg:$0xe] =	wrdreg s19  }
0x13: {  	s23 =	sshrl.u32 s11, $0x3;
	s22 =	sadd.s32 s0, s12;
	[dreg:$0xf] =	wrdreg s20  }
0x14: {  	s0 =	sadd.s32 s0, s24;
	s24 =	sadd.s32 $0x640, s11;
	[dreg:$0x11] =	wrdreg s22  }
0x15: {  	s12 =	simm.s32 $0xFBB8;
	s26 =	simm.s32 $0x1;
	[dreg:$0x12] =	wrdreg s0  }
0x16: {  	s25 =	sadd.s32 s5, s23;
	s21 =	sadd.s32 $0x500, s11;
	[dreg:$0x14] =	wrdreg s24  }
0x17: {  	s23 =	sadd.s32 $0x5A0, s11;
	s19 =	simm.s32 $0xFB18;
	[dreg:$0x6] =	wrdreg s25  }
0x18: {  	s20 =	simm.s32 $0xFC58;
	s9 =	simm.s32 $0x3;
	[dreg:$0x10] =	wrdreg s21  }
0x19: {  	s22 =	simm.s32 $0x6;
	s13 =	sadd.s32 $0x14, s25;
	[dreg:$0x13] =	wrdreg s23  }
0x1a: {  	s24 =	simm.s32 $0x0;
	s15 =	sadd.s32 $0x28, s25;
	[dreg:$0x9] =	wrdreg s13  }
0x1b: {  	s16 =	sadd.s32 $0x3C, s25;
	s17 =	sadd.s32 $0x50, s25;
	[dreg:$0xa] =	wrdreg s15  }
.Ltmp0:
0x1c: {  	s18 =	sadd.s32 $0x64, s25;
	[dreg:$0xb] =	wrdreg s16;
	(pc) =	sbr.rel .LBB2_1-.Ltmp0, $4  }
0x1d: {  	s25 =	sadd.s32 $0x6E0, s11;
	s11 =	simm.s32 $0xC648;
	[dreg:$0xc] =	wrdreg s17  }
0x1e: {  	s21 =	simm.s32 $0xF848;
	s23 =	simm.s32 $0x5;
	[dreg:$0xd] =	wrdreg s18  }
0x1f: {  	[dreg:$0x15] =	wrdreg s25;
	s18 =	simm.s32 $0xD;
	s13 =	simm.s32 $0xF5C8  }
0x20: {  	v0 =	vlaneseq.u32;
	s15 =	simm.s32 $0x9;
	s16 =	simm.s32 $0xDCC8;
	s25 =	simm.s32 $0xFCA8  }
.LBB2_28:
0x21: {  	_ =	swait.ge [sflag:s22], $0x1680  }
0x22: {  	[sflag:s22] =	ssyncset.done $0x0  }
0x23: {  	[sflag:s22] =	ssyncadd.s32 $0xFFFFE980  }
0x24: {  	_ =	swait.ge [sflag:s28], $0x1680  }
0x25: {  	[sflag:s28] =	ssyncset.done $0x0  }
0x26: {  	[sflag:s28] =	ssyncadd.s32 $0xFFFFE980  }
0x27: {  	_ =	swait.ge [sflag:s23], $0x1680  }
0x28: {  	[sflag:s23] =	ssyncset.done $0x0  }
0x29: {  	[sflag:s23] =	ssyncadd.s32 $0xFFFFE980  }
0x2a: {  	[bflag:$0x0] =	sbarrier.arrive $0xFFFF  }
0x2b: {  	s14 =	rddreg [dreg:$0x5]  }
0x2c: {  	s0 =	rddreg [dreg:$0x11]  }
0x2d: {  	s18 =	simm.s32 $0xD;
	s17 =	rddreg [dreg:$0x18]  }
0x2e: {  	[hbm:s0], [sflag:s14] =	dma.local [spmem:s17], $0x15F0  }
0x2f: {  	_ =	swait.ge [sflag:s18], $0x15F0  }
0x30: {  	[sflag:s18] =	ssyncset.done $0x0;
	s0 =	rddreg [dreg:$0x12]  }
0x31: {  	s17 =	rddreg [dreg:$0x19];
	[sflag:s18] =	ssyncadd.s32 $0xFFFFEA10  }
0x32: {  	[hbm:s0], [sflag:s14] =	dma.local @!p0 [spmem:s17], $0x90  }
0x33: {  	s0 =	simm.s32 @!p0 $0xD  }
0x34: {  	_ =	swait.ge @!p0 [sflag:s0], $0x90  }
0x35: {  	s24 =	rddreg [dreg:$0x17]  }
0x36: {  	s17 =	rddreg [dreg:$0x16];
	s24 =	sadd.s32 $0x1, s24  }
0x37: {  	p1 =	sne.s32 s24, s17  }
.Ltmp1:
0x38: {  	_ = 	snop;
	(pc) =	sbr.rel @!p1 .LBB2_29-.Ltmp1, $3  }
0x39: {  	_ =	sdelay $0x1  }
0x3a: {  	[sflag:s0] =	ssyncset.done @!p0 $0x0  }
0x3b: {  	[sflag:s0] =	ssyncadd.s32 @!p0 $0xFFFFFF70  }
.LBB2_1:
0x3c: {  	[dreg:$0x17] =	wrdreg s24  }
0x3d: {  	s0 =	rddreg [dreg:$0x3]  }
0x3e: {  	s24 =	rddreg [dreg:$0x4];
	s17 =	sshrl.u32 s0, $0x3  }
0x3f: {  	[dreg:$0x18] =	wrdreg s17  }
0x40: {  	[spmem:s17], [sflag:s14] =	dma.local [hbm:s24], $0x15F0  }
0x41: {  	_ =	swait.ge [sflag:s18], $0x15F0  }
0x42: {  	s0 =	rddreg [dreg:$0x7]  }
0x43: {  	[sflag:s18] =	ssyncset.done $0x0;
	s17 =	sshrl.u32 @!p0 s0, $0x3;
	s0 =	rddreg [dreg:$0x8]  }
0x44: {  	[sflag:s18] =	ssyncadd.s32 $0xFFFFEA10;
	[dreg:$0x19] =	wrdreg s17  }
0x45: {  	[spmem:s17], [sflag:s14] =	dma.local @!p0 [hbm:s0], $0x90  }
0x46: {  	s17 =	simm.s32 @!p0 $0xD  }
0x47: {  	_ =	swait.ge @!p0 [sflag:s17], $0x90  }
0x48: {  	[sflag:s17] =	ssyncset.done @!p0 $0x0  }
0x49: {  	[sflag:s17] =	ssyncadd.s32 @!p0 $0xFFFFFF70  }
0x4a: {  	[bflag:$0x0] =	sbarrier.arrive $0xFFFF  }
0x4b: {  	s17 =	simm.s32 $0xFAC8;
	s14 =	rddreg [dreg:$0x6]  }
0x4c: {  	[tilespmem:s17], [sflag:$0x7] =	stream.linear.gather [hbm4b:s14+s2], $0xA0, $0x38;
	[tilespmem:$0xFE88] =	vst v63  }
0x4d: {  	_ =	swait.ge [sflag:s29], $0xA0  }
0x4e: {  	[sflag:s29] =	ssyncset.done $0x0  }
0x4f: {  	[sflag:s29] =	ssyncadd.s32 $0xFFFFFF60  }
0x50: {  	[tilespmem:s31], [sflag:$0x1] =	stream.indirect.gather [hbm4b:s3+s30], $0x48, s17, s30, $0xb8;
	[tilespmem:$0xFE88] =	vst v63  }
0x51: {  	_ = 	snop  }
0x52: {  	[tilespmem:s6], [sflag:$0x1] =	stream.indirect.gather [hbm4b:s4+s30], $0x8, s19, s30, $0xb8;
	[tilespmem:$0xFE88] =	vst v63  }
0x53: {  	s24 =	simm.s32 $0xFB68;
	s18 =	rddreg [dreg:$0x9]  }
0x54: {  	[tilespmem:s24], [sflag:$0x8] =	stream.linear.gather [hbm4b:s18+s2], $0xA0, $0x38;
	[tilespmem:$0xFE88] =	vst v63  }
0x55: {  	_ =	swait.ge [sflag:s10], $0xA0  }
0x56: {  	[sflag:s10] =	ssyncset.done $0x0  }
0x57: {  	[sflag:s10] =	ssyncadd.s32 $0xFFFFFF60  }
0x58: {  	[tilespmem:s11], [sflag:$0x2] =	stream.indirect.gather [hbm4b:s3+s30], $0x48, s24, s30, $0xb8;
	[tilespmem:$0xFE88] =	vst v63  }
0x59: {  	_ = 	snop  }
0x5a: {  	[tilespmem:s13], [sflag:$0x2] =	stream.indirect.gather [hbm4b:s4+s30], $0x8, s12, s30, $0xb8;
	[tilespmem:$0xFE88] =	vst v63  }
0x5b: {  	s18 =	simm.s32 $0xFC08;
	s17 =	rddreg [dreg:$0xa]  }
0x5c: {  	[tilespmem:s18], [sflag:$0x9] =	stream.linear.gather [hbm4b:s17+s2], $0xA0, $0x38;
	[tilespmem:$0xFE88] =	vst v63  }
0x5d: {  	_ =	swait.ge [sflag:s15], $0xA0  }
0x5e: {  	[sflag:s15] =	ssyncset.done $0x0  }
0x5f: {  	[sflag:s15] =	ssyncadd.s32 $0xFFFFFF60  }
0x60: {  	[tilespmem:s16], [sflag:$0x3] =	stream.indirect.gather [hbm4b:s3+s30], $0x48, s18, s30, $0xb8;
	[tilespmem:$0xFE88] =	vst v63  }
0x61: {  	_ = 	snop  }
0x62: {  	[tilespmem:s21], [sflag:$0x3] =	stream.indirect.gather [hbm4b:s4+s30], $0x8, s20, s30, $0xb8;
	[tilespmem:$0xFE88] =	vst v63  }
0x63: {  	s24 =	rddreg [dreg:$0xb]  }
0x64: {  	[tilespmem:s25], [sflag:$0xA] =	stream.linear.gather [hbm4b:s24+s2], $0xA0, $0x38;
	[tilespmem:$0xFE88] =	vst v63  }
0x65: {  	s17 =	simm.s32 $0xFD48;
	s14 =	rddreg [dreg:$0xc]  }
0x66: {  	[tilespmem:s17], [sflag:$0xB] =	stream.linear.gather [hbm4b:s14+s2], $0xA0, $0x38;
	[tilespmem:$0xFE88] =	vst v63  }
0x67: {  	s18 =	rddreg [dreg:$0xd];
	s24 =	simm.s32 $0xFDE8  }
0x68: {  	[tilespmem:s24], [sflag:$0xC] =	stream.linear.gather [hbm4b:s18+s2], $0xA0, $0x38;
	[tilespmem:$0xFE88] =	vst v63  }
0x69: {  	s24 =	simm.s32 $0x0  }
.LBB2_2:
0x6a: {  	_ =	swait.ge [sflag:s26], $0x1680  }
0x6b: {  	[sflag:s26] =	ssyncset.done $0x0  }
0x6c: {  	[sflag:s26] =	ssyncadd.s32 $0xFFFFE980  }
0x6d: {  	_ =	swait.ge [sflag:s26], $0x280  }
0x6e: {  	[sflag:s26] =	ssyncset.done $0x0  }
0x6f: {  	s17 =	simm.s32 $0x0;
	[sflag:s26] =	ssyncadd.s32 $0xFFFFFD80  }
.LBB2_3:
0x70: {  	s18 =	sshll.u32 s17, $0x4  }
0x71: {  	v2 =	vor.u32 s18, v0  }
0x72: {  	v1 =	vmul.u32 $0x48, v2  }
0x73: {  	v2 =	vshll.u32 v2, $0x3  }
0x74: {  	v3 =	vadd.s32 $0x41, v1;
	_ =	sdelay $0x3  }
0x75: {  	v2 =	vld.idx.msk [tilespmem:v2+s6+$0x0], $0xffff  }
0x76: {  	v3 =	vld.idx.msk [tilespmem:v3+s31+$0x0], $0xffff;
	_ =	sdelay $0x4  }
0x77: {  	s14 =	simm.s32 $0x0;
	v2 =	vadd.f32 v2, v3  }
0x78: {  	v3 =	vmov s14  }
0x79: {  	v3 =	vshrl.u32 v3, $0x3;
	v4 =	vmul.f32 $2.000000030e-01, v2  }
0x7a: {  	v3 =	vshll.u32 v3, $0x3  }
0x7b: {  	v11 =	vbroadcast v3, $0x0;
	v2 =	vmax.f32 v2, v4  }
0x7c: {  	v2 =	vmul.f32 $1.442695020e+00, v2  }
0x7d: {  	v6 =	vor.u32 $0x1, v1;
	v3 =	vadd.s32 v1, v11  }
0x7e: {  	v7 =	vor.u32 $0x2, v1;
	v8 =	vadd.s32 v6, v11;
	(erf) = vpow2.f32 v2  }
0x7f: {  	v9 =	vor.u32 $0x6, v1;
	v24 =	vadd.s32 v7, v11  }
0x80: {  	s18 =	simm.s32 $0x8;
	v10 =	vor.u32 $0x5, v1;
	v12 =	vadd.s32 v9, v11  }
0x81: {  	v13 =	vor.u32 $0x7, v1;
	v4 =	vadd.s32 v10, v11;
	v2 =	vmov s18  }
0x82: {  	v16 =	vor.u32 $0x3, v1;
	v5 =	vadd.s32 v13, v11;
	v2 =	vshrl.u32 v2, $0x3;
	v31 =	vld.idx.msk [tilespmem:v3+s31+$0x0], $0xffff  }
0x83: {  	v19 =	vor.u32 $0x4, v1;
	v17 =	vadd.s32 v16, v11;
	v2 =	vshll.u32 v2, $0x3;
	v21 =	vld.idx.msk [tilespmem:v8+s31+$0x0], $0xffff  }
0x84: {  	v14 =	vadd.s32 v19, v11;
	v33 =	vld.idx.msk [tilespmem:v24+s31+$0x0], $0xffff;
	v30 =	vbroadcast v2, $0x0  }
0x85: {  	v29 =	vld.idx.msk [tilespmem:v12+s31+$0x0], $0xffff  }
0x86: {  	v25 =	vld.idx.msk [tilespmem:v4+s31+$0x0], $0xffff;
	v18 =	vadd.s32 v1, v30  }
0x87: {  	v26 =	vld.idx.msk [tilespmem:v5+s31+$0x0], $0xffff;
	v23 =	vadd.s32 v6, v30;
	v22 =	vadd.s32 v16, v30;
	v15 =	vadd.s32 v19, v30;
	v2 =	vpop (erf)  }
0x88: {  	v27 =	vld.idx.msk [tilespmem:v17+s31+$0x0], $0xffff;
	v20 =	vadd.s32 v7, v30;
	v11 =	vadd.s32 v13, v30;
	v32 =	vmul.f32 v21, v2  }
0x89: {  	v28 =	vld.idx.msk [tilespmem:v14+s31+$0x0], $0xffff;
	v21 =	vadd.s32 v9, v30;
	v31 =	vmul.f32 v31, v2;
	v33 =	vmul.f32 v33, v2  }
.LBB2_4:
0x8a: {  	s18 =	sadd.s32 $0x8, s18;
	v34 =	vadd.s32 v10, v30;
	[tilespmem:v8+s31+$0x0] =	vst.idx.msk $0xffff, v32;
	v29 =	vmul.f32 v29, v2;
	v8 =	vmov v23  }
0x8b: {  	v36 =	vmovc v22;
	v32 =	vmov v14;
	v30 =	vmov s18;
	p1 =	slt.u32 s18, $0x38;
	v35 =	vld.idx.msk [tilespmem:v18+s31+$0x0], $0xffff;
	[tilespmem:v24+s31+$0x0] =	vst.idx.msk $0xffff, v33;
	v24 =	vmul.f32 v25, v2  }
0x8c: {  	v22 =	vmul.f32 v26, v2;
	v25 =	vshrl.u32 v30, $0x3;
	v33 =	vld.idx.msk [tilespmem:v23+s31+$0x0], $0xffff;
	[tilespmem:v3+s31+$0x0] =	vst.idx.msk $0xffff, v31;
	v3 =	vmov v18  }
0x8d: {  	v14 =	vmov v15;
	v27 =	vmul.f32 v27, v2;
	v18 =	vshll.u32 v25, $0x3;
	v37 =	vld.idx.msk [tilespmem:v20+s31+$0x0], $0xffff;
	[tilespmem:v12+s31+$0x0] =	vst.idx.msk $0xffff, v29  }
0x8e: {  	v28 =	vmul.f32 v28, v2;
	v30 =	vbroadcast v18, $0x0;
	v29 =	vld.idx.msk [tilespmem:v21+s31+$0x0], $0xffff;
	[tilespmem:v4+s31+$0x0] =	vst.idx.msk $0xffff, v24;
	v4 =	vmov v34  }
.Ltmp2:
0x8f: {  	v12 =	vmov v21;
	v25 =	vld.idx.msk [tilespmem:v34+s31+$0x0], $0xffff;
	[tilespmem:v5+s31+$0x0] =	vst.idx.msk $0xffff, v22;
	v24 =	vmov v20;
	v5 =	vmov v11;
	(pc) =	sbr.rel @p1 .LBB2_4-.Ltmp2, $4  }
0x90: {  	v18 =	vadd.s32 v1, v30;
	v23 =	vadd.s32 v6, v30;
	v26 =	vld.idx.msk [tilespmem:v11+s31+$0x0], $0xffff;
	[tilespmem:v17+s31+$0x0] =	vst.idx.msk $0xffff, v27  }
0x91: {  	v22 =	vadd.s32 v16, v30;
	v15 =	vadd.s32 v19, v30;
	v27 =	vld.idx.msk [tilespmem:v36+s31+$0x0], $0xffff;
	[tilespmem:v32+s31+$0x0] =	vst.idx.msk $0xffff, v28  }
0x92: {  	v20 =	vadd.s32 v7, v30;
	v11 =	vadd.s32 v13, v30;
	v32 =	vmul.f32 v33, v2;
	v28 =	vld.idx.msk [tilespmem:v14+s31+$0x0], $0xffff  }
0x93: {  	v21 =	vadd.s32 v9, v30;
	v31 =	vmul.f32 v35, v2;
	v17 =	vmovc v36;
	v33 =	vmul.f32 v37, v2  }
0x94: {  	_ =	sdelay $0x3  }
0x95: {  	[tilespmem:v8+s31+$0x0] =	vst.idx.msk $0xffff, v32  }
0x96: {  	v6 =	vadd.s32 v10, v30;
	v7 =	vmul.f32 v29, v2;
	v52 =	vld.idx.msk [tilespmem:v23+s31+$0x0], $0xffff;
	[tilespmem:v24+s31+$0x0] =	vst.idx.msk $0xffff, v33  }
0x97: {  	v9 =	vmul.f32 v25, v2;
	v53 =	vld.idx.msk [tilespmem:v18+s31+$0x0], $0xffff;
	[tilespmem:v3+s31+$0x0] =	vst.idx.msk $0xffff, v31  }
0x98: {  	v55 =	vld.idx.msk [tilespmem:v21+s31+$0x0], $0xffff;
	v13 =	vmul.f32 v26, v2;
	[tilespmem:v12+s31+$0x0] =	vst.idx.msk $0xffff, v7  }
0x99: {  	v3 =	vld.idx.msk [tilespmem:v20+s31+$0x0], $0xffff;
	v54 =	vmul.f32 v27, v2;
	[tilespmem:v4+s31+$0x0] =	vst.idx.msk $0xffff, v9  }
0x9a: {  	v58 =	vld.idx.msk [tilespmem:v11+s31+$0x0], $0xffff;
	v56 =	vmul.f32 v28, v2;
	[tilespmem:v5+s31+$0x0] =	vst.idx.msk $0xffff, v13  }
0x9b: {  	[tilespmem:v17+s31+$0x0] =	vst.idx.msk $0xffff, v54;
	v57 =	vld.idx.msk [tilespmem:v6+s31+$0x0], $0xffff;
	v59 =	vmul.f32 v52, v2  }
0x9c: {  	v60 =	vld.idx.msk [tilespmem:v22+s31+$0x0], $0xffff;
	[tilespmem:v14+s31+$0x0] =	vst.idx.msk $0xffff, v56;
	v10 =	vmul.f32 v53, v2  }
0x9d: {  	v61 =	vld.idx.msk [tilespmem:v15+s31+$0x0], $0xffff;
	v62 =	vmul.f32 v55, v2;
	[tilespmem:v23+s31+$0x0] =	vst.idx.msk $0xffff, v59  }
0x9e: {  	v3 =	vmul.f32 v3, v2;
	[tilespmem:v18+s31+$0x0] =	vst.idx.msk $0xffff, v10  }
0x9f: {  	v5 =	vmul.f32 v58, v2;
	[tilespmem:v21+s31+$0x0] =	vst.idx.msk $0xffff, v62  }
0xa0: {  	v1 =	vadd.s32 $0x40, v1;
	[tilespmem:v20+s31+$0x0] =	vst.idx.msk $0xffff, v3;
	v3 =	vmul.f32 v57, v2  }
0xa1: {  	v63 =	vmul.f32 v60, v2;
	[tilespmem:v11+s31+$0x0] =	vst.idx.msk $0xffff, v5  }
0xa2: {  	[tilespmem:v6+s31+$0x0] =	vst.idx.msk $0xffff, v3;
	v3 =	vmul.f32 v61, v2  }
0xa3: {  	[tilespmem:v22+s31+$0x0] =	vst.idx.msk $0xffff, v63  }
0xa4: {  	[tilespmem:v15+s31+$0x0] =	vst.idx.msk $0xffff, v3  }
0xa5: {  	v3 =	vld.idx.msk [tilespmem:v1+s31+$0x0], $0xffff  }
0xa6: {  	s17 =	sadd.s32 $0x1, s17  }
0xa7: {  	p1 =	sne.s32 s17, $0x5  }
.Ltmp3:
0xa8: {  	_ = 	snop;
	(pc) =	sbr.rel @p1 .LBB2_3-.Ltmp3, $3  }
0xa9: {  	_ = 	snop  }
0xaa: {  	v2 =	vmul.f32 v3, v2;
	_ =	sdelay $0x1  }
0xab: {  	[tilespmem:v1+s31+$0x0] =	vst.idx.msk $0xffff, v2  }
0xac: {  	[spmem:s1] =	stream.indirect.scatter.add.f32 [tilespmem:s31], [sflag:$0x4], $0x48, s19, s30, $0xb8;
	[tilespmem:$0xFE88] =	vst v63  }
0xad: {  	_ =	swait.ge [sflag:s8], $0x1680  }
0xae: {  	[sflag:s8] =	ssyncset.done $0x0  }
0xaf: {  	[sflag:s8] =	ssyncadd.s32 $0xFFFFE980  }
0xb0: {  	_ =	swait.ge [sflag:s8], $0x280  }
0xb1: {  	[sflag:s8] =	ssyncset.done $0x0  }
0xb2: {  	s17 =	simm.s32 $0x0;
	[sflag:s8] =	ssyncadd.s32 $0xFFFFFD80  }
.LBB2_7:
0xb3: {  	s18 =	sshll.u32 s17, $0x4  }
0xb4: {  	v2 =	vor.u32 s18, v0  }
0xb5: {  	v1 =	vmul.u32 $0x48, v2  }
0xb6: {  	v2 =	vshll.u32 v2, $0x3  }
0xb7: {  	v3 =	vadd.s32 $0x41, v1;
	_ =	sdelay $0x3  }
0xb8: {  	v2 =	vld.idx.msk [tilespmem:v2+s13+$0x0], $0xffff  }
0xb9: {  	v3 =	vld.idx.msk [tilespmem:v3+s11+$0x0], $0xffff;
	_ =	sdelay $0x4  }
0xba: {  	s19 =	simm.s32 $0x0;
	v2 =	vadd.f32 v2, v3  }
0xbb: {  	v3 =	vmov s19  }
0xbc: {  	v3 =	vshrl.u32 v3, $0x3;
	v4 =	vmul.f32 $2.000000030e-01, v2  }
0xbd: {  	v3 =	vshll.u32 v3, $0x3  }
0xbe: {  	v11 =	vbroadcast v3, $0x0;
	v2 =	vmax.f32 v2, v4  }
0xbf: {  	v2 =	vmul.f32 $1.442695020e+00, v2  }
0xc0: {  	v6 =	vor.u32 $0x1, v1;
	v3 =	vadd.s32 v1, v11  }
0xc1: {  	v7 =	vor.u32 $0x2, v1;
	v8 =	vadd.s32 v6, v11;
	(erf) = vpow2.f32 v2  }
0xc2: {  	v9 =	vor.u32 $0x6, v1;
	v24 =	vadd.s32 v7, v11  }
0xc3: {  	s18 =	simm.s32 $0x8;
	v10 =	vor.u32 $0x5, v1;
	v12 =	vadd.s32 v9, v11  }
0xc4: {  	v13 =	vor.u32 $0x7, v1;
	v4 =	vadd.s32 v10, v11;
	v2 =	vmov s18  }
0xc5: {  	v16 =	vor.u32 $0x3, v1;
	v5 =	vadd.s32 v13, v11;
	v2 =	vshrl.u32 v2, $0x3;
	v31 =	vld.idx.msk [tilespmem:v3+s11+$0x0], $0xffff  }
0xc6: {  	v19 =	vor.u32 $0x4, v1;
	v17 =	vadd.s32 v16, v11;
	v2 =	vshll.u32 v2, $0x3;
	v21 =	vld.idx.msk [tilespmem:v8+s11+$0x0], $0xffff  }
0xc7: {  	v14 =	vadd.s32 v19, v11;
	v33 =	vld.idx.msk [tilespmem:v24+s11+$0x0], $0xffff;
	v30 =	vbroadcast v2, $0x0  }
0xc8: {  	v29 =	vld.idx.msk [tilespmem:v12+s11+$0x0], $0xffff  }
0xc9: {  	v25 =	vld.idx.msk [tilespmem:v4+s11+$0x0], $0xffff;
	v18 =	vadd.s32 v1, v30  }
0xca: {  	v26 =	vld.idx.msk [tilespmem:v5+s11+$0x0], $0xffff;
	v23 =	vadd.s32 v6, v30;
	v22 =	vadd.s32 v16, v30;
	v15 =	vadd.s32 v19, v30;
	v2 =	vpop (erf)  }
0xcb: {  	v27 =	vld.idx.msk [tilespmem:v17+s11+$0x0], $0xffff;
	v20 =	vadd.s32 v7, v30;
	v11 =	vadd.s32 v13, v30;
	v32 =	vmul.f32 v21, v2  }
0xcc: {  	v28 =	vld.idx.msk [tilespmem:v14+s11+$0x0], $0xffff;
	v21 =	vadd.s32 v9, v30;
	v31 =	vmul.f32 v31, v2;
	v33 =	vmul.f32 v33, v2  }
.LBB2_8:
0xcd: {  	s18 =	sadd.s32 $0x8, s18;
	v34 =	vadd.s32 v10, v30;
	[tilespmem:v8+s11+$0x0] =	vst.idx.msk $0xffff, v32;
	v29 =	vmul.f32 v29, v2;
	v8 =	vmov v23  }
0xce: {  	v36 =	vmovc v22;
	v32 =	vmov v14;
	v30 =	vmov s18;
	p1 =	slt.u32 s18, $0x38;
	v35 =	vld.idx.msk [tilespmem:v18+s11+$0x0], $0xffff;
	[tilespmem:v24+s11+$0x0] =	vst.idx.msk $0xffff, v33;
	v24 =	vmul.f32 v25, v2  }
0xcf: {  	v22 =	vmul.f32 v26, v2;
	v25 =	vshrl.u32 v30, $0x3;
	v33 =	vld.idx.msk [tilespmem:v23+s11+$0x0], $0xffff;
	[tilespmem:v3+s11+$0x0] =	vst.idx.msk $0xffff, v31;
	v3 =	vmov v18  }
0xd0: {  	v14 =	vmov v15;
	v27 =	vmul.f32 v27, v2;
	v18 =	vshll.u32 v25, $0x3;
	v37 =	vld.idx.msk [tilespmem:v20+s11+$0x0], $0xffff;
	[tilespmem:v12+s11+$0x0] =	vst.idx.msk $0xffff, v29  }
0xd1: {  	v28 =	vmul.f32 v28, v2;
	v30 =	vbroadcast v18, $0x0;
	v29 =	vld.idx.msk [tilespmem:v21+s11+$0x0], $0xffff;
	[tilespmem:v4+s11+$0x0] =	vst.idx.msk $0xffff, v24;
	v4 =	vmov v34  }
.Ltmp4:
0xd2: {  	v12 =	vmov v21;
	v25 =	vld.idx.msk [tilespmem:v34+s11+$0x0], $0xffff;
	[tilespmem:v5+s11+$0x0] =	vst.idx.msk $0xffff, v22;
	v24 =	vmov v20;
	v5 =	vmov v11;
	(pc) =	sbr.rel @p1 .LBB2_8-.Ltmp4, $4  }
0xd3: {  	v18 =	vadd.s32 v1, v30;
	v23 =	vadd.s32 v6, v30;
	v26 =	vld.idx.msk [tilespmem:v11+s11+$0x0], $0xffff;
	[tilespmem:v17+s11+$0x0] =	vst.idx.msk $0xffff, v27  }
0xd4: {  	v22 =	vadd.s32 v16, v30;
	v15 =	vadd.s32 v19, v30;
	v27 =	vld.idx.msk [tilespmem:v36+s11+$0x0], $0xffff;
	[tilespmem:v32+s11+$0x0] =	vst.idx.msk $0xffff, v28  }
0xd5: {  	v20 =	vadd.s32 v7, v30;
	v11 =	vadd.s32 v13, v30;
	v32 =	vmul.f32 v33, v2;
	v28 =	vld.idx.msk [tilespmem:v14+s11+$0x0], $0xffff  }
0xd6: {  	v21 =	vadd.s32 v9, v30;
	v31 =	vmul.f32 v35, v2;
	v17 =	vmovc v36;
	v33 =	vmul.f32 v37, v2  }
0xd7: {  	_ =	sdelay $0x3  }
0xd8: {  	[tilespmem:v8+s11+$0x0] =	vst.idx.msk $0xffff, v32  }
0xd9: {  	v6 =	vadd.s32 v10, v30;
	v7 =	vmul.f32 v29, v2;
	v52 =	vld.idx.msk [tilespmem:v23+s11+$0x0], $0xffff;
	[tilespmem:v24+s11+$0x0] =	vst.idx.msk $0xffff, v33  }
0xda: {  	v9 =	vmul.f32 v25, v2;
	v53 =	vld.idx.msk [tilespmem:v18+s11+$0x0], $0xffff;
	[tilespmem:v3+s11+$0x0] =	vst.idx.msk $0xffff, v31  }
0xdb: {  	v55 =	vld.idx.msk [tilespmem:v21+s11+$0x0], $0xffff;
	v13 =	vmul.f32 v26, v2;
	[tilespmem:v12+s11+$0x0] =	vst.idx.msk $0xffff, v7  }
0xdc: {  	v3 =	vld.idx.msk [tilespmem:v20+s11+$0x0], $0xffff;
	v54 =	vmul.f32 v27, v2;
	[tilespmem:v4+s11+$0x0] =	vst.idx.msk $0xffff, v9  }
0xdd: {  	v58 =	vld.idx.msk [tilespmem:v11+s11+$0x0], $0xffff;
	v56 =	vmul.f32 v28, v2;
	[tilespmem:v5+s11+$0x0] =	vst.idx.msk $0xffff, v13  }
0xde: {  	[tilespmem:v17+s11+$0x0] =	vst.idx.msk $0xffff, v54;
	v57 =	vld.idx.msk [tilespmem:v6+s11+$0x0], $0xffff;
	v59 =	vmul.f32 v52, v2  }
0xdf: {  	v60 =	vld.idx.msk [tilespmem:v22+s11+$0x0], $0xffff;
	[tilespmem:v14+s11+$0x0] =	vst.idx.msk $0xffff, v56;
	v10 =	vmul.f32 v53, v2  }
0xe0: {  	v61 =	vld.idx.msk [tilespmem:v15+s11+$0x0], $0xffff;
	v62 =	vmul.f32 v55, v2;
	[tilespmem:v23+s11+$0x0] =	vst.idx.msk $0xffff, v59  }
0xe1: {  	v3 =	vmul.f32 v3, v2;
	[tilespmem:v18+s11+$0x0] =	vst.idx.msk $0xffff, v10  }
0xe2: {  	v5 =	vmul.f32 v58, v2;
	[tilespmem:v21+s11+$0x0] =	vst.idx.msk $0xffff, v62  }
0xe3: {  	v1 =	vadd.s32 $0x40, v1;
	[tilespmem:v20+s11+$0x0] =	vst.idx.msk $0xffff, v3;
	v3 =	vmul.f32 v57, v2  }
0xe4: {  	v63 =	vmul.f32 v60, v2;
	[tilespmem:v11+s11+$0x0] =	vst.idx.msk $0xffff, v5  }
0xe5: {  	[tilespmem:v6+s11+$0x0] =	vst.idx.msk $0xffff, v3;
	v3 =	vmul.f32 v61, v2  }
0xe6: {  	[tilespmem:v22+s11+$0x0] =	vst.idx.msk $0xffff, v63  }
0xe7: {  	[tilespmem:v15+s11+$0x0] =	vst.idx.msk $0xffff, v3  }
0xe8: {  	v3 =	vld.idx.msk [tilespmem:v1+s11+$0x0], $0xffff  }
0xe9: {  	s17 =	sadd.s32 $0x1, s17  }
0xea: {  	p1 =	sne.s32 s17, $0x5  }
.Ltmp5:
0xeb: {  	_ = 	snop;
	(pc) =	sbr.rel @p1 .LBB2_7-.Ltmp5, $3  }
0xec: {  	_ = 	snop  }
0xed: {  	v2 =	vmul.f32 v3, v2;
	_ =	sdelay $0x1  }
0xee: {  	[tilespmem:v1+s11+$0x0] =	vst.idx.msk $0xffff, v2  }
0xef: {  	[spmem:s1] =	stream.indirect.scatter.add.f32 [tilespmem:s11], [sflag:$0x5], $0x48, s12, s30, $0xb8;
	[tilespmem:$0xFE88] =	vst v63  }
0xf0: {  	_ =	swait.ge [sflag:s9], $0x1680  }
0xf1: {  	[sflag:s9] =	ssyncset.done $0x0  }
0xf2: {  	[sflag:s9] =	ssyncadd.s32 $0xFFFFE980  }
0xf3: {  	_ =	swait.ge [sflag:s9], $0x280  }
0xf4: {  	[sflag:s9] =	ssyncset.done $0x0  }
0xf5: {  	s17 =	simm.s32 $0x0;
	[sflag:s9] =	ssyncadd.s32 $0xFFFFFD80  }
.LBB2_11:
0xf6: {  	s18 =	sshll.u32 s17, $0x4  }
0xf7: {  	v2 =	vor.u32 s18, v0  }
0xf8: {  	v1 =	vmul.u32 $0x48, v2  }
0xf9: {  	v2 =	vshll.u32 v2, $0x3  }
0xfa: {  	v3 =	vadd.s32 $0x41, v1;
	_ =	sdelay $0x3  }
0xfb: {  	v2 =	vld.idx.msk [tilespmem:v2+s21+$0x0], $0xffff  }
0xfc: {  	v3 =	vld.idx.msk [tilespmem:v3+s16+$0x0], $0xffff;
	_ =	sdelay $0x4  }
0xfd: {  	s19 =	simm.s32 $0x0;
	v2 =	vadd.f32 v2, v3  }
0xfe: {  	v3 =	vmov s19  }
0xff: {  	v3 =	vshrl.u32 v3, $0x3;
	v4 =	vmul.f32 $2.000000030e-01, v2  }
0x100: {  	v3 =	vshll.u32 v3, $0x3  }
0x101: {  	v11 =	vbroadcast v3, $0x0;
	v2 =	vmax.f32 v2, v4  }
0x102: {  	v2 =	vmul.f32 $1.442695020e+00, v2  }
0x103: {  	v6 =	vor.u32 $0x1, v1;
	v3 =	vadd.s32 v1, v11  }
0x104: {  	v7 =	vor.u32 $0x2, v1;
	v8 =	vadd.s32 v6, v11;
	(erf) = vpow2.f32 v2  }
0x105: {  	v9 =	vor.u32 $0x6, v1;
	v24 =	vadd.s32 v7, v11  }
0x106: {  	s18 =	simm.s32 $0x8;
	v10 =	vor.u32 $0x5, v1;
	v12 =	vadd.s32 v9, v11  }
0x107: {  	v13 =	vor.u32 $0x7, v1;
	v4 =	vadd.s32 v10, v11;
	v2 =	vmov s18  }
0x108: {  	v16 =	vor.u32 $0x3, v1;
	v5 =	vadd.s32 v13, v11;
	v2 =	vshrl.u32 v2, $0x3;
	v31 =	vld.idx.msk [tilespmem:v3+s16+$0x0], $0xffff  }
0x109: {  	v19 =	vor.u32 $0x4, v1;
	v17 =	vadd.s32 v16, v11;
	v2 =	vshll.u32 v2, $0x3;
	v21 =	vld.idx.msk [tilespmem:v8+s16+$0x0], $0xffff  }
0x10a: {  	v14 =	vadd.s32 v19, v11;
	v33 =	vld.idx.msk [tilespmem:v24+s16+$0x0], $0xffff;
	v30 =	vbroadcast v2, $0x0  }
0x10b: {  	v29 =	vld.idx.msk [tilespmem:v12+s16+$0x0], $0xffff  }
0x10c: {  	v25 =	vld.idx.msk [tilespmem:v4+s16+$0x0], $0xffff;
	v18 =	vadd.s32 v1, v30  }
0x10d: {  	v26 =	vld.idx.msk [tilespmem:v5+s16+$0x0], $0xffff;
	v23 =	vadd.s32 v6, v30;
	v22 =	vadd.s32 v16, v30;
	v15 =	vadd.s32 v19, v30;
	v2 =	vpop (erf)  }
0x10e: {  	v27 =	vld.idx.msk [tilespmem:v17+s16+$0x0], $0xffff;
	v20 =	vadd.s32 v7, v30;
	v11 =	vadd.s32 v13, v30;
	v32 =	vmul.f32 v21, v2  }
0x10f: {  	v28 =	vld.idx.msk [tilespmem:v14+s16+$0x0], $0xffff;
	v21 =	vadd.s32 v9, v30;
	v31 =	vmul.f32 v31, v2;
	v33 =	vmul.f32 v33, v2  }
.LBB2_12:
0x110: {  	s18 =	sadd.s32 $0x8, s18;
	v34 =	vadd.s32 v10, v30;
	[tilespmem:v8+s16+$0x0] =	vst.idx.msk $0xffff, v32;
	v29 =	vmul.f32 v29, v2;
	v8 =	vmov v23  }
0x111: {  	v36 =	vmovc v22;
	v32 =	vmov v14;
	v30 =	vmov s18;
	p1 =	slt.u32 s18, $0x38;
	v35 =	vld.idx.msk [tilespmem:v18+s16+$0x0], $0xffff;
	[tilespmem:v24+s16+$0x0] =	vst.idx.msk $0xffff, v33;
	v24 =	vmul.f32 v25, v2  }
0x112: {  	v22 =	vmul.f32 v26, v2;
	v25 =	vshrl.u32 v30, $0x3;
	v33 =	vld.idx.msk [tilespmem:v23+s16+$0x0], $0xffff;
	[tilespmem:v3+s16+$0x0] =	vst.idx.msk $0xffff, v31;
	v3 =	vmov v18  }
0x113: {  	v14 =	vmov v15;
	v27 =	vmul.f32 v27, v2;
	v18 =	vshll.u32 v25, $0x3;
	v37 =	vld.idx.msk [tilespmem:v20+s16+$0x0], $0xffff;
	[tilespmem:v12+s16+$0x0] =	vst.idx.msk $0xffff, v29  }
0x114: {  	v28 =	vmul.f32 v28, v2;
	v30 =	vbroadcast v18, $0x0;
	v29 =	vld.idx.msk [tilespmem:v21+s16+$0x0], $0xffff;
	[tilespmem:v4+s16+$0x0] =	vst.idx.msk $0xffff, v24;
	v4 =	vmov v34  }
.Ltmp6:
0x115: {  	v12 =	vmov v21;
	v25 =	vld.idx.msk [tilespmem:v34+s16+$0x0], $0xffff;
	[tilespmem:v5+s16+$0x0] =	vst.idx.msk $0xffff, v22;
	v24 =	vmov v20;
	v5 =	vmov v11;
	(pc) =	sbr.rel @p1 .LBB2_12-.Ltmp6, $4  }
0x116: {  	v18 =	vadd.s32 v1, v30;
	v23 =	vadd.s32 v6, v30;
	v26 =	vld.idx.msk [tilespmem:v11+s16+$0x0], $0xffff;
	[tilespmem:v17+s16+$0x0] =	vst.idx.msk $0xffff, v27  }
0x117: {  	v22 =	vadd.s32 v16, v30;
	v15 =	vadd.s32 v19, v30;
	v27 =	vld.idx.msk [tilespmem:v36+s16+$0x0], $0xffff;
	[tilespmem:v32+s16+$0x0] =	vst.idx.msk $0xffff, v28  }
0x118: {  	v20 =	vadd.s32 v7, v30;
	v11 =	vadd.s32 v13, v30;
	v32 =	vmul.f32 v33, v2;
	v28 =	vld.idx.msk [tilespmem:v14+s16+$0x0], $0xffff  }
0x119: {  	v21 =	vadd.s32 v9, v30;
	v31 =	vmul.f32 v35, v2;
	v17 =	vmovc v36;
	v33 =	vmul.f32 v37, v2  }
0x11a: {  	_ =	sdelay $0x3  }
0x11b: {  	[tilespmem:v8+s16+$0x0] =	vst.idx.msk $0xffff, v32  }
0x11c: {  	v6 =	vadd.s32 v10, v30;
	v7 =	vmul.f32 v29, v2;
	v52 =	vld.idx.msk [tilespmem:v23+s16+$0x0], $0xffff;
	[tilespmem:v24+s16+$0x0] =	vst.idx.msk $0xffff, v33  }
0x11d: {  	v9 =	vmul.f32 v25, v2;
	v53 =	vld.idx.msk [tilespmem:v18+s16+$0x0], $0xffff;
	[tilespmem:v3+s16+$0x0] =	vst.idx.msk $0xffff, v31  }
0x11e: {  	v55 =	vld.idx.msk [tilespmem:v21+s16+$0x0], $0xffff;
	v13 =	vmul.f32 v26, v2;
	[tilespmem:v12+s16+$0x0] =	vst.idx.msk $0xffff, v7  }
0x11f: {  	v3 =	vld.idx.msk [tilespmem:v20+s16+$0x0], $0xffff;
	v54 =	vmul.f32 v27, v2;
	[tilespmem:v4+s16+$0x0] =	vst.idx.msk $0xffff, v9  }
0x120: {  	v58 =	vld.idx.msk [tilespmem:v11+s16+$0x0], $0xffff;
	v56 =	vmul.f32 v28, v2;
	[tilespmem:v5+s16+$0x0] =	vst.idx.msk $0xffff, v13  }
0x121: {  	[tilespmem:v17+s16+$0x0] =	vst.idx.msk $0xffff, v54;
	v57 =	vld.idx.msk [tilespmem:v6+s16+$0x0], $0xffff;
	v59 =	vmul.f32 v52, v2  }
0x122: {  	v60 =	vld.idx.msk [tilespmem:v22+s16+$0x0], $0xffff;
	[tilespmem:v14+s16+$0x0] =	vst.idx.msk $0xffff, v56;
	v10 =	vmul.f32 v53, v2  }
0x123: {  	v61 =	vld.idx.msk [tilespmem:v15+s16+$0x0], $0xffff;
	v62 =	vmul.f32 v55, v2;
	[tilespmem:v23+s16+$0x0] =	vst.idx.msk $0xffff, v59  }
0x124: {  	v3 =	vmul.f32 v3, v2;
	[tilespmem:v18+s16+$0x0] =	vst.idx.msk $0xffff, v10  }
0x125: {  	v5 =	vmul.f32 v58, v2;
	[tilespmem:v21+s16+$0x0] =	vst.idx.msk $0xffff, v62  }
0x126: {  	v1 =	vadd.s32 $0x40, v1;
	[tilespmem:v20+s16+$0x0] =	vst.idx.msk $0xffff, v3;
	v3 =	vmul.f32 v57, v2  }
0x127: {  	v63 =	vmul.f32 v60, v2;
	[tilespmem:v11+s16+$0x0] =	vst.idx.msk $0xffff, v5  }
0x128: {  	[tilespmem:v6+s16+$0x0] =	vst.idx.msk $0xffff, v3;
	v3 =	vmul.f32 v61, v2  }
0x129: {  	[tilespmem:v22+s16+$0x0] =	vst.idx.msk $0xffff, v63  }
0x12a: {  	[tilespmem:v15+s16+$0x0] =	vst.idx.msk $0xffff, v3  }
0x12b: {  	v3 =	vld.idx.msk [tilespmem:v1+s16+$0x0], $0xffff  }
0x12c: {  	s17 =	sadd.s32 $0x1, s17  }
0x12d: {  	p1 =	sne.s32 s17, $0x5  }
.Ltmp7:
0x12e: {  	_ = 	snop;
	(pc) =	sbr.rel @p1 .LBB2_11-.Ltmp7, $3  }
0x12f: {  	_ = 	snop  }
0x130: {  	v2 =	vmul.f32 v3, v2;
	_ =	sdelay $0x1  }
0x131: {  	[tilespmem:v1+s16+$0x0] =	vst.idx.msk $0xffff, v2  }
0x132: {  	[spmem:s1] =	stream.indirect.scatter.add.f32 [tilespmem:s16], [sflag:$0x6], $0x48, s20, s30, $0xb8;
	[tilespmem:$0xFE88] =	vst v63  }
0x133: {  	_ =	swait.ge [sflag:s28], $0x1680  }
0x134: {  	[sflag:s28] =	ssyncset.done $0x0  }
0x135: {  	[sflag:s28] =	ssyncadd.s32 $0xFFFFE980  }
0x136: {  	_ =	swait.ge [sflag:s7], $0xA0  }
0x137: {  	[sflag:s7] =	ssyncset.done $0x0  }
0x138: {  	p1 =	seq.s32 s24, $0x14;
	[sflag:s7] =	ssyncadd.s32 $0xFFFFFF60  }
0x139: {  	[tilespmem:s31], [sflag:$0x1] =	stream.indirect.gather [hbm4b:s3+s30], $0x48, s25, s30, $0xb8;
	[tilespmem:$0xFE88] =	vst v63  }
0x13a: {  	s0 =	simm.s32 $0xFCF8;
	s17 =	simm.s32 @p1 $0x5  }
0x13b: {  	[tilespmem:s6], [sflag:$0x1] =	stream.indirect.gather [hbm4b:s4+s30], $0x8, s0, s30, $0xb8;
	[tilespmem:$0xFE88] =	vst v63  }
0x13c: {  	_ =	swait.ge @p1 [sflag:s17], $0x1680  }
0x13d: {  	[sflag:s17] =	ssyncset.done @p1 $0x0  }
0x13e: {  	[sflag:s17] =	ssyncadd.s32 @p1 $0xFFFFE980;
	s17 =	simm.s32 @p1 $0xB  }
0x13f: {  	_ =	swait.ge @p1 [sflag:s17], $0xA0  }
0x140: {  	s18 =	simm.s32 @p1 $0xFD48;
	s19 =	simm.s32 @p1 $0xC648;
	[sflag:s17] =	ssyncset.done @p1 $0x0  }
0x141: {  	s0 =	smul.u32 @!p1 $0x3C0, s24;
	[sflag:s17] =	ssyncadd.s32 @p1 $0xFFFFFF60;
	s17 =	simm.s32 @p1 $0x50  }
0x142: {  	[tilespmem:s19], [sflag:$0x2] =	stream.indirect.gather @p1 [hbm4b:s3+s17], $0x48, s18, s17, $0xb8;
	[tilespmem:$0xFE88] =	vst v63  }
0x143: {  	s14 =	rddreg [dreg:$0xe];
	s18 =	simm.s32 @p1 $0xFD98;
	s19 =	simm.s32 @p1 $0xF5C8  }
0x144: {  	[tilespmem:s19], [sflag:$0x2] =	stream.indirect.gather @p1 [hbm4b:s4+s17], $0x8, s18, s17, $0xb8;
	[tilespmem:$0xFE88] =	vst v63  }
0x145: {  	s17 =	sadd.s32 @!p1 s0, s14  }
0x146: {  	s17 =	sshrl.u32 @!p1 s17, $0x3  }
0x147: {  	s18 =	simm.s32 @!p1 $0x0;
	s19 =	simm.s32 @!p1 $0xFAC8;
	s17 =	sadd.s32 @!p1 s5, s17  }
0x148: {  	[tilespmem:s19], [sflag:$0x7] =	stream.linear.gather @!p1 [hbm4b:s17+s18], $0xA0, $0x38;
	[tilespmem:$0xFE88] =	vst v63  }
0x149: {  	s17 =	simm.s32 @!p1 $0x5  }
0x14a: {  	_ =	swait.ge @!p1 [sflag:s17], $0x1680  }
0x14b: {  	[sflag:s17] =	ssyncset.done @!p1 $0x0  }
0x14c: {  	[sflag:s17] =	ssyncadd.s32 @!p1 $0xFFFFE980;
	s17 =	simm.s32 @!p1 $0xB  }
0x14d: {  	_ =	swait.ge @!p1 [sflag:s17], $0xA0  }
0x14e: {  	s14 =	simm.s32 @!p1 $0xC648;
	[sflag:s17] =	ssyncset.done @!p1 $0x0  }
0x14f: {  	s19 =	simm.s32 @!p1 $0xFD48;
	[sflag:s17] =	ssyncadd.s32 @!p1 $0xFFFFFF60;
	s17 =	simm.s32 @!p1 $0x50  }
0x150: {  	[tilespmem:s14], [sflag:$0x2] =	stream.indirect.gather @!p1 [hbm4b:s3+s17], $0x48, s19, s17, $0xb8;
	[tilespmem:$0xFE88] =	vst v63  }
0x151: {  	s14 =	simm.s32 @!p1 $0xFD98;
	s19 =	simm.s32 @!p1 $0xF5C8  }
0x152: {  	[tilespmem:s19], [sflag:$0x2] =	stream.indirect.gather @!p1 [hbm4b:s4+s17], $0x8, s14, s17, $0xb8;
	[tilespmem:$0xFE88] =	vst v63  }
0x153: {  	s14 =	rddreg [dreg:$0xf]  }
0x154: {  	s14 =	sadd.s32 @!p1 s0, s14  }
0x155: {  	s14 =	sshrl.u32 @!p1 s14, $0x3  }
0x156: {  	s19 =	simm.s32 @!p1 $0xFB68;
	s14 =	sadd.s32 @!p1 s5, s14  }
0x157: {  	[tilespmem:s19], [sflag:$0x8] =	stream.linear.gather @!p1 [hbm4b:s14+s18], $0xA0, $0x38;
	[tilespmem:$0xFE88] =	vst v63  }
0x158: {  	s14 =	simm.s32 @!p1 $0x6  }
0x159: {  	_ =	swait.ge @!p1 [sflag:s14], $0x1680  }
0x15a: {  	[sflag:s14] =	ssyncset.done @!p1 $0x0  }
0x15b: {  	[sflag:s14] =	ssyncadd.s32 @!p1 $0xFFFFE980;
	s14 =	simm.s32 @!p1 $0xC  }
0x15c: {  	_ =	swait.ge @!p1 [sflag:s14], $0xA0  }
0x15d: {  	[sflag:s14] =	ssyncset.done @!p1 $0x0  }
0x15e: {  	s19 =	simm.s32 @!p1 $0xDCC8;
	[sflag:s14] =	ssyncadd.s32 @!p1 $0xFFFFFF60;
	s14 =	simm.s32 @!p1 $0xFDE8  }
0x15f: {  	[tilespmem:s19], [sflag:$0x3] =	stream.indirect.gather @!p1 [hbm4b:s3+s17], $0x48, s14, s17, $0xb8;
	[tilespmem:$0xFE88] =	vst v63  }
0x160: {  	s14 =	simm.s32 @!p1 $0xFE38;
	s19 =	simm.s32 @!p1 $0xF848  }
0x161: {  	[tilespmem:s19], [sflag:$0x3] =	stream.indirect.gather @!p1 [hbm4b:s4+s17], $0x8, s14, s17, $0xb8;
	[tilespmem:$0xFE88] =	vst v63  }
0x162: {  	s14 =	rddreg [dreg:$0x10]  }
0x163: {  	s0 =	sadd.s32 @!p1 s0, s14  }
0x164: {  	s0 =	sshrl.u32 @!p1 s0, $0x3  }
0x165: {  	s14 =	simm.s32 @!p1 $0xFC08;
	s0 =	sadd.s32 @!p1 s5, s0  }
0x166: {  	[tilespmem:s14], [sflag:$0x9] =	stream.linear.gather @!p1 [hbm4b:s0+s18], $0xA0, $0x38;
	[tilespmem:$0xFE88] =	vst v63  }
0x167: {  	_ =	swait.ge [sflag:s26], $0x1680  }
0x168: {  	[sflag:s26] =	ssyncset.done $0x0  }
0x169: {  	[sflag:s26] =	ssyncadd.s32 $0xFFFFE980  }
0x16a: {  	_ =	swait.ge [sflag:s26], $0x280  }
0x16b: {  	[sflag:s26] =	ssyncset.done $0x0  }
0x16c: {  	s17 =	simm.s32 $0x0;
	[sflag:s26] =	ssyncadd.s32 $0xFFFFFD80  }
.LBB2_15:
0x16d: {  	s0 =	sshll.u32 s17, $0x4  }
0x16e: {  	v2 =	vor.u32 s0, v0  }
0x16f: {  	v1 =	vmul.u32 $0x48, v2  }
0x170: {  	v2 =	vshll.u32 v2, $0x3  }
0x171: {  	v3 =	vadd.s32 $0x41, v1;
	_ =	sdelay $0x3  }
0x172: {  	v2 =	vld.idx.msk [tilespmem:v2+s6+$0x0], $0xffff  }
0x173: {  	v3 =	vld.idx.msk [tilespmem:v3+s31+$0x0], $0xffff;
	_ =	sdelay $0x4  }
0x174: {  	s19 =	simm.s32 $0x0;
	v2 =	vadd.f32 v2, v3  }
0x175: {  	v3 =	vmov s19  }
0x176: {  	v3 =	vshrl.u32 v3, $0x3;
	v4 =	vmul.f32 $2.000000030e-01, v2  }
0x177: {  	v3 =	vshll.u32 v3, $0x3  }
0x178: {  	v11 =	vbroadcast v3, $0x0;
	v2 =	vmax.f32 v2, v4  }
0x179: {  	v2 =	vmul.f32 $1.442695020e+00, v2  }
0x17a: {  	v6 =	vor.u32 $0x1, v1;
	v3 =	vadd.s32 v1, v11  }
0x17b: {  	v7 =	vor.u32 $0x2, v1;
	v8 =	vadd.s32 v6, v11;
	(erf) = vpow2.f32 v2  }
0x17c: {  	v9 =	vor.u32 $0x6, v1;
	v24 =	vadd.s32 v7, v11  }
0x17d: {  	s18 =	simm.s32 $0x8;
	v10 =	vor.u32 $0x5, v1;
	v12 =	vadd.s32 v9, v11  }
0x17e: {  	v13 =	vor.u32 $0x7, v1;
	v4 =	vadd.s32 v10, v11;
	v2 =	vmov s18  }
0x17f: {  	v16 =	vor.u32 $0x3, v1;
	v5 =	vadd.s32 v13, v11;
	v2 =	vshrl.u32 v2, $0x3;
	v31 =	vld.idx.msk [tilespmem:v3+s31+$0x0], $0xffff  }
0x180: {  	v19 =	vor.u32 $0x4, v1;
	v17 =	vadd.s32 v16, v11;
	v2 =	vshll.u32 v2, $0x3;
	v21 =	vld.idx.msk [tilespmem:v8+s31+$0x0], $0xffff  }
0x181: {  	v14 =	vadd.s32 v19, v11;
	v33 =	vld.idx.msk [tilespmem:v24+s31+$0x0], $0xffff;
	v30 =	vbroadcast v2, $0x0  }
0x182: {  	v29 =	vld.idx.msk [tilespmem:v12+s31+$0x0], $0xffff  }
0x183: {  	v25 =	vld.idx.msk [tilespmem:v4+s31+$0x0], $0xffff;
	v18 =	vadd.s32 v1, v30  }
0x184: {  	v26 =	vld.idx.msk [tilespmem:v5+s31+$0x0], $0xffff;
	v23 =	vadd.s32 v6, v30;
	v22 =	vadd.s32 v16, v30;
	v15 =	vadd.s32 v19, v30;
	v2 =	vpop (erf)  }
0x185: {  	v27 =	vld.idx.msk [tilespmem:v17+s31+$0x0], $0xffff;
	v20 =	vadd.s32 v7, v30;
	v11 =	vadd.s32 v13, v30;
	v32 =	vmul.f32 v21, v2  }
0x186: {  	v28 =	vld.idx.msk [tilespmem:v14+s31+$0x0], $0xffff;
	v21 =	vadd.s32 v9, v30;
	v31 =	vmul.f32 v31, v2;
	v33 =	vmul.f32 v33, v2  }
.LBB2_16:
0x187: {  	s18 =	sadd.s32 $0x8, s18;
	v34 =	vadd.s32 v10, v30;
	[tilespmem:v8+s31+$0x0] =	vst.idx.msk $0xffff, v32;
	v29 =	vmul.f32 v29, v2;
	v8 =	vmov v23  }
0x188: {  	v36 =	vmovc v22;
	v32 =	vmov v14;
	v30 =	vmov s18;
	p2 =	slt.u32 s18, $0x38;
	v35 =	vld.idx.msk [tilespmem:v18+s31+$0x0], $0xffff;
	[tilespmem:v24+s31+$0x0] =	vst.idx.msk $0xffff, v33;
	v24 =	vmul.f32 v25, v2  }
0x189: {  	v22 =	vmul.f32 v26, v2;
	v25 =	vshrl.u32 v30, $0x3;
	v33 =	vld.idx.msk [tilespmem:v23+s31+$0x0], $0xffff;
	[tilespmem:v3+s31+$0x0] =	vst.idx.msk $0xffff, v31;
	v3 =	vmov v18  }
0x18a: {  	v14 =	vmov v15;
	v27 =	vmul.f32 v27, v2;
	v18 =	vshll.u32 v25, $0x3;
	v37 =	vld.idx.msk [tilespmem:v20+s31+$0x0], $0xffff;
	[tilespmem:v12+s31+$0x0] =	vst.idx.msk $0xffff, v29  }
0x18b: {  	v28 =	vmul.f32 v28, v2;
	v30 =	vbroadcast v18, $0x0;
	v29 =	vld.idx.msk [tilespmem:v21+s31+$0x0], $0xffff;
	[tilespmem:v4+s31+$0x0] =	vst.idx.msk $0xffff, v24;
	v4 =	vmov v34  }
.Ltmp8:
0x18c: {  	v12 =	vmov v21;
	v25 =	vld.idx.msk [tilespmem:v34+s31+$0x0], $0xffff;
	[tilespmem:v5+s31+$0x0] =	vst.idx.msk $0xffff, v22;
	v24 =	vmov v20;
	v5 =	vmov v11;
	(pc) =	sbr.rel @p2 .LBB2_16-.Ltmp8, $4  }
0x18d: {  	v18 =	vadd.s32 v1, v30;
	v23 =	vadd.s32 v6, v30;
	v26 =	vld.idx.msk [tilespmem:v11+s31+$0x0], $0xffff;
	[tilespmem:v17+s31+$0x0] =	vst.idx.msk $0xffff, v27  }
0x18e: {  	v22 =	vadd.s32 v16, v30;
	v15 =	vadd.s32 v19, v30;
	v27 =	vld.idx.msk [tilespmem:v36+s31+$0x0], $0xffff;
	[tilespmem:v32+s31+$0x0] =	vst.idx.msk $0xffff, v28  }
0x18f: {  	v20 =	vadd.s32 v7, v30;
	v11 =	vadd.s32 v13, v30;
	v32 =	vmul.f32 v33, v2;
	v28 =	vld.idx.msk [tilespmem:v14+s31+$0x0], $0xffff  }
0x190: {  	v21 =	vadd.s32 v9, v30;
	v31 =	vmul.f32 v35, v2;
	v17 =	vmovc v36;
	v33 =	vmul.f32 v37, v2  }
0x191: {  	_ =	sdelay $0x3  }
0x192: {  	[tilespmem:v8+s31+$0x0] =	vst.idx.msk $0xffff, v32  }
0x193: {  	v6 =	vadd.s32 v10, v30;
	v7 =	vmul.f32 v29, v2;
	v52 =	vld.idx.msk [tilespmem:v23+s31+$0x0], $0xffff;
	[tilespmem:v24+s31+$0x0] =	vst.idx.msk $0xffff, v33  }
0x194: {  	v9 =	vmul.f32 v25, v2;
	v53 =	vld.idx.msk [tilespmem:v18+s31+$0x0], $0xffff;
	[tilespmem:v3+s31+$0x0] =	vst.idx.msk $0xffff, v31  }
0x195: {  	v55 =	vld.idx.msk [tilespmem:v21+s31+$0x0], $0xffff;
	v13 =	vmul.f32 v26, v2;
	[tilespmem:v12+s31+$0x0] =	vst.idx.msk $0xffff, v7  }
0x196: {  	v3 =	vld.idx.msk [tilespmem:v20+s31+$0x0], $0xffff;
	v54 =	vmul.f32 v27, v2;
	[tilespmem:v4+s31+$0x0] =	vst.idx.msk $0xffff, v9  }
0x197: {  	v58 =	vld.idx.msk [tilespmem:v11+s31+$0x0], $0xffff;
	v56 =	vmul.f32 v28, v2;
	[tilespmem:v5+s31+$0x0] =	vst.idx.msk $0xffff, v13  }
0x198: {  	[tilespmem:v17+s31+$0x0] =	vst.idx.msk $0xffff, v54;
	v57 =	vld.idx.msk [tilespmem:v6+s31+$0x0], $0xffff;
	v59 =	vmul.f32 v52, v2  }
0x199: {  	v60 =	vld.idx.msk [tilespmem:v22+s31+$0x0], $0xffff;
	[tilespmem:v14+s31+$0x0] =	vst.idx.msk $0xffff, v56;
	v10 =	vmul.f32 v53, v2  }
0x19a: {  	v61 =	vld.idx.msk [tilespmem:v15+s31+$0x0], $0xffff;
	v62 =	vmul.f32 v55, v2;
	[tilespmem:v23+s31+$0x0] =	vst.idx.msk $0xffff, v59  }
0x19b: {  	v3 =	vmul.f32 v3, v2;
	[tilespmem:v18+s31+$0x0] =	vst.idx.msk $0xffff, v10  }
0x19c: {  	v5 =	vmul.f32 v58, v2;
	[tilespmem:v21+s31+$0x0] =	vst.idx.msk $0xffff, v62  }
0x19d: {  	v1 =	vadd.s32 $0x40, v1;
	[tilespmem:v20+s31+$0x0] =	vst.idx.msk $0xffff, v3;
	v3 =	vmul.f32 v57, v2  }
0x19e: {  	v63 =	vmul.f32 v60, v2;
	[tilespmem:v11+s31+$0x0] =	vst.idx.msk $0xffff, v5  }
0x19f: {  	[tilespmem:v6+s31+$0x0] =	vst.idx.msk $0xffff, v3;
	v3 =	vmul.f32 v61, v2  }
0x1a0: {  	[tilespmem:v22+s31+$0x0] =	vst.idx.msk $0xffff, v63  }
0x1a1: {  	[tilespmem:v15+s31+$0x0] =	vst.idx.msk $0xffff, v3  }
0x1a2: {  	v3 =	vld.idx.msk [tilespmem:v1+s31+$0x0], $0xffff  }
0x1a3: {  	s17 =	sadd.s32 $0x1, s17  }
0x1a4: {  	p2 =	sne.s32 s17, $0x5  }
.Ltmp9:
0x1a5: {  	_ = 	snop;
	(pc) =	sbr.rel @p2 .LBB2_15-.Ltmp9, $3  }
0x1a6: {  	_ = 	snop  }
0x1a7: {  	v2 =	vmul.f32 v3, v2;
	_ =	sdelay $0x1  }
0x1a8: {  	[tilespmem:v1+s31+$0x0] =	vst.idx.msk $0xffff, v2  }
0x1a9: {  	s0 =	simm.s32 $0xFCF8  }
0x1aa: {  	[spmem:s1] =	stream.indirect.scatter.add.f32 [tilespmem:s31], [sflag:$0x4], $0x48, s0, s30, $0xb8;
	[tilespmem:$0xFE88] =	vst v63  }
0x1ab: {  	_ =	swait.ge [sflag:s8], $0x1680  }
0x1ac: {  	[sflag:s8] =	ssyncset.done $0x0  }
0x1ad: {  	[sflag:s8] =	ssyncadd.s32 $0xFFFFE980  }
0x1ae: {  	_ =	swait.ge [sflag:s8], $0x280  }
0x1af: {  	[sflag:s8] =	ssyncset.done $0x0  }
0x1b0: {  	s17 =	simm.s32 $0x0;
	s19 =	simm.s32 $0xFB18;
	[sflag:s8] =	ssyncadd.s32 $0xFFFFFD80  }
.LBB2_19:
0x1b1: {  	s0 =	sshll.u32 s17, $0x4  }
0x1b2: {  	v2 =	vor.u32 s0, v0  }
0x1b3: {  	v1 =	vmul.u32 $0x48, v2  }
0x1b4: {  	v2 =	vshll.u32 v2, $0x3  }
0x1b5: {  	v3 =	vadd.s32 $0x41, v1;
	_ =	sdelay $0x3  }
0x1b6: {  	v2 =	vld.idx.msk [tilespmem:v2+s13+$0x0], $0xffff  }
0x1b7: {  	v3 =	vld.idx.msk [tilespmem:v3+s11+$0x0], $0xffff;
	_ =	sdelay $0x4  }
0x1b8: {  	s18 =	simm.s32 $0x0;
	v2 =	vadd.f32 v2, v3  }
0x1b9: {  	v3 =	vmov s18  }
0x1ba: {  	v3 =	vshrl.u32 v3, $0x3;
	v4 =	vmul.f32 $2.000000030e-01, v2  }
0x1bb: {  	v3 =	vshll.u32 v3, $0x3  }
0x1bc: {  	v11 =	vbroadcast v3, $0x0;
	v2 =	vmax.f32 v2, v4  }
0x1bd: {  	v2 =	vmul.f32 $1.442695020e+00, v2  }
0x1be: {  	v6 =	vor.u32 $0x1, v1;
	v3 =	vadd.s32 v1, v11  }
0x1bf: {  	v7 =	vor.u32 $0x2, v1;
	v8 =	vadd.s32 v6, v11;
	(erf) = vpow2.f32 v2  }
0x1c0: {  	v9 =	vor.u32 $0x6, v1;
	v24 =	vadd.s32 v7, v11  }
0x1c1: {  	v10 =	vor.u32 $0x5, v1;
	s18 =	simm.s32 $0x8;
	v12 =	vadd.s32 v9, v11  }
0x1c2: {  	v13 =	vor.u32 $0x7, v1;
	v4 =	vadd.s32 v10, v11;
	v2 =	vmov s18  }
0x1c3: {  	v16 =	vor.u32 $0x3, v1;
	v5 =	vadd.s32 v13, v11;
	v2 =	vshrl.u32 v2, $0x3;
	v31 =	vld.idx.msk [tilespmem:v3+s11+$0x0], $0xffff  }
0x1c4: {  	v19 =	vor.u32 $0x4, v1;
	v17 =	vadd.s32 v16, v11;
	v2 =	vshll.u32 v2, $0x3;
	v21 =	vld.idx.msk [tilespmem:v8+s11+$0x0], $0xffff  }
0x1c5: {  	v14 =	vadd.s32 v19, v11;
	v33 =	vld.idx.msk [tilespmem:v24+s11+$0x0], $0xffff;
	v30 =	vbroadcast v2, $0x0  }
0x1c6: {  	v29 =	vld.idx.msk [tilespmem:v12+s11+$0x0], $0xffff  }
0x1c7: {  	v25 =	vld.idx.msk [tilespmem:v4+s11+$0x0], $0xffff;
	v18 =	vadd.s32 v1, v30  }
0x1c8: {  	v26 =	vld.idx.msk [tilespmem:v5+s11+$0x0], $0xffff;
	v23 =	vadd.s32 v6, v30;
	v22 =	vadd.s32 v16, v30;
	v15 =	vadd.s32 v19, v30;
	v2 =	vpop (erf)  }
0x1c9: {  	v27 =	vld.idx.msk [tilespmem:v17+s11+$0x0], $0xffff;
	v20 =	vadd.s32 v7, v30;
	v11 =	vadd.s32 v13, v30;
	v32 =	vmul.f32 v21, v2  }
0x1ca: {  	v28 =	vld.idx.msk [tilespmem:v14+s11+$0x0], $0xffff;
	v21 =	vadd.s32 v9, v30;
	v31 =	vmul.f32 v31, v2;
	v33 =	vmul.f32 v33, v2  }
.LBB2_20:
0x1cb: {  	s18 =	sadd.s32 $0x8, s18;
	v34 =	vadd.s32 v10, v30;
	[tilespmem:v8+s11+$0x0] =	vst.idx.msk $0xffff, v32;
	v29 =	vmul.f32 v29, v2;
	v8 =	vmov v23  }
0x1cc: {  	v36 =	vmovc v22;
	v32 =	vmov v14;
	v30 =	vmov s18;
	p2 =	slt.u32 s18, $0x38;
	v35 =	vld.idx.msk [tilespmem:v18+s11+$0x0], $0xffff;
	[tilespmem:v24+s11+$0x0] =	vst.idx.msk $0xffff, v33;
	v24 =	vmul.f32 v25, v2  }
0x1cd: {  	v22 =	vmul.f32 v26, v2;
	v25 =	vshrl.u32 v30, $0x3;
	v33 =	vld.idx.msk [tilespmem:v23+s11+$0x0], $0xffff;
	[tilespmem:v3+s11+$0x0] =	vst.idx.msk $0xffff, v31;
	v3 =	vmov v18  }
0x1ce: {  	v14 =	vmov v15;
	v27 =	vmul.f32 v27, v2;
	v18 =	vshll.u32 v25, $0x3;
	v37 =	vld.idx.msk [tilespmem:v20+s11+$0x0], $0xffff;
	[tilespmem:v12+s11+$0x0] =	vst.idx.msk $0xffff, v29  }
0x1cf: {  	v28 =	vmul.f32 v28, v2;
	v30 =	vbroadcast v18, $0x0;
	v29 =	vld.idx.msk [tilespmem:v21+s11+$0x0], $0xffff;
	[tilespmem:v4+s11+$0x0] =	vst.idx.msk $0xffff, v24;
	v4 =	vmov v34  }
.Ltmp10:
0x1d0: {  	v12 =	vmov v21;
	v25 =	vld.idx.msk [tilespmem:v34+s11+$0x0], $0xffff;
	[tilespmem:v5+s11+$0x0] =	vst.idx.msk $0xffff, v22;
	v24 =	vmov v20;
	v5 =	vmov v11;
	(pc) =	sbr.rel @p2 .LBB2_20-.Ltmp10, $4  }
0x1d1: {  	v18 =	vadd.s32 v1, v30;
	v23 =	vadd.s32 v6, v30;
	v26 =	vld.idx.msk [tilespmem:v11+s11+$0x0], $0xffff;
	[tilespmem:v17+s11+$0x0] =	vst.idx.msk $0xffff, v27  }
0x1d2: {  	v22 =	vadd.s32 v16, v30;
	v15 =	vadd.s32 v19, v30;
	v27 =	vld.idx.msk [tilespmem:v36+s11+$0x0], $0xffff;
	[tilespmem:v32+s11+$0x0] =	vst.idx.msk $0xffff, v28  }
0x1d3: {  	v20 =	vadd.s32 v7, v30;
	v11 =	vadd.s32 v13, v30;
	v32 =	vmul.f32 v33, v2;
	v28 =	vld.idx.msk [tilespmem:v14+s11+$0x0], $0xffff  }
0x1d4: {  	v21 =	vadd.s32 v9, v30;
	v31 =	vmul.f32 v35, v2;
	v17 =	vmovc v36;
	v33 =	vmul.f32 v37, v2  }
0x1d5: {  	_ =	sdelay $0x3  }
0x1d6: {  	[tilespmem:v8+s11+$0x0] =	vst.idx.msk $0xffff, v32  }
0x1d7: {  	v6 =	vadd.s32 v10, v30;
	v7 =	vmul.f32 v29, v2;
	v52 =	vld.idx.msk [tilespmem:v23+s11+$0x0], $0xffff;
	[tilespmem:v24+s11+$0x0] =	vst.idx.msk $0xffff, v33  }
0x1d8: {  	v9 =	vmul.f32 v25, v2;
	v53 =	vld.idx.msk [tilespmem:v18+s11+$0x0], $0xffff;
	[tilespmem:v3+s11+$0x0] =	vst.idx.msk $0xffff, v31  }
0x1d9: {  	v55 =	vld.idx.msk [tilespmem:v21+s11+$0x0], $0xffff;
	v13 =	vmul.f32 v26, v2;
	[tilespmem:v12+s11+$0x0] =	vst.idx.msk $0xffff, v7  }
0x1da: {  	v3 =	vld.idx.msk [tilespmem:v20+s11+$0x0], $0xffff;
	v54 =	vmul.f32 v27, v2;
	[tilespmem:v4+s11+$0x0] =	vst.idx.msk $0xffff, v9  }
0x1db: {  	v58 =	vld.idx.msk [tilespmem:v11+s11+$0x0], $0xffff;
	v56 =	vmul.f32 v28, v2;
	[tilespmem:v5+s11+$0x0] =	vst.idx.msk $0xffff, v13  }
0x1dc: {  	[tilespmem:v17+s11+$0x0] =	vst.idx.msk $0xffff, v54;
	v57 =	vld.idx.msk [tilespmem:v6+s11+$0x0], $0xffff;
	v59 =	vmul.f32 v52, v2  }
0x1dd: {  	v60 =	vld.idx.msk [tilespmem:v22+s11+$0x0], $0xffff;
	[tilespmem:v14+s11+$0x0] =	vst.idx.msk $0xffff, v56;
	v10 =	vmul.f32 v53, v2  }
0x1de: {  	v61 =	vld.idx.msk [tilespmem:v15+s11+$0x0], $0xffff;
	v62 =	vmul.f32 v55, v2;
	[tilespmem:v23+s11+$0x0] =	vst.idx.msk $0xffff, v59  }
0x1df: {  	v3 =	vmul.f32 v3, v2;
	[tilespmem:v18+s11+$0x0] =	vst.idx.msk $0xffff, v10  }
0x1e0: {  	v5 =	vmul.f32 v58, v2;
	[tilespmem:v21+s11+$0x0] =	vst.idx.msk $0xffff, v62  }
0x1e1: {  	v1 =	vadd.s32 $0x40, v1;
	[tilespmem:v20+s11+$0x0] =	vst.idx.msk $0xffff, v3;
	v3 =	vmul.f32 v57, v2  }
0x1e2: {  	v63 =	vmul.f32 v60, v2;
	[tilespmem:v11+s11+$0x0] =	vst.idx.msk $0xffff, v5  }
0x1e3: {  	[tilespmem:v6+s11+$0x0] =	vst.idx.msk $0xffff, v3;
	v3 =	vmul.f32 v61, v2  }
0x1e4: {  	[tilespmem:v22+s11+$0x0] =	vst.idx.msk $0xffff, v63  }
0x1e5: {  	[tilespmem:v15+s11+$0x0] =	vst.idx.msk $0xffff, v3  }
0x1e6: {  	v3 =	vld.idx.msk [tilespmem:v1+s11+$0x0], $0xffff  }
0x1e7: {  	s17 =	sadd.s32 $0x1, s17  }
0x1e8: {  	p2 =	sne.s32 s17, $0x5  }
.Ltmp11:
0x1e9: {  	_ = 	snop;
	(pc) =	sbr.rel @p2 .LBB2_19-.Ltmp11, $3  }
0x1ea: {  	_ = 	snop  }
0x1eb: {  	v2 =	vmul.f32 v3, v2;
	_ =	sdelay $0x1  }
0x1ec: {  	[tilespmem:v1+s11+$0x0] =	vst.idx.msk $0xffff, v2  }
.Ltmp12:
0x1ed: {  	(pc) =	sbr.rel @p1 .LBB2_28-.Ltmp12, $3  }
0x1ee: {  	_ =	sdelay $0x1  }
0x1ef: {  	s0 =	simm.s32 $0xFD98  }
0x1f0: {  	[spmem:s1] =	stream.indirect.scatter.add.f32 [tilespmem:s11], [sflag:$0x5], $0x48, s0, s30, $0xb8;
	[tilespmem:$0xFE88] =	vst v63  }
0x1f1: {  	_ =	swait.ge [sflag:s9], $0x1680  }
0x1f2: {  	[sflag:s9] =	ssyncset.done $0x0  }
0x1f3: {  	[sflag:s9] =	ssyncadd.s32 $0xFFFFE980  }
0x1f4: {  	_ =	swait.ge [sflag:s9], $0x280  }
0x1f5: {  	[sflag:s9] =	ssyncset.done $0x0  }
0x1f6: {  	s17 =	simm.s32 $0x0;
	[sflag:s9] =	ssyncadd.s32 $0xFFFFFD80  }
.LBB2_24:
0x1f7: {  	s0 =	sshll.u32 s17, $0x4  }
0x1f8: {  	v2 =	vor.u32 s0, v0  }
0x1f9: {  	v1 =	vmul.u32 $0x48, v2  }
0x1fa: {  	v2 =	vshll.u32 v2, $0x3  }
0x1fb: {  	v3 =	vadd.s32 $0x41, v1;
	_ =	sdelay $0x3  }
0x1fc: {  	v2 =	vld.idx.msk [tilespmem:v2+s21+$0x0], $0xffff  }
0x1fd: {  	v3 =	vld.idx.msk [tilespmem:v3+s16+$0x0], $0xffff;
	_ =	sdelay $0x4  }
0x1fe: {  	s18 =	simm.s32 $0x0;
	v2 =	vadd.f32 v2, v3  }
0x1ff: {  	v3 =	vmov s18  }
0x200: {  	v3 =	vshrl.u32 v3, $0x3;
	v4 =	vmul.f32 $2.000000030e-01, v2  }
0x201: {  	v3 =	vshll.u32 v3, $0x3  }
0x202: {  	v11 =	vbroadcast v3, $0x0;
	v2 =	vmax.f32 v2, v4  }
0x203: {  	v2 =	vmul.f32 $1.442695020e+00, v2  }
0x204: {  	v6 =	vor.u32 $0x1, v1;
	v3 =	vadd.s32 v1, v11  }
0x205: {  	v7 =	vor.u32 $0x2, v1;
	v8 =	vadd.s32 v6, v11;
	(erf) = vpow2.f32 v2  }
0x206: {  	v9 =	vor.u32 $0x6, v1;
	v24 =	vadd.s32 v7, v11  }
0x207: {  	v10 =	vor.u32 $0x5, v1;
	s18 =	simm.s32 $0x8;
	v12 =	vadd.s32 v9, v11  }
0x208: {  	v13 =	vor.u32 $0x7, v1;
	v4 =	vadd.s32 v10, v11;
	v2 =	vmov s18  }
0x209: {  	v16 =	vor.u32 $0x3, v1;
	v5 =	vadd.s32 v13, v11;
	v2 =	vshrl.u32 v2, $0x3;
	v31 =	vld.idx.msk [tilespmem:v3+s16+$0x0], $0xffff  }
0x20a: {  	v19 =	vor.u32 $0x4, v1;
	v17 =	vadd.s32 v16, v11;
	v2 =	vshll.u32 v2, $0x3;
	v21 =	vld.idx.msk [tilespmem:v8+s16+$0x0], $0xffff  }
0x20b: {  	v14 =	vadd.s32 v19, v11;
	v33 =	vld.idx.msk [tilespmem:v24+s16+$0x0], $0xffff;
	v30 =	vbroadcast v2, $0x0  }
0x20c: {  	v29 =	vld.idx.msk [tilespmem:v12+s16+$0x0], $0xffff  }
0x20d: {  	v25 =	vld.idx.msk [tilespmem:v4+s16+$0x0], $0xffff;
	v18 =	vadd.s32 v1, v30  }
0x20e: {  	v26 =	vld.idx.msk [tilespmem:v5+s16+$0x0], $0xffff;
	v23 =	vadd.s32 v6, v30;
	v22 =	vadd.s32 v16, v30;
	v15 =	vadd.s32 v19, v30;
	v2 =	vpop (erf)  }
0x20f: {  	v27 =	vld.idx.msk [tilespmem:v17+s16+$0x0], $0xffff;
	v20 =	vadd.s32 v7, v30;
	v11 =	vadd.s32 v13, v30;
	v32 =	vmul.f32 v21, v2  }
0x210: {  	v28 =	vld.idx.msk [tilespmem:v14+s16+$0x0], $0xffff;
	v21 =	vadd.s32 v9, v30;
	v31 =	vmul.f32 v31, v2;
	v33 =	vmul.f32 v33, v2  }
.LBB2_25:
0x211: {  	s18 =	sadd.s32 $0x8, s18;
	v34 =	vadd.s32 v10, v30;
	[tilespmem:v8+s16+$0x0] =	vst.idx.msk $0xffff, v32;
	v29 =	vmul.f32 v29, v2;
	v8 =	vmov v23  }
0x212: {  	v36 =	vmovc v22;
	v32 =	vmov v14;
	v30 =	vmov s18;
	p1 =	slt.u32 s18, $0x38;
	v35 =	vld.idx.msk [tilespmem:v18+s16+$0x0], $0xffff;
	[tilespmem:v24+s16+$0x0] =	vst.idx.msk $0xffff, v33;
	v24 =	vmul.f32 v25, v2  }
0x213: {  	v22 =	vmul.f32 v26, v2;
	v25 =	vshrl.u32 v30, $0x3;
	v33 =	vld.idx.msk [tilespmem:v23+s16+$0x0], $0xffff;
	[tilespmem:v3+s16+$0x0] =	vst.idx.msk $0xffff, v31;
	v3 =	vmov v18  }
0x214: {  	v14 =	vmov v15;
	v27 =	vmul.f32 v27, v2;
	v18 =	vshll.u32 v25, $0x3;
	v37 =	vld.idx.msk [tilespmem:v20+s16+$0x0], $0xffff;
	[tilespmem:v12+s16+$0x0] =	vst.idx.msk $0xffff, v29  }
0x215: {  	v28 =	vmul.f32 v28, v2;
	v30 =	vbroadcast v18, $0x0;
	v29 =	vld.idx.msk [tilespmem:v21+s16+$0x0], $0xffff;
	[tilespmem:v4+s16+$0x0] =	vst.idx.msk $0xffff, v24;
	v4 =	vmov v34  }
.Ltmp13:
0x216: {  	v12 =	vmov v21;
	v25 =	vld.idx.msk [tilespmem:v34+s16+$0x0], $0xffff;
	[tilespmem:v5+s16+$0x0] =	vst.idx.msk $0xffff, v22;
	v24 =	vmov v20;
	v5 =	vmov v11;
	(pc) =	sbr.rel @p1 .LBB2_25-.Ltmp13, $4  }
0x217: {  	v18 =	vadd.s32 v1, v30;
	v23 =	vadd.s32 v6, v30;
	v26 =	vld.idx.msk [tilespmem:v11+s16+$0x0], $0xffff;
	[tilespmem:v17+s16+$0x0] =	vst.idx.msk $0xffff, v27  }
0x218: {  	v22 =	vadd.s32 v16, v30;
	v15 =	vadd.s32 v19, v30;
	v27 =	vld.idx.msk [tilespmem:v36+s16+$0x0], $0xffff;
	[tilespmem:v32+s16+$0x0] =	vst.idx.msk $0xffff, v28  }
0x219: {  	v20 =	vadd.s32 v7, v30;
	v11 =	vadd.s32 v13, v30;
	v32 =	vmul.f32 v33, v2;
	v28 =	vld.idx.msk [tilespmem:v14+s16+$0x0], $0xffff  }
0x21a: {  	v21 =	vadd.s32 v9, v30;
	v31 =	vmul.f32 v35, v2;
	v17 =	vmovc v36;
	v33 =	vmul.f32 v37, v2  }
0x21b: {  	_ =	sdelay $0x3  }
0x21c: {  	[tilespmem:v8+s16+$0x0] =	vst.idx.msk $0xffff, v32  }
0x21d: {  	v6 =	vadd.s32 v10, v30;
	v7 =	vmul.f32 v29, v2;
	v52 =	vld.idx.msk [tilespmem:v23+s16+$0x0], $0xffff;
	[tilespmem:v24+s16+$0x0] =	vst.idx.msk $0xffff, v33  }
0x21e: {  	v9 =	vmul.f32 v25, v2;
	v53 =	vld.idx.msk [tilespmem:v18+s16+$0x0], $0xffff;
	[tilespmem:v3+s16+$0x0] =	vst.idx.msk $0xffff, v31  }
0x21f: {  	v55 =	vld.idx.msk [tilespmem:v21+s16+$0x0], $0xffff;
	v13 =	vmul.f32 v26, v2;
	[tilespmem:v12+s16+$0x0] =	vst.idx.msk $0xffff, v7  }
0x220: {  	v3 =	vld.idx.msk [tilespmem:v20+s16+$0x0], $0xffff;
	v54 =	vmul.f32 v27, v2;
	[tilespmem:v4+s16+$0x0] =	vst.idx.msk $0xffff, v9  }
0x221: {  	v58 =	vld.idx.msk [tilespmem:v11+s16+$0x0], $0xffff;
	v56 =	vmul.f32 v28, v2;
	[tilespmem:v5+s16+$0x0] =	vst.idx.msk $0xffff, v13  }
0x222: {  	[tilespmem:v17+s16+$0x0] =	vst.idx.msk $0xffff, v54;
	v57 =	vld.idx.msk [tilespmem:v6+s16+$0x0], $0xffff;
	v59 =	vmul.f32 v52, v2  }
0x223: {  	v60 =	vld.idx.msk [tilespmem:v22+s16+$0x0], $0xffff;
	[tilespmem:v14+s16+$0x0] =	vst.idx.msk $0xffff, v56;
	v10 =	vmul.f32 v53, v2  }
0x224: {  	v61 =	vld.idx.msk [tilespmem:v15+s16+$0x0], $0xffff;
	v62 =	vmul.f32 v55, v2;
	[tilespmem:v23+s16+$0x0] =	vst.idx.msk $0xffff, v59  }
0x225: {  	v3 =	vmul.f32 v3, v2;
	[tilespmem:v18+s16+$0x0] =	vst.idx.msk $0xffff, v10  }
0x226: {  	v5 =	vmul.f32 v58, v2;
	[tilespmem:v21+s16+$0x0] =	vst.idx.msk $0xffff, v62  }
0x227: {  	v1 =	vadd.s32 $0x40, v1;
	[tilespmem:v20+s16+$0x0] =	vst.idx.msk $0xffff, v3;
	v3 =	vmul.f32 v57, v2  }
0x228: {  	v63 =	vmul.f32 v60, v2;
	[tilespmem:v11+s16+$0x0] =	vst.idx.msk $0xffff, v5  }
0x229: {  	[tilespmem:v6+s16+$0x0] =	vst.idx.msk $0xffff, v3;
	v3 =	vmul.f32 v61, v2  }
0x22a: {  	[tilespmem:v22+s16+$0x0] =	vst.idx.msk $0xffff, v63  }
0x22b: {  	[tilespmem:v15+s16+$0x0] =	vst.idx.msk $0xffff, v3  }
0x22c: {  	v3 =	vld.idx.msk [tilespmem:v1+s16+$0x0], $0xffff  }
0x22d: {  	s17 =	sadd.s32 $0x1, s17  }
0x22e: {  	p1 =	sne.s32 s17, $0x5  }
.Ltmp14:
0x22f: {  	_ = 	snop;
	(pc) =	sbr.rel @p1 .LBB2_24-.Ltmp14, $3  }
0x230: {  	_ = 	snop  }
0x231: {  	v2 =	vmul.f32 v3, v2;
	_ =	sdelay $0x1  }
0x232: {  	[tilespmem:v1+s16+$0x0] =	vst.idx.msk $0xffff, v2  }
0x233: {  	s0 =	simm.s32 $0xFE38  }
0x234: {  	[spmem:s1] =	stream.indirect.scatter.add.f32 [tilespmem:s16], [sflag:$0x6], $0x48, s0, s30, $0xb8;
	[tilespmem:$0xFE88] =	vst v63  }
0x235: {  	_ =	swait.ge [sflag:s28], $0x1680  }
0x236: {  	[sflag:s28] =	ssyncset.done $0x0  }
0x237: {  	[sflag:s28] =	ssyncadd.s32 $0xFFFFE980  }
0x238: {  	s0 =	smul.u32 $0x3C0, s24;
	_ =	swait.ge [sflag:s29], $0xA0  }
0x239: {  	[sflag:s29] =	ssyncset.done $0x0;
	s14 =	rddreg [dreg:$0x13]  }
0x23a: {  	s17 =	simm.s32 $0xFAC8;
	[sflag:s29] =	ssyncadd.s32 $0xFFFFFF60;
	s14 =	sadd.s32 s0, s14  }
0x23b: {  	[tilespmem:s31], [sflag:$0x1] =	stream.indirect.gather [hbm4b:s3+s30], $0x48, s17, s30, $0xb8;
	[tilespmem:$0xFE88] =	vst v63  }
0x23c: {  	s14 =	sshrl.u32 s14, $0x3  }
0x23d: {  	[tilespmem:s6], [sflag:$0x1] =	stream.indirect.gather [hbm4b:s4+s30], $0x8, s19, s30, $0xb8;
	[tilespmem:$0xFE88] =	vst v63  }
0x23e: {  	s14 =	sadd.s32 s5, s14  }
0x23f: {  	[tilespmem:s25], [sflag:$0xA] =	stream.linear.gather [hbm4b:s14+s2], $0xA0, $0x38;
	[tilespmem:$0xFE88] =	vst v63  }
0x240: {  	_ =	swait.ge [sflag:s23], $0x1680  }
0x241: {  	[sflag:s23] =	ssyncset.done $0x0  }
0x242: {  	[sflag:s23] =	ssyncadd.s32 $0xFFFFE980  }
0x243: {  	_ =	swait.ge [sflag:s10], $0xA0  }
0x244: {  	[sflag:s10] =	ssyncset.done $0x0;
	s17 =	rddreg [dreg:$0x14]  }
0x245: {  	s18 =	simm.s32 $0xFB68;
	[sflag:s10] =	ssyncadd.s32 $0xFFFFFF60;
	s14 =	sadd.s32 s0, s17  }
0x246: {  	[tilespmem:s11], [sflag:$0x2] =	stream.indirect.gather [hbm4b:s3+s30], $0x48, s18, s30, $0xb8;
	[tilespmem:$0xFE88] =	vst v63  }
0x247: {  	s14 =	sshrl.u32 s14, $0x3  }
0x248: {  	[tilespmem:s13], [sflag:$0x2] =	stream.indirect.gather [hbm4b:s4+s30], $0x8, s12, s30, $0xb8;
	[tilespmem:$0xFE88] =	vst v63  }
0x249: {  	s17 =	simm.s32 $0xFD48;
	s14 =	sadd.s32 s5, s14  }
0x24a: {  	[tilespmem:s17], [sflag:$0xB] =	stream.linear.gather [hbm4b:s14+s2], $0xA0, $0x38;
	[tilespmem:$0xFE88] =	vst v63  }
0x24b: {  	_ =	swait.ge [sflag:s22], $0x1680  }
0x24c: {  	[sflag:s22] =	ssyncset.done $0x0  }
0x24d: {  	[sflag:s22] =	ssyncadd.s32 $0xFFFFE980  }
0x24e: {  	_ =	swait.ge [sflag:s15], $0xA0  }
0x24f: {  	p1 =	sgt.u32 s24, $0x12;
	[sflag:s15] =	ssyncset.done $0x0;
	s14 =	rddreg [dreg:$0x15]  }
0x250: {  	s18 =	simm.s32 $0xFC08;
	[sflag:s15] =	ssyncadd.s32 $0xFFFFFF60;
	s0 =	sadd.s32 @!p1 s0, s14  }
0x251: {  	[tilespmem:s16], [sflag:$0x3] =	stream.indirect.gather [hbm4b:s3+s30], $0x48, s18, s30, $0xb8;
	[tilespmem:$0xFE88] =	vst v63  }
0x252: {  	s24 =	sadd.s32 $0x1, s24;
	s0 =	sshrl.u32 @!p1 s0, $0x3  }
0x253: {  	[tilespmem:s21], [sflag:$0x3] =	stream.indirect.gather [hbm4b:s4+s30], $0x8, s20, s30, $0xb8;
	[tilespmem:$0xFE88] =	vst v63  }
0x254: {  	s17 =	simm.s32 @!p1 $0xFDE8;
	s14 =	simm.s32 @!p1 $0x0;
	s0 =	sadd.s32 @!p1 s5, s0  }
0x255: {  	[tilespmem:s17], [sflag:$0xC] =	stream.linear.gather @!p1 [hbm4b:s0+s14], $0xA0, $0x38;
	[tilespmem:$0xFE88] =	vst v63  }
0x256: {  	p1 =	sne.s32 s24, $0x15  }
.Ltmp15:
0x257: {  	_ = 	snop;
	(pc) =	sbr.rel @p1 .LBB2_2-.Ltmp15, $4  }
.Ltmp16:
0x258: {  	_ = 	snop;
	(pc) =	sbr.rel @!p1 .LBB2_28-.Ltmp16, $4  }
0x259: {  	_ = 	snop  }
0x25a: {  	_ = 	snop  }
0x25b: {  	_ = 	snop  }
0x25c: {  	_ = 	snop  }
.LBB2_29:
0x25d: {  	_ =	sfence.sel $0x180000  }
0x25e: {  	[bflag:$0x0] =	sbarrier.arrive $0xFFFF  }
0x25f: {  	_ =	strace $0x90000047  }
0x260: {  	[bflag:$0x2] =	sbarrier.arrive $0xFFFF  }
0x261: {  	s0 =	rddreg [dreg:$0x2]  }
0x262: {  	s0 =	sadd.s32 @!p0 $0x100000, s0  }
0x263: {  	[sflag:s0] =	ssyncadd.tile.s32 @!p0 $0x1;
	_ =	shalt  }
.Lfunc_end2:
_tile_overlayer_lowered:
.L_overlay_start_2:
0x264: {  	(tag) =	ssettag $0x2  }
0x265: {  	s0 =	rddreg [dreg:$0x0];
	s2 =	stileid.u32  }
0x266: {  	s1 =	rddreg [dreg:$0x1];
	p0 =	sne.s32 s2, $0x0  }
0x267: {  	s3 =	rddreg [dreg:$0x2];
	[bflag:$0x3] =	sbarrier.arrive $0xFFFF;
	s2 =	simm.s32 @!p0 $0x1C0D  }
0x268: {  	[timem:s3], [sflag:s2] =	dma.local @!p0 [hbm:s0], s1  }
0x269: {  	s0 =	simm.s32 @!p0 $0xD  }
0x26a: {  	_ =	swait.ge @!p0 [sflag:s0], s1  }
0x26b: {  	s1 =	ssub.s32 @!p0 $0x0, s1;
	[sflag:s0] =	ssyncset.done @!p0 $0x0  }
0x26c: {  	[sflag:s0] =	ssyncadd.s32 @!p0 s1  }
0x26d: {  	[bflag:$0x3] =	sbarrier.arrive $0xFFFF  }
0x26e: {  	_ =	shalt  }

</sc_bundles>
